<compile_context>
chip_gen: v7x
topology: tpu7x:2x2x1
jax: 0.10.2.dev20260603
libtpu: 0.0.44.dev20260713+nightly
codegen_flags: <defaults>
</compile_context>

<pallas_src>
import functools

import jax
import jax.numpy as jnp
from jax import lax
from jax.experimental import pallas as pl
from jax.experimental.pallas import tpu as pltpu
from jax.experimental.pallas import tpu_sc as plsc

NC = 2
NS = 16
NW = NC * NS
LANES = 16


def _fill_zero_rows(ref, nrows, ncols):
    @pl.loop(0, nrows)
    def _(i):
        for c in range(ncols // LANES):
            ref[i, pl.ds(c * LANES, LANES)] = jnp.zeros((LANES,), jnp.float32)


def _sc_degree(dst3, n_pad):
    nwork, nchunk, k = dst3.shape
    per_tile = n_pad // NS
    mesh = plsc.VectorSubcoreMesh(core_axis_name="c", subcore_axis_name="s")

    @functools.partial(
        pl.kernel,
        out_type=jax.ShapeDtypeStruct((NC, n_pad), jnp.float32),
        mesh=mesh,
        scratch_types=[
            pltpu.VMEM((k,), jnp.float32),
            pltpu.VMEM((nchunk, k), jnp.int32),
            pltpu.VMEM((per_tile,), jnp.float32),
            pltpu.VMEM_SHARED((n_pad,), jnp.float32),
        ],
    )
    def deg_kernel(dst_hbm, out_hbm, ones_v, didx_v, zero_v, acc_sh):
        cid = lax.axis_index("c")
        sid = lax.axis_index("s")
        wid = sid * NC + cid

        for c in range(k // LANES):
            ones_v[pl.ds(c * LANES, LANES)] = jnp.ones((LANES,), jnp.float32)

        @pl.loop(0, per_tile // LANES)
        def _(i):
            zero_v[pl.ds(i * LANES, LANES)] = jnp.zeros((LANES,), jnp.float32)

        pltpu.sync_copy(zero_v, acc_sh.at[pl.ds(sid * per_tile, per_tile)])
        pltpu.sync_copy(dst_hbm.at[wid], didx_v)
        plsc.subcore_barrier()

        @pl.loop(0, nchunk)
        def _(j):
            pltpu.sync_copy(ones_v, acc_sh.at[didx_v.at[j]], add=True)

        plsc.subcore_barrier()
        pltpu.sync_copy(
            acc_sh.at[pl.ds(sid * per_tile, per_tile)],
            out_hbm.at[cid, pl.ds(sid * per_tile, per_tile)],
        )

    return deg_kernel(dst3)


def _sc_scatter(g, src_flat, dst_flat, k, n_pad):
    n, d = g.shape
    e = src_flat.shape[0]
    per_work = e // NW
    nchunk = per_work // k
    kt = per_work - nchunk * k
    per_tile = n_pad // NS
    mesh = plsc.VectorSubcoreMesh(core_axis_name="c", subcore_axis_name="s")

    @functools.partial(
        pl.kernel,
        out_type=jax.ShapeDtypeStruct((NC, n_pad, d), jnp.float32),
        mesh=mesh,
        scratch_types=[
            pltpu.VMEM((2, k), jnp.int32),
            pltpu.VMEM((2, k), jnp.int32),
            pltpu.VMEM((k, d), jnp.float32),
            pltpu.VMEM((k, d), jnp.float32),
            pltpu.VMEM((1, max(kt, 8)), jnp.int32),
            pltpu.VMEM((1, max(kt, 8)), jnp.int32),
            pltpu.VMEM((max(kt, 8), d), jnp.float32),
            pltpu.VMEM_SHARED((n_pad, d), jnp.float32),
            pltpu.SemaphoreType.DMA,
            pltpu.SemaphoreType.DMA,
            pltpu.SemaphoreType.DMA,
            pltpu.SemaphoreType.DMA,
        ],
    )
    def scat_kernel(g_hbm, src_hbm, dst_hbm, out_hbm,
                    sidx_v, didx_v, rows0_v, rows1_v,
                    sidxt_v, didxt_v, rowst_v, acc_sh,
                    gsem0, gsem1, isem0, isem1):
        cid = lax.axis_index("c")
        sid = lax.axis_index("s")
        wid = sid * NC + cid
        base = wid * per_work
        rows = (rows0_v, rows1_v)
        gsem = (gsem0, gsem1)
        isem = (isem0, isem1)

        def load_idx(c, b):
            pltpu.async_copy(
                src_hbm.at[pl.ds(base + c * k, k)], sidx_v.at[b], isem[b])
            pltpu.async_copy(
                dst_hbm.at[pl.ds(base + c * k, k)], didx_v.at[b], isem[b])

        def wait_idx(c, b):
            pltpu.make_async_copy(
                src_hbm.at[pl.ds(base + c * k, k)], sidx_v.at[b],
                isem[b]).wait()
            pltpu.make_async_copy(
                dst_hbm.at[pl.ds(base + c * k, k)], didx_v.at[b],
                isem[b]).wait()

        def start_gather(b):
            pltpu.async_copy(g_hbm.at[sidx_v.at[b]], rows[b], gsem[b])

        def wait_gather(b):
            pltpu.make_async_copy(
                g_hbm.at[sidx_v.at[b]], rows[b], gsem[b]).wait()

        def scatter(b):
            pltpu.sync_copy(rows[b], acc_sh.at[didx_v.at[b]], add=True)

        _fill_zero_rows(rows0_v, k, d)

        @pl.loop(0, per_tile // k)
        def _(b):
            pltpu.sync_copy(
                rows0_v, acc_sh.at[pl.ds(sid * per_tile + b * k, k)])

        plsc.subcore_barrier()

        load_idx(0, 0)
        load_idx(1, 1)
        wait_idx(0, 0)
        start_gather(0)

        @pl.loop(0, nchunk // 2)
        def _(t):
            c0 = 2 * t
            c1 = c0 + 1
            wait_gather(0)
            wait_idx(c1, 1)
            start_gather(1)
            scatter(0)
            load_idx(jnp.minimum(c0 + 2, nchunk - 1), 0)
            wait_gather(1)
            wait_idx(jnp.minimum(c0 + 2, nchunk - 1), 0)
            start_gather(0)
            scatter(1)
            load_idx(jnp.minimum(c1 + 2, nchunk - 1), 1)

        wait_gather(0)
        if nchunk % 2 == 1:
            scatter(0)
        wait_idx(nchunk - 1, 1)

        if kt:
            toff = base + nchunk * k
            pltpu.sync_copy(src_hbm.at[pl.ds(toff, kt)], sidxt_v.at[0])
            pltpu.sync_copy(dst_hbm.at[pl.ds(toff, kt)], didxt_v.at[0])
            pltpu.async_copy(
                g_hbm.at[sidxt_v.at[0]], rowst_v.at[pl.ds(0, kt)],
                gsem0).wait()
            pltpu.sync_copy(
                rowst_v.at[pl.ds(0, kt)], acc_sh.at[didxt_v.at[0]], add=True)

        plsc.subcore_barrier()
        pltpu.sync_copy(
            acc_sh.at[pl.ds(sid * per_tile, per_tile)],
            out_hbm.at[cid, pl.ds(sid * per_tile, per_tile)],
        )

    return scat_kernel(g, src_flat, dst_flat)


_RB = 2000


def _dot(a, w):
    return lax.dot_general(a, w, (((1,), (0,)), ((), ())),
                           precision=lax.Precision.HIGHEST,
                           preferred_element_type=jnp.float32)


def _tc_pre(dega, degb, x, w1):
    n, d = x.shape

    def body(da_ref, db_ref, x_ref, w_ref, dis_ref, g_ref):
        deg = da_ref[...] + db_ref[...] + 1.0
        dis = lax.rsqrt(deg)
        dis_ref[...] = dis
        g_ref[...] = dis * _dot(x_ref[...], w_ref[...])

    return pl.pallas_call(
        body,
        grid=(n // _RB,),
        in_specs=[
            pl.BlockSpec((_RB, 1), lambda i: (i, 0)),
            pl.BlockSpec((_RB, 1), lambda i: (i, 0)),
            pl.BlockSpec((_RB, d), lambda i: (i, 0)),
            pl.BlockSpec((d, d), lambda i: (0, 0)),
        ],
        out_specs=[
            pl.BlockSpec((_RB, 1), lambda i: (i, 0)),
            pl.BlockSpec((_RB, d), lambda i: (i, 0)),
        ],
        out_shape=[
            jax.ShapeDtypeStruct((n, 1), jnp.float32),
            jax.ShapeDtypeStruct((n, d), jnp.float32),
        ],
    )(dega, degb, x, w1)


def _tc_layer(sa, sb, g_prev, dis, b, w_next):
    n, d = g_prev.shape

    def body(sa_ref, sb_ref, g_ref, dis_ref, b_ref, w_ref, out_ref):
        dis = dis_ref[...]
        t = dis * (sa_ref[...] + sb_ref[...] + g_ref[...]) + b_ref[...]
        h = jnp.maximum(t, 0.0)
        out_ref[...] = dis * _dot(h, w_ref[...])

    return pl.pallas_call(
        body,
        grid=(n // _RB,),
        in_specs=[
            pl.BlockSpec((_RB, d), lambda i: (i, 0)),
            pl.BlockSpec((_RB, d), lambda i: (i, 0)),
            pl.BlockSpec((_RB, d), lambda i: (i, 0)),
            pl.BlockSpec((_RB, 1), lambda i: (i, 0)),
            pl.BlockSpec((1, d), lambda i: (0, 0)),
            pl.BlockSpec((d, d), lambda i: (0, 0)),
        ],
        out_specs=pl.BlockSpec((_RB, d), lambda i: (i, 0)),
        out_shape=jax.ShapeDtypeStruct((n, d), jnp.float32),
    )(sa, sb, g_prev, dis, b, w_next)


def _tc_final(sa, sb, g_prev, dis, b):
    n, d = g_prev.shape

    def body(sa_ref, sb_ref, g_ref, dis_ref, b_ref, out_ref):
        out_ref[...] = (dis_ref[...] * (sa_ref[...] + sb_ref[...] + g_ref[...])
                        + b_ref[...])

    return pl.pallas_call(
        body,
        grid=(n // _RB,),
        in_specs=[
            pl.BlockSpec((_RB, d), lambda i: (i, 0)),
            pl.BlockSpec((_RB, d), lambda i: (i, 0)),
            pl.BlockSpec((_RB, d), lambda i: (i, 0)),
            pl.BlockSpec((_RB, 1), lambda i: (i, 0)),
            pl.BlockSpec((1, d), lambda i: (0, 0)),
        ],
        out_specs=pl.BlockSpec((_RB, d), lambda i: (i, 0)),
        out_shape=jax.ShapeDtypeStruct((n, d), jnp.float32),
    )(sa, sb, g_prev, dis, b)


def kernel(x, edge_index, W1, b1, W2, b2, W3, b3):
    n, d = x.shape
    e = edge_index.shape[1]
    k = 128

    src_flat = edge_index[0]
    dst_flat = edge_index[1]

    k_deg = 80
    dst3_deg = edge_index[1].reshape(NW, e // (NW * k_deg), k_deg)

    n_pad = 10240 if n == 10000 else ((n + 8 * NS - 1) // (8 * NS)) * (8 * NS)
    deg = _sc_degree(dst3_deg, n_pad)
    dega = deg[0, :n].reshape(n, 1)
    degb = deg[1, :n].reshape(n, 1)

    b1r = b1.reshape(1, d)
    b2r = b2.reshape(1, d)
    b3r = b3.reshape(1, d)

    dis, g1 = _tc_pre(dega, degb, x, W1)
    s1 = _sc_scatter(g1, src_flat, dst_flat, k, n_pad)
    g2 = _tc_layer(s1[0], s1[1], g1, dis, b1r, W2)
    s2 = _sc_scatter(g2, src_flat, dst_flat, k, n_pad)
    g3 = _tc_layer(s2[0], s2[1], g2, dis, b2r, W3)
    s3 = _sc_scatter(g3, src_flat, dst_flat, k, n_pad)
    return _tc_final(s3[0], s3[1], g3, dis, b3r)

# --- scband reference (transcript-rebuilt; emitter-appended) ---
"""Pipeline reference for scband-three-layer-gcnwith-edge-features-29094108463688 (READ-ONLY COPY).

The authoritative reference and input builder live on the scoring server;
editing this copy changes nothing except your own understanding.
"""

import jax, jax.numpy as jnp
import numpy as np

N_NODES = 10000
N_EDGES = 320000
D_IN = 128
D_HID = 128
D_OUT = 128


def gcn_conv(x, edge_index, W, b):
    # Faithful GCNConv (PyG default): add self-loops, symmetric normalization,
    # out = scatter_add(norm * (x W)[src] -> dst) + bias
    N = x.shape[0]
    src = edge_index[0]
    dst = edge_index[1]
    loop = jnp.arange(N, dtype=src.dtype)
    src = jnp.concatenate([src, loop])
    dst = jnp.concatenate([dst, loop])
    deg = jnp.zeros((N,), dtype=x.dtype).at[dst].add(1.0)
    deg_inv_sqrt = jnp.where(deg > 0, jax.lax.rsqrt(jnp.maximum(deg, 1e-12)), 0.0)
    norm = deg_inv_sqrt[src] * deg_inv_sqrt[dst]
    h = x @ W
    msg = h[src] * norm[:, None]
    out = jnp.zeros((N, W.shape[1]), dtype=x.dtype).at[dst].add(msg)
    return out + b


def setup_inputs(seed: int = 0) -> dict:
    key = jax.random.key(seed)
    ks = jax.random.split(key, 8)
    x = jax.random.normal(ks[0], (N_NODES, D_IN), dtype=jnp.float32)
    edge_index = jax.random.randint(ks[1], (2, N_EDGES), 0, N_NODES, dtype=jnp.int32)
    s1 = 1.0 / np.sqrt(D_IN)
    s2 = 1.0 / np.sqrt(D_HID)
    W1 = jax.random.uniform(ks[2], (D_IN, D_HID), jnp.float32, -s1, s1)
    b1 = jnp.zeros((D_HID,), jnp.float32)
    W2 = jax.random.uniform(ks[3], (D_HID, D_HID), jnp.float32, -s2, s2)
    b2 = jnp.zeros((D_HID,), jnp.float32)
    W3 = jax.random.uniform(ks[4], (D_HID, D_OUT), jnp.float32, -s2, s2)
    b3 = jnp.zeros((D_OUT,), jnp.float32)
    return {"x": x, "edge_index": edge_index, "W1": W1, "b1": b1, "W2": W2, "b2": b2, "W3": W3, "b3": b3}


def reference(x, edge_index, W1, b1, W2, b2, W3, b3):
    # Eval-mode forward: dropout is identity
    h = jax.nn.relu(gcn_conv(x, edge_index, W1, b1))
    h = jax.nn.relu(gcn_conv(h, edge_index, W2, b2))
    out = gcn_conv(h, edge_index, W3, b3)
    return out

if __name__ == "__main__":
    import jax
    _d = setup_inputs()
    print(jax.jit(kernel)(*tuple(_d.values())))

</pallas_src>

<mosaic_0001>
#map = affine_map<(d0, d1) -> (0, 0)>
#map1 = affine_map<(d0, d1) -> (0)>
#map2 = affine_map<(d0, d1) -> (0, 0, 0)>
module attributes {stable_mosaic.version = 14 : i64} {
  func.func @scat_kernel(%arg0: i32, %arg1: i32, %arg2: memref<10000x128xf32, #tpu.memory_space<hbm>>, %arg3: memref<320000xi32, #tpu.memory_space<hbm>>, %arg4: memref<320000xi32, #tpu.memory_space<hbm>>, %arg5: memref<2x10240x128xf32, #tpu.memory_space<hbm>>, %arg6: memref<2x128xi32, #tpu.memory_space<vmem>>, %arg7: memref<2x128xi32, #tpu.memory_space<vmem>>, %arg8: memref<128x128xf32, #tpu.memory_space<vmem>>, %arg9: memref<128x128xf32, #tpu.memory_space<vmem>>, %arg10: memref<1x16xi32, #tpu.memory_space<vmem>>, %arg11: memref<1x16xi32, #tpu.memory_space<vmem>>, %arg12: memref<16x128xf32, #tpu.memory_space<vmem>>, %arg13: memref<10240x128xf32, #tpu.memory_space<vmem_shared>>, %arg14: memref<!tpu.dma_semaphore, #tpu.memory_space<semaphore_mem>>, %arg15: memref<!tpu.dma_semaphore, #tpu.memory_space<semaphore_mem>>, %arg16: memref<!tpu.dma_semaphore, #tpu.memory_space<semaphore_mem>>, %arg17: memref<!tpu.dma_semaphore, #tpu.memory_space<semaphore_mem>>) attributes {dimension_semantics = [#tpu.dimension_semantics<core_parallel>, #tpu.dimension_semantics<subcore_parallel>], iteration_bounds = array<i64: 2, 16>, scalar_prefetch = 0 : i64, scratch_operands = 12 : i64, tpu.core_type = #tpu.core_type<sc_vector_subcore>, window_params = [{transform_indices = #map}, {transform_indices = #map1}, {transform_indices = #map1}, {transform_indices = #map2}]} {
    %mul3A = arith.constant 2 : i32
    %mul3A_0 = arith.muli %arg1, %mul3A : i32
    %add3A = arith.addi %mul3A_0, %arg0 : i32
    %mul3A_1 = arith.constant 10000 : i32
    %mul3A_2 = arith.muli %add3A, %mul3A_1 : i32
    %scan3A = arith.constant 0 : i32
    %scan3A_3 = arith.constant 128 : i32
    %scan3A_4 = arith.addi %scan3A, %scan3A_3 : i32
    %scan3A_5 = arith.constant 1 : i32
    scf.for %scan3A_146 = %scan3A to %scan3A_4 step %scan3A_5  : i32 {
      %mul3A_147 = arith.constant 1 : i32
      %mul3A_148 = arith.muli %scan3A_146, %mul3A_147 : i32
      %add3A_149 = arith.constant 0 : i32
      %add3A_150 = arith.addi %add3A_149, %mul3A_148 : i32
      %broadcast_in_dim3A = arith.constant 0.000000e+00 : f32
      %broadcast_in_dim3A_151 = vector.broadcast %broadcast_in_dim3A : f32 to vector<16xf32>
      %swap3A = arith.index_cast %add3A_150 : i32 to index
      %swap3A_152 = arith.constant 0 : index
      %swap3A_153 = tpu.vector_load %arg8[%swap3A, %swap3A_152] {strides = array<i32>} : memref<128x128xf32, #tpu.memory_space<vmem>>, vector<1x16xf32>,
      %swap3A_154 = vector.shape_cast %swap3A_153 : vector<1x16xf32> to vector<16xf32>
      %swap3A_155 = vector.shape_cast %broadcast_in_dim3A_151 : vector<16xf32> to vector<1x16xf32>
      tpu.vector_store %arg8[%swap3A, %swap3A_152], %swap3A_155 {strides = array<i32>} : memref<128x128xf32, #tpu.memory_space<vmem>>, vector<1x16xf32>,
      %broadcast_in_dim3A_156 = arith.constant 0.000000e+00 : f32
      %broadcast_in_dim3A_157 = vector.broadcast %broadcast_in_dim3A_156 : f32 to vector<16xf32>
      %swap3A_158 = arith.index_cast %add3A_150 : i32 to index
      %swap3A_159 = arith.constant 16 : index
      %swap3A_160 = tpu.vector_load %arg8[%swap3A_158, %swap3A_159] {strides = array<i32>} : memref<128x128xf32, #tpu.memory_space<vmem>>, vector<1x16xf32>,
      %swap3A_161 = vector.shape_cast %swap3A_160 : vector<1x16xf32> to vector<16xf32>
      %swap3A_162 = vector.shape_cast %broadcast_in_dim3A_157 : vector<16xf32> to vector<1x16xf32>
      tpu.vector_store %arg8[%swap3A_158, %swap3A_159], %swap3A_162 {strides = array<i32>} : memref<128x128xf32, #tpu.memory_space<vmem>>, vector<1x16xf32>,
      %broadcast_in_dim3A_163 = arith.constant 0.000000e+00 : f32
      %broadcast_in_dim3A_164 = vector.broadcast %broadcast_in_dim3A_163 : f32 to vector<16xf32>
      %swap3A_165 = arith.index_cast %add3A_150 : i32 to index
      %swap3A_166 = arith.constant 32 : index
      %swap3A_167 = tpu.vector_load %arg8[%swap3A_165, %swap3A_166] {strides = array<i32>} : memref<128x128xf32, #tpu.memory_space<vmem>>, vector<1x16xf32>,
      %swap3A_168 = vector.shape_cast %swap3A_167 : vector<1x16xf32> to vector<16xf32>
      %swap3A_169 = vector.shape_cast %broadcast_in_dim3A_164 : vector<16xf32> to vector<1x16xf32>
      tpu.vector_store %arg8[%swap3A_165, %swap3A_166], %swap3A_169 {strides = array<i32>} : memref<128x128xf32, #tpu.memory_space<vmem>>, vector<1x16xf32>,
      %broadcast_in_dim3A_170 = arith.constant 0.000000e+00 : f32
      %broadcast_in_dim3A_171 = vector.broadcast %broadcast_in_dim3A_170 : f32 to vector<16xf32>
      %swap3A_172 = arith.index_cast %add3A_150 : i32 to index
      %swap3A_173 = arith.constant 48 : index
      %swap3A_174 = tpu.vector_load %arg8[%swap3A_172, %swap3A_173] {strides = array<i32>} : memref<128x128xf32, #tpu.memory_space<vmem>>, vector<1x16xf32>,
      %swap3A_175 = vector.shape_cast %swap3A_174 : vector<1x16xf32> to vector<16xf32>
      %swap3A_176 = vector.shape_cast %broadcast_in_dim3A_171 : vector<16xf32> to vector<1x16xf32>
      tpu.vector_store %arg8[%swap3A_172, %swap3A_173], %swap3A_176 {strides = array<i32>} : memref<128x128xf32, #tpu.memory_space<vmem>>, vector<1x16xf32>,
      %broadcast_in_dim3A_177 = arith.constant 0.000000e+00 : f32
      %broadcast_in_dim3A_178 = vector.broadcast %broadcast_in_dim3A_177 : f32 to vector<16xf32>
      %swap3A_179 = arith.index_cast %add3A_150 : i32 to index
      %swap3A_180 = arith.constant 64 : index
      %swap3A_181 = tpu.vector_load %arg8[%swap3A_179, %swap3A_180] {strides = array<i32>} : memref<128x128xf32, #tpu.memory_space<vmem>>, vector<1x16xf32>,
      %swap3A_182 = vector.shape_cast %swap3A_181 : vector<1x16xf32> to vector<16xf32>
      %swap3A_183 = vector.shape_cast %broadcast_in_dim3A_178 : vector<16xf32> to vector<1x16xf32>
      tpu.vector_store %arg8[%swap3A_179, %swap3A_180], %swap3A_183 {strides = array<i32>} : memref<128x128xf32, #tpu.memory_space<vmem>>, vector<1x16xf32>,
      %broadcast_in_dim3A_184 = arith.constant 0.000000e+00 : f32
      %broadcast_in_dim3A_185 = vector.broadcast %broadcast_in_dim3A_184 : f32 to vector<16xf32>
      %swap3A_186 = arith.index_cast %add3A_150 : i32 to index
      %swap3A_187 = arith.constant 80 : index
      %swap3A_188 = tpu.vector_load %arg8[%swap3A_186, %swap3A_187] {strides = array<i32>} : memref<128x128xf32, #tpu.memory_space<vmem>>, vector<1x16xf32>,
      %swap3A_189 = vector.shape_cast %swap3A_188 : vector<1x16xf32> to vector<16xf32>
      %swap3A_190 = vector.shape_cast %broadcast_in_dim3A_185 : vector<16xf32> to vector<1x16xf32>
      tpu.vector_store %arg8[%swap3A_186, %swap3A_187], %swap3A_190 {strides = array<i32>} : memref<128x128xf32, #tpu.memory_space<vmem>>, vector<1x16xf32>,
      %broadcast_in_dim3A_191 = arith.constant 0.000000e+00 : f32
      %broadcast_in_dim3A_192 = vector.broadcast %broadcast_in_dim3A_191 : f32 to vector<16xf32>
      %swap3A_193 = arith.index_cast %add3A_150 : i32 to index
      %swap3A_194 = arith.constant 96 : index
      %swap3A_195 = tpu.vector_load %arg8[%swap3A_193, %swap3A_194] {strides = array<i32>} : memref<128x128xf32, #tpu.memory_space<vmem>>, vector<1x16xf32>,
      %swap3A_196 = vector.shape_cast %swap3A_195 : vector<1x16xf32> to vector<16xf32>
      %swap3A_197 = vector.shape_cast %broadcast_in_dim3A_192 : vector<16xf32> to vector<1x16xf32>
      tpu.vector_store %arg8[%swap3A_193, %swap3A_194], %swap3A_197 {strides = array<i32>} : memref<128x128xf32, #tpu.memory_space<vmem>>, vector<1x16xf32>,
      %broadcast_in_dim3A_198 = arith.constant 0.000000e+00 : f32
      %broadcast_in_dim3A_199 = vector.broadcast %broadcast_in_dim3A_198 : f32 to vector<16xf32>
      %swap3A_200 = arith.index_cast %add3A_150 : i32 to index
      %swap3A_201 = arith.constant 112 : index
      %swap3A_202 = tpu.vector_load %arg8[%swap3A_200, %swap3A_201] {strides = array<i32>} : memref<128x128xf32, #tpu.memory_space<vmem>>, vector<1x16xf32>,
      %swap3A_203 = vector.shape_cast %swap3A_202 : vector<1x16xf32> to vector<16xf32>
      %swap3A_204 = vector.shape_cast %broadcast_in_dim3A_199 : vector<16xf32> to vector<1x16xf32>
      tpu.vector_store %arg8[%swap3A_200, %swap3A_201], %swap3A_204 {strides = array<i32>} : memref<128x128xf32, #tpu.memory_space<vmem>>, vector<1x16xf32>,
    }
    %scan3A_6 = arith.constant 128 : i32
    %scan3A_7 = arith.constant 0 : i32
    %scan3A_8 = arith.constant 5 : i32
    %scan3A_9 = arith.addi %scan3A_7, %scan3A_8 : i32
    %scan3A_10 = arith.constant 1 : i32
    scf.for %scan3A_146 = %scan3A_7 to %scan3A_9 step %scan3A_10  : i32 {
      %mul3A_147 = arith.constant 1 : i32
      %mul3A_148 = arith.muli %scan3A_146, %mul3A_147 : i32
      %add3A_149 = arith.constant 0 : i32
      %add3A_150 = arith.addi %add3A_149, %mul3A_148 : i32
      %mul3A_151 = arith.constant 640 : i32
      %mul3A_152 = arith.muli %arg1, %mul3A_151 : i32
      %mul3A_153 = arith.constant 128 : i32
      %mul3A_154 = arith.muli %add3A_150, %mul3A_153 : i32
      %add3A_155 = arith.addi %mul3A_152, %mul3A_154 : i32
      "tpu.region"() ({
        %run_scoped3A_156 = tpu.sem_alloc : memref<!tpu.dma_semaphore, #tpu.memory_space<semaphore_mem>>
        %dma_start3A_157 = arith.constant 0 : i32
        %dma_start3A_158 = tpu.memref_slice %arg13[%add3A_155, %dma_start3A_157] : memref<10240x128xf32, #tpu.memory_space<vmem_shared>> -> memref<128x128xf32, #tpu.memory_space<vmem_shared>>
        %dma_start3A_159 = arith.constant 0 : i32
        %dma_start3A_160 = tpu.memref_slice %arg13[%add3A_155, %dma_start3A_159] : memref<10240x128xf32, #tpu.memory_space<vmem_shared>> -> memref<128x128xf32, #tpu.memory_space<vmem_shared>>
        tpu.enqueue_dma source(%arg8 : memref<128x128xf32, #tpu.memory_space<vmem>>) target(%dma_start3A_160 : memref<128x128xf32, #tpu.memory_space<vmem_shared>>) target_semaphore(%run_scoped3A_156 : memref<!tpu.dma_semaphore, #tpu.memory_space<semaphore_mem>>)
        %dma_wait3A_161 = arith.constant 0 : i32
        %dma_wait3A_162 = tpu.memref_slice %arg13[%add3A_155, %dma_wait3A_161] : memref<10240x128xf32, #tpu.memory_space<vmem_shared>> -> memref<128x128xf32, #tpu.memory_space<vmem_shared>>
        %dma_wait3A_163 = arith.constant 0 : i32
        %dma_wait3A_164 = tpu.memref_slice %arg13[%add3A_155, %dma_wait3A_163] : memref<10240x128xf32, #tpu.memory_space<vmem_shared>> -> memref<128x128xf32, #tpu.memory_space<vmem_shared>>
        tpu.wait_dma2 semaphore(%run_scoped3A_156 : memref<!tpu.dma_semaphore, #tpu.memory_space<semaphore_mem>>) src(%arg8 : memref<128x128xf32, #tpu.memory_space<vmem>>) dst(%dma_wait3A_164 : memref<128x128xf32, #tpu.memory_space<vmem_shared>>)
        tpu.yield
      }) : () -> ()
    }
    %scan3A_11 = arith.constant 5 : i32
    %barrier3A = arith.constant 0 : index
    tpu.barrier barrier_id(%barrier3A)
    %add3A_12 = arith.constant 0 : i32
    %add3A_13 = arith.addi %mul3A_2, %add3A_12 : i32
    %dma_start3A = arith.constant 0 : i32
    %dma_start3A_14 = arith.constant 0 : i32
    %dma_start3A_15 = tpu.memref_slice %arg6[%dma_start3A, %dma_start3A_14] : memref<2x128xi32, #tpu.memory_space<vmem>> -> memref<1x128xi32, #tpu.memory_space<vmem>>
    %dma_start3A_16 = tpu.memref_squeeze %dma_start3A_15 : memref<1x128xi32, #tpu.memory_space<vmem>> -> memref<128xi32, #tpu.memory_space<vmem>>
    %dma_start3A_17 = tpu.memref_slice %arg3[%add3A_13] : memref<320000xi32, #tpu.memory_space<hbm>> -> memref<128xi32, #tpu.memory_space<hbm>>
    %dma_start3A_18 = arith.constant 0 : i32
    %dma_start3A_19 = tpu.memref_slice %arg6[%dma_start3A, %dma_start3A_18] : memref<2x128xi32, #tpu.memory_space<vmem>> -> memref<1x128xi32, #tpu.memory_space<vmem>>
    %dma_start3A_20 = tpu.memref_squeeze %dma_start3A_19 : memref<1x128xi32, #tpu.memory_space<vmem>> -> memref<128xi32, #tpu.memory_space<vmem>>
    %dma_start3A_21 = tpu.memref_slice %arg3[%add3A_13] : memref<320000xi32, #tpu.memory_space<hbm>> -> memref<128xi32, #tpu.memory_space<hbm>>
    tpu.enqueue_dma source(%dma_start3A_21 : memref<128xi32, #tpu.memory_space<hbm>>) target(%dma_start3A_20 : memref<128xi32, #tpu.memory_space<vmem>>) target_semaphore(%arg16 : memref<!tpu.dma_semaphore, #tpu.memory_space<semaphore_mem>>)
    %add3A_22 = arith.constant 0 : i32
    %add3A_23 = arith.addi %mul3A_2, %add3A_22 : i32
    %dma_start3A_24 = arith.constant 0 : i32
    %dma_start3A_25 = arith.constant 0 : i32
    %dma_start3A_26 = tpu.memref_slice %arg7[%dma_start3A_24, %dma_start3A_25] : memref<2x128xi32, #tpu.memory_space<vmem>> -> memref<1x128xi32, #tpu.memory_space<vmem>>
    %dma_start3A_27 = tpu.memref_squeeze %dma_start3A_26 : memref<1x128xi32, #tpu.memory_space<vmem>> -> memref<128xi32, #tpu.memory_space<vmem>>
    %dma_start3A_28 = tpu.memref_slice %arg4[%add3A_23] : memref<320000xi32, #tpu.memory_space<hbm>> -> memref<128xi32, #tpu.memory_space<hbm>>
    %dma_start3A_29 = arith.constant 0 : i32
    %dma_start3A_30 = tpu.memref_slice %arg7[%dma_start3A_24, %dma_start3A_29] : memref<2x128xi32, #tpu.memory_space<vmem>> -> memref<1x128xi32, #tpu.memory_space<vmem>>
    %dma_start3A_31 = tpu.memref_squeeze %dma_start3A_30 : memref<1x128xi32, #tpu.memory_space<vmem>> -> memref<128xi32, #tpu.memory_space<vmem>>
    %dma_start3A_32 = tpu.memref_slice %arg4[%add3A_23] : memref<320000xi32, #tpu.memory_space<hbm>> -> memref<128xi32, #tpu.memory_space<hbm>>
    tpu.enqueue_dma source(%dma_start3A_32 : memref<128xi32, #tpu.memory_space<hbm>>) target(%dma_start3A_31 : memref<128xi32, #tpu.memory_space<vmem>>) target_semaphore(%arg16 : memref<!tpu.dma_semaphore, #tpu.memory_space<semaphore_mem>>)
    %add3A_33 = arith.constant 128 : i32
    %add3A_34 = arith.addi %mul3A_2, %add3A_33 : i32
    %dma_start3A_35 = arith.constant 1 : i32
    %dma_start3A_36 = arith.constant 0 : i32
    %dma_start3A_37 = tpu.memref_slice %arg6[%dma_start3A_35, %dma_start3A_36] : memref<2x128xi32, #tpu.memory_space<vmem>> -> memref<1x128xi32, #tpu.memory_space<vmem>>
    %dma_start3A_38 = tpu.memref_squeeze %dma_start3A_37 : memref<1x128xi32, #tpu.memory_space<vmem>> -> memref<128xi32, #tpu.memory_space<vmem>>
    %dma_start3A_39 = tpu.memref_slice %arg3[%add3A_34] : memref<320000xi32, #tpu.memory_space<hbm>> -> memref<128xi32, #tpu.memory_space<hbm>>
    %dma_start3A_40 = arith.constant 0 : i32
    %dma_start3A_41 = tpu.memref_slice %arg6[%dma_start3A_35, %dma_start3A_40] : memref<2x128xi32, #tpu.memory_space<vmem>> -> memref<1x128xi32, #tpu.memory_space<vmem>>
    %dma_start3A_42 = tpu.memref_squeeze %dma_start3A_41 : memref<1x128xi32, #tpu.memory_space<vmem>> -> memref<128xi32, #tpu.memory_space<vmem>>
    %dma_start3A_43 = tpu.memref_slice %arg3[%add3A_34] : memref<320000xi32, #tpu.memory_space<hbm>> -> memref<128xi32, #tpu.memory_space<hbm>>
    tpu.enqueue_dma source(%dma_start3A_43 : memref<128xi32, #tpu.memory_space<hbm>>) target(%dma_start3A_42 : memref<128xi32, #tpu.memory_space<vmem>>) target_semaphore(%arg17 : memref<!tpu.dma_semaphore, #tpu.memory_space<semaphore_mem>>)
    %add3A_44 = arith.constant 128 : i32
    %add3A_45 = arith.addi %mul3A_2, %add3A_44 : i32
    %dma_start3A_46 = arith.constant 1 : i32
    %dma_start3A_47 = arith.constant 0 : i32
    %dma_start3A_48 = tpu.memref_slice %arg7[%dma_start3A_46, %dma_start3A_47] : memref<2x128xi32, #tpu.memory_space<vmem>> -> memref<1x128xi32, #tpu.memory_space<vmem>>
    %dma_start3A_49 = tpu.memref_squeeze %dma_start3A_48 : memref<1x128xi32, #tpu.memory_space<vmem>> -> memref<128xi32, #tpu.memory_space<vmem>>
    %dma_start3A_50 = tpu.memref_slice %arg4[%add3A_45] : memref<320000xi32, #tpu.memory_space<hbm>> -> memref<128xi32, #tpu.memory_space<hbm>>
    %dma_start3A_51 = arith.constant 0 : i32
    %dma_start3A_52 = tpu.memref_slice %arg7[%dma_start3A_46, %dma_start3A_51] : memref<2x128xi32, #tpu.memory_space<vmem>> -> memref<1x128xi32, #tpu.memory_space<vmem>>
    %dma_start3A_53 = tpu.memref_squeeze %dma_start3A_52 : memref<1x128xi32, #tpu.memory_space<vmem>> -> memref<128xi32, #tpu.memory_space<vmem>>
    %dma_start3A_54 = tpu.memref_slice %arg4[%add3A_45] : memref<320000xi32, #tpu.memory_space<hbm>> -> memref<128xi32, #tpu.memory_space<hbm>>
    tpu.enqueue_dma source(%dma_start3A_54 : memref<128xi32, #tpu.memory_space<hbm>>) target(%dma_start3A_53 : memref<128xi32, #tpu.memory_space<vmem>>) target_semaphore(%arg17 : memref<!tpu.dma_semaphore, #tpu.memory_space<semaphore_mem>>)
    %add3A_55 = arith.constant 0 : i32
    %add3A_56 = arith.addi %mul3A_2, %add3A_55 : i32
    %dma_wait3A = arith.constant 0 : i32
    %dma_wait3A_57 = arith.constant 0 : i32
    %dma_wait3A_58 = tpu.memref_slice %arg6[%dma_wait3A, %dma_wait3A_57] : memref<2x128xi32, #tpu.memory_space<vmem>> -> memref<1x128xi32, #tpu.memory_space<vmem>>
    %dma_wait3A_59 = tpu.memref_squeeze %dma_wait3A_58 : memref<1x128xi32, #tpu.memory_space<vmem>> -> memref<128xi32, #tpu.memory_space<vmem>>
    %dma_wait3A_60 = tpu.memref_slice %arg3[%add3A_56] : memref<320000xi32, #tpu.memory_space<hbm>> -> memref<128xi32, #tpu.memory_space<hbm>>
    %dma_wait3A_61 = arith.constant 0 : i32
    %dma_wait3A_62 = tpu.memref_slice %arg6[%dma_wait3A, %dma_wait3A_61] : memref<2x128xi32, #tpu.memory_space<vmem>> -> memref<1x128xi32, #tpu.memory_space<vmem>>
    %dma_wait3A_63 = tpu.memref_squeeze %dma_wait3A_62 : memref<1x128xi32, #tpu.memory_space<vmem>> -> memref<128xi32, #tpu.memory_space<vmem>>
    %dma_wait3A_64 = tpu.memref_slice %arg3[%add3A_56] : memref<320000xi32, #tpu.memory_space<hbm>> -> memref<128xi32, #tpu.memory_space<hbm>>
    tpu.wait_dma2 semaphore(%arg16 : memref<!tpu.dma_semaphore, #tpu.memory_space<semaphore_mem>>) src(%dma_wait3A_64 : memref<128xi32, #tpu.memory_space<hbm>>) dst(%dma_wait3A_63 : memref<128xi32, #tpu.memory_space<vmem>>)
    %add3A_65 = arith.constant 0 : i32
    %add3A_66 = arith.addi %mul3A_2, %add3A_65 : i32
    %dma_wait3A_67 = arith.constant 0 : i32
    %dma_wait3A_68 = arith.constant 0 : i32
    %dma_wait3A_69 = tpu.memref_slice %arg7[%dma_wait3A_67, %dma_wait3A_68] : memref<2x128xi32, #tpu.memory_space<vmem>> -> memref<1x128xi32, #tpu.memory_space<vmem>>
    %dma_wait3A_70 = tpu.memref_squeeze %dma_wait3A_69 : memref<1x128xi32, #tpu.memory_space<vmem>> -> memref<128xi32, #tpu.memory_space<vmem>>
    %dma_wait3A_71 = tpu.memref_slice %arg4[%add3A_66] : memref<320000xi32, #tpu.memory_space<hbm>> -> memref<128xi32, #tpu.memory_space<hbm>>
    %dma_wait3A_72 = arith.constant 0 : i32
    %dma_wait3A_73 = tpu.memref_slice %arg7[%dma_wait3A_67, %dma_wait3A_72] : memref<2x128xi32, #tpu.memory_space<vmem>> -> memref<1x128xi32, #tpu.memory_space<vmem>>
    %dma_wait3A_74 = tpu.memref_squeeze %dma_wait3A_73 : memref<1x128xi32, #tpu.memory_space<vmem>> -> memref<128xi32, #tpu.memory_space<vmem>>
    %dma_wait3A_75 = tpu.memref_slice %arg4[%add3A_66] : memref<320000xi32, #tpu.memory_space<hbm>> -> memref<128xi32, #tpu.memory_space<hbm>>
    tpu.wait_dma2 semaphore(%arg16 : memref<!tpu.dma_semaphore, #tpu.memory_space<semaphore_mem>>) src(%dma_wait3A_75 : memref<128xi32, #tpu.memory_space<hbm>>) dst(%dma_wait3A_74 : memref<128xi32, #tpu.memory_space<vmem>>)
    %dma_start3A_76 = arith.constant 0 : i32
    %dma_start3A_77 = arith.constant 0 : i32
    %dma_start3A_78 = tpu.memref_slice %arg6[%dma_start3A_76, %dma_start3A_77] : memref<2x128xi32, #tpu.memory_space<vmem>> -> memref<1x128xi32, #tpu.memory_space<vmem>>
    %dma_start3A_79 = tpu.memref_squeeze %dma_start3A_78 : memref<1x128xi32, #tpu.memory_space<vmem>> -> memref<128xi32, #tpu.memory_space<vmem>>
    %dma_start3A_80 = arith.constant 0 : i32
    %dma_start3A_81 = arith.constant 0 : i32
    %dma_start3A_82 = tpu.memref_slice %arg2[%dma_start3A_80, %dma_start3A_81] : memref<10000x128xf32, #tpu.memory_space<hbm>> -> memref<10000x128xf32, #tpu.memory_space<hbm>>
    tpu.enqueue_indirect_dma source(%dma_start3A_82 : memref<10000x128xf32, #tpu.memory_space<hbm>>) target(%arg8 : memref<128x128xf32, #tpu.memory_space<vmem>>) offsets(%dma_start3A_79 : memref<128xi32, #tpu.memory_space<vmem>>) semaphore(%arg14 : memref<!tpu.dma_semaphore, #tpu.memory_space<semaphore_mem>>)
    %scan3A_83 = arith.constant 0 : i32
    %scan3A_84 = arith.constant 39 : i32
    %scan3A_85 = arith.addi %scan3A_83, %scan3A_84 : i32
    %scan3A_86 = arith.constant 1 : i32
    scf.for %scan3A_146 = %scan3A_83 to %scan3A_85 step %scan3A_86  : i32 {
      %mul3A_147 = arith.constant 1 : i32
      %mul3A_148 = arith.muli %scan3A_146, %mul3A_147 : i32
      %add3A_149 = arith.constant 0 : i32
      %add3A_150 = arith.addi %add3A_149, %mul3A_148 : i32
      %mul3A_151 = arith.constant 2 : i32
      %mul3A_152 = arith.muli %mul3A_151, %add3A_150 : i32
      %add3A_153 = arith.constant 1 : i32
      %add3A_154 = arith.addi %mul3A_152, %add3A_153 : i32
      %dma_wait3A_155 = arith.constant 0 : i32
      %dma_wait3A_156 = arith.constant 0 : i32
      %dma_wait3A_157 = tpu.memref_slice %arg6[%dma_wait3A_155, %dma_wait3A_156] : memref<2x128xi32, #tpu.memory_space<vmem>> -> memref<1x128xi32, #tpu.memory_space<vmem>>
      %dma_wait3A_158 = tpu.memref_squeeze %dma_wait3A_157 : memref<1x128xi32, #tpu.memory_space<vmem>> -> memref<128xi32, #tpu.memory_space<vmem>>
      %dma_wait3A_159 = arith.constant 0 : i32
      %dma_wait3A_160 = arith.constant 0 : i32
      %dma_wait3A_161 = tpu.memref_slice %arg2[%dma_wait3A_159, %dma_wait3A_160] : memref<10000x128xf32, #tpu.memory_space<hbm>> -> memref<10000x128xf32, #tpu.memory_space<hbm>>
      tpu.wait_indirect_dma semaphore(%arg14 : memref<!tpu.dma_semaphore, #tpu.memory_space<semaphore_mem>>) src(%dma_wait3A_161 : memref<10000x128xf32, #tpu.memory_space<hbm>>) dst(%arg8 : memref<128x128xf32, #tpu.memory_space<vmem>>)
      %mul3A_162 = arith.constant 128 : i32
      %mul3A_163 = arith.muli %add3A_154, %mul3A_162 : i32
      %add3A_164 = arith.addi %mul3A_2, %mul3A_163 : i32
      %dma_wait3A_165 = arith.constant 1 : i32
      %dma_wait3A_166 = arith.constant 0 : i32
      %dma_wait3A_167 = tpu.memref_slice %arg6[%dma_wait3A_165, %dma_wait3A_166] : memref<2x128xi32, #tpu.memory_space<vmem>> -> memref<1x128xi32, #tpu.memory_space<vmem>>
      %dma_wait3A_168 = tpu.memref_squeeze %dma_wait3A_167 : memref<1x128xi32, #tpu.memory_space<vmem>> -> memref<128xi32, #tpu.memory_space<vmem>>
      %dma_wait3A_169 = tpu.memref_slice %arg3[%add3A_164] : memref<320000xi32, #tpu.memory_space<hbm>> -> memref<128xi32, #tpu.memory_space<hbm>>
      %dma_wait3A_170 = arith.constant 0 : i32
      %dma_wait3A_171 = tpu.memref_slice %arg6[%dma_wait3A_165, %dma_wait3A_170] : memref<2x128xi32, #tpu.memory_space<vmem>> -> memref<1x128xi32, #tpu.memory_space<vmem>>
      %dma_wait3A_172 = tpu.memref_squeeze %dma_wait3A_171 : memref<1x128xi32, #tpu.memory_space<vmem>> -> memref<128xi32, #tpu.memory_space<vmem>>
      %dma_wait3A_173 = tpu.memref_slice %arg3[%add3A_164] : memref<320000xi32, #tpu.memory_space<hbm>> -> memref<128xi32, #tpu.memory_space<hbm>>
      tpu.wait_dma2 semaphore(%arg17 : memref<!tpu.dma_semaphore, #tpu.memory_space<semaphore_mem>>) src(%dma_wait3A_173 : memref<128xi32, #tpu.memory_space<hbm>>) dst(%dma_wait3A_172 : memref<128xi32, #tpu.memory_space<vmem>>)
      %mul3A_174 = arith.constant 128 : i32
      %mul3A_175 = arith.muli %add3A_154, %mul3A_174 : i32
      %add3A_176 = arith.addi %mul3A_2, %mul3A_175 : i32
      %dma_wait3A_177 = arith.constant 1 : i32
      %dma_wait3A_178 = arith.constant 0 : i32
      %dma_wait3A_179 = tpu.memref_slice %arg7[%dma_wait3A_177, %dma_wait3A_178] : memref<2x128xi32, #tpu.memory_space<vmem>> -> memref<1x128xi32, #tpu.memory_space<vmem>>
      %dma_wait3A_180 = tpu.memref_squeeze %dma_wait3A_179 : memref<1x128xi32, #tpu.memory_space<vmem>> -> memref<128xi32, #tpu.memory_space<vmem>>
      %dma_wait3A_181 = tpu.memref_slice %arg4[%add3A_176] : memref<320000xi32, #tpu.memory_space<hbm>> -> memref<128xi32, #tpu.memory_space<hbm>>
      %dma_wait3A_182 = arith.constant 0 : i32
      %dma_wait3A_183 = tpu.memref_slice %arg7[%dma_wait3A_177, %dma_wait3A_182] : memref<2x128xi32, #tpu.memory_space<vmem>> -> memref<1x128xi32, #tpu.memory_space<vmem>>
      %dma_wait3A_184 = tpu.memref_squeeze %dma_wait3A_183 : memref<1x128xi32, #tpu.memory_space<vmem>> -> memref<128xi32, #tpu.memory_space<vmem>>
      %dma_wait3A_185 = tpu.memref_slice %arg4[%add3A_176] : memref<320000xi32, #tpu.memory_space<hbm>> -> memref<128xi32, #tpu.memory_space<hbm>>
      tpu.wait_dma2 semaphore(%arg17 : memref<!tpu.dma_semaphore, #tpu.memory_space<semaphore_mem>>) src(%dma_wait3A_185 : memref<128xi32, #tpu.memory_space<hbm>>) dst(%dma_wait3A_184 : memref<128xi32, #tpu.memory_space<vmem>>)
      %dma_start3A_186 = arith.constant 1 : i32
      %dma_start3A_187 = arith.constant 0 : i32
      %dma_start3A_188 = tpu.memref_slice %arg6[%dma_start3A_186, %dma_start3A_187] : memref<2x128xi32, #tpu.memory_space<vmem>> -> memref<1x128xi32, #tpu.memory_space<vmem>>
      %dma_start3A_189 = tpu.memref_squeeze %dma_start3A_188 : memref<1x128xi32, #tpu.memory_space<vmem>> -> memref<128xi32, #tpu.memory_space<vmem>>
      %dma_start3A_190 = arith.constant 0 : i32
      %dma_start3A_191 = arith.constant 0 : i32
      %dma_start3A_192 = tpu.memref_slice %arg2[%dma_start3A_190, %dma_start3A_191] : memref<10000x128xf32, #tpu.memory_space<hbm>> -> memref<10000x128xf32, #tpu.memory_space<hbm>>
      tpu.enqueue_indirect_dma source(%dma_start3A_192 : memref<10000x128xf32, #tpu.memory_space<hbm>>) target(%arg9 : memref<128x128xf32, #tpu.memory_space<vmem>>) offsets(%dma_start3A_189 : memref<128xi32, #tpu.memory_space<vmem>>) semaphore(%arg15 : memref<!tpu.dma_semaphore, #tpu.memory_space<semaphore_mem>>)
      %run_scoped3A_193 = arith.constant 0 : i32
      "tpu.region"() ({
        %run_scoped3A_292 = tpu.sem_alloc : memref<!tpu.dma_semaphore, #tpu.memory_space<semaphore_mem>>
        %dma_start3A_293 = arith.constant 0 : i32
        %dma_start3A_294 = tpu.memref_slice %arg7[%run_scoped3A_193, %dma_start3A_293] : memref<2x128xi32, #tpu.memory_space<vmem>> -> memref<1x128xi32, #tpu.memory_space<vmem>>
        %dma_start3A_295 = tpu.memref_squeeze %dma_start3A_294 : memref<1x128xi32, #tpu.memory_space<vmem>> -> memref<128xi32, #tpu.memory_space<vmem>>
        %dma_start3A_296 = arith.constant 0 : i32
        %dma_start3A_297 = arith.constant 0 : i32
        %dma_start3A_298 = tpu.memref_slice %arg13[%dma_start3A_296, %dma_start3A_297] : memref<10240x128xf32, #tpu.memory_space<vmem_shared>> -> memref<10240x128xf32, #tpu.memory_space<vmem_shared>>
        tpu.enqueue_indirect_dma source(%arg8 : memref<128x128xf32, #tpu.memory_space<vmem>>) target(%dma_start3A_298 : memref<10240x128xf32, #tpu.memory_space<vmem_shared>>) offsets(%dma_start3A_295 : memref<128xi32, #tpu.memory_space<vmem>>) semaphore(%run_scoped3A_292 : memref<!tpu.dma_semaphore, #tpu.memory_space<semaphore_mem>>) {add = true}
        %dma_wait3A_299 = arith.constant 0 : i32
        %dma_wait3A_300 = tpu.memref_slice %arg7[%run_scoped3A_193, %dma_wait3A_299] : memref<2x128xi32, #tpu.memory_space<vmem>> -> memref<1x128xi32, #tpu.memory_space<vmem>>
        %dma_wait3A_301 = tpu.memref_squeeze %dma_wait3A_300 : memref<1x128xi32, #tpu.memory_space<vmem>> -> memref<128xi32, #tpu.memory_space<vmem>>
        %dma_wait3A_302 = arith.constant 0 : i32
        %dma_wait3A_303 = arith.constant 0 : i32
        %dma_wait3A_304 = tpu.memref_slice %arg13[%dma_wait3A_302, %dma_wait3A_303] : memref<10240x128xf32, #tpu.memory_space<vmem_shared>> -> memref<10240x128xf32, #tpu.memory_space<vmem_shared>>
        tpu.wait_indirect_dma semaphore(%run_scoped3A_292 : memref<!tpu.dma_semaphore, #tpu.memory_space<semaphore_mem>>) src(%arg8 : memref<128x128xf32, #tpu.memory_space<vmem>>) dst(%dma_wait3A_304 : memref<10240x128xf32, #tpu.memory_space<vmem_shared>>)
        tpu.yield
      }) : () -> ()
      %add3A_194 = arith.constant 2 : i32
      %add3A_195 = arith.addi %mul3A_152, %add3A_194 : i32
      %min3A = arith.constant 77 : i32
      %min3A_196 = arith.minsi %add3A_195, %min3A : i32
      %mul3A_197 = arith.constant 128 : i32
      %mul3A_198 = arith.muli %min3A_196, %mul3A_197 : i32
      %add3A_199 = arith.addi %mul3A_2, %mul3A_198 : i32
      %dma_start3A_200 = arith.constant 0 : i32
      %dma_start3A_201 = arith.constant 0 : i32
      %dma_start3A_202 = tpu.memref_slice %arg6[%dma_start3A_200, %dma_start3A_201] : memref<2x128xi32, #tpu.memory_space<vmem>> -> memref<1x128xi32, #tpu.memory_space<vmem>>
      %dma_start3A_203 = tpu.memref_squeeze %dma_start3A_202 : memref<1x128xi32, #tpu.memory_space<vmem>> -> memref<128xi32, #tpu.memory_space<vmem>>
      %dma_start3A_204 = tpu.memref_slice %arg3[%add3A_199] : memref<320000xi32, #tpu.memory_space<hbm>> -> memref<128xi32, #tpu.memory_space<hbm>>
      %dma_start3A_205 = arith.constant 0 : i32
      %dma_start3A_206 = tpu.memref_slice %arg6[%dma_start3A_200, %dma_start3A_205] : memref<2x128xi32, #tpu.memory_space<vmem>> -> memref<1x128xi32, #tpu.memory_space<vmem>>
      %dma_start3A_207 = tpu.memref_squeeze %dma_start3A_206 : memref<1x128xi32, #tpu.memory_space<vmem>> -> memref<128xi32, #tpu.memory_space<vmem>>
      %dma_start3A_208 = tpu.memref_slice %arg3[%add3A_199] : memref<320000xi32, #tpu.memory_space<hbm>> -> memref<128xi32, #tpu.memory_space<hbm>>
      tpu.enqueue_dma source(%dma_start3A_208 : memref<128xi32, #tpu.memory_space<hbm>>) target(%dma_start3A_207 : memref<128xi32, #tpu.memory_space<vmem>>) target_semaphore(%arg16 : memref<!tpu.dma_semaphore, #tpu.memory_space<semaphore_mem>>)
      %mul3A_209 = arith.constant 128 : i32
      %mul3A_210 = arith.muli %min3A_196, %mul3A_209 : i32
      %add3A_211 = arith.addi %mul3A_2, %mul3A_210 : i32
      %dma_start3A_212 = arith.constant 0 : i32
      %dma_start3A_213 = arith.constant 0 : i32
      %dma_start3A_214 = tpu.memref_slice %arg7[%dma_start3A_212, %dma_start3A_213] : memref<2x128xi32, #tpu.memory_space<vmem>> -> memref<1x128xi32, #tpu.memory_space<vmem>>
      %dma_start3A_215 = tpu.memref_squeeze %dma_start3A_214 : memref<1x128xi32, #tpu.memory_space<vmem>> -> memref<128xi32, #tpu.memory_space<vmem>>
      %dma_start3A_216 = tpu.memref_slice %arg4[%add3A_211] : memref<320000xi32, #tpu.memory_space<hbm>> -> memref<128xi32, #tpu.memory_space<hbm>>
      %dma_start3A_217 = arith.constant 0 : i32
      %dma_start3A_218 = tpu.memref_slice %arg7[%dma_start3A_212, %dma_start3A_217] : memref<2x128xi32, #tpu.memory_space<vmem>> -> memref<1x128xi32, #tpu.memory_space<vmem>>
      %dma_start3A_219 = tpu.memref_squeeze %dma_start3A_218 : memref<1x128xi32, #tpu.memory_space<vmem>> -> memref<128xi32, #tpu.memory_space<vmem>>
      %dma_start3A_220 = tpu.memref_slice %arg4[%add3A_211] : memref<320000xi32, #tpu.memory_space<hbm>> -> memref<128xi32, #tpu.memory_space<hbm>>
      tpu.enqueue_dma source(%dma_start3A_220 : memref<128xi32, #tpu.memory_space<hbm>>) target(%dma_start3A_219 : memref<128xi32, #tpu.memory_space<vmem>>) target_semaphore(%arg16 : memref<!tpu.dma_semaphore, #tpu.memory_space<semaphore_mem>>)
      %dma_wait3A_221 = arith.constant 1 : i32
      %dma_wait3A_222 = arith.constant 0 : i32
      %dma_wait3A_223 = tpu.memref_slice %arg6[%dma_wait3A_221, %dma_wait3A_222] : memref<2x128xi32, #tpu.memory_space<vmem>> -> memref<1x128xi32, #tpu.memory_space<vmem>>
      %dma_wait3A_224 = tpu.memref_squeeze %dma_wait3A_223 : memref<1x128xi32, #tpu.memory_space<vmem>> -> memref<128xi32, #tpu.memory_space<vmem>>
      %dma_wait3A_225 = arith.constant 0 : i32
      %dma_wait3A_226 = arith.constant 0 : i32
      %dma_wait3A_227 = tpu.memref_slice %arg2[%dma_wait3A_225, %dma_wait3A_226] : memref<10000x128xf32, #tpu.memory_space<hbm>> -> memref<10000x128xf32, #tpu.memory_space<hbm>>
      tpu.wait_indirect_dma semaphore(%arg15 : memref<!tpu.dma_semaphore, #tpu.memory_space<semaphore_mem>>) src(%dma_wait3A_227 : memref<10000x128xf32, #tpu.memory_space<hbm>>) dst(%arg9 : memref<128x128xf32, #tpu.memory_space<vmem>>)
      %add3A_228 = arith.constant 2 : i32
      %add3A_229 = arith.addi %mul3A_152, %add3A_228 : i32
      %min3A_230 = arith.constant 77 : i32
      %min3A_231 = arith.minsi %add3A_229, %min3A_230 : i32
      %mul3A_232 = arith.constant 128 : i32
      %mul3A_233 = arith.muli %min3A_231, %mul3A_232 : i32
      %add3A_234 = arith.addi %mul3A_2, %mul3A_233 : i32
      %dma_wait3A_235 = arith.constant 0 : i32
      %dma_wait3A_236 = arith.constant 0 : i32
      %dma_wait3A_237 = tpu.memref_slice %arg6[%dma_wait3A_235, %dma_wait3A_236] : memref<2x128xi32, #tpu.memory_space<vmem>> -> memref<1x128xi32, #tpu.memory_space<vmem>>
      %dma_wait3A_238 = tpu.memref_squeeze %dma_wait3A_237 : memref<1x128xi32, #tpu.memory_space<vmem>> -> memref<128xi32, #tpu.memory_space<vmem>>
      %dma_wait3A_239 = tpu.memref_slice %arg3[%add3A_234] : memref<320000xi32, #tpu.memory_space<hbm>> -> memref<128xi32, #tpu.memory_space<hbm>>
      %dma_wait3A_240 = arith.constant 0 : i32
      %dma_wait3A_241 = tpu.memref_slice %arg6[%dma_wait3A_235, %dma_wait3A_240] : memref<2x128xi32, #tpu.memory_space<vmem>> -> memref<1x128xi32, #tpu.memory_space<vmem>>
      %dma_wait3A_242 = tpu.memref_squeeze %dma_wait3A_241 : memref<1x128xi32, #tpu.memory_space<vmem>> -> memref<128xi32, #tpu.memory_space<vmem>>
      %dma_wait3A_243 = tpu.memref_slice %arg3[%add3A_234] : memref<320000xi32, #tpu.memory_space<hbm>> -> memref<128xi32, #tpu.memory_space<hbm>>
      tpu.wait_dma2 semaphore(%arg16 : memref<!tpu.dma_semaphore, #tpu.memory_space<semaphore_mem>>) src(%dma_wait3A_243 : memref<128xi32, #tpu.memory_space<hbm>>) dst(%dma_wait3A_242 : memref<128xi32, #tpu.memory_space<vmem>>)
      %mul3A_244 = arith.constant 128 : i32
      %mul3A_245 = arith.muli %min3A_231, %mul3A_244 : i32
      %add3A_246 = arith.addi %mul3A_2, %mul3A_245 : i32
      %dma_wait3A_247 = arith.constant 0 : i32
      %dma_wait3A_248 = arith.constant 0 : i32
      %dma_wait3A_249 = tpu.memref_slice %arg7[%dma_wait3A_247, %dma_wait3A_248] : memref<2x128xi32, #tpu.memory_space<vmem>> -> memref<1x128xi32, #tpu.memory_space<vmem>>
      %dma_wait3A_250 = tpu.memref_squeeze %dma_wait3A_249 : memref<1x128xi32, #tpu.memory_space<vmem>> -> memref<128xi32, #tpu.memory_space<vmem>>
      %dma_wait3A_251 = tpu.memref_slice %arg4[%add3A_246] : memref<320000xi32, #tpu.memory_space<hbm>> -> memref<128xi32, #tpu.memory_space<hbm>>
      %dma_wait3A_252 = arith.constant 0 : i32
      %dma_wait3A_253 = tpu.memref_slice %arg7[%dma_wait3A_247, %dma_wait3A_252] : memref<2x128xi32, #tpu.memory_space<vmem>> -> memref<1x128xi32, #tpu.memory_space<vmem>>
      %dma_wait3A_254 = tpu.memref_squeeze %dma_wait3A_253 : memref<1x128xi32, #tpu.memory_space<vmem>> -> memref<128xi32, #tpu.memory_space<vmem>>
      %dma_wait3A_255 = tpu.memref_slice %arg4[%add3A_246] : memref<320000xi32, #tpu.memory_space<hbm>> -> memref<128xi32, #tpu.memory_space<hbm>>
      tpu.wait_dma2 semaphore(%arg16 : memref<!tpu.dma_semaphore, #tpu.memory_space<semaphore_mem>>) src(%dma_wait3A_255 : memref<128xi32, #tpu.memory_space<hbm>>) dst(%dma_wait3A_254 : memref<128xi32, #tpu.memory_space<vmem>>)
      %dma_start3A_256 = arith.constant 0 : i32
      %dma_start3A_257 = arith.constant 0 : i32
      %dma_start3A_258 = tpu.memref_slice %arg6[%dma_start3A_256, %dma_start3A_257] : memref<2x128xi32, #tpu.memory_space<vmem>> -> memref<1x128xi32, #tpu.memory_space<vmem>>
      %dma_start3A_259 = tpu.memref_squeeze %dma_start3A_258 : memref<1x128xi32, #tpu.memory_space<vmem>> -> memref<128xi32, #tpu.memory_space<vmem>>
      %dma_start3A_260 = arith.constant 0 : i32
      %dma_start3A_261 = arith.constant 0 : i32
      %dma_start3A_262 = tpu.memref_slice %arg2[%dma_start3A_260, %dma_start3A_261] : memref<10000x128xf32, #tpu.memory_space<hbm>> -> memref<10000x128xf32, #tpu.memory_space<hbm>>
      tpu.enqueue_indirect_dma source(%dma_start3A_262 : memref<10000x128xf32, #tpu.memory_space<hbm>>) target(%arg8 : memref<128x128xf32, #tpu.memory_space<vmem>>) offsets(%dma_start3A_259 : memref<128xi32, #tpu.memory_space<vmem>>) semaphore(%arg14 : memref<!tpu.dma_semaphore, #tpu.memory_space<semaphore_mem>>)
      %run_scoped3A_263 = arith.constant 1 : i32
      "tpu.region"() ({
        %run_scoped3A_292 = tpu.sem_alloc : memref<!tpu.dma_semaphore, #tpu.memory_space<semaphore_mem>>
        %dma_start3A_293 = arith.constant 0 : i32
        %dma_start3A_294 = tpu.memref_slice %arg7[%run_scoped3A_263, %dma_start3A_293] : memref<2x128xi32, #tpu.memory_space<vmem>> -> memref<1x128xi32, #tpu.memory_space<vmem>>
        %dma_start3A_295 = tpu.memref_squeeze %dma_start3A_294 : memref<1x128xi32, #tpu.memory_space<vmem>> -> memref<128xi32, #tpu.memory_space<vmem>>
        %dma_start3A_296 = arith.constant 0 : i32
        %dma_start3A_297 = arith.constant 0 : i32
        %dma_start3A_298 = tpu.memref_slice %arg13[%dma_start3A_296, %dma_start3A_297] : memref<10240x128xf32, #tpu.memory_space<vmem_shared>> -> memref<10240x128xf32, #tpu.memory_space<vmem_shared>>
        tpu.enqueue_indirect_dma source(%arg9 : memref<128x128xf32, #tpu.memory_space<vmem>>) target(%dma_start3A_298 : memref<10240x128xf32, #tpu.memory_space<vmem_shared>>) offsets(%dma_start3A_295 : memref<128xi32, #tpu.memory_space<vmem>>) semaphore(%run_scoped3A_292 : memref<!tpu.dma_semaphore, #tpu.memory_space<semaphore_mem>>) {add = true}
        %dma_wait3A_299 = arith.constant 0 : i32
        %dma_wait3A_300 = tpu.memref_slice %arg7[%run_scoped3A_263, %dma_wait3A_299] : memref<2x128xi32, #tpu.memory_space<vmem>> -> memref<1x128xi32, #tpu.memory_space<vmem>>
        %dma_wait3A_301 = tpu.memref_squeeze %dma_wait3A_300 : memref<1x128xi32, #tpu.memory_space<vmem>> -> memref<128xi32, #tpu.memory_space<vmem>>
        %dma_wait3A_302 = arith.constant 0 : i32
        %dma_wait3A_303 = arith.constant 0 : i32
        %dma_wait3A_304 = tpu.memref_slice %arg13[%dma_wait3A_302, %dma_wait3A_303] : memref<10240x128xf32, #tpu.memory_space<vmem_shared>> -> memref<10240x128xf32, #tpu.memory_space<vmem_shared>>
        tpu.wait_indirect_dma semaphore(%run_scoped3A_292 : memref<!tpu.dma_semaphore, #tpu.memory_space<semaphore_mem>>) src(%arg9 : memref<128x128xf32, #tpu.memory_space<vmem>>) dst(%dma_wait3A_304 : memref<10240x128xf32, #tpu.memory_space<vmem_shared>>)
        tpu.yield
      }) : () -> ()
      %add3A_264 = arith.constant 2 : i32
      %add3A_265 = arith.addi %add3A_154, %add3A_264 : i32
      %min3A_266 = arith.constant 77 : i32
      %min3A_267 = arith.minsi %add3A_265, %min3A_266 : i32
      %mul3A_268 = arith.constant 128 : i32
      %mul3A_269 = arith.muli %min3A_267, %mul3A_268 : i32
      %add3A_270 = arith.addi %mul3A_2, %mul3A_269 : i32
      %dma_start3A_271 = arith.constant 1 : i32
      %dma_start3A_272 = arith.constant 0 : i32
      %dma_start3A_273 = tpu.memref_slice %arg6[%dma_start3A_271, %dma_start3A_272] : memref<2x128xi32, #tpu.memory_space<vmem>> -> memref<1x128xi32, #tpu.memory_space<vmem>>
      %dma_start3A_274 = tpu.memref_squeeze %dma_start3A_273 : memref<1x128xi32, #tpu.memory_space<vmem>> -> memref<128xi32, #tpu.memory_space<vmem>>
      %dma_start3A_275 = tpu.memref_slice %arg3[%add3A_270] : memref<320000xi32, #tpu.memory_space<hbm>> -> memref<128xi32, #tpu.memory_space<hbm>>
      %dma_start3A_276 = arith.constant 0 : i32
      %dma_start3A_277 = tpu.memref_slice %arg6[%dma_start3A_271, %dma_start3A_276] : memref<2x128xi32, #tpu.memory_space<vmem>> -> memref<1x128xi32, #tpu.memory_space<vmem>>
      %dma_start3A_278 = tpu.memref_squeeze %dma_start3A_277 : memref<1x128xi32, #tpu.memory_space<vmem>> -> memref<128xi32, #tpu.memory_space<vmem>>
      %dma_start3A_279 = tpu.memref_slice %arg3[%add3A_270] : memref<320000xi32, #tpu.memory_space<hbm>> -> memref<128xi32, #tpu.memory_space<hbm>>
      tpu.enqueue_dma source(%dma_start3A_279 : memref<128xi32, #tpu.memory_space<hbm>>) target(%dma_start3A_278 : memref<128xi32, #tpu.memory_space<vmem>>) target_semaphore(%arg17 : memref<!tpu.dma_semaphore, #tpu.memory_space<semaphore_mem>>)
      %mul3A_280 = arith.constant 128 : i32
      %mul3A_281 = arith.muli %min3A_267, %mul3A_280 : i32
      %add3A_282 = arith.addi %mul3A_2, %mul3A_281 : i32
      %dma_start3A_283 = arith.constant 1 : i32
      %dma_start3A_284 = arith.constant 0 : i32
      %dma_start3A_285 = tpu.memref_slice %arg7[%dma_start3A_283, %dma_start3A_284] : memref<2x128xi32, #tpu.memory_space<vmem>> -> memref<1x128xi32, #tpu.memory_space<vmem>>
      %dma_start3A_286 = tpu.memref_squeeze %dma_start3A_285 : memref<1x128xi32, #tpu.memory_space<vmem>> -> memref<128xi32, #tpu.memory_space<vmem>>
      %dma_start3A_287 = tpu.memref_slice %arg4[%add3A_282] : memref<320000xi32, #tpu.memory_space<hbm>> -> memref<128xi32, #tpu.memory_space<hbm>>
      %dma_start3A_288 = arith.constant 0 : i32
      %dma_start3A_289 = tpu.memref_slice %arg7[%dma_start3A_283, %dma_start3A_288] : memref<2x128xi32, #tpu.memory_space<vmem>> -> memref<1x128xi32, #tpu.memory_space<vmem>>
      %dma_start3A_290 = tpu.memref_squeeze %dma_start3A_289 : memref<1x128xi32, #tpu.memory_space<vmem>> -> memref<128xi32, #tpu.memory_space<vmem>>
      %dma_start3A_291 = tpu.memref_slice %arg4[%add3A_282] : memref<320000xi32, #tpu.memory_space<hbm>> -> memref<128xi32, #tpu.memory_space<hbm>>
      tpu.enqueue_dma source(%dma_start3A_291 : memref<128xi32, #tpu.memory_space<hbm>>) target(%dma_start3A_290 : memref<128xi32, #tpu.memory_space<vmem>>) target_semaphore(%arg17 : memref<!tpu.dma_semaphore, #tpu.memory_space<semaphore_mem>>)
    }
    %scan3A_87 = arith.constant 39 : i32
    %dma_wait3A_88 = arith.constant 0 : i32
    %dma_wait3A_89 = arith.constant 0 : i32
    %dma_wait3A_90 = tpu.memref_slice %arg6[%dma_wait3A_88, %dma_wait3A_89] : memref<2x128xi32, #tpu.memory_space<vmem>> -> memref<1x128xi32, #tpu.memory_space<vmem>>
    %dma_wait3A_91 = tpu.memref_squeeze %dma_wait3A_90 : memref<1x128xi32, #tpu.memory_space<vmem>> -> memref<128xi32, #tpu.memory_space<vmem>>
    %dma_wait3A_92 = arith.constant 0 : i32
    %dma_wait3A_93 = arith.constant 0 : i32
    %dma_wait3A_94 = tpu.memref_slice %arg2[%dma_wait3A_92, %dma_wait3A_93] : memref<10000x128xf32, #tpu.memory_space<hbm>> -> memref<10000x128xf32, #tpu.memory_space<hbm>>
    tpu.wait_indirect_dma semaphore(%arg14 : memref<!tpu.dma_semaphore, #tpu.memory_space<semaphore_mem>>) src(%dma_wait3A_94 : memref<10000x128xf32, #tpu.memory_space<hbm>>) dst(%arg8 : memref<128x128xf32, #tpu.memory_space<vmem>>)
    %add3A_95 = arith.constant 9856 : i32
    %add3A_96 = arith.addi %mul3A_2, %add3A_95 : i32
    %dma_wait3A_97 = arith.constant 1 : i32
    %dma_wait3A_98 = arith.constant 0 : i32
    %dma_wait3A_99 = tpu.memref_slice %arg6[%dma_wait3A_97, %dma_wait3A_98] : memref<2x128xi32, #tpu.memory_space<vmem>> -> memref<1x128xi32, #tpu.memory_space<vmem>>
    %dma_wait3A_100 = tpu.memref_squeeze %dma_wait3A_99 : memref<1x128xi32, #tpu.memory_space<vmem>> -> memref<128xi32, #tpu.memory_space<vmem>>
    %dma_wait3A_101 = tpu.memref_slice %arg3[%add3A_96] : memref<320000xi32, #tpu.memory_space<hbm>> -> memref<128xi32, #tpu.memory_space<hbm>>
    %dma_wait3A_102 = arith.constant 0 : i32
    %dma_wait3A_103 = tpu.memref_slice %arg6[%dma_wait3A_97, %dma_wait3A_102] : memref<2x128xi32, #tpu.memory_space<vmem>> -> memref<1x128xi32, #tpu.memory_space<vmem>>
    %dma_wait3A_104 = tpu.memref_squeeze %dma_wait3A_103 : memref<1x128xi32, #tpu.memory_space<vmem>> -> memref<128xi32, #tpu.memory_space<vmem>>
    %dma_wait3A_105 = tpu.memref_slice %arg3[%add3A_96] : memref<320000xi32, #tpu.memory_space<hbm>> -> memref<128xi32, #tpu.memory_space<hbm>>
    tpu.wait_dma2 semaphore(%arg17 : memref<!tpu.dma_semaphore, #tpu.memory_space<semaphore_mem>>) src(%dma_wait3A_105 : memref<128xi32, #tpu.memory_space<hbm>>) dst(%dma_wait3A_104 : memref<128xi32, #tpu.memory_space<vmem>>)
    %add3A_106 = arith.constant 9856 : i32
    %add3A_107 = arith.addi %mul3A_2, %add3A_106 : i32
    %dma_wait3A_108 = arith.constant 1 : i32
    %dma_wait3A_109 = arith.constant 0 : i32
    %dma_wait3A_110 = tpu.memref_slice %arg7[%dma_wait3A_108, %dma_wait3A_109] : memref<2x128xi32, #tpu.memory_space<vmem>> -> memref<1x128xi32, #tpu.memory_space<vmem>>
    %dma_wait3A_111 = tpu.memref_squeeze %dma_wait3A_110 : memref<1x128xi32, #tpu.memory_space<vmem>> -> memref<128xi32, #tpu.memory_space<vmem>>
    %dma_wait3A_112 = tpu.memref_slice %arg4[%add3A_107] : memref<320000xi32, #tpu.memory_space<hbm>> -> memref<128xi32, #tpu.memory_space<hbm>>
    %dma_wait3A_113 = arith.constant 0 : i32
    %dma_wait3A_114 = tpu.memref_slice %arg7[%dma_wait3A_108, %dma_wait3A_113] : memref<2x128xi32, #tpu.memory_space<vmem>> -> memref<1x128xi32, #tpu.memory_space<vmem>>
    %dma_wait3A_115 = tpu.memref_squeeze %dma_wait3A_114 : memref<1x128xi32, #tpu.memory_space<vmem>> -> memref<128xi32, #tpu.memory_space<vmem>>
    %dma_wait3A_116 = tpu.memref_slice %arg4[%add3A_107] : memref<320000xi32, #tpu.memory_space<hbm>> -> memref<128xi32, #tpu.memory_space<hbm>>
    tpu.wait_dma2 semaphore(%arg17 : memref<!tpu.dma_semaphore, #tpu.memory_space<semaphore_mem>>) src(%dma_wait3A_116 : memref<128xi32, #tpu.memory_space<hbm>>) dst(%dma_wait3A_115 : memref<128xi32, #tpu.memory_space<vmem>>)
    %add3A_117 = arith.constant 9984 : i32
    %add3A_118 = arith.addi %mul3A_2, %add3A_117 : i32
    %run_scoped3A = arith.constant 0 : i32
    "tpu.region"() ({
      %run_scoped3A_146 = tpu.sem_alloc : memref<!tpu.dma_semaphore, #tpu.memory_space<semaphore_mem>>
      %dma_start3A_147 = arith.constant 0 : i32
      %dma_start3A_148 = tpu.memref_slice %arg10[%run_scoped3A, %dma_start3A_147] : memref<1x16xi32, #tpu.memory_space<vmem>> -> memref<1x16xi32, #tpu.memory_space<vmem>>
      %dma_start3A_149 = tpu.memref_squeeze %dma_start3A_148 : memref<1x16xi32, #tpu.memory_space<vmem>> -> memref<16xi32, #tpu.memory_space<vmem>>
      %dma_start3A_150 = tpu.memref_slice %arg3[%add3A_118] : memref<320000xi32, #tpu.memory_space<hbm>> -> memref<16xi32, #tpu.memory_space<hbm>>
      %dma_start3A_151 = arith.constant 0 : i32
      %dma_start3A_152 = tpu.memref_slice %arg10[%run_scoped3A, %dma_start3A_151] : memref<1x16xi32, #tpu.memory_space<vmem>> -> memref<1x16xi32, #tpu.memory_space<vmem>>
      %dma_start3A_153 = tpu.memref_squeeze %dma_start3A_152 : memref<1x16xi32, #tpu.memory_space<vmem>> -> memref<16xi32, #tpu.memory_space<vmem>>
      %dma_start3A_154 = tpu.memref_slice %arg3[%add3A_118] : memref<320000xi32, #tpu.memory_space<hbm>> -> memref<16xi32, #tpu.memory_space<hbm>>
      tpu.enqueue_dma source(%dma_start3A_154 : memref<16xi32, #tpu.memory_space<hbm>>) target(%dma_start3A_153 : memref<16xi32, #tpu.memory_space<vmem>>) target_semaphore(%run_scoped3A_146 : memref<!tpu.dma_semaphore, #tpu.memory_space<semaphore_mem>>)
      %dma_wait3A_155 = arith.constant 0 : i32
      %dma_wait3A_156 = tpu.memref_slice %arg10[%run_scoped3A, %dma_wait3A_155] : memref<1x16xi32, #tpu.memory_space<vmem>> -> memref<1x16xi32, #tpu.memory_space<vmem>>
      %dma_wait3A_157 = tpu.memref_squeeze %dma_wait3A_156 : memref<1x16xi32, #tpu.memory_space<vmem>> -> memref<16xi32, #tpu.memory_space<vmem>>
      %dma_wait3A_158 = tpu.memref_slice %arg3[%add3A_118] : memref<320000xi32, #tpu.memory_space<hbm>> -> memref<16xi32, #tpu.memory_space<hbm>>
      %dma_wait3A_159 = arith.constant 0 : i32
      %dma_wait3A_160 = tpu.memref_slice %arg10[%run_scoped3A, %dma_wait3A_159] : memref<1x16xi32, #tpu.memory_space<vmem>> -> memref<1x16xi32, #tpu.memory_space<vmem>>
      %dma_wait3A_161 = tpu.memref_squeeze %dma_wait3A_160 : memref<1x16xi32, #tpu.memory_space<vmem>> -> memref<16xi32, #tpu.memory_space<vmem>>
      %dma_wait3A_162 = tpu.memref_slice %arg3[%add3A_118] : memref<320000xi32, #tpu.memory_space<hbm>> -> memref<16xi32, #tpu.memory_space<hbm>>
      tpu.wait_dma2 semaphore(%run_scoped3A_146 : memref<!tpu.dma_semaphore, #tpu.memory_space<semaphore_mem>>) src(%dma_wait3A_162 : memref<16xi32, #tpu.memory_space<hbm>>) dst(%dma_wait3A_161 : memref<16xi32, #tpu.memory_space<vmem>>)
      tpu.yield
    }) : () -> ()
    %run_scoped3A_119 = arith.constant 0 : i32
    "tpu.region"() ({
      %run_scoped3A_146 = tpu.sem_alloc : memref<!tpu.dma_semaphore, #tpu.memory_space<semaphore_mem>>
      %dma_start3A_147 = arith.constant 0 : i32
      %dma_start3A_148 = tpu.memref_slice %arg11[%run_scoped3A_119, %dma_start3A_147] : memref<1x16xi32, #tpu.memory_space<vmem>> -> memref<1x16xi32, #tpu.memory_space<vmem>>
      %dma_start3A_149 = tpu.memref_squeeze %dma_start3A_148 : memref<1x16xi32, #tpu.memory_space<vmem>> -> memref<16xi32, #tpu.memory_space<vmem>>
      %dma_start3A_150 = tpu.memref_slice %arg4[%add3A_118] : memref<320000xi32, #tpu.memory_space<hbm>> -> memref<16xi32, #tpu.memory_space<hbm>>
      %dma_start3A_151 = arith.constant 0 : i32
      %dma_start3A_152 = tpu.memref_slice %arg11[%run_scoped3A_119, %dma_start3A_151] : memref<1x16xi32, #tpu.memory_space<vmem>> -> memref<1x16xi32, #tpu.memory_space<vmem>>
      %dma_start3A_153 = tpu.memref_squeeze %dma_start3A_152 : memref<1x16xi32, #tpu.memory_space<vmem>> -> memref<16xi32, #tpu.memory_space<vmem>>
      %dma_start3A_154 = tpu.memref_slice %arg4[%add3A_118] : memref<320000xi32, #tpu.memory_space<hbm>> -> memref<16xi32, #tpu.memory_space<hbm>>
      tpu.enqueue_dma source(%dma_start3A_154 : memref<16xi32, #tpu.memory_space<hbm>>) target(%dma_start3A_153 : memref<16xi32, #tpu.memory_space<vmem>>) target_semaphore(%run_scoped3A_146 : memref<!tpu.dma_semaphore, #tpu.memory_space<semaphore_mem>>)
      %dma_wait3A_155 = arith.constant 0 : i32
      %dma_wait3A_156 = tpu.memref_slice %arg11[%run_scoped3A_119, %dma_wait3A_155] : memref<1x16xi32, #tpu.memory_space<vmem>> -> memref<1x16xi32, #tpu.memory_space<vmem>>
      %dma_wait3A_157 = tpu.memref_squeeze %dma_wait3A_156 : memref<1x16xi32, #tpu.memory_space<vmem>> -> memref<16xi32, #tpu.memory_space<vmem>>
      %dma_wait3A_158 = tpu.memref_slice %arg4[%add3A_118] : memref<320000xi32, #tpu.memory_space<hbm>> -> memref<16xi32, #tpu.memory_space<hbm>>
      %dma_wait3A_159 = arith.constant 0 : i32
      %dma_wait3A_160 = tpu.memref_slice %arg11[%run_scoped3A_119, %dma_wait3A_159] : memref<1x16xi32, #tpu.memory_space<vmem>> -> memref<1x16xi32, #tpu.memory_space<vmem>>
      %dma_wait3A_161 = tpu.memref_squeeze %dma_wait3A_160 : memref<1x16xi32, #tpu.memory_space<vmem>> -> memref<16xi32, #tpu.memory_space<vmem>>
      %dma_wait3A_162 = tpu.memref_slice %arg4[%add3A_118] : memref<320000xi32, #tpu.memory_space<hbm>> -> memref<16xi32, #tpu.memory_space<hbm>>
      tpu.wait_dma2 semaphore(%run_scoped3A_146 : memref<!tpu.dma_semaphore, #tpu.memory_space<semaphore_mem>>) src(%dma_wait3A_162 : memref<16xi32, #tpu.memory_space<hbm>>) dst(%dma_wait3A_161 : memref<16xi32, #tpu.memory_space<vmem>>)
      tpu.yield
    }) : () -> ()
    %dma_start3A_120 = arith.constant 0 : i32
    %dma_start3A_121 = arith.constant 0 : i32
    %dma_start3A_122 = arith.constant 0 : i32
    %dma_start3A_123 = tpu.memref_slice %arg12[%dma_start3A_121, %dma_start3A_122] : memref<16x128xf32, #tpu.memory_space<vmem>> -> memref<16x128xf32, #tpu.memory_space<vmem>>
    %dma_start3A_124 = arith.constant 0 : i32
    %dma_start3A_125 = tpu.memref_slice %arg10[%dma_start3A_120, %dma_start3A_124] : memref<1x16xi32, #tpu.memory_space<vmem>> -> memref<1x16xi32, #tpu.memory_space<vmem>>
    %dma_start3A_126 = tpu.memref_squeeze %dma_start3A_125 : memref<1x16xi32, #tpu.memory_space<vmem>> -> memref<16xi32, #tpu.memory_space<vmem>>
    %dma_start3A_127 = arith.constant 0 : i32
    %dma_start3A_128 = arith.constant 0 : i32
    %dma_start3A_129 = tpu.memref_slice %arg2[%dma_start3A_127, %dma_start3A_128] : memref<10000x128xf32, #tpu.memory_space<hbm>> -> memref<10000x128xf32, #tpu.memory_space<hbm>>
    tpu.enqueue_indirect_dma source(%dma_start3A_129 : memref<10000x128xf32, #tpu.memory_space<hbm>>) target(%dma_start3A_123 : memref<16x128xf32, #tpu.memory_space<vmem>>) offsets(%dma_start3A_126 : memref<16xi32, #tpu.memory_space<vmem>>) semaphore(%arg14 : memref<!tpu.dma_semaphore, #tpu.memory_space<semaphore_mem>>)
    %dma_wait3A_130 = arith.constant 0 : i32
    %dma_wait3A_131 = arith.constant 0 : i32
    %dma_wait3A_132 = arith.constant 0 : i32
    %dma_wait3A_133 = tpu.memref_slice %arg12[%dma_wait3A_131, %dma_wait3A_132] : memref<16x128xf32, #tpu.memory_space<vmem>> -> memref<16x128xf32, #tpu.memory_space<vmem>>
    %dma_wait3A_134 = arith.constant 0 : i32
    %dma_wait3A_135 = tpu.memref_slice %arg10[%dma_wait3A_130, %dma_wait3A_134] : memref<1x16xi32, #tpu.memory_space<vmem>> -> memref<1x16xi32, #tpu.memory_space<vmem>>
    %dma_wait3A_136 = tpu.memref_squeeze %dma_wait3A_135 : memref<1x16xi32, #tpu.memory_space<vmem>> -> memref<16xi32, #tpu.memory_space<vmem>>
    %dma_wait3A_137 = arith.constant 0 : i32
    %dma_wait3A_138 = arith.constant 0 : i32
    %dma_wait3A_139 = tpu.memref_slice %arg2[%dma_wait3A_137, %dma_wait3A_138] : memref<10000x128xf32, #tpu.memory_space<hbm>> -> memref<10000x128xf32, #tpu.memory_space<hbm>>
    tpu.wait_indirect_dma semaphore(%arg14 : memref<!tpu.dma_semaphore, #tpu.memory_space<semaphore_mem>>) src(%dma_wait3A_139 : memref<10000x128xf32, #tpu.memory_space<hbm>>) dst(%dma_wait3A_133 : memref<16x128xf32, #tpu.memory_space<vmem>>)
    %run_scoped3A_140 = arith.constant 0 : i32
    "tpu.region"() ({
      %run_scoped3A_146 = tpu.sem_alloc : memref<!tpu.dma_semaphore, #tpu.memory_space<semaphore_mem>>
      %dma_start3A_147 = arith.constant 0 : i32
      %dma_start3A_148 = arith.constant 0 : i32
      %dma_start3A_149 = tpu.memref_slice %arg12[%dma_start3A_147, %dma_start3A_148] : memref<16x128xf32, #tpu.memory_space<vmem>> -> memref<16x128xf32, #tpu.memory_space<vmem>>
      %dma_start3A_150 = arith.constant 0 : i32
      %dma_start3A_151 = tpu.memref_slice %arg11[%run_scoped3A_140, %dma_start3A_150] : memref<1x16xi32, #tpu.memory_space<vmem>> -> memref<1x16xi32, #tpu.memory_space<vmem>>
      %dma_start3A_152 = tpu.memref_squeeze %dma_start3A_151 : memref<1x16xi32, #tpu.memory_space<vmem>> -> memref<16xi32, #tpu.memory_space<vmem>>
      %dma_start3A_153 = arith.constant 0 : i32
      %dma_start3A_154 = arith.constant 0 : i32
      %dma_start3A_155 = tpu.memref_slice %arg13[%dma_start3A_153, %dma_start3A_154] : memref<10240x128xf32, #tpu.memory_space<vmem_shared>> -> memref<10240x128xf32, #tpu.memory_space<vmem_shared>>
      tpu.enqueue_indirect_dma source(%dma_start3A_149 : memref<16x128xf32, #tpu.memory_space<vmem>>) target(%dma_start3A_155 : memref<10240x128xf32, #tpu.memory_space<vmem_shared>>) offsets(%dma_start3A_152 : memref<16xi32, #tpu.memory_space<vmem>>) semaphore(%run_scoped3A_146 : memref<!tpu.dma_semaphore, #tpu.memory_space<semaphore_mem>>) {add = true}
      %dma_wait3A_156 = arith.constant 0 : i32
      %dma_wait3A_157 = arith.constant 0 : i32
      %dma_wait3A_158 = tpu.memref_slice %arg12[%dma_wait3A_156, %dma_wait3A_157] : memref<16x128xf32, #tpu.memory_space<vmem>> -> memref<16x128xf32, #tpu.memory_space<vmem>>
      %dma_wait3A_159 = arith.constant 0 : i32
      %dma_wait3A_160 = tpu.memref_slice %arg11[%run_scoped3A_140, %dma_wait3A_159] : memref<1x16xi32, #tpu.memory_space<vmem>> -> memref<1x16xi32, #tpu.memory_space<vmem>>
      %dma_wait3A_161 = tpu.memref_squeeze %dma_wait3A_160 : memref<1x16xi32, #tpu.memory_space<vmem>> -> memref<16xi32, #tpu.memory_space<vmem>>
      %dma_wait3A_162 = arith.constant 0 : i32
      %dma_wait3A_163 = arith.constant 0 : i32
      %dma_wait3A_164 = tpu.memref_slice %arg13[%dma_wait3A_162, %dma_wait3A_163] : memref<10240x128xf32, #tpu.memory_space<vmem_shared>> -> memref<10240x128xf32, #tpu.memory_space<vmem_shared>>
      tpu.wait_indirect_dma semaphore(%run_scoped3A_146 : memref<!tpu.dma_semaphore, #tpu.memory_space<semaphore_mem>>) src(%dma_wait3A_158 : memref<16x128xf32, #tpu.memory_space<vmem>>) dst(%dma_wait3A_164 : memref<10240x128xf32, #tpu.memory_space<vmem_shared>>)
      tpu.yield
    }) : () -> ()
    %barrier3A_141 = arith.constant 0 : index
    tpu.barrier barrier_id(%barrier3A_141)
    %mul3A_142 = arith.constant 640 : i32
    %mul3A_143 = arith.muli %arg1, %mul3A_142 : i32
    %mul3A_144 = arith.constant 640 : i32
    %mul3A_145 = arith.muli %arg1, %mul3A_144 : i32
    "tpu.region"() ({
      %run_scoped3A_146 = tpu.sem_alloc : memref<!tpu.dma_semaphore, #tpu.memory_space<semaphore_mem>>
      %dma_start3A_147 = arith.constant 0 : i32
      %dma_start3A_148 = tpu.memref_slice %arg5[%arg0, %mul3A_145, %dma_start3A_147] : memref<2x10240x128xf32, #tpu.memory_space<hbm>> -> memref<1x640x128xf32, #tpu.memory_space<hbm>>
      %dma_start3A_149 = tpu.memref_squeeze %dma_start3A_148 : memref<1x640x128xf32, #tpu.memory_space<hbm>> -> memref<640x128xf32, #tpu.memory_space<hbm>>
      %dma_start3A_150 = arith.constant 0 : i32
      %dma_start3A_151 = tpu.memref_slice %arg13[%mul3A_143, %dma_start3A_150] : memref<10240x128xf32, #tpu.memory_space<vmem_shared>> -> memref<640x128xf32, #tpu.memory_space<vmem_shared>>
      tpu.enqueue_dma source(%dma_start3A_151 : memref<640x128xf32, #tpu.memory_space<vmem_shared>>) target(%dma_start3A_149 : memref<640x128xf32, #tpu.memory_space<hbm>>) target_semaphore(%run_scoped3A_146 : memref<!tpu.dma_semaphore, #tpu.memory_space<semaphore_mem>>)
      %dma_wait3A_152 = arith.constant 0 : i32
      %dma_wait3A_153 = tpu.memref_slice %arg5[%arg0, %mul3A_145, %dma_wait3A_152] : memref<2x10240x128xf32, #tpu.memory_space<hbm>> -> memref<1x640x128xf32, #tpu.memory_space<hbm>>
      %dma_wait3A_154 = tpu.memref_squeeze %dma_wait3A_153 : memref<1x640x128xf32, #tpu.memory_space<hbm>> -> memref<640x128xf32, #tpu.memory_space<hbm>>
      %dma_wait3A_155 = arith.constant 0 : i32
      %dma_wait3A_156 = tpu.memref_slice %arg13[%mul3A_143, %dma_wait3A_155] : memref<10240x128xf32, #tpu.memory_space<vmem_shared>> -> memref<640x128xf32, #tpu.memory_space<vmem_shared>>
      tpu.wait_dma2 semaphore(%run_scoped3A_146 : memref<!tpu.dma_semaphore, #tpu.memory_space<semaphore_mem>>) src(%dma_wait3A_156 : memref<640x128xf32, #tpu.memory_space<vmem_shared>>) dst(%dma_wait3A_154 : memref<640x128xf32, #tpu.memory_space<hbm>>)
      tpu.yield
    }) : () -> ()
    return
  }
}

#map = affine_map<(d0, d1) -> (0, 0, 0)>
#map1 = affine_map<(d0, d1) -> (0, 0)>
module attributes {stable_mosaic.version = 14 : i64} {
  func.func @deg_kernel(%arg0: i32, %arg1: i32, %arg2: memref<32x125x80xi32, #tpu.memory_space<hbm>>, %arg3: memref<2x10240xf32, #tpu.memory_space<hbm>>, %arg4: memref<80xf32, #tpu.memory_space<vmem>>, %arg5: memref<125x80xi32, #tpu.memory_space<vmem>>, %arg6: memref<640xf32, #tpu.memory_space<vmem>>, %arg7: memref<10240xf32, #tpu.memory_space<vmem_shared>>) attributes {dimension_semantics = [#tpu.dimension_semantics<core_parallel>, #tpu.dimension_semantics<subcore_parallel>], iteration_bounds = array<i64: 2, 16>, scalar_prefetch = 0 : i64, scratch_operands = 4 : i64, tpu.core_type = #tpu.core_type<sc_vector_subcore>, window_params = [{transform_indices = #map}, {transform_indices = #map1}]} {
    %mul3A = arith.constant 2 : i32
    %mul3A_0 = arith.muli %arg1, %mul3A : i32
    %add3A = arith.addi %mul3A_0, %arg0 : i32
    %broadcast_in_dim3A = arith.constant 1.000000e+00 : f32
    %broadcast_in_dim3A_1 = vector.broadcast %broadcast_in_dim3A : f32 to vector<16xf32>
    %swap3A = arith.constant 0 : index
    %swap3A_2 = tpu.vector_load %arg4[%swap3A] {strides = array<i32>} : memref<80xf32, #tpu.memory_space<vmem>>, vector<16xf32>,
    %swap3A_3 = vector.shape_cast %swap3A_2 : vector<16xf32> to vector<16xf32>
    %swap3A_4 = vector.shape_cast %broadcast_in_dim3A_1 : vector<16xf32> to vector<16xf32>
    tpu.vector_store %arg4[%swap3A], %swap3A_4 {strides = array<i32>} : memref<80xf32, #tpu.memory_space<vmem>>, vector<16xf32>,
    %broadcast_in_dim3A_5 = arith.constant 1.000000e+00 : f32
    %broadcast_in_dim3A_6 = vector.broadcast %broadcast_in_dim3A_5 : f32 to vector<16xf32>
    %swap3A_7 = arith.constant 16 : index
    %swap3A_8 = tpu.vector_load %arg4[%swap3A_7] {strides = array<i32>} : memref<80xf32, #tpu.memory_space<vmem>>, vector<16xf32>,
    %swap3A_9 = vector.shape_cast %swap3A_8 : vector<16xf32> to vector<16xf32>
    %swap3A_10 = vector.shape_cast %broadcast_in_dim3A_6 : vector<16xf32> to vector<16xf32>
    tpu.vector_store %arg4[%swap3A_7], %swap3A_10 {strides = array<i32>} : memref<80xf32, #tpu.memory_space<vmem>>, vector<16xf32>,
    %broadcast_in_dim3A_11 = arith.constant 1.000000e+00 : f32
    %broadcast_in_dim3A_12 = vector.broadcast %broadcast_in_dim3A_11 : f32 to vector<16xf32>
    %swap3A_13 = arith.constant 32 : index
    %swap3A_14 = tpu.vector_load %arg4[%swap3A_13] {strides = array<i32>} : memref<80xf32, #tpu.memory_space<vmem>>, vector<16xf32>,
    %swap3A_15 = vector.shape_cast %swap3A_14 : vector<16xf32> to vector<16xf32>
    %swap3A_16 = vector.shape_cast %broadcast_in_dim3A_12 : vector<16xf32> to vector<16xf32>
    tpu.vector_store %arg4[%swap3A_13], %swap3A_16 {strides = array<i32>} : memref<80xf32, #tpu.memory_space<vmem>>, vector<16xf32>,
    %broadcast_in_dim3A_17 = arith.constant 1.000000e+00 : f32
    %broadcast_in_dim3A_18 = vector.broadcast %broadcast_in_dim3A_17 : f32 to vector<16xf32>
    %swap3A_19 = arith.constant 48 : index
    %swap3A_20 = tpu.vector_load %arg4[%swap3A_19] {strides = array<i32>} : memref<80xf32, #tpu.memory_space<vmem>>, vector<16xf32>,
    %swap3A_21 = vector.shape_cast %swap3A_20 : vector<16xf32> to vector<16xf32>
    %swap3A_22 = vector.shape_cast %broadcast_in_dim3A_18 : vector<16xf32> to vector<16xf32>
    tpu.vector_store %arg4[%swap3A_19], %swap3A_22 {strides = array<i32>} : memref<80xf32, #tpu.memory_space<vmem>>, vector<16xf32>,
    %broadcast_in_dim3A_23 = arith.constant 1.000000e+00 : f32
    %broadcast_in_dim3A_24 = vector.broadcast %broadcast_in_dim3A_23 : f32 to vector<16xf32>
    %swap3A_25 = arith.constant 64 : index
    %swap3A_26 = tpu.vector_load %arg4[%swap3A_25] {strides = array<i32>} : memref<80xf32, #tpu.memory_space<vmem>>, vector<16xf32>,
    %swap3A_27 = vector.shape_cast %swap3A_26 : vector<16xf32> to vector<16xf32>
    %swap3A_28 = vector.shape_cast %broadcast_in_dim3A_24 : vector<16xf32> to vector<16xf32>
    tpu.vector_store %arg4[%swap3A_25], %swap3A_28 {strides = array<i32>} : memref<80xf32, #tpu.memory_space<vmem>>, vector<16xf32>,
    %scan3A = arith.constant 0 : i32
    %scan3A_29 = arith.constant 40 : i32
    %scan3A_30 = arith.addi %scan3A, %scan3A_29 : i32
    %scan3A_31 = arith.constant 1 : i32
    scf.for %scan3A_45 = %scan3A to %scan3A_30 step %scan3A_31  : i32 {
      %mul3A_46 = arith.constant 1 : i32
      %mul3A_47 = arith.muli %scan3A_45, %mul3A_46 : i32
      %add3A_48 = arith.constant 0 : i32
      %add3A_49 = arith.addi %add3A_48, %mul3A_47 : i32
      %broadcast_in_dim3A_50 = arith.constant 0.000000e+00 : f32
      %broadcast_in_dim3A_51 = vector.broadcast %broadcast_in_dim3A_50 : f32 to vector<16xf32>
      %mul3A_52 = arith.constant 16 : i32
      %mul3A_53 = arith.muli %add3A_49, %mul3A_52 : i32
      %swap3A_54 = arith.index_cast %mul3A_53 : i32 to index
      %swap3A_55 = tpu.vector_load %arg6[%swap3A_54] {strides = array<i32>} : memref<640xf32, #tpu.memory_space<vmem>>, vector<16xf32>,
      %swap3A_56 = vector.shape_cast %swap3A_55 : vector<16xf32> to vector<16xf32>
      %swap3A_57 = vector.shape_cast %broadcast_in_dim3A_51 : vector<16xf32> to vector<16xf32>
      tpu.vector_store %arg6[%swap3A_54], %swap3A_57 {strides = array<i32>} : memref<640xf32, #tpu.memory_space<vmem>>, vector<16xf32>,
    }
    %scan3A_32 = arith.constant 40 : i32
    %mul3A_33 = arith.constant 640 : i32
    %mul3A_34 = arith.muli %arg1, %mul3A_33 : i32
    "tpu.region"() ({
      %run_scoped3A = tpu.sem_alloc : memref<!tpu.dma_semaphore, #tpu.memory_space<semaphore_mem>>
      %dma_start3A = tpu.memref_slice %arg7[%mul3A_34] : memref<10240xf32, #tpu.memory_space<vmem_shared>> -> memref<640xf32, #tpu.memory_space<vmem_shared>>
      %dma_start3A_45 = tpu.memref_slice %arg7[%mul3A_34] : memref<10240xf32, #tpu.memory_space<vmem_shared>> -> memref<640xf32, #tpu.memory_space<vmem_shared>>
      tpu.enqueue_dma source(%arg6 : memref<640xf32, #tpu.memory_space<vmem>>) target(%dma_start3A_45 : memref<640xf32, #tpu.memory_space<vmem_shared>>) target_semaphore(%run_scoped3A : memref<!tpu.dma_semaphore, #tpu.memory_space<semaphore_mem>>)
      %dma_wait3A = tpu.memref_slice %arg7[%mul3A_34] : memref<10240xf32, #tpu.memory_space<vmem_shared>> -> memref<640xf32, #tpu.memory_space<vmem_shared>>
      %dma_wait3A_46 = tpu.memref_slice %arg7[%mul3A_34] : memref<10240xf32, #tpu.memory_space<vmem_shared>> -> memref<640xf32, #tpu.memory_space<vmem_shared>>
      tpu.wait_dma2 semaphore(%run_scoped3A : memref<!tpu.dma_semaphore, #tpu.memory_space<semaphore_mem>>) src(%arg6 : memref<640xf32, #tpu.memory_space<vmem>>) dst(%dma_wait3A_46 : memref<640xf32, #tpu.memory_space<vmem_shared>>)
      tpu.yield
    }) : () -> ()
    "tpu.region"() ({
      %run_scoped3A = tpu.sem_alloc : memref<!tpu.dma_semaphore, #tpu.memory_space<semaphore_mem>>
      %dma_start3A = arith.constant 0 : i32
      %dma_start3A_45 = arith.constant 0 : i32
      %dma_start3A_46 = tpu.memref_slice %arg2[%add3A, %dma_start3A, %dma_start3A_45] : memref<32x125x80xi32, #tpu.memory_space<hbm>> -> memref<1x125x80xi32, #tpu.memory_space<hbm>>
      %dma_start3A_47 = tpu.memref_squeeze %dma_start3A_46 : memref<1x125x80xi32, #tpu.memory_space<hbm>> -> memref<125x80xi32, #tpu.memory_space<hbm>>
      %dma_start3A_48 = arith.constant 0 : i32
      %dma_start3A_49 = arith.constant 0 : i32
      %dma_start3A_50 = tpu.memref_slice %arg2[%add3A, %dma_start3A_48, %dma_start3A_49] : memref<32x125x80xi32, #tpu.memory_space<hbm>> -> memref<1x125x80xi32, #tpu.memory_space<hbm>>
      %dma_start3A_51 = tpu.memref_squeeze %dma_start3A_50 : memref<1x125x80xi32, #tpu.memory_space<hbm>> -> memref<125x80xi32, #tpu.memory_space<hbm>>
      tpu.enqueue_dma source(%dma_start3A_51 : memref<125x80xi32, #tpu.memory_space<hbm>>) target(%arg5 : memref<125x80xi32, #tpu.memory_space<vmem>>) target_semaphore(%run_scoped3A : memref<!tpu.dma_semaphore, #tpu.memory_space<semaphore_mem>>)
      %dma_wait3A = arith.constant 0 : i32
      %dma_wait3A_52 = arith.constant 0 : i32
      %dma_wait3A_53 = tpu.memref_slice %arg2[%add3A, %dma_wait3A, %dma_wait3A_52] : memref<32x125x80xi32, #tpu.memory_space<hbm>> -> memref<1x125x80xi32, #tpu.memory_space<hbm>>
      %dma_wait3A_54 = tpu.memref_squeeze %dma_wait3A_53 : memref<1x125x80xi32, #tpu.memory_space<hbm>> -> memref<125x80xi32, #tpu.memory_space<hbm>>
      %dma_wait3A_55 = arith.constant 0 : i32
      %dma_wait3A_56 = arith.constant 0 : i32
      %dma_wait3A_57 = tpu.memref_slice %arg2[%add3A, %dma_wait3A_55, %dma_wait3A_56] : memref<32x125x80xi32, #tpu.memory_space<hbm>> -> memref<1x125x80xi32, #tpu.memory_space<hbm>>
      %dma_wait3A_58 = tpu.memref_squeeze %dma_wait3A_57 : memref<1x125x80xi32, #tpu.memory_space<hbm>> -> memref<125x80xi32, #tpu.memory_space<hbm>>
      tpu.wait_dma2 semaphore(%run_scoped3A : memref<!tpu.dma_semaphore, #tpu.memory_space<semaphore_mem>>) src(%dma_wait3A_58 : memref<125x80xi32, #tpu.memory_space<hbm>>) dst(%arg5 : memref<125x80xi32, #tpu.memory_space<vmem>>)
      tpu.yield
    }) : () -> ()
    %barrier3A = arith.constant 0 : index
    tpu.barrier barrier_id(%barrier3A)
    %scan3A_35 = arith.constant 0 : i32
    %scan3A_36 = arith.constant 125 : i32
    %scan3A_37 = arith.addi %scan3A_35, %scan3A_36 : i32
    %scan3A_38 = arith.constant 1 : i32
    scf.for %scan3A_45 = %scan3A_35 to %scan3A_37 step %scan3A_38  : i32 {
      %mul3A_46 = arith.constant 1 : i32
      %mul3A_47 = arith.muli %scan3A_45, %mul3A_46 : i32
      %add3A_48 = arith.constant 0 : i32
      %add3A_49 = arith.addi %add3A_48, %mul3A_47 : i32
      "tpu.region"() ({
        %run_scoped3A = tpu.sem_alloc : memref<!tpu.dma_semaphore, #tpu.memory_space<semaphore_mem>>
        %dma_start3A = arith.constant 0 : i32
        %dma_start3A_50 = tpu.memref_slice %arg5[%add3A_49, %dma_start3A] : memref<125x80xi32, #tpu.memory_space<vmem>> -> memref<1x80xi32, #tpu.memory_space<vmem>>
        %dma_start3A_51 = tpu.memref_squeeze %dma_start3A_50 : memref<1x80xi32, #tpu.memory_space<vmem>> -> memref<80xi32, #tpu.memory_space<vmem>>
        %dma_start3A_52 = arith.constant 0 : i32
        %dma_start3A_53 = tpu.memref_slice %arg7[%dma_start3A_52] : memref<10240xf32, #tpu.memory_space<vmem_shared>> -> memref<10240xf32, #tpu.memory_space<vmem_shared>>
        tpu.enqueue_indirect_dma source(%arg4 : memref<80xf32, #tpu.memory_space<vmem>>) target(%dma_start3A_53 : memref<10240xf32, #tpu.memory_space<vmem_shared>>) offsets(%dma_start3A_51 : memref<80xi32, #tpu.memory_space<vmem>>) semaphore(%run_scoped3A : memref<!tpu.dma_semaphore, #tpu.memory_space<semaphore_mem>>) {add = true}
        %dma_wait3A = arith.constant 0 : i32
        %dma_wait3A_54 = tpu.memref_slice %arg5[%add3A_49, %dma_wait3A] : memref<125x80xi32, #tpu.memory_space<vmem>> -> memref<1x80xi32, #tpu.memory_space<vmem>>
        %dma_wait3A_55 = tpu.memref_squeeze %dma_wait3A_54 : memref<1x80xi32, #tpu.memory_space<vmem>> -> memref<80xi32, #tpu.memory_space<vmem>>
        %dma_wait3A_56 = arith.constant 0 : i32
        %dma_wait3A_57 = tpu.memref_slice %arg7[%dma_wait3A_56] : memref<10240xf32, #tpu.memory_space<vmem_shared>> -> memref<10240xf32, #tpu.memory_space<vmem_shared>>
        tpu.wait_indirect_dma semaphore(%run_scoped3A : memref<!tpu.dma_semaphore, #tpu.memory_space<semaphore_mem>>) src(%arg4 : memref<80xf32, #tpu.memory_space<vmem>>) dst(%dma_wait3A_57 : memref<10240xf32, #tpu.memory_space<vmem_shared>>)
        tpu.yield
      }) : () -> ()
    }
    %scan3A_39 = arith.constant 125 : i32
    %barrier3A_40 = arith.constant 0 : index
    tpu.barrier barrier_id(%barrier3A_40)
    %mul3A_41 = arith.constant 640 : i32
    %mul3A_42 = arith.muli %arg1, %mul3A_41 : i32
    %mul3A_43 = arith.constant 640 : i32
    %mul3A_44 = arith.muli %arg1, %mul3A_43 : i32
    "tpu.region"() ({
      %run_scoped3A = tpu.sem_alloc : memref<!tpu.dma_semaphore, #tpu.memory_space<semaphore_mem>>
      %dma_start3A = tpu.memref_slice %arg3[%arg0, %mul3A_44] : memref<2x10240xf32, #tpu.memory_space<hbm>> -> memref<1x640xf32, #tpu.memory_space<hbm>>
      %dma_start3A_45 = tpu.memref_squeeze %dma_start3A : memref<1x640xf32, #tpu.memory_space<hbm>> -> memref<640xf32, #tpu.memory_space<hbm>>
      %dma_start3A_46 = tpu.memref_slice %arg7[%mul3A_42] : memref<10240xf32, #tpu.memory_space<vmem_shared>> -> memref<640xf32, #tpu.memory_space<vmem_shared>>
      tpu.enqueue_dma source(%dma_start3A_46 : memref<640xf32, #tpu.memory_space<vmem_shared>>) target(%dma_start3A_45 : memref<640xf32, #tpu.memory_space<hbm>>) target_semaphore(%run_scoped3A : memref<!tpu.dma_semaphore, #tpu.memory_space<semaphore_mem>>)
      %dma_wait3A = tpu.memref_slice %arg3[%arg0, %mul3A_44] : memref<2x10240xf32, #tpu.memory_space<hbm>> -> memref<1x640xf32, #tpu.memory_space<hbm>>
      %dma_wait3A_47 = tpu.memref_squeeze %dma_wait3A : memref<1x640xf32, #tpu.memory_space<hbm>> -> memref<640xf32, #tpu.memory_space<hbm>>
      %dma_wait3A_48 = tpu.memref_slice %arg7[%mul3A_42] : memref<10240xf32, #tpu.memory_space<vmem_shared>> -> memref<640xf32, #tpu.memory_space<vmem_shared>>
      tpu.wait_dma2 semaphore(%run_scoped3A : memref<!tpu.dma_semaphore, #tpu.memory_space<semaphore_mem>>) src(%dma_wait3A_48 : memref<640xf32, #tpu.memory_space<vmem_shared>>) dst(%dma_wait3A_47 : memref<640xf32, #tpu.memory_space<hbm>>)
      tpu.yield
    }) : () -> ()
    return
  }
}

#map = affine_map<(d0, d1) -> (0, 0)>
#map1 = affine_map<(d0, d1) -> (0)>
#map2 = affine_map<(d0, d1) -> (0, 0, 0)>
module attributes {stable_mosaic.version = 14 : i64} {
  func.func @scat_kernel(%arg0: i32, %arg1: i32, %arg2: memref<10000x128xf32, #tpu.memory_space<hbm>>, %arg3: memref<320000xi32, #tpu.memory_space<hbm>>, %arg4: memref<320000xi32, #tpu.memory_space<hbm>>, %arg5: memref<2x10240x128xf32, #tpu.memory_space<hbm>>, %arg6: memref<2x128xi32, #tpu.memory_space<vmem>>, %arg7: memref<2x128xi32, #tpu.memory_space<vmem>>, %arg8: memref<128x128xf32, #tpu.memory_space<vmem>>, %arg9: memref<128x128xf32, #tpu.memory_space<vmem>>, %arg10: memref<1x16xi32, #tpu.memory_space<vmem>>, %arg11: memref<1x16xi32, #tpu.memory_space<vmem>>, %arg12: memref<16x128xf32, #tpu.memory_space<vmem>>, %arg13: memref<10240x128xf32, #tpu.memory_space<vmem_shared>>, %arg14: memref<!tpu.dma_semaphore, #tpu.memory_space<semaphore_mem>>, %arg15: memref<!tpu.dma_semaphore, #tpu.memory_space<semaphore_mem>>, %arg16: memref<!tpu.dma_semaphore, #tpu.memory_space<semaphore_mem>>, %arg17: memref<!tpu.dma_semaphore, #tpu.memory_space<semaphore_mem>>) attributes {dimension_semantics = [#tpu.dimension_semantics<core_parallel>, #tpu.dimension_semantics<subcore_parallel>], iteration_bounds = array<i64: 2, 16>, scalar_prefetch = 0 : i64, scratch_operands = 12 : i64, tpu.core_type = #tpu.core_type<sc_vector_subcore>, window_params = [{transform_indices = #map}, {transform_indices = #map1}, {transform_indices = #map1}, {transform_indices = #map2}]} {
    %mul3A = arith.constant 2 : i32
    %mul3A_0 = arith.muli %arg1, %mul3A : i32
    %add3A = arith.addi %mul3A_0, %arg0 : i32
    %mul3A_1 = arith.constant 10000 : i32
    %mul3A_2 = arith.muli %add3A, %mul3A_1 : i32
    %scan3A = arith.constant 0 : i32
    %scan3A_3 = arith.constant 128 : i32
    %scan3A_4 = arith.addi %scan3A, %scan3A_3 : i32
    %scan3A_5 = arith.constant 1 : i32
    scf.for %scan3A_146 = %scan3A to %scan3A_4 step %scan3A_5  : i32 {
      %mul3A_147 = arith.constant 1 : i32
      %mul3A_148 = arith.muli %scan3A_146, %mul3A_147 : i32
      %add3A_149 = arith.constant 0 : i32
      %add3A_150 = arith.addi %add3A_149, %mul3A_148 : i32
      %broadcast_in_dim3A = arith.constant 0.000000e+00 : f32
      %broadcast_in_dim3A_151 = vector.broadcast %broadcast_in_dim3A : f32 to vector<16xf32>
      %swap3A = arith.index_cast %add3A_150 : i32 to index
      %swap3A_152 = arith.constant 0 : index
      %swap3A_153 = tpu.vector_load %arg8[%swap3A, %swap3A_152] {strides = array<i32>} : memref<128x128xf32, #tpu.memory_space<vmem>>, vector<1x16xf32>,
      %swap3A_154 = vector.shape_cast %swap3A_153 : vector<1x16xf32> to vector<16xf32>
      %swap3A_155 = vector.shape_cast %broadcast_in_dim3A_151 : vector<16xf32> to vector<1x16xf32>
      tpu.vector_store %arg8[%swap3A, %swap3A_152], %swap3A_155 {strides = array<i32>} : memref<128x128xf32, #tpu.memory_space<vmem>>, vector<1x16xf32>,
      %broadcast_in_dim3A_156 = arith.constant 0.000000e+00 : f32
      %broadcast_in_dim3A_157 = vector.broadcast %broadcast_in_dim3A_156 : f32 to vector<16xf32>
      %swap3A_158 = arith.index_cast %add3A_150 : i32 to index
      %swap3A_159 = arith.constant 16 : index
      %swap3A_160 = tpu.vector_load %arg8[%swap3A_158, %swap3A_159] {strides = array<i32>} : memref<128x128xf32, #tpu.memory_space<vmem>>, vector<1x16xf32>,
      %swap3A_161 = vector.shape_cast %swap3A_160 : vector<1x16xf32> to vector<16xf32>
      %swap3A_162 = vector.shape_cast %broadcast_in_dim3A_157 : vector<16xf32> to vector<1x16xf32>
      tpu.vector_store %arg8[%swap3A_158, %swap3A_159], %swap3A_162 {strides = array<i32>} : memref<128x128xf32, #tpu.memory_space<vmem>>, vector<1x16xf32>,
      %broadcast_in_dim3A_163 = arith.constant 0.000000e+00 : f32
      %broadcast_in_dim3A_164 = vector.broadcast %broadcast_in_dim3A_163 : f32 to vector<16xf32>
      %swap3A_165 = arith.index_cast %add3A_150 : i32 to index
      %swap3A_166 = arith.constant 32 : index
      %swap3A_167 = tpu.vector_load %arg8[%swap3A_165, %swap3A_166] {strides = array<i32>} : memref<128x128xf32, #tpu.memory_space<vmem>>, vector<1x16xf32>,
      %swap3A_168 = vector.shape_cast %swap3A_167 : vector<1x16xf32> to vector<16xf32>
      %swap3A_169 = vector.shape_cast %broadcast_in_dim3A_164 : vector<16xf32> to vector<1x16xf32>
      tpu.vector_store %arg8[%swap3A_165, %swap3A_166], %swap3A_169 {strides = array<i32>} : memref<128x128xf32, #tpu.memory_space<vmem>>, vector<1x16xf32>,
      %broadcast_in_dim3A_170 = arith.constant 0.000000e+00 : f32
      %broadcast_in_dim3A_171 = vector.broadcast %broadcast_in_dim3A_170 : f32 to vector<16xf32>
      %swap3A_172 = arith.index_cast %add3A_150 : i32 to index
      %swap3A_173 = arith.constant 48 : index
      %swap3A_174 = tpu.vector_load %arg8[%swap3A_172, %swap3A_173] {strides = array<i32>} : memref<128x128xf32, #tpu.memory_space<vmem>>, vector<1x16xf32>,
      %swap3A_175 = vector.shape_cast %swap3A_174 : vector<1x16xf32> to vector<16xf32>
      %swap3A_176 = vector.shape_cast %broadcast_in_dim3A_171 : vector<16xf32> to vector<1x16xf32>
      tpu.vector_store %arg8[%swap3A_172, %swap3A_173], %swap3A_176 {strides = array<i32>} : memref<128x128xf32, #tpu.memory_space<vmem>>, vector<1x16xf32>,
      %broadcast_in_dim3A_177 = arith.constant 0.000000e+00 : f32
      %broadcast_in_dim3A_178 = vector.broadcast %broadcast_in_dim3A_177 : f32 to vector<16xf32>
      %swap3A_179 = arith.index_cast %add3A_150 : i32 to index
      %swap3A_180 = arith.constant 64 : index
      %swap3A_181 = tpu.vector_load %arg8[%swap3A_179, %swap3A_180] {strides = array<i32>} : memref<128x128xf32, #tpu.memory_space<vmem>>, vector<1x16xf32>,
      %swap3A_182 = vector.shape_cast %swap3A_181 : vector<1x16xf32> to vector<16xf32>
      %swap3A_183 = vector.shape_cast %broadcast_in_dim3A_178 : vector<16xf32> to vector<1x16xf32>
      tpu.vector_store %arg8[%swap3A_179, %swap3A_180], %swap3A_183 {strides = array<i32>} : memref<128x128xf32, #tpu.memory_space<vmem>>, vector<1x16xf32>,
      %broadcast_in_dim3A_184 = arith.constant 0.000000e+00 : f32
      %broadcast_in_dim3A_185 = vector.broadcast %broadcast_in_dim3A_184 : f32 to vector<16xf32>
      %swap3A_186 = arith.index_cast %add3A_150 : i32 to index
      %swap3A_187 = arith.constant 80 : index
      %swap3A_188 = tpu.vector_load %arg8[%swap3A_186, %swap3A_187] {strides = array<i32>} : memref<128x128xf32, #tpu.memory_space<vmem>>, vector<1x16xf32>,
      %swap3A_189 = vector.shape_cast %swap3A_188 : vector<1x16xf32> to vector<16xf32>
      %swap3A_190 = vector.shape_cast %broadcast_in_dim3A_185 : vector<16xf32> to vector<1x16xf32>
      tpu.vector_store %arg8[%swap3A_186, %swap3A_187], %swap3A_190 {strides = array<i32>} : memref<128x128xf32, #tpu.memory_space<vmem>>, vector<1x16xf32>,
      %broadcast_in_dim3A_191 = arith.constant 0.000000e+00 : f32
      %broadcast_in_dim3A_192 = vector.broadcast %broadcast_in_dim3A_191 : f32 to vector<16xf32>
      %swap3A_193 = arith.index_cast %add3A_150 : i32 to index
      %swap3A_194 = arith.constant 96 : index
      %swap3A_195 = tpu.vector_load %arg8[%swap3A_193, %swap3A_194] {strides = array<i32>} : memref<128x128xf32, #tpu.memory_space<vmem>>, vector<1x16xf32>,
      %swap3A_196 = vector.shape_cast %swap3A_195 : vector<1x16xf32> to vector<16xf32>
      %swap3A_197 = vector.shape_cast %broadcast_in_dim3A_192 : vector<16xf32> to vector<1x16xf32>
      tpu.vector_store %arg8[%swap3A_193, %swap3A_194], %swap3A_197 {strides = array<i32>} : memref<128x128xf32, #tpu.memory_space<vmem>>, vector<1x16xf32>,
      %broadcast_in_dim3A_198 = arith.constant 0.000000e+00 : f32
      %broadcast_in_dim3A_199 = vector.broadcast %broadcast_in_dim3A_198 : f32 to vector<16xf32>
      %swap3A_200 = arith.index_cast %add3A_150 : i32 to index
      %swap3A_201 = arith.constant 112 : index
      %swap3A_202 = tpu.vector_load %arg8[%swap3A_200, %swap3A_201] {strides = array<i32>} : memref<128x128xf32, #tpu.memory_space<vmem>>, vector<1x16xf32>,
      %swap3A_203 = vector.shape_cast %swap3A_202 : vector<1x16xf32> to vector<16xf32>
      %swap3A_204 = vector.shape_cast %broadcast_in_dim3A_199 : vector<16xf32> to vector<1x16xf32>
      tpu.vector_store %arg8[%swap3A_200, %swap3A_201], %swap3A_204 {strides = array<i32>} : memref<128x128xf32, #tpu.memory_space<vmem>>, vector<1x16xf32>,
    }
    %scan3A_6 = arith.constant 128 : i32
    %scan3A_7 = arith.constant 0 : i32
    %scan3A_8 = arith.constant 5 : i32
    %scan3A_9 = arith.addi %scan3A_7, %scan3A_8 : i32
    %scan3A_10 = arith.constant 1 : i32
    scf.for %scan3A_146 = %scan3A_7 to %scan3A_9 step %scan3A_10  : i32 {
      %mul3A_147 = arith.constant 1 : i32
      %mul3A_148 = arith.muli %scan3A_146, %mul3A_147 : i32
      %add3A_149 = arith.constant 0 : i32
      %add3A_150 = arith.addi %add3A_149, %mul3A_148 : i32
      %mul3A_151 = arith.constant 640 : i32
      %mul3A_152 = arith.muli %arg1, %mul3A_151 : i32
      %mul3A_153 = arith.constant 128 : i32
      %mul3A_154 = arith.muli %add3A_150, %mul3A_153 : i32
      %add3A_155 = arith.addi %mul3A_152, %mul3A_154 : i32
      "tpu.region"() ({
        %run_scoped3A_156 = tpu.sem_alloc : memref<!tpu.dma_semaphore, #tpu.memory_space<semaphore_mem>>
        %dma_start3A_157 = arith.constant 0 : i32
        %dma_start3A_158 = tpu.memref_slice %arg13[%add3A_155, %dma_start3A_157] : memref<10240x128xf32, #tpu.memory_space<vmem_shared>> -> memref<128x128xf32, #tpu.memory_space<vmem_shared>>
        %dma_start3A_159 = arith.constant 0 : i32
        %dma_start3A_160 = tpu.memref_slice %arg13[%add3A_155, %dma_start3A_159] : memref<10240x128xf32, #tpu.memory_space<vmem_shared>> -> memref<128x128xf32, #tpu.memory_space<vmem_shared>>
        tpu.enqueue_dma source(%arg8 : memref<128x128xf32, #tpu.memory_space<vmem>>) target(%dma_start3A_160 : memref<128x128xf32, #tpu.memory_space<vmem_shared>>) target_semaphore(%run_scoped3A_156 : memref<!tpu.dma_semaphore, #tpu.memory_space<semaphore_mem>>)
        %dma_wait3A_161 = arith.constant 0 : i32
        %dma_wait3A_162 = tpu.memref_slice %arg13[%add3A_155, %dma_wait3A_161] : memref<10240x128xf32, #tpu.memory_space<vmem_shared>> -> memref<128x128xf32, #tpu.memory_space<vmem_shared>>
        %dma_wait3A_163 = arith.constant 0 : i32
        %dma_wait3A_164 = tpu.memref_slice %arg13[%add3A_155, %dma_wait3A_163] : memref<10240x128xf32, #tpu.memory_space<vmem_shared>> -> memref<128x128xf32, #tpu.memory_space<vmem_shared>>
        tpu.wait_dma2 semaphore(%run_scoped3A_156 : memref<!tpu.dma_semaphore, #tpu.memory_space<semaphore_mem>>) src(%arg8 : memref<128x128xf32, #tpu.memory_space<vmem>>) dst(%dma_wait3A_164 : memref<128x128xf32, #tpu.memory_space<vmem_shared>>)
        tpu.yield
      }) : () -> ()
    }
    %scan3A_11 = arith.constant 5 : i32
    %barrier3A = arith.constant 0 : index
    tpu.barrier barrier_id(%barrier3A)
    %add3A_12 = arith.constant 0 : i32
    %add3A_13 = arith.addi %mul3A_2, %add3A_12 : i32
    %dma_start3A = arith.constant 0 : i32
    %dma_start3A_14 = arith.constant 0 : i32
    %dma_start3A_15 = tpu.memref_slice %arg6[%dma_start3A, %dma_start3A_14] : memref<2x128xi32, #tpu.memory_space<vmem>> -> memref<1x128xi32, #tpu.memory_space<vmem>>
    %dma_start3A_16 = tpu.memref_squeeze %dma_start3A_15 : memref<1x128xi32, #tpu.memory_space<vmem>> -> memref<128xi32, #tpu.memory_space<vmem>>
    %dma_start3A_17 = tpu.memref_slice %arg3[%add3A_13] : memref<320000xi32, #tpu.memory_space<hbm>> -> memref<128xi32, #tpu.memory_space<hbm>>
    %dma_start3A_18 = arith.constant 0 : i32
    %dma_start3A_19 = tpu.memref_slice %arg6[%dma_start3A, %dma_start3A_18] : memref<2x128xi32, #tpu.memory_space<vmem>> -> memref<1x128xi32, #tpu.memory_space<vmem>>
    %dma_start3A_20 = tpu.memref_squeeze %dma_start3A_19 : memref<1x128xi32, #tpu.memory_space<vmem>> -> memref<128xi32, #tpu.memory_space<vmem>>
    %dma_start3A_21 = tpu.memref_slice %arg3[%add3A_13] : memref<320000xi32, #tpu.memory_space<hbm>> -> memref<128xi32, #tpu.memory_space<hbm>>
    tpu.enqueue_dma source(%dma_start3A_21 : memref<128xi32, #tpu.memory_space<hbm>>) target(%dma_start3A_20 : memref<128xi32, #tpu.memory_space<vmem>>) target_semaphore(%arg16 : memref<!tpu.dma_semaphore, #tpu.memory_space<semaphore_mem>>)
    %add3A_22 = arith.constant 0 : i32
    %add3A_23 = arith.addi %mul3A_2, %add3A_22 : i32
    %dma_start3A_24 = arith.constant 0 : i32
    %dma_start3A_25 = arith.constant 0 : i32
    %dma_start3A_26 = tpu.memref_slice %arg7[%dma_start3A_24, %dma_start3A_25] : memref<2x128xi32, #tpu.memory_space<vmem>> -> memref<1x128xi32, #tpu.memory_space<vmem>>
    %dma_start3A_27 = tpu.memref_squeeze %dma_start3A_26 : memref<1x128xi32, #tpu.memory_space<vmem>> -> memref<128xi32, #tpu.memory_space<vmem>>
    %dma_start3A_28 = tpu.memref_slice %arg4[%add3A_23] : memref<320000xi32, #tpu.memory_space<hbm>> -> memref<128xi32, #tpu.memory_space<hbm>>
    %dma_start3A_29 = arith.constant 0 : i32
    %dma_start3A_30 = tpu.memref_slice %arg7[%dma_start3A_24, %dma_start3A_29] : memref<2x128xi32, #tpu.memory_space<vmem>> -> memref<1x128xi32, #tpu.memory_space<vmem>>
    %dma_start3A_31 = tpu.memref_squeeze %dma_start3A_30 : memref<1x128xi32, #tpu.memory_space<vmem>> -> memref<128xi32, #tpu.memory_space<vmem>>
    %dma_start3A_32 = tpu.memref_slice %arg4[%add3A_23] : memref<320000xi32, #tpu.memory_space<hbm>> -> memref<128xi32, #tpu.memory_space<hbm>>
    tpu.enqueue_dma source(%dma_start3A_32 : memref<128xi32, #tpu.memory_space<hbm>>) target(%dma_start3A_31 : memref<128xi32, #tpu.memory_space<vmem>>) target_semaphore(%arg16 : memref<!tpu.dma_semaphore, #tpu.memory_space<semaphore_mem>>)
    %add3A_33 = arith.constant 128 : i32
    %add3A_34 = arith.addi %mul3A_2, %add3A_33 : i32
    %dma_start3A_35 = arith.constant 1 : i32
    %dma_start3A_36 = arith.constant 0 : i32
    %dma_start3A_37 = tpu.memref_slice %arg6[%dma_start3A_35, %dma_start3A_36] : memref<2x128xi32, #tpu.memory_space<vmem>> -> memref<1x128xi32, #tpu.memory_space<vmem>>
    %dma_start3A_38 = tpu.memref_squeeze %dma_start3A_37 : memref<1x128xi32, #tpu.memory_space<vmem>> -> memref<128xi32, #tpu.memory_space<vmem>>
    %dma_start3A_39 = tpu.memref_slice %arg3[%add3A_34] : memref<320000xi32, #tpu.memory_space<hbm>> -> memref<128xi32, #tpu.memory_space<hbm>>
    %dma_start3A_40 = arith.constant 0 : i32
    %dma_start3A_41 = tpu.memref_slice %arg6[%dma_start3A_35, %dma_start3A_40] : memref<2x128xi32, #tpu.memory_space<vmem>> -> memref<1x128xi32, #tpu.memory_space<vmem>>
    %dma_start3A_42 = tpu.memref_squeeze %dma_start3A_41 : memref<1x128xi32, #tpu.memory_space<vmem>> -> memref<128xi32, #tpu.memory_space<vmem>>
    %dma_start3A_43 = tpu.memref_slice %arg3[%add3A_34] : memref<320000xi32, #tpu.memory_space<hbm>> -> memref<128xi32, #tpu.memory_space<hbm>>
    tpu.enqueue_dma source(%dma_start3A_43 : memref<128xi32, #tpu.memory_space<hbm>>) target(%dma_start3A_42 : memref<128xi32, #tpu.memory_space<vmem>>) target_semaphore(%arg17 : memref<!tpu.dma_semaphore, #tpu.memory_space<semaphore_mem>>)
    %add3A_44 = arith.constant 128 : i32
    %add3A_45 = arith.addi %mul3A_2, %add3A_44 : i32
    %dma_start3A_46 = arith.constant 1 : i32
    %dma_start3A_47 = arith.constant 0 : i32
    %dma_start3A_48 = tpu.memref_slice %arg7[%dma_start3A_46, %dma_start3A_47] : memref<2x128xi32, #tpu.memory_space<vmem>> -> memref<1x128xi32, #tpu.memory_space<vmem>>
    %dma_start3A_49 = tpu.memref_squeeze %dma_start3A_48 : memref<1x128xi32, #tpu.memory_space<vmem>> -> memref<128xi32, #tpu.memory_space<vmem>>
    %dma_start3A_50 = tpu.memref_slice %arg4[%add3A_45] : memref<320000xi32, #tpu.memory_space<hbm>> -> memref<128xi32, #tpu.memory_space<hbm>>
    %dma_start3A_51 = arith.constant 0 : i32
    %dma_start3A_52 = tpu.memref_slice %arg7[%dma_start3A_46, %dma_start3A_51] : memref<2x128xi32, #tpu.memory_space<vmem>> -> memref<1x128xi32, #tpu.memory_space<vmem>>
    %dma_start3A_53 = tpu.memref_squeeze %dma_start3A_52 : memref<1x128xi32, #tpu.memory_space<vmem>> -> memref<128xi32, #tpu.memory_space<vmem>>
    %dma_start3A_54 = tpu.memref_slice %arg4[%add3A_45] : memref<320000xi32, #tpu.memory_space<hbm>> -> memref<128xi32, #tpu.memory_space<hbm>>
    tpu.enqueue_dma source(%dma_start3A_54 : memref<128xi32, #tpu.memory_space<hbm>>) target(%dma_start3A_53 : memref<128xi32, #tpu.memory_space<vmem>>) target_semaphore(%arg17 : memref<!tpu.dma_semaphore, #tpu.memory_space<semaphore_mem>>)
    %add3A_55 = arith.constant 0 : i32
    %add3A_56 = arith.addi %mul3A_2, %add3A_55 : i32
    %dma_wait3A = arith.constant 0 : i32
    %dma_wait3A_57 = arith.constant 0 : i32
    %dma_wait3A_58 = tpu.memref_slice %arg6[%dma_wait3A, %dma_wait3A_57] : memref<2x128xi32, #tpu.memory_space<vmem>> -> memref<1x128xi32, #tpu.memory_space<vmem>>
    %dma_wait3A_59 = tpu.memref_squeeze %dma_wait3A_58 : memref<1x128xi32, #tpu.memory_space<vmem>> -> memref<128xi32, #tpu.memory_space<vmem>>
    %dma_wait3A_60 = tpu.memref_slice %arg3[%add3A_56] : memref<320000xi32, #tpu.memory_space<hbm>> -> memref<128xi32, #tpu.memory_space<hbm>>
    %dma_wait3A_61 = arith.constant 0 : i32
    %dma_wait3A_62 = tpu.memref_slice %arg6[%dma_wait3A, %dma_wait3A_61] : memref<2x128xi32, #tpu.memory_space<vmem>> -> memref<1x128xi32, #tpu.memory_space<vmem>>
    %dma_wait3A_63 = tpu.memref_squeeze %dma_wait3A_62 : memref<1x128xi32, #tpu.memory_space<vmem>> -> memref<128xi32, #tpu.memory_space<vmem>>
    %dma_wait3A_64 = tpu.memref_slice %arg3[%add3A_56] : memref<320000xi32, #tpu.memory_space<hbm>> -> memref<128xi32, #tpu.memory_space<hbm>>
    tpu.wait_dma2 semaphore(%arg16 : memref<!tpu.dma_semaphore, #tpu.memory_space<semaphore_mem>>) src(%dma_wait3A_64 : memref<128xi32, #tpu.memory_space<hbm>>) dst(%dma_wait3A_63 : memref<128xi32, #tpu.memory_space<vmem>>)
    %add3A_65 = arith.constant 0 : i32
    %add3A_66 = arith.addi %mul3A_2, %add3A_65 : i32
    %dma_wait3A_67 = arith.constant 0 : i32
    %dma_wait3A_68 = arith.constant 0 : i32
    %dma_wait3A_69 = tpu.memref_slice %arg7[%dma_wait3A_67, %dma_wait3A_68] : memref<2x128xi32, #tpu.memory_space<vmem>> -> memref<1x128xi32, #tpu.memory_space<vmem>>
    %dma_wait3A_70 = tpu.memref_squeeze %dma_wait3A_69 : memref<1x128xi32, #tpu.memory_space<vmem>> -> memref<128xi32, #tpu.memory_space<vmem>>
    %dma_wait3A_71 = tpu.memref_slice %arg4[%add3A_66] : memref<320000xi32, #tpu.memory_space<hbm>> -> memref<128xi32, #tpu.memory_space<hbm>>
    %dma_wait3A_72 = arith.constant 0 : i32
    %dma_wait3A_73 = tpu.memref_slice %arg7[%dma_wait3A_67, %dma_wait3A_72] : memref<2x128xi32, #tpu.memory_space<vmem>> -> memref<1x128xi32, #tpu.memory_space<vmem>>
    %dma_wait3A_74 = tpu.memref_squeeze %dma_wait3A_73 : memref<1x128xi32, #tpu.memory_space<vmem>> -> memref<128xi32, #tpu.memory_space<vmem>>
    %dma_wait3A_75 = tpu.memref_slice %arg4[%add3A_66] : memref<320000xi32, #tpu.memory_space<hbm>> -> memref<128xi32, #tpu.memory_space<hbm>>
    tpu.wait_dma2 semaphore(%arg16 : memref<!tpu.dma_semaphore, #tpu.memory_space<semaphore_mem>>) src(%dma_wait3A_75 : memref<128xi32, #tpu.memory_space<hbm>>) dst(%dma_wait3A_74 : memref<128xi32, #tpu.memory_space<vmem>>)
    %dma_start3A_76 = arith.constant 0 : i32
    %dma_start3A_77 = arith.constant 0 : i32
    %dma_start3A_78 = tpu.memref_slice %arg6[%dma_start3A_76, %dma_start3A_77] : memref<2x128xi32, #tpu.memory_space<vmem>> -> memref<1x128xi32, #tpu.memory_space<vmem>>
    %dma_start3A_79 = tpu.memref_squeeze %dma_start3A_78 : memref<1x128xi32, #tpu.memory_space<vmem>> -> memref<128xi32, #tpu.memory_space<vmem>>
    %dma_start3A_80 = arith.constant 0 : i32
    %dma_start3A_81 = arith.constant 0 : i32
    %dma_start3A_82 = tpu.memref_slice %arg2[%dma_start3A_80, %dma_start3A_81] : memref<10000x128xf32, #tpu.memory_space<hbm>> -> memref<10000x128xf32, #tpu.memory_space<hbm>>
    tpu.enqueue_indirect_dma source(%dma_start3A_82 : memref<10000x128xf32, #tpu.memory_space<hbm>>) target(%arg8 : memref<128x128xf32, #tpu.memory_space<vmem>>) offsets(%dma_start3A_79 : memref<128xi32, #tpu.memory_space<vmem>>) semaphore(%arg14 : memref<!tpu.dma_semaphore, #tpu.memory_space<semaphore_mem>>)
    %scan3A_83 = arith.constant 0 : i32
    %scan3A_84 = arith.constant 39 : i32
    %scan3A_85 = arith.addi %scan3A_83, %scan3A_84 : i32
    %scan3A_86 = arith.constant 1 : i32
    scf.for %scan3A_146 = %scan3A_83 to %scan3A_85 step %scan3A_86  : i32 {
      %mul3A_147 = arith.constant 1 : i32
      %mul3A_148 = arith.muli %scan3A_146, %mul3A_147 : i32
      %add3A_149 = arith.constant 0 : i32
      %add3A_150 = arith.addi %add3A_149, %mul3A_148 : i32
      %mul3A_151 = arith.constant 2 : i32
      %mul3A_152 = arith.muli %mul3A_151, %add3A_150 : i32
      %add3A_153 = arith.constant 1 : i32
      %add3A_154 = arith.addi %mul3A_152, %add3A_153 : i32
      %dma_wait3A_155 = arith.constant 0 : i32
      %dma_wait3A_156 = arith.constant 0 : i32
      %dma_wait3A_157 = tpu.memref_slice %arg6[%dma_wait3A_155, %dma_wait3A_156] : memref<2x128xi32, #tpu.memory_space<vmem>> -> memref<1x128xi32, #tpu.memory_space<vmem>>
      %dma_wait3A_158 = tpu.memref_squeeze %dma_wait3A_157 : memref<1x128xi32, #tpu.memory_space<vmem>> -> memref<128xi32, #tpu.memory_space<vmem>>
      %dma_wait3A_159 = arith.constant 0 : i32
      %dma_wait3A_160 = arith.constant 0 : i32
      %dma_wait3A_161 = tpu.memref_slice %arg2[%dma_wait3A_159, %dma_wait3A_160] : memref<10000x128xf32, #tpu.memory_space<hbm>> -> memref<10000x128xf32, #tpu.memory_space<hbm>>
      tpu.wait_indirect_dma semaphore(%arg14 : memref<!tpu.dma_semaphore, #tpu.memory_space<semaphore_mem>>) src(%dma_wait3A_161 : memref<10000x128xf32, #tpu.memory_space<hbm>>) dst(%arg8 : memref<128x128xf32, #tpu.memory_space<vmem>>)
      %mul3A_162 = arith.constant 128 : i32
      %mul3A_163 = arith.muli %add3A_154, %mul3A_162 : i32
      %add3A_164 = arith.addi %mul3A_2, %mul3A_163 : i32
      %dma_wait3A_165 = arith.constant 1 : i32
      %dma_wait3A_166 = arith.constant 0 : i32
      %dma_wait3A_167 = tpu.memref_slice %arg6[%dma_wait3A_165, %dma_wait3A_166] : memref<2x128xi32, #tpu.memory_space<vmem>> -> memref<1x128xi32, #tpu.memory_space<vmem>>
      %dma_wait3A_168 = tpu.memref_squeeze %dma_wait3A_167 : memref<1x128xi32, #tpu.memory_space<vmem>> -> memref<128xi32, #tpu.memory_space<vmem>>
      %dma_wait3A_169 = tpu.memref_slice %arg3[%add3A_164] : memref<320000xi32, #tpu.memory_space<hbm>> -> memref<128xi32, #tpu.memory_space<hbm>>
      %dma_wait3A_170 = arith.constant 0 : i32
      %dma_wait3A_171 = tpu.memref_slice %arg6[%dma_wait3A_165, %dma_wait3A_170] : memref<2x128xi32, #tpu.memory_space<vmem>> -> memref<1x128xi32, #tpu.memory_space<vmem>>
      %dma_wait3A_172 = tpu.memref_squeeze %dma_wait3A_171 : memref<1x128xi32, #tpu.memory_space<vmem>> -> memref<128xi32, #tpu.memory_space<vmem>>
      %dma_wait3A_173 = tpu.memref_slice %arg3[%add3A_164] : memref<320000xi32, #tpu.memory_space<hbm>> -> memref<128xi32, #tpu.memory_space<hbm>>
      tpu.wait_dma2 semaphore(%arg17 : memref<!tpu.dma_semaphore, #tpu.memory_space<semaphore_mem>>) src(%dma_wait3A_173 : memref<128xi32, #tpu.memory_space<hbm>>) dst(%dma_wait3A_172 : memref<128xi32, #tpu.memory_space<vmem>>)
      %mul3A_174 = arith.constant 128 : i32
      %mul3A_175 = arith.muli %add3A_154, %mul3A_174 : i32
      %add3A_176 = arith.addi %mul3A_2, %mul3A_175 : i32
      %dma_wait3A_177 = arith.constant 1 : i32
      %dma_wait3A_178 = arith.constant 0 : i32
      %dma_wait3A_179 = tpu.memref_slice %arg7[%dma_wait3A_177, %dma_wait3A_178] : memref<2x128xi32, #tpu.memory_space<vmem>> -> memref<1x128xi32, #tpu.memory_space<vmem>>
      %dma_wait3A_180 = tpu.memref_squeeze %dma_wait3A_179 : memref<1x128xi32, #tpu.memory_space<vmem>> -> memref<128xi32, #tpu.memory_space<vmem>>
      %dma_wait3A_181 = tpu.memref_slice %arg4[%add3A_176] : memref<320000xi32, #tpu.memory_space<hbm>> -> memref<128xi32, #tpu.memory_space<hbm>>
      %dma_wait3A_182 = arith.constant 0 : i32
      %dma_wait3A_183 = tpu.memref_slice %arg7[%dma_wait3A_177, %dma_wait3A_182] : memref<2x128xi32, #tpu.memory_space<vmem>> -> memref<1x128xi32, #tpu.memory_space<vmem>>
      %dma_wait3A_184 = tpu.memref_squeeze %dma_wait3A_183 : memref<1x128xi32, #tpu.memory_space<vmem>> -> memref<128xi32, #tpu.memory_space<vmem>>
      %dma_wait3A_185 = tpu.memref_slice %arg4[%add3A_176] : memref<320000xi32, #tpu.memory_space<hbm>> -> memref<128xi32, #tpu.memory_space<hbm>>
      tpu.wait_dma2 semaphore(%arg17 : memref<!tpu.dma_semaphore, #tpu.memory_space<semaphore_mem>>) src(%dma_wait3A_185 : memref<128xi32, #tpu.memory_space<hbm>>) dst(%dma_wait3A_184 : memref<128xi32, #tpu.memory_space<vmem>>)
      %dma_start3A_186 = arith.constant 1 : i32
      %dma_start3A_187 = arith.constant 0 : i32
      %dma_start3A_188 = tpu.memref_slice %arg6[%dma_start3A_186, %dma_start3A_187] : memref<2x128xi32, #tpu.memory_space<vmem>> -> memref<1x128xi32, #tpu.memory_space<vmem>>
      %dma_start3A_189 = tpu.memref_squeeze %dma_start3A_188 : memref<1x128xi32, #tpu.memory_space<vmem>> -> memref<128xi32, #tpu.memory_space<vmem>>
      %dma_start3A_190 = arith.constant 0 : i32
      %dma_start3A_191 = arith.constant 0 : i32
      %dma_start3A_192 = tpu.memref_slice %arg2[%dma_start3A_190, %dma_start3A_191] : memref<10000x128xf32, #tpu.memory_space<hbm>> -> memref<10000x128xf32, #tpu.memory_space<hbm>>
      tpu.enqueue_indirect_dma source(%dma_start3A_192 : memref<10000x128xf32, #tpu.memory_space<hbm>>) target(%arg9 : memref<128x128xf32, #tpu.memory_space<vmem>>) offsets(%dma_start3A_189 : memref<128xi32, #tpu.memory_space<vmem>>) semaphore(%arg15 : memref<!tpu.dma_semaphore, #tpu.memory_space<semaphore_mem>>)
      %run_scoped3A_193 = arith.constant 0 : i32
      "tpu.region"() ({
        %run_scoped3A_292 = tpu.sem_alloc : memref<!tpu.dma_semaphore, #tpu.memory_space<semaphore_mem>>
        %dma_start3A_293 = arith.constant 0 : i32
        %dma_start3A_294 = tpu.memref_slice %arg7[%run_scoped3A_193, %dma_start3A_293] : memref<2x128xi32, #tpu.memory_space<vmem>> -> memref<1x128xi32, #tpu.memory_space<vmem>>
        %dma_start3A_295 = tpu.memref_squeeze %dma_start3A_294 : memref<1x128xi32, #tpu.memory_space<vmem>> -> memref<128xi32, #tpu.memory_space<vmem>>
        %dma_start3A_296 = arith.constant 0 : i32
        %dma_start3A_297 = arith.constant 0 : i32
        %dma_start3A_298 = tpu.memref_slice %arg13[%dma_start3A_296, %dma_start3A_297] : memref<10240x128xf32, #tpu.memory_space<vmem_shared>> -> memref<10240x128xf32, #tpu.memory_space<vmem_shared>>
        tpu.enqueue_indirect_dma source(%arg8 : memref<128x128xf32, #tpu.memory_space<vmem>>) target(%dma_start3A_298 : memref<10240x128xf32, #tpu.memory_space<vmem_shared>>) offsets(%dma_start3A_295 : memref<128xi32, #tpu.memory_space<vmem>>) semaphore(%run_scoped3A_292 : memref<!tpu.dma_semaphore, #tpu.memory_space<semaphore_mem>>) {add = true}
        %dma_wait3A_299 = arith.constant 0 : i32
        %dma_wait3A_300 = tpu.memref_slice %arg7[%run_scoped3A_193, %dma_wait3A_299] : memref<2x128xi32, #tpu.memory_space<vmem>> -> memref<1x128xi32, #tpu.memory_space<vmem>>
        %dma_wait3A_301 = tpu.memref_squeeze %dma_wait3A_300 : memref<1x128xi32, #tpu.memory_space<vmem>> -> memref<128xi32, #tpu.memory_space<vmem>>
        %dma_wait3A_302 = arith.constant 0 : i32
        %dma_wait3A_303 = arith.constant 0 : i32
        %dma_wait3A_304 = tpu.memref_slice %arg13[%dma_wait3A_302, %dma_wait3A_303] : memref<10240x128xf32, #tpu.memory_space<vmem_shared>> -> memref<10240x128xf32, #tpu.memory_space<vmem_shared>>
        tpu.wait_indirect_dma semaphore(%run_scoped3A_292 : memref<!tpu.dma_semaphore, #tpu.memory_space<semaphore_mem>>) src(%arg8 : memref<128x128xf32, #tpu.memory_space<vmem>>) dst(%dma_wait3A_304 : memref<10240x128xf32, #tpu.memory_space<vmem_shared>>)
        tpu.yield
      }) : () -> ()
      %add3A_194 = arith.constant 2 : i32
      %add3A_195 = arith.addi %mul3A_152, %add3A_194 : i32
      %min3A = arith.constant 77 : i32
      %min3A_196 = arith.minsi %add3A_195, %min3A : i32
      %mul3A_197 = arith.constant 128 : i32
      %mul3A_198 = arith.muli %min3A_196, %mul3A_197 : i32
      %add3A_199 = arith.addi %mul3A_2, %mul3A_198 : i32
      %dma_start3A_200 = arith.constant 0 : i32
      %dma_start3A_201 = arith.constant 0 : i32
      %dma_start3A_202 = tpu.memref_slice %arg6[%dma_start3A_200, %dma_start3A_201] : memref<2x128xi32, #tpu.memory_space<vmem>> -> memref<1x128xi32, #tpu.memory_space<vmem>>
      %dma_start3A_203 = tpu.memref_squeeze %dma_start3A_202 : memref<1x128xi32, #tpu.memory_space<vmem>> -> memref<128xi32, #tpu.memory_space<vmem>>
      %dma_start3A_204 = tpu.memref_slice %arg3[%add3A_199] : memref<320000xi32, #tpu.memory_space<hbm>> -> memref<128xi32, #tpu.memory_space<hbm>>
      %dma_start3A_205 = arith.constant 0 : i32
      %dma_start3A_206 = tpu.memref_slice %arg6[%dma_start3A_200, %dma_start3A_205] : memref<2x128xi32, #tpu.memory_space<vmem>> -> memref<1x128xi32, #tpu.memory_space<vmem>>
      %dma_start3A_207 = tpu.memref_squeeze %dma_start3A_206 : memref<1x128xi32, #tpu.memory_space<vmem>> -> memref<128xi32, #tpu.memory_space<vmem>>
      %dma_start3A_208 = tpu.memref_slice %arg3[%add3A_199] : memref<320000xi32, #tpu.memory_space<hbm>> -> memref<128xi32, #tpu.memory_space<hbm>>
      tpu.enqueue_dma source(%dma_start3A_208 : memref<128xi32, #tpu.memory_space<hbm>>) target(%dma_start3A_207 : memref<128xi32, #tpu.memory_space<vmem>>) target_semaphore(%arg16 : memref<!tpu.dma_semaphore, #tpu.memory_space<semaphore_mem>>)
      %mul3A_209 = arith.constant 128 : i32
      %mul3A_210 = arith.muli %min3A_196, %mul3A_209 : i32
      %add3A_211 = arith.addi %mul3A_2, %mul3A_210 : i32
      %dma_start3A_212 = arith.constant 0 : i32
      %dma_start3A_213 = arith.constant 0 : i32
      %dma_start3A_214 = tpu.memref_slice %arg7[%dma_start3A_212, %dma_start3A_213] : memref<2x128xi32, #tpu.memory_space<vmem>> -> memref<1x128xi32, #tpu.memory_space<vmem>>
      %dma_start3A_215 = tpu.memref_squeeze %dma_start3A_214 : memref<1x128xi32, #tpu.memory_space<vmem>> -> memref<128xi32, #tpu.memory_space<vmem>>
      %dma_start3A_216 = tpu.memref_slice %arg4[%add3A_211] : memref<320000xi32, #tpu.memory_space<hbm>> -> memref<128xi32, #tpu.memory_space<hbm>>
      %dma_start3A_217 = arith.constant 0 : i32
      %dma_start3A_218 = tpu.memref_slice %arg7[%dma_start3A_212, %dma_start3A_217] : memref<2x128xi32, #tpu.memory_space<vmem>> -> memref<1x128xi32, #tpu.memory_space<vmem>>
      %dma_start3A_219 = tpu.memref_squeeze %dma_start3A_218 : memref<1x128xi32, #tpu.memory_space<vmem>> -> memref<128xi32, #tpu.memory_space<vmem>>
      %dma_start3A_220 = tpu.memref_slice %arg4[%add3A_211] : memref<320000xi32, #tpu.memory_space<hbm>> -> memref<128xi32, #tpu.memory_space<hbm>>
      tpu.enqueue_dma source(%dma_start3A_220 : memref<128xi32, #tpu.memory_space<hbm>>) target(%dma_start3A_219 : memref<128xi32, #tpu.memory_space<vmem>>) target_semaphore(%arg16 : memref<!tpu.dma_semaphore, #tpu.memory_space<semaphore_mem>>)
      %dma_wait3A_221 = arith.constant 1 : i32
      %dma_wait3A_222 = arith.constant 0 : i32
      %dma_wait3A_223 = tpu.memref_slice %arg6[%dma_wait3A_221, %dma_wait3A_222] : memref<2x128xi32, #tpu.memory_space<vmem>> -> memref<1x128xi32, #tpu.memory_space<vmem>>
      %dma_wait3A_224 = tpu.memref_squeeze %dma_wait3A_223 : memref<1x128xi32, #tpu.memory_space<vmem>> -> memref<128xi32, #tpu.memory_space<vmem>>
      %dma_wait3A_225 = arith.constant 0 : i32
      %dma_wait3A_226 = arith.constant 0 : i32
      %dma_wait3A_227 = tpu.memref_slice %arg2[%dma_wait3A_225, %dma_wait3A_226] : memref<10000x128xf32, #tpu.memory_space<hbm>> -> memref<10000x128xf32, #tpu.memory_space<hbm>>
      tpu.wait_indirect_dma semaphore(%arg15 : memref<!tpu.dma_semaphore, #tpu.memory_space<semaphore_mem>>) src(%dma_wait3A_227 : memref<10000x128xf32, #tpu.memory_space<hbm>>) dst(%arg9 : memref<128x128xf32, #tpu.memory_space<vmem>>)
      %add3A_228 = arith.constant 2 : i32
      %add3A_229 = arith.addi %mul3A_152, %add3A_228 : i32
      %min3A_230 = arith.constant 77 : i32
      %min3A_231 = arith.minsi %add3A_229, %min3A_230 : i32
      %mul3A_232 = arith.constant 128 : i32
      %mul3A_233 = arith.muli %min3A_231, %mul3A_232 : i32
      %add3A_234 = arith.addi %mul3A_2, %mul3A_233 : i32
      %dma_wait3A_235 = arith.constant 0 : i32
      %dma_wait3A_236 = arith.constant 0 : i32
      %dma_wait3A_237 = tpu.memref_slice %arg6[%dma_wait3A_235, %dma_wait3A_236] : memref<2x128xi32, #tpu.memory_space<vmem>> -> memref<1x128xi32, #tpu.memory_space<vmem>>
      %dma_wait3A_238 = tpu.memref_squeeze %dma_wait3A_237 : memref<1x128xi32, #tpu.memory_space<vmem>> -> memref<128xi32, #tpu.memory_space<vmem>>
      %dma_wait3A_239 = tpu.memref_slice %arg3[%add3A_234] : memref<320000xi32, #tpu.memory_space<hbm>> -> memref<128xi32, #tpu.memory_space<hbm>>
      %dma_wait3A_240 = arith.constant 0 : i32
      %dma_wait3A_241 = tpu.memref_slice %arg6[%dma_wait3A_235, %dma_wait3A_240] : memref<2x128xi32, #tpu.memory_space<vmem>> -> memref<1x128xi32, #tpu.memory_space<vmem>>
      %dma_wait3A_242 = tpu.memref_squeeze %dma_wait3A_241 : memref<1x128xi32, #tpu.memory_space<vmem>> -> memref<128xi32, #tpu.memory_space<vmem>>
      %dma_wait3A_243 = tpu.memref_slice %arg3[%add3A_234] : memref<320000xi32, #tpu.memory_space<hbm>> -> memref<128xi32, #tpu.memory_space<hbm>>
      tpu.wait_dma2 semaphore(%arg16 : memref<!tpu.dma_semaphore, #tpu.memory_space<semaphore_mem>>) src(%dma_wait3A_243 : memref<128xi32, #tpu.memory_space<hbm>>) dst(%dma_wait3A_242 : memref<128xi32, #tpu.memory_space<vmem>>)
      %mul3A_244 = arith.constant 128 : i32
      %mul3A_245 = arith.muli %min3A_231, %mul3A_244 : i32
      %add3A_246 = arith.addi %mul3A_2, %mul3A_245 : i32
      %dma_wait3A_247 = arith.constant 0 : i32
      %dma_wait3A_248 = arith.constant 0 : i32
      %dma_wait3A_249 = tpu.memref_slice %arg7[%dma_wait3A_247, %dma_wait3A_248] : memref<2x128xi32, #tpu.memory_space<vmem>> -> memref<1x128xi32, #tpu.memory_space<vmem>>
      %dma_wait3A_250 = tpu.memref_squeeze %dma_wait3A_249 : memref<1x128xi32, #tpu.memory_space<vmem>> -> memref<128xi32, #tpu.memory_space<vmem>>
      %dma_wait3A_251 = tpu.memref_slice %arg4[%add3A_246] : memref<320000xi32, #tpu.memory_space<hbm>> -> memref<128xi32, #tpu.memory_space<hbm>>
      %dma_wait3A_252 = arith.constant 0 : i32
      %dma_wait3A_253 = tpu.memref_slice %arg7[%dma_wait3A_247, %dma_wait3A_252] : memref<2x128xi32, #tpu.memory_space<vmem>> -> memref<1x128xi32, #tpu.memory_space<vmem>>
      %dma_wait3A_254 = tpu.memref_squeeze %dma_wait3A_253 : memref<1x128xi32, #tpu.memory_space<vmem>> -> memref<128xi32, #tpu.memory_space<vmem>>
      %dma_wait3A_255 = tpu.memref_slice %arg4[%add3A_246] : memref<320000xi32, #tpu.memory_space<hbm>> -> memref<128xi32, #tpu.memory_space<hbm>>
      tpu.wait_dma2 semaphore(%arg16 : memref<!tpu.dma_semaphore, #tpu.memory_space<semaphore_mem>>) src(%dma_wait3A_255 : memref<128xi32, #tpu.memory_space<hbm>>) dst(%dma_wait3A_254 : memref<128xi32, #tpu.memory_space<vmem>>)
      %dma_start3A_256 = arith.constant 0 : i32
      %dma_start3A_257 = arith.constant 0 : i32
      %dma_start3A_258 = tpu.memref_slice %arg6[%dma_start3A_256, %dma_start3A_257] : memref<2x128xi32, #tpu.memory_space<vmem>> -> memref<1x128xi32, #tpu.memory_space<vmem>>
      %dma_start3A_259 = tpu.memref_squeeze %dma_start3A_258 : memref<1x128xi32, #tpu.memory_space<vmem>> -> memref<128xi32, #tpu.memory_space<vmem>>
      %dma_start3A_260 = arith.constant 0 : i32
      %dma_start3A_261 = arith.constant 0 : i32
      %dma_start3A_262 = tpu.memref_slice %arg2[%dma_start3A_260, %dma_start3A_261] : memref<10000x128xf32, #tpu.memory_space<hbm>> -> memref<10000x128xf32, #tpu.memory_space<hbm>>
      tpu.enqueue_indirect_dma source(%dma_start3A_262 : memref<10000x128xf32, #tpu.memory_space<hbm>>) target(%arg8 : memref<128x128xf32, #tpu.memory_space<vmem>>) offsets(%dma_start3A_259 : memref<128xi32, #tpu.memory_space<vmem>>) semaphore(%arg14 : memref<!tpu.dma_semaphore, #tpu.memory_space<semaphore_mem>>)
      %run_scoped3A_263 = arith.constant 1 : i32
      "tpu.region"() ({
        %run_scoped3A_292 = tpu.sem_alloc : memref<!tpu.dma_semaphore, #tpu.memory_space<semaphore_mem>>
        %dma_start3A_293 = arith.constant 0 : i32
        %dma_start3A_294 = tpu.memref_slice %arg7[%run_scoped3A_263, %dma_start3A_293] : memref<2x128xi32, #tpu.memory_space<vmem>> -> memref<1x128xi32, #tpu.memory_space<vmem>>
        %dma_start3A_295 = tpu.memref_squeeze %dma_start3A_294 : memref<1x128xi32, #tpu.memory_space<vmem>> -> memref<128xi32, #tpu.memory_space<vmem>>
        %dma_start3A_296 = arith.constant 0 : i32
        %dma_start3A_297 = arith.constant 0 : i32
        %dma_start3A_298 = tpu.memref_slice %arg13[%dma_start3A_296, %dma_start3A_297] : memref<10240x128xf32, #tpu.memory_space<vmem_shared>> -> memref<10240x128xf32, #tpu.memory_space<vmem_shared>>
        tpu.enqueue_indirect_dma source(%arg9 : memref<128x128xf32, #tpu.memory_space<vmem>>) target(%dma_start3A_298 : memref<10240x128xf32, #tpu.memory_space<vmem_shared>>) offsets(%dma_start3A_295 : memref<128xi32, #tpu.memory_space<vmem>>) semaphore(%run_scoped3A_292 : memref<!tpu.dma_semaphore, #tpu.memory_space<semaphore_mem>>) {add = true}
        %dma_wait3A_299 = arith.constant 0 : i32
        %dma_wait3A_300 = tpu.memref_slice %arg7[%run_scoped3A_263, %dma_wait3A_299] : memref<2x128xi32, #tpu.memory_space<vmem>> -> memref<1x128xi32, #tpu.memory_space<vmem>>
        %dma_wait3A_301 = tpu.memref_squeeze %dma_wait3A_300 : memref<1x128xi32, #tpu.memory_space<vmem>> -> memref<128xi32, #tpu.memory_space<vmem>>
        %dma_wait3A_302 = arith.constant 0 : i32
        %dma_wait3A_303 = arith.constant 0 : i32
        %dma_wait3A_304 = tpu.memref_slice %arg13[%dma_wait3A_302, %dma_wait3A_303] : memref<10240x128xf32, #tpu.memory_space<vmem_shared>> -> memref<10240x128xf32, #tpu.memory_space<vmem_shared>>
        tpu.wait_indirect_dma semaphore(%run_scoped3A_292 : memref<!tpu.dma_semaphore, #tpu.memory_space<semaphore_mem>>) src(%arg9 : memref<128x128xf32, #tpu.memory_space<vmem>>) dst(%dma_wait3A_304 : memref<10240x128xf32, #tpu.memory_space<vmem_shared>>)
        tpu.yield
      }) : () -> ()
      %add3A_264 = arith.constant 2 : i32
      %add3A_265 = arith.addi %add3A_154, %add3A_264 : i32
      %min3A_266 = arith.constant 77 : i32
      %min3A_267 = arith.minsi %add3A_265, %min3A_266 : i32
      %mul3A_268 = arith.constant 128 : i32
      %mul3A_269 = arith.muli %min3A_267, %mul3A_268 : i32
      %add3A_270 = arith.addi %mul3A_2, %mul3A_269 : i32
      %dma_start3A_271 = arith.constant 1 : i32
      %dma_start3A_272 = arith.constant 0 : i32
      %dma_start3A_273 = tpu.memref_slice %arg6[%dma_start3A_271, %dma_start3A_272] : memref<2x128xi32, #tpu.memory_space<vmem>> -> memref<1x128xi32, #tpu.memory_space<vmem>>
      %dma_start3A_274 = tpu.memref_squeeze %dma_start3A_273 : memref<1x128xi32, #tpu.memory_space<vmem>> -> memref<128xi32, #tpu.memory_space<vmem>>
      %dma_start3A_275 = tpu.memref_slice %arg3[%add3A_270] : memref<320000xi32, #tpu.memory_space<hbm>> -> memref<128xi32, #tpu.memory_space<hbm>>
      %dma_start3A_276 = arith.constant 0 : i32
      %dma_start3A_277 = tpu.memref_slice %arg6[%dma_start3A_271, %dma_start3A_276] : memref<2x128xi32, #tpu.memory_space<vmem>> -> memref<1x128xi32, #tpu.memory_space<vmem>>
      %dma_start3A_278 = tpu.memref_squeeze %dma_start3A_277 : memref<1x128xi32, #tpu.memory_space<vmem>> -> memref<128xi32, #tpu.memory_space<vmem>>
      %dma_start3A_279 = tpu.memref_slice %arg3[%add3A_270] : memref<320000xi32, #tpu.memory_space<hbm>> -> memref<128xi32, #tpu.memory_space<hbm>>
      tpu.enqueue_dma source(%dma_start3A_279 : memref<128xi32, #tpu.memory_space<hbm>>) target(%dma_start3A_278 : memref<128xi32, #tpu.memory_space<vmem>>) target_semaphore(%arg17 : memref<!tpu.dma_semaphore, #tpu.memory_space<semaphore_mem>>)
      %mul3A_280 = arith.constant 128 : i32
      %mul3A_281 = arith.muli %min3A_267, %mul3A_280 : i32
      %add3A_282 = arith.addi %mul3A_2, %mul3A_281 : i32
      %dma_start3A_283 = arith.constant 1 : i32
      %dma_start3A_284 = arith.constant 0 : i32
      %dma_start3A_285 = tpu.memref_slice %arg7[%dma_start3A_283, %dma_start3A_284] : memref<2x128xi32, #tpu.memory_space<vmem>> -> memref<1x128xi32, #tpu.memory_space<vmem>>
      %dma_start3A_286 = tpu.memref_squeeze %dma_start3A_285 : memref<1x128xi32, #tpu.memory_space<vmem>> -> memref<128xi32, #tpu.memory_space<vmem>>
      %dma_start3A_287 = tpu.memref_slice %arg4[%add3A_282] : memref<320000xi32, #tpu.memory_space<hbm>> -> memref<128xi32, #tpu.memory_space<hbm>>
      %dma_start3A_288 = arith.constant 0 : i32
      %dma_start3A_289 = tpu.memref_slice %arg7[%dma_start3A_283, %dma_start3A_288] : memref<2x128xi32, #tpu.memory_space<vmem>> -> memref<1x128xi32, #tpu.memory_space<vmem>>
      %dma_start3A_290 = tpu.memref_squeeze %dma_start3A_289 : memref<1x128xi32, #tpu.memory_space<vmem>> -> memref<128xi32, #tpu.memory_space<vmem>>
      %dma_start3A_291 = tpu.memref_slice %arg4[%add3A_282] : memref<320000xi32, #tpu.memory_space<hbm>> -> memref<128xi32, #tpu.memory_space<hbm>>
      tpu.enqueue_dma source(%dma_start3A_291 : memref<128xi32, #tpu.memory_space<hbm>>) target(%dma_start3A_290 : memref<128xi32, #tpu.memory_space<vmem>>) target_semaphore(%arg17 : memref<!tpu.dma_semaphore, #tpu.memory_space<semaphore_mem>>)
    }
    %scan3A_87 = arith.constant 39 : i32
    %dma_wait3A_88 = arith.constant 0 : i32
    %dma_wait3A_89 = arith.constant 0 : i32
    %dma_wait3A_90 = tpu.memref_slice %arg6[%dma_wait3A_88, %dma_wait3A_89] : memref<2x128xi32, #tpu.memory_space<vmem>> -> memref<1x128xi32, #tpu.memory_space<vmem>>
    %dma_wait3A_91 = tpu.memref_squeeze %dma_wait3A_90 : memref<1x128xi32, #tpu.memory_space<vmem>> -> memref<128xi32, #tpu.memory_space<vmem>>
    %dma_wait3A_92 = arith.constant 0 : i32
    %dma_wait3A_93 = arith.constant 0 : i32
    %dma_wait3A_94 = tpu.memref_slice %arg2[%dma_wait3A_92, %dma_wait3A_93] : memref<10000x128xf32, #tpu.memory_space<hbm>> -> memref<10000x128xf32, #tpu.memory_space<hbm>>
    tpu.wait_indirect_dma semaphore(%arg14 : memref<!tpu.dma_semaphore, #tpu.memory_space<semaphore_mem>>) src(%dma_wait3A_94 : memref<10000x128xf32, #tpu.memory_space<hbm>>) dst(%arg8 : memref<128x128xf32, #tpu.memory_space<vmem>>)
    %add3A_95 = arith.constant 9856 : i32
    %add3A_96 = arith.addi %mul3A_2, %add3A_95 : i32
    %dma_wait3A_97 = arith.constant 1 : i32
    %dma_wait3A_98 = arith.constant 0 : i32
    %dma_wait3A_99 = tpu.memref_slice %arg6[%dma_wait3A_97, %dma_wait3A_98] : memref<2x128xi32, #tpu.memory_space<vmem>> -> memref<1x128xi32, #tpu.memory_space<vmem>>
    %dma_wait3A_100 = tpu.memref_squeeze %dma_wait3A_99 : memref<1x128xi32, #tpu.memory_space<vmem>> -> memref<128xi32, #tpu.memory_space<vmem>>
    %dma_wait3A_101 = tpu.memref_slice %arg3[%add3A_96] : memref<320000xi32, #tpu.memory_space<hbm>> -> memref<128xi32, #tpu.memory_space<hbm>>
    %dma_wait3A_102 = arith.constant 0 : i32
    %dma_wait3A_103 = tpu.memref_slice %arg6[%dma_wait3A_97, %dma_wait3A_102] : memref<2x128xi32, #tpu.memory_space<vmem>> -> memref<1x128xi32, #tpu.memory_space<vmem>>
    %dma_wait3A_104 = tpu.memref_squeeze %dma_wait3A_103 : memref<1x128xi32, #tpu.memory_space<vmem>> -> memref<128xi32, #tpu.memory_space<vmem>>
    %dma_wait3A_105 = tpu.memref_slice %arg3[%add3A_96] : memref<320000xi32, #tpu.memory_space<hbm>> -> memref<128xi32, #tpu.memory_space<hbm>>
    tpu.wait_dma2 semaphore(%arg17 : memref<!tpu.dma_semaphore, #tpu.memory_space<semaphore_mem>>) src(%dma_wait3A_105 : memref<128xi32, #tpu.memory_space<hbm>>) dst(%dma_wait3A_104 : memref<128xi32, #tpu.memory_space<vmem>>)
    %add3A_106 = arith.constant 9856 : i32
    %add3A_107 = arith.addi %mul3A_2, %add3A_106 : i32
    %dma_wait3A_108 = arith.constant 1 : i32
    %dma_wait3A_109 = arith.constant 0 : i32
    %dma_wait3A_110 = tpu.memref_slice %arg7[%dma_wait3A_108, %dma_wait3A_109] : memref<2x128xi32, #tpu.memory_space<vmem>> -> memref<1x128xi32, #tpu.memory_space<vmem>>
    %dma_wait3A_111 = tpu.memref_squeeze %dma_wait3A_110 : memref<1x128xi32, #tpu.memory_space<vmem>> -> memref<128xi32, #tpu.memory_space<vmem>>
    %dma_wait3A_112 = tpu.memref_slice %arg4[%add3A_107] : memref<320000xi32, #tpu.memory_space<hbm>> -> memref<128xi32, #tpu.memory_space<hbm>>
    %dma_wait3A_113 = arith.constant 0 : i32
    %dma_wait3A_114 = tpu.memref_slice %arg7[%dma_wait3A_108, %dma_wait3A_113] : memref<2x128xi32, #tpu.memory_space<vmem>> -> memref<1x128xi32, #tpu.memory_space<vmem>>
    %dma_wait3A_115 = tpu.memref_squeeze %dma_wait3A_114 : memref<1x128xi32, #tpu.memory_space<vmem>> -> memref<128xi32, #tpu.memory_space<vmem>>
    %dma_wait3A_116 = tpu.memref_slice %arg4[%add3A_107] : memref<320000xi32, #tpu.memory_space<hbm>> -> memref<128xi32, #tpu.memory_space<hbm>>
    tpu.wait_dma2 semaphore(%arg17 : memref<!tpu.dma_semaphore, #tpu.memory_space<semaphore_mem>>) src(%dma_wait3A_116 : memref<128xi32, #tpu.memory_space<hbm>>) dst(%dma_wait3A_115 : memref<128xi32, #tpu.memory_space<vmem>>)
    %add3A_117 = arith.constant 9984 : i32
    %add3A_118 = arith.addi %mul3A_2, %add3A_117 : i32
    %run_scoped3A = arith.constant 0 : i32
    "tpu.region"() ({
      %run_scoped3A_146 = tpu.sem_alloc : memref<!tpu.dma_semaphore, #tpu.memory_space<semaphore_mem>>
      %dma_start3A_147 = arith.constant 0 : i32
      %dma_start3A_148 = tpu.memref_slice %arg10[%run_scoped3A, %dma_start3A_147] : memref<1x16xi32, #tpu.memory_space<vmem>> -> memref<1x16xi32, #tpu.memory_space<vmem>>
      %dma_start3A_149 = tpu.memref_squeeze %dma_start3A_148 : memref<1x16xi32, #tpu.memory_space<vmem>> -> memref<16xi32, #tpu.memory_space<vmem>>
      %dma_start3A_150 = tpu.memref_slice %arg3[%add3A_118] : memref<320000xi32, #tpu.memory_space<hbm>> -> memref<16xi32, #tpu.memory_space<hbm>>
      %dma_start3A_151 = arith.constant 0 : i32
      %dma_start3A_152 = tpu.memref_slice %arg10[%run_scoped3A, %dma_start3A_151] : memref<1x16xi32, #tpu.memory_space<vmem>> -> memref<1x16xi32, #tpu.memory_space<vmem>>
      %dma_start3A_153 = tpu.memref_squeeze %dma_start3A_152 : memref<1x16xi32, #tpu.memory_space<vmem>> -> memref<16xi32, #tpu.memory_space<vmem>>
      %dma_start3A_154 = tpu.memref_slice %arg3[%add3A_118] : memref<320000xi32, #tpu.memory_space<hbm>> -> memref<16xi32, #tpu.memory_space<hbm>>
      tpu.enqueue_dma source(%dma_start3A_154 : memref<16xi32, #tpu.memory_space<hbm>>) target(%dma_start3A_153 : memref<16xi32, #tpu.memory_space<vmem>>) target_semaphore(%run_scoped3A_146 : memref<!tpu.dma_semaphore, #tpu.memory_space<semaphore_mem>>)
      %dma_wait3A_155 = arith.constant 0 : i32
      %dma_wait3A_156 = tpu.memref_slice %arg10[%run_scoped3A, %dma_wait3A_155] : memref<1x16xi32, #tpu.memory_space<vmem>> -> memref<1x16xi32, #tpu.memory_space<vmem>>
      %dma_wait3A_157 = tpu.memref_squeeze %dma_wait3A_156 : memref<1x16xi32, #tpu.memory_space<vmem>> -> memref<16xi32, #tpu.memory_space<vmem>>
      %dma_wait3A_158 = tpu.memref_slice %arg3[%add3A_118] : memref<320000xi32, #tpu.memory_space<hbm>> -> memref<16xi32, #tpu.memory_space<hbm>>
      %dma_wait3A_159 = arith.constant 0 : i32
      %dma_wait3A_160 = tpu.memref_slice %arg10[%run_scoped3A, %dma_wait3A_159] : memref<1x16xi32, #tpu.memory_space<vmem>> -> memref<1x16xi32, #tpu.memory_space<vmem>>
      %dma_wait3A_161 = tpu.memref_squeeze %dma_wait3A_160 : memref<1x16xi32, #tpu.memory_space<vmem>> -> memref<16xi32, #tpu.memory_space<vmem>>
      %dma_wait3A_162 = tpu.memref_slice %arg3[%add3A_118] : memref<320000xi32, #tpu.memory_space<hbm>> -> memref<16xi32, #tpu.memory_space<hbm>>
      tpu.wait_dma2 semaphore(%run_scoped3A_146 : memref<!tpu.dma_semaphore, #tpu.memory_space<semaphore_mem>>) src(%dma_wait3A_162 : memref<16xi32, #tpu.memory_space<hbm>>) dst(%dma_wait3A_161 : memref<16xi32, #tpu.memory_space<vmem>>)
      tpu.yield
    }) : () -> ()
    %run_scoped3A_119 = arith.constant 0 : i32
    "tpu.region"() ({
      %run_scoped3A_146 = tpu.sem_alloc : memref<!tpu.dma_semaphore, #tpu.memory_space<semaphore_mem>>
      %dma_start3A_147 = arith.constant 0 : i32
      %dma_start3A_148 = tpu.memref_slice %arg11[%run_scoped3A_119, %dma_start3A_147] : memref<1x16xi32, #tpu.memory_space<vmem>> -> memref<1x16xi32, #tpu.memory_space<vmem>>
      %dma_start3A_149 = tpu.memref_squeeze %dma_start3A_148 : memref<1x16xi32, #tpu.memory_space<vmem>> -> memref<16xi32, #tpu.memory_space<vmem>>
      %dma_start3A_150 = tpu.memref_slice %arg4[%add3A_118] : memref<320000xi32, #tpu.memory_space<hbm>> -> memref<16xi32, #tpu.memory_space<hbm>>
      %dma_start3A_151 = arith.constant 0 : i32
      %dma_start3A_152 = tpu.memref_slice %arg11[%run_scoped3A_119, %dma_start3A_151] : memref<1x16xi32, #tpu.memory_space<vmem>> -> memref<1x16xi32, #tpu.memory_space<vmem>>
      %dma_start3A_153 = tpu.memref_squeeze %dma_start3A_152 : memref<1x16xi32, #tpu.memory_space<vmem>> -> memref<16xi32, #tpu.memory_space<vmem>>
      %dma_start3A_154 = tpu.memref_slice %arg4[%add3A_118] : memref<320000xi32, #tpu.memory_space<hbm>> -> memref<16xi32, #tpu.memory_space<hbm>>
      tpu.enqueue_dma source(%dma_start3A_154 : memref<16xi32, #tpu.memory_space<hbm>>) target(%dma_start3A_153 : memref<16xi32, #tpu.memory_space<vmem>>) target_semaphore(%run_scoped3A_146 : memref<!tpu.dma_semaphore, #tpu.memory_space<semaphore_mem>>)
      %dma_wait3A_155 = arith.constant 0 : i32
      %dma_wait3A_156 = tpu.memref_slice %arg11[%run_scoped3A_119, %dma_wait3A_155] : memref<1x16xi32, #tpu.memory_space<vmem>> -> memref<1x16xi32, #tpu.memory_space<vmem>>
      %dma_wait3A_157 = tpu.memref_squeeze %dma_wait3A_156 : memref<1x16xi32, #tpu.memory_space<vmem>> -> memref<16xi32, #tpu.memory_space<vmem>>
      %dma_wait3A_158 = tpu.memref_slice %arg4[%add3A_118] : memref<320000xi32, #tpu.memory_space<hbm>> -> memref<16xi32, #tpu.memory_space<hbm>>
      %dma_wait3A_159 = arith.constant 0 : i32
      %dma_wait3A_160 = tpu.memref_slice %arg11[%run_scoped3A_119, %dma_wait3A_159] : memref<1x16xi32, #tpu.memory_space<vmem>> -> memref<1x16xi32, #tpu.memory_space<vmem>>
      %dma_wait3A_161 = tpu.memref_squeeze %dma_wait3A_160 : memref<1x16xi32, #tpu.memory_space<vmem>> -> memref<16xi32, #tpu.memory_space<vmem>>
      %dma_wait3A_162 = tpu.memref_slice %arg4[%add3A_118] : memref<320000xi32, #tpu.memory_space<hbm>> -> memref<16xi32, #tpu.memory_space<hbm>>
      tpu.wait_dma2 semaphore(%run_scoped3A_146 : memref<!tpu.dma_semaphore, #tpu.memory_space<semaphore_mem>>) src(%dma_wait3A_162 : memref<16xi32, #tpu.memory_space<hbm>>) dst(%dma_wait3A_161 : memref<16xi32, #tpu.memory_space<vmem>>)
      tpu.yield
    }) : () -> ()
    %dma_start3A_120 = arith.constant 0 : i32
    %dma_start3A_121 = arith.constant 0 : i32
    %dma_start3A_122 = arith.constant 0 : i32
    %dma_start3A_123 = tpu.memref_slice %arg12[%dma_start3A_121, %dma_start3A_122] : memref<16x128xf32, #tpu.memory_space<vmem>> -> memref<16x128xf32, #tpu.memory_space<vmem>>
    %dma_start3A_124 = arith.constant 0 : i32
    %dma_start3A_125 = tpu.memref_slice %arg10[%dma_start3A_120, %dma_start3A_124] : memref<1x16xi32, #tpu.memory_space<vmem>> -> memref<1x16xi32, #tpu.memory_space<vmem>>
    %dma_start3A_126 = tpu.memref_squeeze %dma_start3A_125 : memref<1x16xi32, #tpu.memory_space<vmem>> -> memref<16xi32, #tpu.memory_space<vmem>>
    %dma_start3A_127 = arith.constant 0 : i32
    %dma_start3A_128 = arith.constant 0 : i32
    %dma_start3A_129 = tpu.memref_slice %arg2[%dma_start3A_127, %dma_start3A_128] : memref<10000x128xf32, #tpu.memory_space<hbm>> -> memref<10000x128xf32, #tpu.memory_space<hbm>>
    tpu.enqueue_indirect_dma source(%dma_start3A_129 : memref<10000x128xf32, #tpu.memory_space<hbm>>) target(%dma_start3A_123 : memref<16x128xf32, #tpu.memory_space<vmem>>) offsets(%dma_start3A_126 : memref<16xi32, #tpu.memory_space<vmem>>) semaphore(%arg14 : memref<!tpu.dma_semaphore, #tpu.memory_space<semaphore_mem>>)
    %dma_wait3A_130 = arith.constant 0 : i32
    %dma_wait3A_131 = arith.constant 0 : i32
    %dma_wait3A_132 = arith.constant 0 : i32
    %dma_wait3A_133 = tpu.memref_slice %arg12[%dma_wait3A_131, %dma_wait3A_132] : memref<16x128xf32, #tpu.memory_space<vmem>> -> memref<16x128xf32, #tpu.memory_space<vmem>>
    %dma_wait3A_134 = arith.constant 0 : i32
    %dma_wait3A_135 = tpu.memref_slice %arg10[%dma_wait3A_130, %dma_wait3A_134] : memref<1x16xi32, #tpu.memory_space<vmem>> -> memref<1x16xi32, #tpu.memory_space<vmem>>
    %dma_wait3A_136 = tpu.memref_squeeze %dma_wait3A_135 : memref<1x16xi32, #tpu.memory_space<vmem>> -> memref<16xi32, #tpu.memory_space<vmem>>
    %dma_wait3A_137 = arith.constant 0 : i32
    %dma_wait3A_138 = arith.constant 0 : i32
    %dma_wait3A_139 = tpu.memref_slice %arg2[%dma_wait3A_137, %dma_wait3A_138] : memref<10000x128xf32, #tpu.memory_space<hbm>> -> memref<10000x128xf32, #tpu.memory_space<hbm>>
    tpu.wait_indirect_dma semaphore(%arg14 : memref<!tpu.dma_semaphore, #tpu.memory_space<semaphore_mem>>) src(%dma_wait3A_139 : memref<10000x128xf32, #tpu.memory_space<hbm>>) dst(%dma_wait3A_133 : memref<16x128xf32, #tpu.memory_space<vmem>>)
    %run_scoped3A_140 = arith.constant 0 : i32
    "tpu.region"() ({
      %run_scoped3A_146 = tpu.sem_alloc : memref<!tpu.dma_semaphore, #tpu.memory_space<semaphore_mem>>
      %dma_start3A_147 = arith.constant 0 : i32
      %dma_start3A_148 = arith.constant 0 : i32
      %dma_start3A_149 = tpu.memref_slice %arg12[%dma_start3A_147, %dma_start3A_148] : memref<16x128xf32, #tpu.memory_space<vmem>> -> memref<16x128xf32, #tpu.memory_space<vmem>>
      %dma_start3A_150 = arith.constant 0 : i32
      %dma_start3A_151 = tpu.memref_slice %arg11[%run_scoped3A_140, %dma_start3A_150] : memref<1x16xi32, #tpu.memory_space<vmem>> -> memref<1x16xi32, #tpu.memory_space<vmem>>
      %dma_start3A_152 = tpu.memref_squeeze %dma_start3A_151 : memref<1x16xi32, #tpu.memory_space<vmem>> -> memref<16xi32, #tpu.memory_space<vmem>>
      %dma_start3A_153 = arith.constant 0 : i32
      %dma_start3A_154 = arith.constant 0 : i32
      %dma_start3A_155 = tpu.memref_slice %arg13[%dma_start3A_153, %dma_start3A_154] : memref<10240x128xf32, #tpu.memory_space<vmem_shared>> -> memref<10240x128xf32, #tpu.memory_space<vmem_shared>>
      tpu.enqueue_indirect_dma source(%dma_start3A_149 : memref<16x128xf32, #tpu.memory_space<vmem>>) target(%dma_start3A_155 : memref<10240x128xf32, #tpu.memory_space<vmem_shared>>) offsets(%dma_start3A_152 : memref<16xi32, #tpu.memory_space<vmem>>) semaphore(%run_scoped3A_146 : memref<!tpu.dma_semaphore, #tpu.memory_space<semaphore_mem>>) {add = true}
      %dma_wait3A_156 = arith.constant 0 : i32
      %dma_wait3A_157 = arith.constant 0 : i32
      %dma_wait3A_158 = tpu.memref_slice %arg12[%dma_wait3A_156, %dma_wait3A_157] : memref<16x128xf32, #tpu.memory_space<vmem>> -> memref<16x128xf32, #tpu.memory_space<vmem>>
      %dma_wait3A_159 = arith.constant 0 : i32
      %dma_wait3A_160 = tpu.memref_slice %arg11[%run_scoped3A_140, %dma_wait3A_159] : memref<1x16xi32, #tpu.memory_space<vmem>> -> memref<1x16xi32, #tpu.memory_space<vmem>>
      %dma_wait3A_161 = tpu.memref_squeeze %dma_wait3A_160 : memref<1x16xi32, #tpu.memory_space<vmem>> -> memref<16xi32, #tpu.memory_space<vmem>>
      %dma_wait3A_162 = arith.constant 0 : i32
      %dma_wait3A_163 = arith.constant 0 : i32
      %dma_wait3A_164 = tpu.memref_slice %arg13[%dma_wait3A_162, %dma_wait3A_163] : memref<10240x128xf32, #tpu.memory_space<vmem_shared>> -> memref<10240x128xf32, #tpu.memory_space<vmem_shared>>
      tpu.wait_indirect_dma semaphore(%run_scoped3A_146 : memref<!tpu.dma_semaphore, #tpu.memory_space<semaphore_mem>>) src(%dma_wait3A_158 : memref<16x128xf32, #tpu.memory_space<vmem>>) dst(%dma_wait3A_164 : memref<10240x128xf32, #tpu.memory_space<vmem_shared>>)
      tpu.yield
    }) : () -> ()
    %barrier3A_141 = arith.constant 0 : index
    tpu.barrier barrier_id(%barrier3A_141)
    %mul3A_142 = arith.constant 640 : i32
    %mul3A_143 = arith.muli %arg1, %mul3A_142 : i32
    %mul3A_144 = arith.constant 640 : i32
    %mul3A_145 = arith.muli %arg1, %mul3A_144 : i32
    "tpu.region"() ({
      %run_scoped3A_146 = tpu.sem_alloc : memref<!tpu.dma_semaphore, #tpu.memory_space<semaphore_mem>>
      %dma_start3A_147 = arith.constant 0 : i32
      %dma_start3A_148 = tpu.memref_slice %arg5[%arg0, %mul3A_145, %dma_start3A_147] : memref<2x10240x128xf32, #tpu.memory_space<hbm>> -> memref<1x640x128xf32, #tpu.memory_space<hbm>>
      %dma_start3A_149 = tpu.memref_squeeze %dma_start3A_148 : memref<1x640x128xf32, #tpu.memory_space<hbm>> -> memref<640x128xf32, #tpu.memory_space<hbm>>
      %dma_start3A_150 = arith.constant 0 : i32
      %dma_start3A_151 = tpu.memref_slice %arg13[%mul3A_143, %dma_start3A_150] : memref<10240x128xf32, #tpu.memory_space<vmem_shared>> -> memref<640x128xf32, #tpu.memory_space<vmem_shared>>
      tpu.enqueue_dma source(%dma_start3A_151 : memref<640x128xf32, #tpu.memory_space<vmem_shared>>) target(%dma_start3A_149 : memref<640x128xf32, #tpu.memory_space<hbm>>) target_semaphore(%run_scoped3A_146 : memref<!tpu.dma_semaphore, #tpu.memory_space<semaphore_mem>>)
      %dma_wait3A_152 = arith.constant 0 : i32
      %dma_wait3A_153 = tpu.memref_slice %arg5[%arg0, %mul3A_145, %dma_wait3A_152] : memref<2x10240x128xf32, #tpu.memory_space<hbm>> -> memref<1x640x128xf32, #tpu.memory_space<hbm>>
      %dma_wait3A_154 = tpu.memref_squeeze %dma_wait3A_153 : memref<1x640x128xf32, #tpu.memory_space<hbm>> -> memref<640x128xf32, #tpu.memory_space<hbm>>
      %dma_wait3A_155 = arith.constant 0 : i32
      %dma_wait3A_156 = tpu.memref_slice %arg13[%mul3A_143, %dma_wait3A_155] : memref<10240x128xf32, #tpu.memory_space<vmem_shared>> -> memref<640x128xf32, #tpu.memory_space<vmem_shared>>
      tpu.wait_dma2 semaphore(%run_scoped3A_146 : memref<!tpu.dma_semaphore, #tpu.memory_space<semaphore_mem>>) src(%dma_wait3A_156 : memref<640x128xf32, #tpu.memory_space<vmem_shared>>) dst(%dma_wait3A_154 : memref<640x128xf32, #tpu.memory_space<hbm>>)
      tpu.yield
    }) : () -> ()
    return
  }
}

#map = affine_map<(d0, d1) -> (0, 0)>
#map1 = affine_map<(d0, d1) -> (0)>
#map2 = affine_map<(d0, d1) -> (0, 0, 0)>
module attributes {stable_mosaic.version = 14 : i64} {
  func.func @scat_kernel(%arg0: i32, %arg1: i32, %arg2: memref<10000x128xf32, #tpu.memory_space<hbm>>, %arg3: memref<320000xi32, #tpu.memory_space<hbm>>, %arg4: memref<320000xi32, #tpu.memory_space<hbm>>, %arg5: memref<2x10240x128xf32, #tpu.memory_space<hbm>>, %arg6: memref<2x128xi32, #tpu.memory_space<vmem>>, %arg7: memref<2x128xi32, #tpu.memory_space<vmem>>, %arg8: memref<128x128xf32, #tpu.memory_space<vmem>>, %arg9: memref<128x128xf32, #tpu.memory_space<vmem>>, %arg10: memref<1x16xi32, #tpu.memory_space<vmem>>, %arg11: memref<1x16xi32, #tpu.memory_space<vmem>>, %arg12: memref<16x128xf32, #tpu.memory_space<vmem>>, %arg13: memref<10240x128xf32, #tpu.memory_space<vmem_shared>>, %arg14: memref<!tpu.dma_semaphore, #tpu.memory_space<semaphore_mem>>, %arg15: memref<!tpu.dma_semaphore, #tpu.memory_space<semaphore_mem>>, %arg16: memref<!tpu.dma_semaphore, #tpu.memory_space<semaphore_mem>>, %arg17: memref<!tpu.dma_semaphore, #tpu.memory_space<semaphore_mem>>) attributes {dimension_semantics = [#tpu.dimension_semantics<core_parallel>, #tpu.dimension_semantics<subcore_parallel>], iteration_bounds = array<i64: 2, 16>, scalar_prefetch = 0 : i64, scratch_operands = 12 : i64, tpu.core_type = #tpu.core_type<sc_vector_subcore>, window_params = [{transform_indices = #map}, {transform_indices = #map1}, {transform_indices = #map1}, {transform_indices = #map2}]} {
    %mul3A = arith.constant 2 : i32
    %mul3A_0 = arith.muli %arg1, %mul3A : i32
    %add3A = arith.addi %mul3A_0, %arg0 : i32
    %mul3A_1 = arith.constant 10000 : i32
    %mul3A_2 = arith.muli %add3A, %mul3A_1 : i32
    %scan3A = arith.constant 0 : i32
    %scan3A_3 = arith.constant 128 : i32
    %scan3A_4 = arith.addi %scan3A, %scan3A_3 : i32
    %scan3A_5 = arith.constant 1 : i32
    scf.for %scan3A_146 = %scan3A to %scan3A_4 step %scan3A_5  : i32 {
      %mul3A_147 = arith.constant 1 : i32
      %mul3A_148 = arith.muli %scan3A_146, %mul3A_147 : i32
      %add3A_149 = arith.constant 0 : i32
      %add3A_150 = arith.addi %add3A_149, %mul3A_148 : i32
      %broadcast_in_dim3A = arith.constant 0.000000e+00 : f32
      %broadcast_in_dim3A_151 = vector.broadcast %broadcast_in_dim3A : f32 to vector<16xf32>
      %swap3A = arith.index_cast %add3A_150 : i32 to index
      %swap3A_152 = arith.constant 0 : index
      %swap3A_153 = tpu.vector_load %arg8[%swap3A, %swap3A_152] {strides = array<i32>} : memref<128x128xf32, #tpu.memory_space<vmem>>, vector<1x16xf32>,
      %swap3A_154 = vector.shape_cast %swap3A_153 : vector<1x16xf32> to vector<16xf32>
      %swap3A_155 = vector.shape_cast %broadcast_in_dim3A_151 : vector<16xf32> to vector<1x16xf32>
      tpu.vector_store %arg8[%swap3A, %swap3A_152], %swap3A_155 {strides = array<i32>} : memref<128x128xf32, #tpu.memory_space<vmem>>, vector<1x16xf32>,
      %broadcast_in_dim3A_156 = arith.constant 0.000000e+00 : f32
      %broadcast_in_dim3A_157 = vector.broadcast %broadcast_in_dim3A_156 : f32 to vector<16xf32>
      %swap3A_158 = arith.index_cast %add3A_150 : i32 to index
      %swap3A_159 = arith.constant 16 : index
      %swap3A_160 = tpu.vector_load %arg8[%swap3A_158, %swap3A_159] {strides = array<i32>} : memref<128x128xf32, #tpu.memory_space<vmem>>, vector<1x16xf32>,
      %swap3A_161 = vector.shape_cast %swap3A_160 : vector<1x16xf32> to vector<16xf32>
      %swap3A_162 = vector.shape_cast %broadcast_in_dim3A_157 : vector<16xf32> to vector<1x16xf32>
      tpu.vector_store %arg8[%swap3A_158, %swap3A_159], %swap3A_162 {strides = array<i32>} : memref<128x128xf32, #tpu.memory_space<vmem>>, vector<1x16xf32>,
      %broadcast_in_dim3A_163 = arith.constant 0.000000e+00 : f32
      %broadcast_in_dim3A_164 = vector.broadcast %broadcast_in_dim3A_163 : f32 to vector<16xf32>
      %swap3A_165 = arith.index_cast %add3A_150 : i32 to index
      %swap3A_166 = arith.constant 32 : index
      %swap3A_167 = tpu.vector_load %arg8[%swap3A_165, %swap3A_166] {strides = array<i32>} : memref<128x128xf32, #tpu.memory_space<vmem>>, vector<1x16xf32>,
      %swap3A_168 = vector.shape_cast %swap3A_167 : vector<1x16xf32> to vector<16xf32>
      %swap3A_169 = vector.shape_cast %broadcast_in_dim3A_164 : vector<16xf32> to vector<1x16xf32>
      tpu.vector_store %arg8[%swap3A_165, %swap3A_166], %swap3A_169 {strides = array<i32>} : memref<128x128xf32, #tpu.memory_space<vmem>>, vector<1x16xf32>,
      %broadcast_in_dim3A_170 = arith.constant 0.000000e+00 : f32
      %broadcast_in_dim3A_171 = vector.broadcast %broadcast_in_dim3A_170 : f32 to vector<16xf32>
      %swap3A_172 = arith.index_cast %add3A_150 : i32 to index
      %swap3A_173 = arith.constant 48 : index
      %swap3A_174 = tpu.vector_load %arg8[%swap3A_172, %swap3A_173] {strides = array<i32>} : memref<128x128xf32, #tpu.memory_space<vmem>>, vector<1x16xf32>,
      %swap3A_175 = vector.shape_cast %swap3A_174 : vector<1x16xf32> to vector<16xf32>
      %swap3A_176 = vector.shape_cast %broadcast_in_dim3A_171 : vector<16xf32> to vector<1x16xf32>
      tpu.vector_store %arg8[%swap3A_172, %swap3A_173], %swap3A_176 {strides = array<i32>} : memref<128x128xf32, #tpu.memory_space<vmem>>, vector<1x16xf32>,
      %broadcast_in_dim3A_177 = arith.constant 0.000000e+00 : f32
      %broadcast_in_dim3A_178 = vector.broadcast %broadcast_in_dim3A_177 : f32 to vector<16xf32>
      %swap3A_179 = arith.index_cast %add3A_150 : i32 to index
      %swap3A_180 = arith.constant 64 : index
      %swap3A_181 = tpu.vector_load %arg8[%swap3A_179, %swap3A_180] {strides = array<i32>} : memref<128x128xf32, #tpu.memory_space<vmem>>, vector<1x16xf32>,
      %swap3A_182 = vector.shape_cast %swap3A_181 : vector<1x16xf32> to vector<16xf32>
      %swap3A_183 = vector.shape_cast %broadcast_in_dim3A_178 : vector<16xf32> to vector<1x16xf32>
      tpu.vector_store %arg8[%swap3A_179, %swap3A_180], %swap3A_183 {strides = array<i32>} : memref<128x128xf32, #tpu.memory_space<vmem>>, vector<1x16xf32>,
      %broadcast_in_dim3A_184 = arith.constant 0.000000e+00 : f32
      %broadcast_in_dim3A_185 = vector.broadcast %broadcast_in_dim3A_184 : f32 to vector<16xf32>
      %swap3A_186 = arith.index_cast %add3A_150 : i32 to index
      %swap3A_187 = arith.constant 80 : index
      %swap3A_188 = tpu.vector_load %arg8[%swap3A_186, %swap3A_187] {strides = array<i32>} : memref<128x128xf32, #tpu.memory_space<vmem>>, vector<1x16xf32>,
      %swap3A_189 = vector.shape_cast %swap3A_188 : vector<1x16xf32> to vector<16xf32>
      %swap3A_190 = vector.shape_cast %broadcast_in_dim3A_185 : vector<16xf32> to vector<1x16xf32>
      tpu.vector_store %arg8[%swap3A_186, %swap3A_187], %swap3A_190 {strides = array<i32>} : memref<128x128xf32, #tpu.memory_space<vmem>>, vector<1x16xf32>,
      %broadcast_in_dim3A_191 = arith.constant 0.000000e+00 : f32
      %broadcast_in_dim3A_192 = vector.broadcast %broadcast_in_dim3A_191 : f32 to vector<16xf32>
      %swap3A_193 = arith.index_cast %add3A_150 : i32 to index
      %swap3A_194 = arith.constant 96 : index
      %swap3A_195 = tpu.vector_load %arg8[%swap3A_193, %swap3A_194] {strides = array<i32>} : memref<128x128xf32, #tpu.memory_space<vmem>>, vector<1x16xf32>,
      %swap3A_196 = vector.shape_cast %swap3A_195 : vector<1x16xf32> to vector<16xf32>
      %swap3A_197 = vector.shape_cast %broadcast_in_dim3A_192 : vector<16xf32> to vector<1x16xf32>
      tpu.vector_store %arg8[%swap3A_193, %swap3A_194], %swap3A_197 {strides = array<i32>} : memref<128x128xf32, #tpu.memory_space<vmem>>, vector<1x16xf32>,
      %broadcast_in_dim3A_198 = arith.constant 0.000000e+00 : f32
      %broadcast_in_dim3A_199 = vector.broadcast %broadcast_in_dim3A_198 : f32 to vector<16xf32>
      %swap3A_200 = arith.index_cast %add3A_150 : i32 to index
      %swap3A_201 = arith.constant 112 : index
      %swap3A_202 = tpu.vector_load %arg8[%swap3A_200, %swap3A_201] {strides = array<i32>} : memref<128x128xf32, #tpu.memory_space<vmem>>, vector<1x16xf32>,
      %swap3A_203 = vector.shape_cast %swap3A_202 : vector<1x16xf32> to vector<16xf32>
      %swap3A_204 = vector.shape_cast %broadcast_in_dim3A_199 : vector<16xf32> to vector<1x16xf32>
      tpu.vector_store %arg8[%swap3A_200, %swap3A_201], %swap3A_204 {strides = array<i32>} : memref<128x128xf32, #tpu.memory_space<vmem>>, vector<1x16xf32>,
    }
    %scan3A_6 = arith.constant 128 : i32
    %scan3A_7 = arith.constant 0 : i32
    %scan3A_8 = arith.constant 5 : i32
    %scan3A_9 = arith.addi %scan3A_7, %scan3A_8 : i32
    %scan3A_10 = arith.constant 1 : i32
    scf.for %scan3A_146 = %scan3A_7 to %scan3A_9 step %scan3A_10  : i32 {
      %mul3A_147 = arith.constant 1 : i32
      %mul3A_148 = arith.muli %scan3A_146, %mul3A_147 : i32
      %add3A_149 = arith.constant 0 : i32
      %add3A_150 = arith.addi %add3A_149, %mul3A_148 : i32
      %mul3A_151 = arith.constant 640 : i32
      %mul3A_152 = arith.muli %arg1, %mul3A_151 : i32
      %mul3A_153 = arith.constant 128 : i32
      %mul3A_154 = arith.muli %add3A_150, %mul3A_153 : i32
      %add3A_155 = arith.addi %mul3A_152, %mul3A_154 : i32
      "tpu.region"() ({
        %run_scoped3A_156 = tpu.sem_alloc : memref<!tpu.dma_semaphore, #tpu.memory_space<semaphore_mem>>
        %dma_start3A_157 = arith.constant 0 : i32
        %dma_start3A_158 = tpu.memref_slice %arg13[%add3A_155, %dma_start3A_157] : memref<10240x128xf32, #tpu.memory_space<vmem_shared>> -> memref<128x128xf32, #tpu.memory_space<vmem_shared>>
        %dma_start3A_159 = arith.constant 0 : i32
        %dma_start3A_160 = tpu.memref_slice %arg13[%add3A_155, %dma_start3A_159] : memref<10240x128xf32, #tpu.memory_space<vmem_shared>> -> memref<128x128xf32, #tpu.memory_space<vmem_shared>>
        tpu.enqueue_dma source(%arg8 : memref<128x128xf32, #tpu.memory_space<vmem>>) target(%dma_start3A_160 : memref<128x128xf32, #tpu.memory_space<vmem_shared>>) target_semaphore(%run_scoped3A_156 : memref<!tpu.dma_semaphore, #tpu.memory_space<semaphore_mem>>)
        %dma_wait3A_161 = arith.constant 0 : i32
        %dma_wait3A_162 = tpu.memref_slice %arg13[%add3A_155, %dma_wait3A_161] : memref<10240x128xf32, #tpu.memory_space<vmem_shared>> -> memref<128x128xf32, #tpu.memory_space<vmem_shared>>
        %dma_wait3A_163 = arith.constant 0 : i32
        %dma_wait3A_164 = tpu.memref_slice %arg13[%add3A_155, %dma_wait3A_163] : memref<10240x128xf32, #tpu.memory_space<vmem_shared>> -> memref<128x128xf32, #tpu.memory_space<vmem_shared>>
        tpu.wait_dma2 semaphore(%run_scoped3A_156 : memref<!tpu.dma_semaphore, #tpu.memory_space<semaphore_mem>>) src(%arg8 : memref<128x128xf32, #tpu.memory_space<vmem>>) dst(%dma_wait3A_164 : memref<128x128xf32, #tpu.memory_space<vmem_shared>>)
        tpu.yield
      }) : () -> ()
    }
    %scan3A_11 = arith.constant 5 : i32
    %barrier3A = arith.constant 0 : index
    tpu.barrier barrier_id(%barrier3A)
    %add3A_12 = arith.constant 0 : i32
    %add3A_13 = arith.addi %mul3A_2, %add3A_12 : i32
    %dma_start3A = arith.constant 0 : i32
    %dma_start3A_14 = arith.constant 0 : i32
    %dma_start3A_15 = tpu.memref_slice %arg6[%dma_start3A, %dma_start3A_14] : memref<2x128xi32, #tpu.memory_space<vmem>> -> memref<1x128xi32, #tpu.memory_space<vmem>>
    %dma_start3A_16 = tpu.memref_squeeze %dma_start3A_15 : memref<1x128xi32, #tpu.memory_space<vmem>> -> memref<128xi32, #tpu.memory_space<vmem>>
    %dma_start3A_17 = tpu.memref_slice %arg3[%add3A_13] : memref<320000xi32, #tpu.memory_space<hbm>> -> memref<128xi32, #tpu.memory_space<hbm>>
    %dma_start3A_18 = arith.constant 0 : i32
    %dma_start3A_19 = tpu.memref_slice %arg6[%dma_start3A, %dma_start3A_18] : memref<2x128xi32, #tpu.memory_space<vmem>> -> memref<1x128xi32, #tpu.memory_space<vmem>>
    %dma_start3A_20 = tpu.memref_squeeze %dma_start3A_19 : memref<1x128xi32, #tpu.memory_space<vmem>> -> memref<128xi32, #tpu.memory_space<vmem>>
    %dma_start3A_21 = tpu.memref_slice %arg3[%add3A_13] : memref<320000xi32, #tpu.memory_space<hbm>> -> memref<128xi32, #tpu.memory_space<hbm>>
    tpu.enqueue_dma source(%dma_start3A_21 : memref<128xi32, #tpu.memory_space<hbm>>) target(%dma_start3A_20 : memref<128xi32, #tpu.memory_space<vmem>>) target_semaphore(%arg16 : memref<!tpu.dma_semaphore, #tpu.memory_space<semaphore_mem>>)
    %add3A_22 = arith.constant 0 : i32
    %add3A_23 = arith.addi %mul3A_2, %add3A_22 : i32
    %dma_start3A_24 = arith.constant 0 : i32
    %dma_start3A_25 = arith.constant 0 : i32
    %dma_start3A_26 = tpu.memref_slice %arg7[%dma_start3A_24, %dma_start3A_25] : memref<2x128xi32, #tpu.memory_space<vmem>> -> memref<1x128xi32, #tpu.memory_space<vmem>>
    %dma_start3A_27 = tpu.memref_squeeze %dma_start3A_26 : memref<1x128xi32, #tpu.memory_space<vmem>> -> memref<128xi32, #tpu.memory_space<vmem>>
    %dma_start3A_28 = tpu.memref_slice %arg4[%add3A_23] : memref<320000xi32, #tpu.memory_space<hbm>> -> memref<128xi32, #tpu.memory_space<hbm>>
    %dma_start3A_29 = arith.constant 0 : i32
    %dma_start3A_30 = tpu.memref_slice %arg7[%dma_start3A_24, %dma_start3A_29] : memref<2x128xi32, #tpu.memory_space<vmem>> -> memref<1x128xi32, #tpu.memory_space<vmem>>
    %dma_start3A_31 = tpu.memref_squeeze %dma_start3A_30 : memref<1x128xi32, #tpu.memory_space<vmem>> -> memref<128xi32, #tpu.memory_space<vmem>>
    %dma_start3A_32 = tpu.memref_slice %arg4[%add3A_23] : memref<320000xi32, #tpu.memory_space<hbm>> -> memref<128xi32, #tpu.memory_space<hbm>>
    tpu.enqueue_dma source(%dma_start3A_32 : memref<128xi32, #tpu.memory_space<hbm>>) target(%dma_start3A_31 : memref<128xi32, #tpu.memory_space<vmem>>) target_semaphore(%arg16 : memref<!tpu.dma_semaphore, #tpu.memory_space<semaphore_mem>>)
    %add3A_33 = arith.constant 128 : i32
    %add3A_34 = arith.addi %mul3A_2, %add3A_33 : i32
    %dma_start3A_35 = arith.constant 1 : i32
    %dma_start3A_36 = arith.constant 0 : i32
    %dma_start3A_37 = tpu.memref_slice %arg6[%dma_start3A_35, %dma_start3A_36] : memref<2x128xi32, #tpu.memory_space<vmem>> -> memref<1x128xi32, #tpu.memory_space<vmem>>
    %dma_start3A_38 = tpu.memref_squeeze %dma_start3A_37 : memref<1x128xi32, #tpu.memory_space<vmem>> -> memref<128xi32, #tpu.memory_space<vmem>>
    %dma_start3A_39 = tpu.memref_slice %arg3[%add3A_34] : memref<320000xi32, #tpu.memory_space<hbm>> -> memref<128xi32, #tpu.memory_space<hbm>>
    %dma_start3A_40 = arith.constant 0 : i32
    %dma_start3A_41 = tpu.memref_slice %arg6[%dma_start3A_35, %dma_start3A_40] : memref<2x128xi32, #tpu.memory_space<vmem>> -> memref<1x128xi32, #tpu.memory_space<vmem>>
    %dma_start3A_42 = tpu.memref_squeeze %dma_start3A_41 : memref<1x128xi32, #tpu.memory_space<vmem>> -> memref<128xi32, #tpu.memory_space<vmem>>
    %dma_start3A_43 = tpu.memref_slice %arg3[%add3A_34] : memref<320000xi32, #tpu.memory_space<hbm>> -> memref<128xi32, #tpu.memory_space<hbm>>
    tpu.enqueue_dma source(%dma_start3A_43 : memref<128xi32, #tpu.memory_space<hbm>>) target(%dma_start3A_42 : memref<128xi32, #tpu.memory_space<vmem>>) target_semaphore(%arg17 : memref<!tpu.dma_semaphore, #tpu.memory_space<semaphore_mem>>)
    %add3A_44 = arith.constant 128 : i32
    %add3A_45 = arith.addi %mul3A_2, %add3A_44 : i32
    %dma_start3A_46 = arith.constant 1 : i32
    %dma_start3A_47 = arith.constant 0 : i32
    %dma_start3A_48 = tpu.memref_slice %arg7[%dma_start3A_46, %dma_start3A_47] : memref<2x128xi32, #tpu.memory_space<vmem>> -> memref<1x128xi32, #tpu.memory_space<vmem>>
    %dma_start3A_49 = tpu.memref_squeeze %dma_start3A_48 : memref<1x128xi32, #tpu.memory_space<vmem>> -> memref<128xi32, #tpu.memory_space<vmem>>
    %dma_start3A_50 = tpu.memref_slice %arg4[%add3A_45] : memref<320000xi32, #tpu.memory_space<hbm>> -> memref<128xi32, #tpu.memory_space<hbm>>
    %dma_start3A_51 = arith.constant 0 : i32
    %dma_start3A_52 = tpu.memref_slice %arg7[%dma_start3A_46, %dma_start3A_51] : memref<2x128xi32, #tpu.memory_space<vmem>> -> memref<1x128xi32, #tpu.memory_space<vmem>>
    %dma_start3A_53 = tpu.memref_squeeze %dma_start3A_52 : memref<1x128xi32, #tpu.memory_space<vmem>> -> memref<128xi32, #tpu.memory_space<vmem>>
    %dma_start3A_54 = tpu.memref_slice %arg4[%add3A_45] : memref<320000xi32, #tpu.memory_space<hbm>> -> memref<128xi32, #tpu.memory_space<hbm>>
    tpu.enqueue_dma source(%dma_start3A_54 : memref<128xi32, #tpu.memory_space<hbm>>) target(%dma_start3A_53 : memref<128xi32, #tpu.memory_space<vmem>>) target_semaphore(%arg17 : memref<!tpu.dma_semaphore, #tpu.memory_space<semaphore_mem>>)
    %add3A_55 = arith.constant 0 : i32
    %add3A_56 = arith.addi %mul3A_2, %add3A_55 : i32
    %dma_wait3A = arith.constant 0 : i32
    %dma_wait3A_57 = arith.constant 0 : i32
    %dma_wait3A_58 = tpu.memref_slice %arg6[%dma_wait3A, %dma_wait3A_57] : memref<2x128xi32, #tpu.memory_space<vmem>> -> memref<1x128xi32, #tpu.memory_space<vmem>>
    %dma_wait3A_59 = tpu.memref_squeeze %dma_wait3A_58 : memref<1x128xi32, #tpu.memory_space<vmem>> -> memref<128xi32, #tpu.memory_space<vmem>>
    %dma_wait3A_60 = tpu.memref_slice %arg3[%add3A_56] : memref<320000xi32, #tpu.memory_space<hbm>> -> memref<128xi32, #tpu.memory_space<hbm>>
    %dma_wait3A_61 = arith.constant 0 : i32
    %dma_wait3A_62 = tpu.memref_slice %arg6[%dma_wait3A, %dma_wait3A_61] : memref<2x128xi32, #tpu.memory_space<vmem>> -> memref<1x128xi32, #tpu.memory_space<vmem>>
    %dma_wait3A_63 = tpu.memref_squeeze %dma_wait3A_62 : memref<1x128xi32, #tpu.memory_space<vmem>> -> memref<128xi32, #tpu.memory_space<vmem>>
    %dma_wait3A_64 = tpu.memref_slice %arg3[%add3A_56] : memref<320000xi32, #tpu.memory_space<hbm>> -> memref<128xi32, #tpu.memory_space<hbm>>
    tpu.wait_dma2 semaphore(%arg16 : memref<!tpu.dma_semaphore, #tpu.memory_space<semaphore_mem>>) src(%dma_wait3A_64 : memref<128xi32, #tpu.memory_space<hbm>>) dst(%dma_wait3A_63 : memref<128xi32, #tpu.memory_space<vmem>>)
    %add3A_65 = arith.constant 0 : i32
    %add3A_66 = arith.addi %mul3A_2, %add3A_65 : i32
    %dma_wait3A_67 = arith.constant 0 : i32
    %dma_wait3A_68 = arith.constant 0 : i32
    %dma_wait3A_69 = tpu.memref_slice %arg7[%dma_wait3A_67, %dma_wait3A_68] : memref<2x128xi32, #tpu.memory_space<vmem>> -> memref<1x128xi32, #tpu.memory_space<vmem>>
    %dma_wait3A_70 = tpu.memref_squeeze %dma_wait3A_69 : memref<1x128xi32, #tpu.memory_space<vmem>> -> memref<128xi32, #tpu.memory_space<vmem>>
    %dma_wait3A_71 = tpu.memref_slice %arg4[%add3A_66] : memref<320000xi32, #tpu.memory_space<hbm>> -> memref<128xi32, #tpu.memory_space<hbm>>
    %dma_wait3A_72 = arith.constant 0 : i32
    %dma_wait3A_73 = tpu.memref_slice %arg7[%dma_wait3A_67, %dma_wait3A_72] : memref<2x128xi32, #tpu.memory_space<vmem>> -> memref<1x128xi32, #tpu.memory_space<vmem>>
    %dma_wait3A_74 = tpu.memref_squeeze %dma_wait3A_73 : memref<1x128xi32, #tpu.memory_space<vmem>> -> memref<128xi32, #tpu.memory_space<vmem>>
    %dma_wait3A_75 = tpu.memref_slice %arg4[%add3A_66] : memref<320000xi32, #tpu.memory_space<hbm>> -> memref<128xi32, #tpu.memory_space<hbm>>
    tpu.wait_dma2 semaphore(%arg16 : memref<!tpu.dma_semaphore, #tpu.memory_space<semaphore_mem>>) src(%dma_wait3A_75 : memref<128xi32, #tpu.memory_space<hbm>>) dst(%dma_wait3A_74 : memref<128xi32, #tpu.memory_space<vmem>>)
    %dma_start3A_76 = arith.constant 0 : i32
    %dma_start3A_77 = arith.constant 0 : i32
    %dma_start3A_78 = tpu.memref_slice %arg6[%dma_start3A_76, %dma_start3A_77] : memref<2x128xi32, #tpu.memory_space<vmem>> -> memref<1x128xi32, #tpu.memory_space<vmem>>
    %dma_start3A_79 = tpu.memref_squeeze %dma_start3A_78 : memref<1x128xi32, #tpu.memory_space<vmem>> -> memref<128xi32, #tpu.memory_space<vmem>>
    %dma_start3A_80 = arith.constant 0 : i32
    %dma_start3A_81 = arith.constant 0 : i32
    %dma_start3A_82 = tpu.memref_slice %arg2[%dma_start3A_80, %dma_start3A_81] : memref<10000x128xf32, #tpu.memory_space<hbm>> -> memref<10000x128xf32, #tpu.memory_space<hbm>>
    tpu.enqueue_indirect_dma source(%dma_start3A_82 : memref<10000x128xf32, #tpu.memory_space<hbm>>) target(%arg8 : memref<128x128xf32, #tpu.memory_space<vmem>>) offsets(%dma_start3A_79 : memref<128xi32, #tpu.memory_space<vmem>>) semaphore(%arg14 : memref<!tpu.dma_semaphore, #tpu.memory_space<semaphore_mem>>)
    %scan3A_83 = arith.constant 0 : i32
    %scan3A_84 = arith.constant 39 : i32
    %scan3A_85 = arith.addi %scan3A_83, %scan3A_84 : i32
    %scan3A_86 = arith.constant 1 : i32
    scf.for %scan3A_146 = %scan3A_83 to %scan3A_85 step %scan3A_86  : i32 {
      %mul3A_147 = arith.constant 1 : i32
      %mul3A_148 = arith.muli %scan3A_146, %mul3A_147 : i32
      %add3A_149 = arith.constant 0 : i32
      %add3A_150 = arith.addi %add3A_149, %mul3A_148 : i32
      %mul3A_151 = arith.constant 2 : i32
      %mul3A_152 = arith.muli %mul3A_151, %add3A_150 : i32
      %add3A_153 = arith.constant 1 : i32
      %add3A_154 = arith.addi %mul3A_152, %add3A_153 : i32
      %dma_wait3A_155 = arith.constant 0 : i32
      %dma_wait3A_156 = arith.constant 0 : i32
      %dma_wait3A_157 = tpu.memref_slice %arg6[%dma_wait3A_155, %dma_wait3A_156] : memref<2x128xi32, #tpu.memory_space<vmem>> -> memref<1x128xi32, #tpu.memory_space<vmem>>
      %dma_wait3A_158 = tpu.memref_squeeze %dma_wait3A_157 : memref<1x128xi32, #tpu.memory_space<vmem>> -> memref<128xi32, #tpu.memory_space<vmem>>
      %dma_wait3A_159 = arith.constant 0 : i32
      %dma_wait3A_160 = arith.constant 0 : i32
      %dma_wait3A_161 = tpu.memref_slice %arg2[%dma_wait3A_159, %dma_wait3A_160] : memref<10000x128xf32, #tpu.memory_space<hbm>> -> memref<10000x128xf32, #tpu.memory_space<hbm>>
      tpu.wait_indirect_dma semaphore(%arg14 : memref<!tpu.dma_semaphore, #tpu.memory_space<semaphore_mem>>) src(%dma_wait3A_161 : memref<10000x128xf32, #tpu.memory_space<hbm>>) dst(%arg8 : memref<128x128xf32, #tpu.memory_space<vmem>>)
      %mul3A_162 = arith.constant 128 : i32
      %mul3A_163 = arith.muli %add3A_154, %mul3A_162 : i32
      %add3A_164 = arith.addi %mul3A_2, %mul3A_163 : i32
      %dma_wait3A_165 = arith.constant 1 : i32
      %dma_wait3A_166 = arith.constant 0 : i32
      %dma_wait3A_167 = tpu.memref_slice %arg6[%dma_wait3A_165, %dma_wait3A_166] : memref<2x128xi32, #tpu.memory_space<vmem>> -> memref<1x128xi32, #tpu.memory_space<vmem>>
      %dma_wait3A_168 = tpu.memref_squeeze %dma_wait3A_167 : memref<1x128xi32, #tpu.memory_space<vmem>> -> memref<128xi32, #tpu.memory_space<vmem>>
      %dma_wait3A_169 = tpu.memref_slice %arg3[%add3A_164] : memref<320000xi32, #tpu.memory_space<hbm>> -> memref<128xi32, #tpu.memory_space<hbm>>
      %dma_wait3A_170 = arith.constant 0 : i32
      %dma_wait3A_171 = tpu.memref_slice %arg6[%dma_wait3A_165, %dma_wait3A_170] : memref<2x128xi32, #tpu.memory_space<vmem>> -> memref<1x128xi32, #tpu.memory_space<vmem>>
      %dma_wait3A_172 = tpu.memref_squeeze %dma_wait3A_171 : memref<1x128xi32, #tpu.memory_space<vmem>> -> memref<128xi32, #tpu.memory_space<vmem>>
      %dma_wait3A_173 = tpu.memref_slice %arg3[%add3A_164] : memref<320000xi32, #tpu.memory_space<hbm>> -> memref<128xi32, #tpu.memory_space<hbm>>
      tpu.wait_dma2 semaphore(%arg17 : memref<!tpu.dma_semaphore, #tpu.memory_space<semaphore_mem>>) src(%dma_wait3A_173 : memref<128xi32, #tpu.memory_space<hbm>>) dst(%dma_wait3A_172 : memref<128xi32, #tpu.memory_space<vmem>>)
      %mul3A_174 = arith.constant 128 : i32
      %mul3A_175 = arith.muli %add3A_154, %mul3A_174 : i32
      %add3A_176 = arith.addi %mul3A_2, %mul3A_175 : i32
      %dma_wait3A_177 = arith.constant 1 : i32
      %dma_wait3A_178 = arith.constant 0 : i32
      %dma_wait3A_179 = tpu.memref_slice %arg7[%dma_wait3A_177, %dma_wait3A_178] : memref<2x128xi32, #tpu.memory_space<vmem>> -> memref<1x128xi32, #tpu.memory_space<vmem>>
      %dma_wait3A_180 = tpu.memref_squeeze %dma_wait3A_179 : memref<1x128xi32, #tpu.memory_space<vmem>> -> memref<128xi32, #tpu.memory_space<vmem>>
      %dma_wait3A_181 = tpu.memref_slice %arg4[%add3A_176] : memref<320000xi32, #tpu.memory_space<hbm>> -> memref<128xi32, #tpu.memory_space<hbm>>
      %dma_wait3A_182 = arith.constant 0 : i32
      %dma_wait3A_183 = tpu.memref_slice %arg7[%dma_wait3A_177, %dma_wait3A_182] : memref<2x128xi32, #tpu.memory_space<vmem>> -> memref<1x128xi32, #tpu.memory_space<vmem>>
      %dma_wait3A_184 = tpu.memref_squeeze %dma_wait3A_183 : memref<1x128xi32, #tpu.memory_space<vmem>> -> memref<128xi32, #tpu.memory_space<vmem>>
      %dma_wait3A_185 = tpu.memref_slice %arg4[%add3A_176] : memref<320000xi32, #tpu.memory_space<hbm>> -> memref<128xi32, #tpu.memory_space<hbm>>
      tpu.wait_dma2 semaphore(%arg17 : memref<!tpu.dma_semaphore, #tpu.memory_space<semaphore_mem>>) src(%dma_wait3A_185 : memref<128xi32, #tpu.memory_space<hbm>>) dst(%dma_wait3A_184 : memref<128xi32, #tpu.memory_space<vmem>>)
      %dma_start3A_186 = arith.constant 1 : i32
      %dma_start3A_187 = arith.constant 0 : i32
      %dma_start3A_188 = tpu.memref_slice %arg6[%dma_start3A_186, %dma_start3A_187] : memref<2x128xi32, #tpu.memory_space<vmem>> -> memref<1x128xi32, #tpu.memory_space<vmem>>
      %dma_start3A_189 = tpu.memref_squeeze %dma_start3A_188 : memref<1x128xi32, #tpu.memory_space<vmem>> -> memref<128xi32, #tpu.memory_space<vmem>>
      %dma_start3A_190 = arith.constant 0 : i32
      %dma_start3A_191 = arith.constant 0 : i32
      %dma_start3A_192 = tpu.memref_slice %arg2[%dma_start3A_190, %dma_start3A_191] : memref<10000x128xf32, #tpu.memory_space<hbm>> -> memref<10000x128xf32, #tpu.memory_space<hbm>>
      tpu.enqueue_indirect_dma source(%dma_start3A_192 : memref<10000x128xf32, #tpu.memory_space<hbm>>) target(%arg9 : memref<128x128xf32, #tpu.memory_space<vmem>>) offsets(%dma_start3A_189 : memref<128xi32, #tpu.memory_space<vmem>>) semaphore(%arg15 : memref<!tpu.dma_semaphore, #tpu.memory_space<semaphore_mem>>)
      %run_scoped3A_193 = arith.constant 0 : i32
      "tpu.region"() ({
        %run_scoped3A_292 = tpu.sem_alloc : memref<!tpu.dma_semaphore, #tpu.memory_space<semaphore_mem>>
        %dma_start3A_293 = arith.constant 0 : i32
        %dma_start3A_294 = tpu.memref_slice %arg7[%run_scoped3A_193, %dma_start3A_293] : memref<2x128xi32, #tpu.memory_space<vmem>> -> memref<1x128xi32, #tpu.memory_space<vmem>>
        %dma_start3A_295 = tpu.memref_squeeze %dma_start3A_294 : memref<1x128xi32, #tpu.memory_space<vmem>> -> memref<128xi32, #tpu.memory_space<vmem>>
        %dma_start3A_296 = arith.constant 0 : i32
        %dma_start3A_297 = arith.constant 0 : i32
        %dma_start3A_298 = tpu.memref_slice %arg13[%dma_start3A_296, %dma_start3A_297] : memref<10240x128xf32, #tpu.memory_space<vmem_shared>> -> memref<10240x128xf32, #tpu.memory_space<vmem_shared>>
        tpu.enqueue_indirect_dma source(%arg8 : memref<128x128xf32, #tpu.memory_space<vmem>>) target(%dma_start3A_298 : memref<10240x128xf32, #tpu.memory_space<vmem_shared>>) offsets(%dma_start3A_295 : memref<128xi32, #tpu.memory_space<vmem>>) semaphore(%run_scoped3A_292 : memref<!tpu.dma_semaphore, #tpu.memory_space<semaphore_mem>>) {add = true}
        %dma_wait3A_299 = arith.constant 0 : i32
        %dma_wait3A_300 = tpu.memref_slice %arg7[%run_scoped3A_193, %dma_wait3A_299] : memref<2x128xi32, #tpu.memory_space<vmem>> -> memref<1x128xi32, #tpu.memory_space<vmem>>
        %dma_wait3A_301 = tpu.memref_squeeze %dma_wait3A_300 : memref<1x128xi32, #tpu.memory_space<vmem>> -> memref<128xi32, #tpu.memory_space<vmem>>
        %dma_wait3A_302 = arith.constant 0 : i32
        %dma_wait3A_303 = arith.constant 0 : i32
        %dma_wait3A_304 = tpu.memref_slice %arg13[%dma_wait3A_302, %dma_wait3A_303] : memref<10240x128xf32, #tpu.memory_space<vmem_shared>> -> memref<10240x128xf32, #tpu.memory_space<vmem_shared>>
        tpu.wait_indirect_dma semaphore(%run_scoped3A_292 : memref<!tpu.dma_semaphore, #tpu.memory_space<semaphore_mem>>) src(%arg8 : memref<128x128xf32, #tpu.memory_space<vmem>>) dst(%dma_wait3A_304 : memref<10240x128xf32, #tpu.memory_space<vmem_shared>>)
        tpu.yield
      }) : () -> ()
      %add3A_194 = arith.constant 2 : i32
      %add3A_195 = arith.addi %mul3A_152, %add3A_194 : i32
      %min3A = arith.constant 77 : i32
      %min3A_196 = arith.minsi %add3A_195, %min3A : i32
      %mul3A_197 = arith.constant 128 : i32
      %mul3A_198 = arith.muli %min3A_196, %mul3A_197 : i32
      %add3A_199 = arith.addi %mul3A_2, %mul3A_198 : i32
      %dma_start3A_200 = arith.constant 0 : i32
      %dma_start3A_201 = arith.constant 0 : i32
      %dma_start3A_202 = tpu.memref_slice %arg6[%dma_start3A_200, %dma_start3A_201] : memref<2x128xi32, #tpu.memory_space<vmem>> -> memref<1x128xi32, #tpu.memory_space<vmem>>
      %dma_start3A_203 = tpu.memref_squeeze %dma_start3A_202 : memref<1x128xi32, #tpu.memory_space<vmem>> -> memref<128xi32, #tpu.memory_space<vmem>>
      %dma_start3A_204 = tpu.memref_slice %arg3[%add3A_199] : memref<320000xi32, #tpu.memory_space<hbm>> -> memref<128xi32, #tpu.memory_space<hbm>>
      %dma_start3A_205 = arith.constant 0 : i32
      %dma_start3A_206 = tpu.memref_slice %arg6[%dma_start3A_200, %dma_start3A_205] : memref<2x128xi32, #tpu.memory_space<vmem>> -> memref<1x128xi32, #tpu.memory_space<vmem>>
      %dma_start3A_207 = tpu.memref_squeeze %dma_start3A_206 : memref<1x128xi32, #tpu.memory_space<vmem>> -> memref<128xi32, #tpu.memory_space<vmem>>
      %dma_start3A_208 = tpu.memref_slice %arg3[%add3A_199] : memref<320000xi32, #tpu.memory_space<hbm>> -> memref<128xi32, #tpu.memory_space<hbm>>
      tpu.enqueue_dma source(%dma_start3A_208 : memref<128xi32, #tpu.memory_space<hbm>>) target(%dma_start3A_207 : memref<128xi32, #tpu.memory_space<vmem>>) target_semaphore(%arg16 : memref<!tpu.dma_semaphore, #tpu.memory_space<semaphore_mem>>)
      %mul3A_209 = arith.constant 128 : i32
      %mul3A_210 = arith.muli %min3A_196, %mul3A_209 : i32
      %add3A_211 = arith.addi %mul3A_2, %mul3A_210 : i32
      %dma_start3A_212 = arith.constant 0 : i32
      %dma_start3A_213 = arith.constant 0 : i32
      %dma_start3A_214 = tpu.memref_slice %arg7[%dma_start3A_212, %dma_start3A_213] : memref<2x128xi32, #tpu.memory_space<vmem>> -> memref<1x128xi32, #tpu.memory_space<vmem>>
      %dma_start3A_215 = tpu.memref_squeeze %dma_start3A_214 : memref<1x128xi32, #tpu.memory_space<vmem>> -> memref<128xi32, #tpu.memory_space<vmem>>
      %dma_start3A_216 = tpu.memref_slice %arg4[%add3A_211] : memref<320000xi32, #tpu.memory_space<hbm>> -> memref<128xi32, #tpu.memory_space<hbm>>
      %dma_start3A_217 = arith.constant 0 : i32
      %dma_start3A_218 = tpu.memref_slice %arg7[%dma_start3A_212, %dma_start3A_217] : memref<2x128xi32, #tpu.memory_space<vmem>> -> memref<1x128xi32, #tpu.memory_space<vmem>>
      %dma_start3A_219 = tpu.memref_squeeze %dma_start3A_218 : memref<1x128xi32, #tpu.memory_space<vmem>> -> memref<128xi32, #tpu.memory_space<vmem>>
      %dma_start3A_220 = tpu.memref_slice %arg4[%add3A_211] : memref<320000xi32, #tpu.memory_space<hbm>> -> memref<128xi32, #tpu.memory_space<hbm>>
      tpu.enqueue_dma source(%dma_start3A_220 : memref<128xi32, #tpu.memory_space<hbm>>) target(%dma_start3A_219 : memref<128xi32, #tpu.memory_space<vmem>>) target_semaphore(%arg16 : memref<!tpu.dma_semaphore, #tpu.memory_space<semaphore_mem>>)
      %dma_wait3A_221 = arith.constant 1 : i32
      %dma_wait3A_222 = arith.constant 0 : i32
      %dma_wait3A_223 = tpu.memref_slice %arg6[%dma_wait3A_221, %dma_wait3A_222] : memref<2x128xi32, #tpu.memory_space<vmem>> -> memref<1x128xi32, #tpu.memory_space<vmem>>
      %dma_wait3A_224 = tpu.memref_squeeze %dma_wait3A_223 : memref<1x128xi32, #tpu.memory_space<vmem>> -> memref<128xi32, #tpu.memory_space<vmem>>
      %dma_wait3A_225 = arith.constant 0 : i32
      %dma_wait3A_226 = arith.constant 0 : i32
      %dma_wait3A_227 = tpu.memref_slice %arg2[%dma_wait3A_225, %dma_wait3A_226] : memref<10000x128xf32, #tpu.memory_space<hbm>> -> memref<10000x128xf32, #tpu.memory_space<hbm>>
      tpu.wait_indirect_dma semaphore(%arg15 : memref<!tpu.dma_semaphore, #tpu.memory_space<semaphore_mem>>) src(%dma_wait3A_227 : memref<10000x128xf32, #tpu.memory_space<hbm>>) dst(%arg9 : memref<128x128xf32, #tpu.memory_space<vmem>>)
      %add3A_228 = arith.constant 2 : i32
      %add3A_229 = arith.addi %mul3A_152, %add3A_228 : i32
      %min3A_230 = arith.constant 77 : i32
      %min3A_231 = arith.minsi %add3A_229, %min3A_230 : i32
      %mul3A_232 = arith.constant 128 : i32
      %mul3A_233 = arith.muli %min3A_231, %mul3A_232 : i32
      %add3A_234 = arith.addi %mul3A_2, %mul3A_233 : i32
      %dma_wait3A_235 = arith.constant 0 : i32
      %dma_wait3A_236 = arith.constant 0 : i32
      %dma_wait3A_237 = tpu.memref_slice %arg6[%dma_wait3A_235, %dma_wait3A_236] : memref<2x128xi32, #tpu.memory_space<vmem>> -> memref<1x128xi32, #tpu.memory_space<vmem>>
      %dma_wait3A_238 = tpu.memref_squeeze %dma_wait3A_237 : memref<1x128xi32, #tpu.memory_space<vmem>> -> memref<128xi32, #tpu.memory_space<vmem>>
      %dma_wait3A_239 = tpu.memref_slice %arg3[%add3A_234] : memref<320000xi32, #tpu.memory_space<hbm>> -> memref<128xi32, #tpu.memory_space<hbm>>
      %dma_wait3A_240 = arith.constant 0 : i32
      %dma_wait3A_241 = tpu.memref_slice %arg6[%dma_wait3A_235, %dma_wait3A_240] : memref<2x128xi32, #tpu.memory_space<vmem>> -> memref<1x128xi32, #tpu.memory_space<vmem>>
      %dma_wait3A_242 = tpu.memref_squeeze %dma_wait3A_241 : memref<1x128xi32, #tpu.memory_space<vmem>> -> memref<128xi32, #tpu.memory_space<vmem>>
      %dma_wait3A_243 = tpu.memref_slice %arg3[%add3A_234] : memref<320000xi32, #tpu.memory_space<hbm>> -> memref<128xi32, #tpu.memory_space<hbm>>
      tpu.wait_dma2 semaphore(%arg16 : memref<!tpu.dma_semaphore, #tpu.memory_space<semaphore_mem>>) src(%dma_wait3A_243 : memref<128xi32, #tpu.memory_space<hbm>>) dst(%dma_wait3A_242 : memref<128xi32, #tpu.memory_space<vmem>>)
      %mul3A_244 = arith.constant 128 : i32
      %mul3A_245 = arith.muli %min3A_231, %mul3A_244 : i32
      %add3A_246 = arith.addi %mul3A_2, %mul3A_245 : i32
      %dma_wait3A_247 = arith.constant 0 : i32
      %dma_wait3A_248 = arith.constant 0 : i32
      %dma_wait3A_249 = tpu.memref_slice %arg7[%dma_wait3A_247, %dma_wait3A_248] : memref<2x128xi32, #tpu.memory_space<vmem>> -> memref<1x128xi32, #tpu.memory_space<vmem>>
      %dma_wait3A_250 = tpu.memref_squeeze %dma_wait3A_249 : memref<1x128xi32, #tpu.memory_space<vmem>> -> memref<128xi32, #tpu.memory_space<vmem>>
      %dma_wait3A_251 = tpu.memref_slice %arg4[%add3A_246] : memref<320000xi32, #tpu.memory_space<hbm>> -> memref<128xi32, #tpu.memory_space<hbm>>
      %dma_wait3A_252 = arith.constant 0 : i32
      %dma_wait3A_253 = tpu.memref_slice %arg7[%dma_wait3A_247, %dma_wait3A_252] : memref<2x128xi32, #tpu.memory_space<vmem>> -> memref<1x128xi32, #tpu.memory_space<vmem>>
      %dma_wait3A_254 = tpu.memref_squeeze %dma_wait3A_253 : memref<1x128xi32, #tpu.memory_space<vmem>> -> memref<128xi32, #tpu.memory_space<vmem>>
      %dma_wait3A_255 = tpu.memref_slice %arg4[%add3A_246] : memref<320000xi32, #tpu.memory_space<hbm>> -> memref<128xi32, #tpu.memory_space<hbm>>
      tpu.wait_dma2 semaphore(%arg16 : memref<!tpu.dma_semaphore, #tpu.memory_space<semaphore_mem>>) src(%dma_wait3A_255 : memref<128xi32, #tpu.memory_space<hbm>>) dst(%dma_wait3A_254 : memref<128xi32, #tpu.memory_space<vmem>>)
      %dma_start3A_256 = arith.constant 0 : i32
      %dma_start3A_257 = arith.constant 0 : i32
      %dma_start3A_258 = tpu.memref_slice %arg6[%dma_start3A_256, %dma_start3A_257] : memref<2x128xi32, #tpu.memory_space<vmem>> -> memref<1x128xi32, #tpu.memory_space<vmem>>
      %dma_start3A_259 = tpu.memref_squeeze %dma_start3A_258 : memref<1x128xi32, #tpu.memory_space<vmem>> -> memref<128xi32, #tpu.memory_space<vmem>>
      %dma_start3A_260 = arith.constant 0 : i32
      %dma_start3A_261 = arith.constant 0 : i32
      %dma_start3A_262 = tpu.memref_slice %arg2[%dma_start3A_260, %dma_start3A_261] : memref<10000x128xf32, #tpu.memory_space<hbm>> -> memref<10000x128xf32, #tpu.memory_space<hbm>>
      tpu.enqueue_indirect_dma source(%dma_start3A_262 : memref<10000x128xf32, #tpu.memory_space<hbm>>) target(%arg8 : memref<128x128xf32, #tpu.memory_space<vmem>>) offsets(%dma_start3A_259 : memref<128xi32, #tpu.memory_space<vmem>>) semaphore(%arg14 : memref<!tpu.dma_semaphore, #tpu.memory_space<semaphore_mem>>)
      %run_scoped3A_263 = arith.constant 1 : i32
      "tpu.region"() ({
        %run_scoped3A_292 = tpu.sem_alloc : memref<!tpu.dma_semaphore, #tpu.memory_space<semaphore_mem>>
        %dma_start3A_293 = arith.constant 0 : i32
        %dma_start3A_294 = tpu.memref_slice %arg7[%run_scoped3A_263, %dma_start3A_293] : memref<2x128xi32, #tpu.memory_space<vmem>> -> memref<1x128xi32, #tpu.memory_space<vmem>>
        %dma_start3A_295 = tpu.memref_squeeze %dma_start3A_294 : memref<1x128xi32, #tpu.memory_space<vmem>> -> memref<128xi32, #tpu.memory_space<vmem>>
        %dma_start3A_296 = arith.constant 0 : i32
        %dma_start3A_297 = arith.constant 0 : i32
        %dma_start3A_298 = tpu.memref_slice %arg13[%dma_start3A_296, %dma_start3A_297] : memref<10240x128xf32, #tpu.memory_space<vmem_shared>> -> memref<10240x128xf32, #tpu.memory_space<vmem_shared>>
        tpu.enqueue_indirect_dma source(%arg9 : memref<128x128xf32, #tpu.memory_space<vmem>>) target(%dma_start3A_298 : memref<10240x128xf32, #tpu.memory_space<vmem_shared>>) offsets(%dma_start3A_295 : memref<128xi32, #tpu.memory_space<vmem>>) semaphore(%run_scoped3A_292 : memref<!tpu.dma_semaphore, #tpu.memory_space<semaphore_mem>>) {add = true}
        %dma_wait3A_299 = arith.constant 0 : i32
        %dma_wait3A_300 = tpu.memref_slice %arg7[%run_scoped3A_263, %dma_wait3A_299] : memref<2x128xi32, #tpu.memory_space<vmem>> -> memref<1x128xi32, #tpu.memory_space<vmem>>
        %dma_wait3A_301 = tpu.memref_squeeze %dma_wait3A_300 : memref<1x128xi32, #tpu.memory_space<vmem>> -> memref<128xi32, #tpu.memory_space<vmem>>
        %dma_wait3A_302 = arith.constant 0 : i32
        %dma_wait3A_303 = arith.constant 0 : i32
        %dma_wait3A_304 = tpu.memref_slice %arg13[%dma_wait3A_302, %dma_wait3A_303] : memref<10240x128xf32, #tpu.memory_space<vmem_shared>> -> memref<10240x128xf32, #tpu.memory_space<vmem_shared>>
        tpu.wait_indirect_dma semaphore(%run_scoped3A_292 : memref<!tpu.dma_semaphore, #tpu.memory_space<semaphore_mem>>) src(%arg9 : memref<128x128xf32, #tpu.memory_space<vmem>>) dst(%dma_wait3A_304 : memref<10240x128xf32, #tpu.memory_space<vmem_shared>>)
        tpu.yield
      }) : () -> ()
      %add3A_264 = arith.constant 2 : i32
      %add3A_265 = arith.addi %add3A_154, %add3A_264 : i32
      %min3A_266 = arith.constant 77 : i32
      %min3A_267 = arith.minsi %add3A_265, %min3A_266 : i32
      %mul3A_268 = arith.constant 128 : i32
      %mul3A_269 = arith.muli %min3A_267, %mul3A_268 : i32
      %add3A_270 = arith.addi %mul3A_2, %mul3A_269 : i32
      %dma_start3A_271 = arith.constant 1 : i32
      %dma_start3A_272 = arith.constant 0 : i32
      %dma_start3A_273 = tpu.memref_slice %arg6[%dma_start3A_271, %dma_start3A_272] : memref<2x128xi32, #tpu.memory_space<vmem>> -> memref<1x128xi32, #tpu.memory_space<vmem>>
      %dma_start3A_274 = tpu.memref_squeeze %dma_start3A_273 : memref<1x128xi32, #tpu.memory_space<vmem>> -> memref<128xi32, #tpu.memory_space<vmem>>
      %dma_start3A_275 = tpu.memref_slice %arg3[%add3A_270] : memref<320000xi32, #tpu.memory_space<hbm>> -> memref<128xi32, #tpu.memory_space<hbm>>
      %dma_start3A_276 = arith.constant 0 : i32
      %dma_start3A_277 = tpu.memref_slice %arg6[%dma_start3A_271, %dma_start3A_276] : memref<2x128xi32, #tpu.memory_space<vmem>> -> memref<1x128xi32, #tpu.memory_space<vmem>>
      %dma_start3A_278 = tpu.memref_squeeze %dma_start3A_277 : memref<1x128xi32, #tpu.memory_space<vmem>> -> memref<128xi32, #tpu.memory_space<vmem>>
      %dma_start3A_279 = tpu.memref_slice %arg3[%add3A_270] : memref<320000xi32, #tpu.memory_space<hbm>> -> memref<128xi32, #tpu.memory_space<hbm>>
      tpu.enqueue_dma source(%dma_start3A_279 : memref<128xi32, #tpu.memory_space<hbm>>) target(%dma_start3A_278 : memref<128xi32, #tpu.memory_space<vmem>>) target_semaphore(%arg17 : memref<!tpu.dma_semaphore, #tpu.memory_space<semaphore_mem>>)
      %mul3A_280 = arith.constant 128 : i32
      %mul3A_281 = arith.muli %min3A_267, %mul3A_280 : i32
      %add3A_282 = arith.addi %mul3A_2, %mul3A_281 : i32
      %dma_start3A_283 = arith.constant 1 : i32
      %dma_start3A_284 = arith.constant 0 : i32
      %dma_start3A_285 = tpu.memref_slice %arg7[%dma_start3A_283, %dma_start3A_284] : memref<2x128xi32, #tpu.memory_space<vmem>> -> memref<1x128xi32, #tpu.memory_space<vmem>>
      %dma_start3A_286 = tpu.memref_squeeze %dma_start3A_285 : memref<1x128xi32, #tpu.memory_space<vmem>> -> memref<128xi32, #tpu.memory_space<vmem>>
      %dma_start3A_287 = tpu.memref_slice %arg4[%add3A_282] : memref<320000xi32, #tpu.memory_space<hbm>> -> memref<128xi32, #tpu.memory_space<hbm>>
      %dma_start3A_288 = arith.constant 0 : i32
      %dma_start3A_289 = tpu.memref_slice %arg7[%dma_start3A_283, %dma_start3A_288] : memref<2x128xi32, #tpu.memory_space<vmem>> -> memref<1x128xi32, #tpu.memory_space<vmem>>
      %dma_start3A_290 = tpu.memref_squeeze %dma_start3A_289 : memref<1x128xi32, #tpu.memory_space<vmem>> -> memref<128xi32, #tpu.memory_space<vmem>>
      %dma_start3A_291 = tpu.memref_slice %arg4[%add3A_282] : memref<320000xi32, #tpu.memory_space<hbm>> -> memref<128xi32, #tpu.memory_space<hbm>>
      tpu.enqueue_dma source(%dma_start3A_291 : memref<128xi32, #tpu.memory_space<hbm>>) target(%dma_start3A_290 : memref<128xi32, #tpu.memory_space<vmem>>) target_semaphore(%arg17 : memref<!tpu.dma_semaphore, #tpu.memory_space<semaphore_mem>>)
    }
    %scan3A_87 = arith.constant 39 : i32
    %dma_wait3A_88 = arith.constant 0 : i32
    %dma_wait3A_89 = arith.constant 0 : i32
    %dma_wait3A_90 = tpu.memref_slice %arg6[%dma_wait3A_88, %dma_wait3A_89] : memref<2x128xi32, #tpu.memory_space<vmem>> -> memref<1x128xi32, #tpu.memory_space<vmem>>
    %dma_wait3A_91 = tpu.memref_squeeze %dma_wait3A_90 : memref<1x128xi32, #tpu.memory_space<vmem>> -> memref<128xi32, #tpu.memory_space<vmem>>
    %dma_wait3A_92 = arith.constant 0 : i32
    %dma_wait3A_93 = arith.constant 0 : i32
    %dma_wait3A_94 = tpu.memref_slice %arg2[%dma_wait3A_92, %dma_wait3A_93] : memref<10000x128xf32, #tpu.memory_space<hbm>> -> memref<10000x128xf32, #tpu.memory_space<hbm>>
    tpu.wait_indirect_dma semaphore(%arg14 : memref<!tpu.dma_semaphore, #tpu.memory_space<semaphore_mem>>) src(%dma_wait3A_94 : memref<10000x128xf32, #tpu.memory_space<hbm>>) dst(%arg8 : memref<128x128xf32, #tpu.memory_space<vmem>>)
    %add3A_95 = arith.constant 9856 : i32
    %add3A_96 = arith.addi %mul3A_2, %add3A_95 : i32
    %dma_wait3A_97 = arith.constant 1 : i32
    %dma_wait3A_98 = arith.constant 0 : i32
    %dma_wait3A_99 = tpu.memref_slice %arg6[%dma_wait3A_97, %dma_wait3A_98] : memref<2x128xi32, #tpu.memory_space<vmem>> -> memref<1x128xi32, #tpu.memory_space<vmem>>
    %dma_wait3A_100 = tpu.memref_squeeze %dma_wait3A_99 : memref<1x128xi32, #tpu.memory_space<vmem>> -> memref<128xi32, #tpu.memory_space<vmem>>
    %dma_wait3A_101 = tpu.memref_slice %arg3[%add3A_96] : memref<320000xi32, #tpu.memory_space<hbm>> -> memref<128xi32, #tpu.memory_space<hbm>>
    %dma_wait3A_102 = arith.constant 0 : i32
    %dma_wait3A_103 = tpu.memref_slice %arg6[%dma_wait3A_97, %dma_wait3A_102] : memref<2x128xi32, #tpu.memory_space<vmem>> -> memref<1x128xi32, #tpu.memory_space<vmem>>
    %dma_wait3A_104 = tpu.memref_squeeze %dma_wait3A_103 : memref<1x128xi32, #tpu.memory_space<vmem>> -> memref<128xi32, #tpu.memory_space<vmem>>
    %dma_wait3A_105 = tpu.memref_slice %arg3[%add3A_96] : memref<320000xi32, #tpu.memory_space<hbm>> -> memref<128xi32, #tpu.memory_space<hbm>>
    tpu.wait_dma2 semaphore(%arg17 : memref<!tpu.dma_semaphore, #tpu.memory_space<semaphore_mem>>) src(%dma_wait3A_105 : memref<128xi32, #tpu.memory_space<hbm>>) dst(%dma_wait3A_104 : memref<128xi32, #tpu.memory_space<vmem>>)
    %add3A_106 = arith.constant 9856 : i32
    %add3A_107 = arith.addi %mul3A_2, %add3A_106 : i32
    %dma_wait3A_108 = arith.constant 1 : i32
    %dma_wait3A_109 = arith.constant 0 : i32
    %dma_wait3A_110 = tpu.memref_slice %arg7[%dma_wait3A_108, %dma_wait3A_109] : memref<2x128xi32, #tpu.memory_space<vmem>> -> memref<1x128xi32, #tpu.memory_space<vmem>>
    %dma_wait3A_111 = tpu.memref_squeeze %dma_wait3A_110 : memref<1x128xi32, #tpu.memory_space<vmem>> -> memref<128xi32, #tpu.memory_space<vmem>>
    %dma_wait3A_112 = tpu.memref_slice %arg4[%add3A_107] : memref<320000xi32, #tpu.memory_space<hbm>> -> memref<128xi32, #tpu.memory_space<hbm>>
    %dma_wait3A_113 = arith.constant 0 : i32
    %dma_wait3A_114 = tpu.memref_slice %arg7[%dma_wait3A_108, %dma_wait3A_113] : memref<2x128xi32, #tpu.memory_space<vmem>> -> memref<1x128xi32, #tpu.memory_space<vmem>>
    %dma_wait3A_115 = tpu.memref_squeeze %dma_wait3A_114 : memref<1x128xi32, #tpu.memory_space<vmem>> -> memref<128xi32, #tpu.memory_space<vmem>>
    %dma_wait3A_116 = tpu.memref_slice %arg4[%add3A_107] : memref<320000xi32, #tpu.memory_space<hbm>> -> memref<128xi32, #tpu.memory_space<hbm>>
    tpu.wait_dma2 semaphore(%arg17 : memref<!tpu.dma_semaphore, #tpu.memory_space<semaphore_mem>>) src(%dma_wait3A_116 : memref<128xi32, #tpu.memory_space<hbm>>) dst(%dma_wait3A_115 : memref<128xi32, #tpu.memory_space<vmem>>)
    %add3A_117 = arith.constant 9984 : i32
    %add3A_118 = arith.addi %mul3A_2, %add3A_117 : i32
    %run_scoped3A = arith.constant 0 : i32
    "tpu.region"() ({
      %run_scoped3A_146 = tpu.sem_alloc : memref<!tpu.dma_semaphore, #tpu.memory_space<semaphore_mem>>
      %dma_start3A_147 = arith.constant 0 : i32
      %dma_start3A_148 = tpu.memref_slice %arg10[%run_scoped3A, %dma_start3A_147] : memref<1x16xi32, #tpu.memory_space<vmem>> -> memref<1x16xi32, #tpu.memory_space<vmem>>
      %dma_start3A_149 = tpu.memref_squeeze %dma_start3A_148 : memref<1x16xi32, #tpu.memory_space<vmem>> -> memref<16xi32, #tpu.memory_space<vmem>>
      %dma_start3A_150 = tpu.memref_slice %arg3[%add3A_118] : memref<320000xi32, #tpu.memory_space<hbm>> -> memref<16xi32, #tpu.memory_space<hbm>>
      %dma_start3A_151 = arith.constant 0 : i32
      %dma_start3A_152 = tpu.memref_slice %arg10[%run_scoped3A, %dma_start3A_151] : memref<1x16xi32, #tpu.memory_space<vmem>> -> memref<1x16xi32, #tpu.memory_space<vmem>>
      %dma_start3A_153 = tpu.memref_squeeze %dma_start3A_152 : memref<1x16xi32, #tpu.memory_space<vmem>> -> memref<16xi32, #tpu.memory_space<vmem>>
      %dma_start3A_154 = tpu.memref_slice %arg3[%add3A_118] : memref<320000xi32, #tpu.memory_space<hbm>> -> memref<16xi32, #tpu.memory_space<hbm>>
      tpu.enqueue_dma source(%dma_start3A_154 : memref<16xi32, #tpu.memory_space<hbm>>) target(%dma_start3A_153 : memref<16xi32, #tpu.memory_space<vmem>>) target_semaphore(%run_scoped3A_146 : memref<!tpu.dma_semaphore, #tpu.memory_space<semaphore_mem>>)
      %dma_wait3A_155 = arith.constant 0 : i32
      %dma_wait3A_156 = tpu.memref_slice %arg10[%run_scoped3A, %dma_wait3A_155] : memref<1x16xi32, #tpu.memory_space<vmem>> -> memref<1x16xi32, #tpu.memory_space<vmem>>
      %dma_wait3A_157 = tpu.memref_squeeze %dma_wait3A_156 : memref<1x16xi32, #tpu.memory_space<vmem>> -> memref<16xi32, #tpu.memory_space<vmem>>
      %dma_wait3A_158 = tpu.memref_slice %arg3[%add3A_118] : memref<320000xi32, #tpu.memory_space<hbm>> -> memref<16xi32, #tpu.memory_space<hbm>>
      %dma_wait3A_159 = arith.constant 0 : i32
      %dma_wait3A_160 = tpu.memref_slice %arg10[%run_scoped3A, %dma_wait3A_159] : memref<1x16xi32, #tpu.memory_space<vmem>> -> memref<1x16xi32, #tpu.memory_space<vmem>>
      %dma_wait3A_161 = tpu.memref_squeeze %dma_wait3A_160 : memref<1x16xi32, #tpu.memory_space<vmem>> -> memref<16xi32, #tpu.memory_space<vmem>>
      %dma_wait3A_162 = tpu.memref_slice %arg3[%add3A_118] : memref<320000xi32, #tpu.memory_space<hbm>> -> memref<16xi32, #tpu.memory_space<hbm>>
      tpu.wait_dma2 semaphore(%run_scoped3A_146 : memref<!tpu.dma_semaphore, #tpu.memory_space<semaphore_mem>>) src(%dma_wait3A_162 : memref<16xi32, #tpu.memory_space<hbm>>) dst(%dma_wait3A_161 : memref<16xi32, #tpu.memory_space<vmem>>)
      tpu.yield
    }) : () -> ()
    %run_scoped3A_119 = arith.constant 0 : i32
    "tpu.region"() ({
      %run_scoped3A_146 = tpu.sem_alloc : memref<!tpu.dma_semaphore, #tpu.memory_space<semaphore_mem>>
      %dma_start3A_147 = arith.constant 0 : i32
      %dma_start3A_148 = tpu.memref_slice %arg11[%run_scoped3A_119, %dma_start3A_147] : memref<1x16xi32, #tpu.memory_space<vmem>> -> memref<1x16xi32, #tpu.memory_space<vmem>>
      %dma_start3A_149 = tpu.memref_squeeze %dma_start3A_148 : memref<1x16xi32, #tpu.memory_space<vmem>> -> memref<16xi32, #tpu.memory_space<vmem>>
      %dma_start3A_150 = tpu.memref_slice %arg4[%add3A_118] : memref<320000xi32, #tpu.memory_space<hbm>> -> memref<16xi32, #tpu.memory_space<hbm>>
      %dma_start3A_151 = arith.constant 0 : i32
      %dma_start3A_152 = tpu.memref_slice %arg11[%run_scoped3A_119, %dma_start3A_151] : memref<1x16xi32, #tpu.memory_space<vmem>> -> memref<1x16xi32, #tpu.memory_space<vmem>>
      %dma_start3A_153 = tpu.memref_squeeze %dma_start3A_152 : memref<1x16xi32, #tpu.memory_space<vmem>> -> memref<16xi32, #tpu.memory_space<vmem>>
      %dma_start3A_154 = tpu.memref_slice %arg4[%add3A_118] : memref<320000xi32, #tpu.memory_space<hbm>> -> memref<16xi32, #tpu.memory_space<hbm>>
      tpu.enqueue_dma source(%dma_start3A_154 : memref<16xi32, #tpu.memory_space<hbm>>) target(%dma_start3A_153 : memref<16xi32, #tpu.memory_space<vmem>>) target_semaphore(%run_scoped3A_146 : memref<!tpu.dma_semaphore, #tpu.memory_space<semaphore_mem>>)
      %dma_wait3A_155 = arith.constant 0 : i32
      %dma_wait3A_156 = tpu.memref_slice %arg11[%run_scoped3A_119, %dma_wait3A_155] : memref<1x16xi32, #tpu.memory_space<vmem>> -> memref<1x16xi32, #tpu.memory_space<vmem>>
      %dma_wait3A_157 = tpu.memref_squeeze %dma_wait3A_156 : memref<1x16xi32, #tpu.memory_space<vmem>> -> memref<16xi32, #tpu.memory_space<vmem>>
      %dma_wait3A_158 = tpu.memref_slice %arg4[%add3A_118] : memref<320000xi32, #tpu.memory_space<hbm>> -> memref<16xi32, #tpu.memory_space<hbm>>
      %dma_wait3A_159 = arith.constant 0 : i32
      %dma_wait3A_160 = tpu.memref_slice %arg11[%run_scoped3A_119, %dma_wait3A_159] : memref<1x16xi32, #tpu.memory_space<vmem>> -> memref<1x16xi32, #tpu.memory_space<vmem>>
      %dma_wait3A_161 = tpu.memref_squeeze %dma_wait3A_160 : memref<1x16xi32, #tpu.memory_space<vmem>> -> memref<16xi32, #tpu.memory_space<vmem>>
      %dma_wait3A_162 = tpu.memref_slice %arg4[%add3A_118] : memref<320000xi32, #tpu.memory_space<hbm>> -> memref<16xi32, #tpu.memory_space<hbm>>
      tpu.wait_dma2 semaphore(%run_scoped3A_146 : memref<!tpu.dma_semaphore, #tpu.memory_space<semaphore_mem>>) src(%dma_wait3A_162 : memref<16xi32, #tpu.memory_space<hbm>>) dst(%dma_wait3A_161 : memref<16xi32, #tpu.memory_space<vmem>>)
      tpu.yield
    }) : () -> ()
    %dma_start3A_120 = arith.constant 0 : i32
    %dma_start3A_121 = arith.constant 0 : i32
    %dma_start3A_122 = arith.constant 0 : i32
    %dma_start3A_123 = tpu.memref_slice %arg12[%dma_start3A_121, %dma_start3A_122] : memref<16x128xf32, #tpu.memory_space<vmem>> -> memref<16x128xf32, #tpu.memory_space<vmem>>
    %dma_start3A_124 = arith.constant 0 : i32
    %dma_start3A_125 = tpu.memref_slice %arg10[%dma_start3A_120, %dma_start3A_124] : memref<1x16xi32, #tpu.memory_space<vmem>> -> memref<1x16xi32, #tpu.memory_space<vmem>>
    %dma_start3A_126 = tpu.memref_squeeze %dma_start3A_125 : memref<1x16xi32, #tpu.memory_space<vmem>> -> memref<16xi32, #tpu.memory_space<vmem>>
    %dma_start3A_127 = arith.constant 0 : i32
    %dma_start3A_128 = arith.constant 0 : i32
    %dma_start3A_129 = tpu.memref_slice %arg2[%dma_start3A_127, %dma_start3A_128] : memref<10000x128xf32, #tpu.memory_space<hbm>> -> memref<10000x128xf32, #tpu.memory_space<hbm>>
    tpu.enqueue_indirect_dma source(%dma_start3A_129 : memref<10000x128xf32, #tpu.memory_space<hbm>>) target(%dma_start3A_123 : memref<16x128xf32, #tpu.memory_space<vmem>>) offsets(%dma_start3A_126 : memref<16xi32, #tpu.memory_space<vmem>>) semaphore(%arg14 : memref<!tpu.dma_semaphore, #tpu.memory_space<semaphore_mem>>)
    %dma_wait3A_130 = arith.constant 0 : i32
    %dma_wait3A_131 = arith.constant 0 : i32
    %dma_wait3A_132 = arith.constant 0 : i32
    %dma_wait3A_133 = tpu.memref_slice %arg12[%dma_wait3A_131, %dma_wait3A_132] : memref<16x128xf32, #tpu.memory_space<vmem>> -> memref<16x128xf32, #tpu.memory_space<vmem>>
    %dma_wait3A_134 = arith.constant 0 : i32
    %dma_wait3A_135 = tpu.memref_slice %arg10[%dma_wait3A_130, %dma_wait3A_134] : memref<1x16xi32, #tpu.memory_space<vmem>> -> memref<1x16xi32, #tpu.memory_space<vmem>>
    %dma_wait3A_136 = tpu.memref_squeeze %dma_wait3A_135 : memref<1x16xi32, #tpu.memory_space<vmem>> -> memref<16xi32, #tpu.memory_space<vmem>>
    %dma_wait3A_137 = arith.constant 0 : i32
    %dma_wait3A_138 = arith.constant 0 : i32
    %dma_wait3A_139 = tpu.memref_slice %arg2[%dma_wait3A_137, %dma_wait3A_138] : memref<10000x128xf32, #tpu.memory_space<hbm>> -> memref<10000x128xf32, #tpu.memory_space<hbm>>
    tpu.wait_indirect_dma semaphore(%arg14 : memref<!tpu.dma_semaphore, #tpu.memory_space<semaphore_mem>>) src(%dma_wait3A_139 : memref<10000x128xf32, #tpu.memory_space<hbm>>) dst(%dma_wait3A_133 : memref<16x128xf32, #tpu.memory_space<vmem>>)
    %run_scoped3A_140 = arith.constant 0 : i32
    "tpu.region"() ({
      %run_scoped3A_146 = tpu.sem_alloc : memref<!tpu.dma_semaphore, #tpu.memory_space<semaphore_mem>>
      %dma_start3A_147 = arith.constant 0 : i32
      %dma_start3A_148 = arith.constant 0 : i32
      %dma_start3A_149 = tpu.memref_slice %arg12[%dma_start3A_147, %dma_start3A_148] : memref<16x128xf32, #tpu.memory_space<vmem>> -> memref<16x128xf32, #tpu.memory_space<vmem>>
      %dma_start3A_150 = arith.constant 0 : i32
      %dma_start3A_151 = tpu.memref_slice %arg11[%run_scoped3A_140, %dma_start3A_150] : memref<1x16xi32, #tpu.memory_space<vmem>> -> memref<1x16xi32, #tpu.memory_space<vmem>>
      %dma_start3A_152 = tpu.memref_squeeze %dma_start3A_151 : memref<1x16xi32, #tpu.memory_space<vmem>> -> memref<16xi32, #tpu.memory_space<vmem>>
      %dma_start3A_153 = arith.constant 0 : i32
      %dma_start3A_154 = arith.constant 0 : i32
      %dma_start3A_155 = tpu.memref_slice %arg13[%dma_start3A_153, %dma_start3A_154] : memref<10240x128xf32, #tpu.memory_space<vmem_shared>> -> memref<10240x128xf32, #tpu.memory_space<vmem_shared>>
      tpu.enqueue_indirect_dma source(%dma_start3A_149 : memref<16x128xf32, #tpu.memory_space<vmem>>) target(%dma_start3A_155 : memref<10240x128xf32, #tpu.memory_space<vmem_shared>>) offsets(%dma_start3A_152 : memref<16xi32, #tpu.memory_space<vmem>>) semaphore(%run_scoped3A_146 : memref<!tpu.dma_semaphore, #tpu.memory_space<semaphore_mem>>) {add = true}
      %dma_wait3A_156 = arith.constant 0 : i32
      %dma_wait3A_157 = arith.constant 0 : i32
      %dma_wait3A_158 = tpu.memref_slice %arg12[%dma_wait3A_156, %dma_wait3A_157] : memref<16x128xf32, #tpu.memory_space<vmem>> -> memref<16x128xf32, #tpu.memory_space<vmem>>
      %dma_wait3A_159 = arith.constant 0 : i32
      %dma_wait3A_160 = tpu.memref_slice %arg11[%run_scoped3A_140, %dma_wait3A_159] : memref<1x16xi32, #tpu.memory_space<vmem>> -> memref<1x16xi32, #tpu.memory_space<vmem>>
      %dma_wait3A_161 = tpu.memref_squeeze %dma_wait3A_160 : memref<1x16xi32, #tpu.memory_space<vmem>> -> memref<16xi32, #tpu.memory_space<vmem>>
      %dma_wait3A_162 = arith.constant 0 : i32
      %dma_wait3A_163 = arith.constant 0 : i32
      %dma_wait3A_164 = tpu.memref_slice %arg13[%dma_wait3A_162, %dma_wait3A_163] : memref<10240x128xf32, #tpu.memory_space<vmem_shared>> -> memref<10240x128xf32, #tpu.memory_space<vmem_shared>>
      tpu.wait_indirect_dma semaphore(%run_scoped3A_146 : memref<!tpu.dma_semaphore, #tpu.memory_space<semaphore_mem>>) src(%dma_wait3A_158 : memref<16x128xf32, #tpu.memory_space<vmem>>) dst(%dma_wait3A_164 : memref<10240x128xf32, #tpu.memory_space<vmem_shared>>)
      tpu.yield
    }) : () -> ()
    %barrier3A_141 = arith.constant 0 : index
    tpu.barrier barrier_id(%barrier3A_141)
    %mul3A_142 = arith.constant 640 : i32
    %mul3A_143 = arith.muli %arg1, %mul3A_142 : i32
    %mul3A_144 = arith.constant 640 : i32
    %mul3A_145 = arith.muli %arg1, %mul3A_144 : i32
    "tpu.region"() ({
      %run_scoped3A_146 = tpu.sem_alloc : memref<!tpu.dma_semaphore, #tpu.memory_space<semaphore_mem>>
      %dma_start3A_147 = arith.constant 0 : i32
      %dma_start3A_148 = tpu.memref_slice %arg5[%arg0, %mul3A_145, %dma_start3A_147] : memref<2x10240x128xf32, #tpu.memory_space<hbm>> -> memref<1x640x128xf32, #tpu.memory_space<hbm>>
      %dma_start3A_149 = tpu.memref_squeeze %dma_start3A_148 : memref<1x640x128xf32, #tpu.memory_space<hbm>> -> memref<640x128xf32, #tpu.memory_space<hbm>>
      %dma_start3A_150 = arith.constant 0 : i32
      %dma_start3A_151 = tpu.memref_slice %arg13[%mul3A_143, %dma_start3A_150] : memref<10240x128xf32, #tpu.memory_space<vmem_shared>> -> memref<640x128xf32, #tpu.memory_space<vmem_shared>>
      tpu.enqueue_dma source(%dma_start3A_151 : memref<640x128xf32, #tpu.memory_space<vmem_shared>>) target(%dma_start3A_149 : memref<640x128xf32, #tpu.memory_space<hbm>>) target_semaphore(%run_scoped3A_146 : memref<!tpu.dma_semaphore, #tpu.memory_space<semaphore_mem>>)
      %dma_wait3A_152 = arith.constant 0 : i32
      %dma_wait3A_153 = tpu.memref_slice %arg5[%arg0, %mul3A_145, %dma_wait3A_152] : memref<2x10240x128xf32, #tpu.memory_space<hbm>> -> memref<1x640x128xf32, #tpu.memory_space<hbm>>
      %dma_wait3A_154 = tpu.memref_squeeze %dma_wait3A_153 : memref<1x640x128xf32, #tpu.memory_space<hbm>> -> memref<640x128xf32, #tpu.memory_space<hbm>>
      %dma_wait3A_155 = arith.constant 0 : i32
      %dma_wait3A_156 = tpu.memref_slice %arg13[%mul3A_143, %dma_wait3A_155] : memref<10240x128xf32, #tpu.memory_space<vmem_shared>> -> memref<640x128xf32, #tpu.memory_space<vmem_shared>>
      tpu.wait_dma2 semaphore(%run_scoped3A_146 : memref<!tpu.dma_semaphore, #tpu.memory_space<semaphore_mem>>) src(%dma_wait3A_156 : memref<640x128xf32, #tpu.memory_space<vmem_shared>>) dst(%dma_wait3A_154 : memref<640x128xf32, #tpu.memory_space<hbm>>)
      tpu.yield
    }) : () -> ()
    return
  }
}

module attributes {stable_mosaic.version = 14 : i64} {
  func.func @body(%arg0: i32, %arg1: memref<2000x1xf32, #tpu.memory_space<vmem>>, %arg2: memref<2000x1xf32, #tpu.memory_space<vmem>>, %arg3: memref<2000x128xf32, #tpu.memory_space<vmem>>, %arg4: memref<128x128xf32, #tpu.memory_space<vmem>>, %arg5: memref<2000x1xf32, #tpu.memory_space<vmem>>, %arg6: memref<2000x128xf32, #tpu.memory_space<vmem>>) attributes {dimension_semantics = [#tpu.dimension_semantics<arbitrary>], iteration_bounds = array<i64: 5>, scalar_prefetch = 0 : i64, scratch_operands = 0 : i64, tpu.core_type = #tpu.core_type<tc>, window_params = [{transform_indices = @transform_0, window_bounds = array<i64: 2000, 1>}, {transform_indices = @transform_1, window_bounds = array<i64: 2000, 1>}, {transform_indices = @transform_2, window_bounds = array<i64: 2000, 128>}, {pipeline_mode = #tpu.pipeline_mode<synchronous>, transform_indices = @transform_3, window_bounds = array<i64: 128, 128>}, {transform_indices = @transform_4, window_bounds = array<i64: 2000, 1>}, {transform_indices = @transform_5, window_bounds = array<i64: 2000, 128>}]} {
    %get3A = arith.constant 0 : index
    %get3A_0 = arith.constant 0 : index
    %get3A_1 = vector.load %arg1[%get3A, %get3A_0] : memref<2000x1xf32, #tpu.memory_space<vmem>>, vector<2000x1xf32>
    %get3A_2 = arith.constant 0 : index
    %get3A_3 = arith.constant 0 : index
    %get3A_4 = vector.load %arg2[%get3A_2, %get3A_3] : memref<2000x1xf32, #tpu.memory_space<vmem>>, vector<2000x1xf32>
    %add3A = arith.addf %get3A_1, %get3A_4 : vector<2000x1xf32>
    %add3A_5 = arith.constant 1.000000e+00 : f32
    %add3A_6 = vector.broadcast %add3A_5 : f32 to vector<2000x1xf32>
    %add3A_7 = arith.addf %add3A, %add3A_6 : vector<2000x1xf32>
    %rsqrt3A = math.rsqrt %add3A_7 : vector<2000x1xf32>
    %swap3A = arith.constant 0 : index
    %swap3A_8 = arith.constant 0 : index
    %swap3A_9 = vector.load %arg5[%swap3A, %swap3A_8] : memref<2000x1xf32, #tpu.memory_space<vmem>>, vector<2000x1xf32>
    tpu.vector_store %arg5[%swap3A, %swap3A_8], %rsqrt3A {strides = array<i32>} : memref<2000x1xf32, #tpu.memory_space<vmem>>, vector<2000x1xf32>,
    %get3A_10 = arith.constant 0 : index
    %get3A_11 = arith.constant 0 : index
    %get3A_12 = vector.load %arg3[%get3A_10, %get3A_11] : memref<2000x128xf32, #tpu.memory_space<vmem>>, vector<2000x128xf32>
    %get3A_13 = arith.constant 0 : index
    %get3A_14 = arith.constant 0 : index
    %get3A_15 = vector.load %arg4[%get3A_13, %get3A_14] : memref<128x128xf32, #tpu.memory_space<vmem>>, vector<128x128xf32>
    %dot_general3A = arith.constant dense<0.000000e+00> : vector<2000x128xf32>
    %dot_general3A_16 = tpu.matmul %get3A_12, %get3A_15, %dot_general3A {dimension_numbers = #tpu.dot_dimension_numbers<[1], [0], [0], [1], [0, 0, 1, 1], [], []>, precision = #tpu.contract_precision<fp32>, transpose_lhs_hint = false} : vector<2000x128xf32>, vector<128x128xf32>, vector<2000x128xf32> -> vector<2000x128xf32>
    %mul3A = vector.broadcast %rsqrt3A : vector<2000x1xf32> to vector<2000x128xf32>
    %mul3A_17 = arith.mulf %mul3A, %dot_general3A_16 : vector<2000x128xf32>
    %swap3A_18 = arith.constant 0 : index
    %swap3A_19 = arith.constant 0 : index
    %swap3A_20 = vector.load %arg6[%swap3A_18, %swap3A_19] : memref<2000x128xf32, #tpu.memory_space<vmem>>, vector<2000x128xf32>
    tpu.vector_store %arg6[%swap3A_18, %swap3A_19], %mul3A_17 {strides = array<i32>} : memref<2000x128xf32, #tpu.memory_space<vmem>>, vector<2000x128xf32>,
    return
  }
  func.func @transform_0(%arg0: i32) -> (i32, i32) {
    %c0_i32 = arith.constant 0 : i32
    %c0_i32_0 = arith.constant 0 : i32
    return %arg0, %c0_i32 : i32, i32
  }
  func.func @transform_1(%arg0: i32) -> (i32, i32) {
    %c0_i32 = arith.constant 0 : i32
    %c0_i32_0 = arith.constant 0 : i32
    return %arg0, %c0_i32 : i32, i32
  }
  func.func @transform_2(%arg0: i32) -> (i32, i32) {
    %c0_i32 = arith.constant 0 : i32
    %c0_i32_0 = arith.constant 0 : i32
    return %arg0, %c0_i32 : i32, i32
  }
  func.func @transform_3(%arg0: i32) -> (i32, i32) {
    %c0_i32 = arith.constant 0 : i32
    %c0_i32_0 = arith.constant 0 : i32
    %c0_i32_1 = arith.constant 0 : i32
    return %c0_i32, %c0_i32_0 : i32, i32
  }
  func.func @transform_4(%arg0: i32) -> (i32, i32) {
    %c0_i32 = arith.constant 0 : i32
    %c0_i32_0 = arith.constant 0 : i32
    return %arg0, %c0_i32 : i32, i32
  }
  func.func @transform_5(%arg0: i32) -> (i32, i32) {
    %c0_i32 = arith.constant 0 : i32
    %c0_i32_0 = arith.constant 0 : i32
    return %arg0, %c0_i32 : i32, i32
  }
}

module attributes {stable_mosaic.version = 14 : i64} {
  func.func @body(%arg0: i32, %arg1: memref<2000x128xf32, #tpu.memory_space<vmem>>, %arg2: memref<2000x128xf32, #tpu.memory_space<vmem>>, %arg3: memref<2000x128xf32, #tpu.memory_space<vmem>>, %arg4: memref<2000x1xf32, #tpu.memory_space<vmem>>, %arg5: memref<1x128xf32, #tpu.memory_space<vmem>>, %arg6: memref<128x128xf32, #tpu.memory_space<vmem>>, %arg7: memref<2000x128xf32, #tpu.memory_space<vmem>>) attributes {dimension_semantics = [#tpu.dimension_semantics<arbitrary>], iteration_bounds = array<i64: 5>, scalar_prefetch = 0 : i64, scratch_operands = 0 : i64, tpu.core_type = #tpu.core_type<tc>, window_params = [{transform_indices = @transform_0, window_bounds = array<i64: 2000, 128>}, {transform_indices = @transform_1, window_bounds = array<i64: 2000, 128>}, {transform_indices = @transform_2, window_bounds = array<i64: 2000, 128>}, {transform_indices = @transform_3, window_bounds = array<i64: 2000, 1>}, {pipeline_mode = #tpu.pipeline_mode<synchronous>, transform_indices = @transform_4, window_bounds = array<i64: 1, 128>}, {pipeline_mode = #tpu.pipeline_mode<synchronous>, transform_indices = @transform_5, window_bounds = array<i64: 128, 128>}, {transform_indices = @transform_6, window_bounds = array<i64: 2000, 128>}]} {
    %get3A = arith.constant 0 : index
    %get3A_0 = arith.constant 0 : index
    %get3A_1 = vector.load %arg4[%get3A, %get3A_0] : memref<2000x1xf32, #tpu.memory_space<vmem>>, vector<2000x1xf32>
    %get3A_2 = arith.constant 0 : index
    %get3A_3 = arith.constant 0 : index
    %get3A_4 = vector.load %arg1[%get3A_2, %get3A_3] : memref<2000x128xf32, #tpu.memory_space<vmem>>, vector<2000x128xf32>
    %get3A_5 = arith.constant 0 : index
    %get3A_6 = arith.constant 0 : index
    %get3A_7 = vector.load %arg2[%get3A_5, %get3A_6] : memref<2000x128xf32, #tpu.memory_space<vmem>>, vector<2000x128xf32>
    %add3A = arith.addf %get3A_4, %get3A_7 : vector<2000x128xf32>
    %get3A_8 = arith.constant 0 : index
    %get3A_9 = arith.constant 0 : index
    %get3A_10 = vector.load %arg3[%get3A_8, %get3A_9] : memref<2000x128xf32, #tpu.memory_space<vmem>>, vector<2000x128xf32>
    %add3A_11 = arith.addf %add3A, %get3A_10 : vector<2000x128xf32>
    %mul3A = vector.broadcast %get3A_1 : vector<2000x1xf32> to vector<2000x128xf32>
    %mul3A_12 = arith.mulf %mul3A, %add3A_11 : vector<2000x128xf32>
    %get3A_13 = arith.constant 0 : index
    %get3A_14 = arith.constant 0 : index
    %get3A_15 = vector.load %arg5[%get3A_13, %get3A_14] : memref<1x128xf32, #tpu.memory_space<vmem>>, vector<1x128xf32>
    %add3A_16 = vector.broadcast %get3A_15 : vector<1x128xf32> to vector<2000x128xf32>
    %add3A_17 = arith.addf %mul3A_12, %add3A_16 : vector<2000x128xf32>
    %max3A = arith.constant 0.000000e+00 : f32
    %max3A_18 = vector.broadcast %max3A : f32 to vector<2000x128xf32>
    %max3A_19 = arith.maximumf %add3A_17, %max3A_18 : vector<2000x128xf32>
    %get3A_20 = arith.constant 0 : index
    %get3A_21 = arith.constant 0 : index
    %get3A_22 = vector.load %arg6[%get3A_20, %get3A_21] : memref<128x128xf32, #tpu.memory_space<vmem>>, vector<128x128xf32>
    %dot_general3A = arith.constant dense<0.000000e+00> : vector<2000x128xf32>
    %dot_general3A_23 = tpu.matmul %max3A_19, %get3A_22, %dot_general3A {dimension_numbers = #tpu.dot_dimension_numbers<[1], [0], [0], [1], [0, 0, 1, 1], [], []>, precision = #tpu.contract_precision<fp32>, transpose_lhs_hint = false} : vector<2000x128xf32>, vector<128x128xf32>, vector<2000x128xf32> -> vector<2000x128xf32>
    %mul3A_24 = vector.broadcast %get3A_1 : vector<2000x1xf32> to vector<2000x128xf32>
    %mul3A_25 = arith.mulf %mul3A_24, %dot_general3A_23 : vector<2000x128xf32>
    %swap3A = arith.constant 0 : index
    %swap3A_26 = arith.constant 0 : index
    %swap3A_27 = vector.load %arg7[%swap3A, %swap3A_26] : memref<2000x128xf32, #tpu.memory_space<vmem>>, vector<2000x128xf32>
    tpu.vector_store %arg7[%swap3A, %swap3A_26], %mul3A_25 {strides = array<i32>} : memref<2000x128xf32, #tpu.memory_space<vmem>>, vector<2000x128xf32>,
    return
  }
  func.func @transform_0(%arg0: i32) -> (i32, i32) {
    %c0_i32 = arith.constant 0 : i32
    %c0_i32_0 = arith.constant 0 : i32
    return %arg0, %c0_i32 : i32, i32
  }
  func.func @transform_1(%arg0: i32) -> (i32, i32) {
    %c0_i32 = arith.constant 0 : i32
    %c0_i32_0 = arith.constant 0 : i32
    return %arg0, %c0_i32 : i32, i32
  }
  func.func @transform_2(%arg0: i32) -> (i32, i32) {
    %c0_i32 = arith.constant 0 : i32
    %c0_i32_0 = arith.constant 0 : i32
    return %arg0, %c0_i32 : i32, i32
  }
  func.func @transform_3(%arg0: i32) -> (i32, i32) {
    %c0_i32 = arith.constant 0 : i32
    %c0_i32_0 = arith.constant 0 : i32
    return %arg0, %c0_i32 : i32, i32
  }
  func.func @transform_4(%arg0: i32) -> (i32, i32) {
    %c0_i32 = arith.constant 0 : i32
    %c0_i32_0 = arith.constant 0 : i32
    %c0_i32_1 = arith.constant 0 : i32
    return %c0_i32, %c0_i32_0 : i32, i32
  }
  func.func @transform_5(%arg0: i32) -> (i32, i32) {
    %c0_i32 = arith.constant 0 : i32
    %c0_i32_0 = arith.constant 0 : i32
    %c0_i32_1 = arith.constant 0 : i32
    return %c0_i32, %c0_i32_0 : i32, i32
  }
  func.func @transform_6(%arg0: i32) -> (i32, i32) {
    %c0_i32 = arith.constant 0 : i32
    %c0_i32_0 = arith.constant 0 : i32
    return %arg0, %c0_i32 : i32, i32
  }
}

module attributes {stable_mosaic.version = 14 : i64} {
  func.func @body(%arg0: i32, %arg1: memref<2000x128xf32, #tpu.memory_space<vmem>>, %arg2: memref<2000x128xf32, #tpu.memory_space<vmem>>, %arg3: memref<2000x128xf32, #tpu.memory_space<vmem>>, %arg4: memref<2000x1xf32, #tpu.memory_space<vmem>>, %arg5: memref<1x128xf32, #tpu.memory_space<vmem>>, %arg6: memref<2000x128xf32, #tpu.memory_space<vmem>>) attributes {dimension_semantics = [#tpu.dimension_semantics<arbitrary>], iteration_bounds = array<i64: 5>, scalar_prefetch = 0 : i64, scratch_operands = 0 : i64, tpu.core_type = #tpu.core_type<tc>, window_params = [{transform_indices = @transform_0, window_bounds = array<i64: 2000, 128>}, {transform_indices = @transform_1, window_bounds = array<i64: 2000, 128>}, {transform_indices = @transform_2, window_bounds = array<i64: 2000, 128>}, {transform_indices = @transform_3, window_bounds = array<i64: 2000, 1>}, {pipeline_mode = #tpu.pipeline_mode<synchronous>, transform_indices = @transform_4, window_bounds = array<i64: 1, 128>}, {transform_indices = @transform_5, window_bounds = array<i64: 2000, 128>}]} {
    %get3A = arith.constant 0 : index
    %get3A_0 = arith.constant 0 : index
    %get3A_1 = vector.load %arg4[%get3A, %get3A_0] : memref<2000x1xf32, #tpu.memory_space<vmem>>, vector<2000x1xf32>
    %get3A_2 = arith.constant 0 : index
    %get3A_3 = arith.constant 0 : index
    %get3A_4 = vector.load %arg1[%get3A_2, %get3A_3] : memref<2000x128xf32, #tpu.memory_space<vmem>>, vector<2000x128xf32>
    %get3A_5 = arith.constant 0 : index
    %get3A_6 = arith.constant 0 : index
    %get3A_7 = vector.load %arg2[%get3A_5, %get3A_6] : memref<2000x128xf32, #tpu.memory_space<vmem>>, vector<2000x128xf32>
    %add3A = arith.addf %get3A_4, %get3A_7 : vector<2000x128xf32>
    %get3A_8 = arith.constant 0 : index
    %get3A_9 = arith.constant 0 : index
    %get3A_10 = vector.load %arg3[%get3A_8, %get3A_9] : memref<2000x128xf32, #tpu.memory_space<vmem>>, vector<2000x128xf32>
    %add3A_11 = arith.addf %add3A, %get3A_10 : vector<2000x128xf32>
    %mul3A = vector.broadcast %get3A_1 : vector<2000x1xf32> to vector<2000x128xf32>
    %mul3A_12 = arith.mulf %mul3A, %add3A_11 : vector<2000x128xf32>
    %get3A_13 = arith.constant 0 : index
    %get3A_14 = arith.constant 0 : index
    %get3A_15 = vector.load %arg5[%get3A_13, %get3A_14] : memref<1x128xf32, #tpu.memory_space<vmem>>, vector<1x128xf32>
    %add3A_16 = vector.broadcast %get3A_15 : vector<1x128xf32> to vector<2000x128xf32>
    %add3A_17 = arith.addf %mul3A_12, %add3A_16 : vector<2000x128xf32>
    %swap3A = arith.constant 0 : index
    %swap3A_18 = arith.constant 0 : index
    %swap3A_19 = vector.load %arg6[%swap3A, %swap3A_18] : memref<2000x128xf32, #tpu.memory_space<vmem>>, vector<2000x128xf32>
    tpu.vector_store %arg6[%swap3A, %swap3A_18], %add3A_17 {strides = array<i32>} : memref<2000x128xf32, #tpu.memory_space<vmem>>, vector<2000x128xf32>,
    return
  }
  func.func @transform_0(%arg0: i32) -> (i32, i32) {
    %c0_i32 = arith.constant 0 : i32
    %c0_i32_0 = arith.constant 0 : i32
    return %arg0, %c0_i32 : i32, i32
  }
  func.func @transform_1(%arg0: i32) -> (i32, i32) {
    %c0_i32 = arith.constant 0 : i32
    %c0_i32_0 = arith.constant 0 : i32
    return %arg0, %c0_i32 : i32, i32
  }
  func.func @transform_2(%arg0: i32) -> (i32, i32) {
    %c0_i32 = arith.constant 0 : i32
    %c0_i32_0 = arith.constant 0 : i32
    return %arg0, %c0_i32 : i32, i32
  }
  func.func @transform_3(%arg0: i32) -> (i32, i32) {
    %c0_i32 = arith.constant 0 : i32
    %c0_i32_0 = arith.constant 0 : i32
    return %arg0, %c0_i32 : i32, i32
  }
  func.func @transform_4(%arg0: i32) -> (i32, i32) {
    %c0_i32 = arith.constant 0 : i32
    %c0_i32_0 = arith.constant 0 : i32
    %c0_i32_1 = arith.constant 0 : i32
    return %c0_i32, %c0_i32_0 : i32, i32
  }
  func.func @transform_5(%arg0: i32) -> (i32, i32) {
    %c0_i32 = arith.constant 0 : i32
    %c0_i32_0 = arith.constant 0 : i32
    return %arg0, %c0_i32 : i32, i32
  }
}

</mosaic_0001>

<sc_bundles>
// kernel: kernel.10.cloned.1.call-start
scs
__scs_entry_jumppad:
0x0: {  	(pc) =	sbr.rel $0x88, $3  }
0x1: {  	(tag) =	ssettag $0x0;
	lr =	simm.s32 $0x1  }
0x2: {  	[smem:$0x3F99] =	sst lr;
	_ =	strace $0xD0000000  }
0x3: {  	_ = 	snop  }
0x4: {  	_ = 	snop  }
0x5: {  	_ = 	snop  }
0x6: {  	_ = 	snop  }
0x7: {  	_ = 	snop  }
__scs_overlays_trampoline_lowered:
0x8: {  	[smem:$0x3FA8] =	sst s0  }
0x9: {  	[smem:$0x3FA9] =	sst s1  }
0xa: {  	[smem:$0x3FAA] =	sst s2  }
0xb: {  	[smem:$0x3FAB] =	sst s3  }
0xc: {  	[smem:$0x3FAC] =	sst s4  }
0xd: {  	[smem:$0x3FAD] =	sst s5  }
0xe: {  	[smem:$0x3FAE] =	sst s6  }
0xf: {  	[smem:$0x3FAF] =	sst s7  }
0x10: {  	[smem:$0x3FB0] =	sst s8  }
0x11: {  	[smem:$0x3FB1] =	sst s9;
	s0 =	simm.s32 @!p0 $0x0  }
0x12: {  	s1 =	sld [smem:$0x3F97];
	s0 =	simm.s32 @p0 $0x1  }
0x13: {  	[smem:$0x3FB2] =	sst s0;
	s0 =	simm.s32 @!p1 $0x0  }
0x14: {  	s2 =	sld [smem:$0x3F96];
	s0 =	simm.s32 @p1 $0x1  }
0x15: {  	[smem:$0x3FB3] =	sst s0;
	s0 =	simm.s32 @!p2 $0x0  }
0x16: {  	s3 =	sld [smem:$0x3FDB];
	s0 =	simm.s32 @p2 $0x1  }
0x17: {  	s4 =	simm.s32 $0x1BF5;
	[smem:$0x3FB5] =	sst s0  }
0x18: {  	s0 =	sld [smem:$0x3F98];
	_ =	swait.ge [sflag:s4], $0x0  }
0x19: {  	s7 =	sld [smem:$0x3F99]  }
0x1a: {  	s8 =	sadd.s32 $0xFFFFE003, lr  }
0x1b: {  	s9 =	sadd.s32 $0xFFFFFEF7, lr;
	s5 =	simm.s32 $0xFFFFFFFF;
	p2 =	slt.u32 s8, $0xFFFFF086  }
0x1c: {  	p1 =	slt.u32 s9, $0xF7A;
	s5 =	simm.s32 @!p2 $0x0  }
0x1d: {  	s5 =	simm.s32 @p1 $0x1;
	p0 =	seq.s32 s7, s2  }
0x1e: {  	s7 =	smul.u32 @!p0 $0xF7A, s2;
	p2 =	seq.s32 @!p0 s5, $0x0  }
0x1f: {  	s9 =	smul.u32 $0xF7A, s1;
	s8 =	simm.s32 @!p0 $0x1BF5;
	p2 =	por !p2, p0  }
0x20: {  	[sflag:s8] =	ssyncset.s32 @!p0 $0xFFFFF086;
	s6 =	sadd.s32 @!p0 s3, s7;
	s7 =	simm.s32 @!p0 $0x108  }
0x21: {  	s3 =	sadd.s32 s3, s9;
	s6 =	sadd.s32 @!p0 $0x88, s6;
	s7 =	simm.s32 @p2 $0x1082  }
0x22: {  	[simem:s7], [sflag:s8] =	dma.local @!p0 [hbm:s6], $0xF7A  }
0x23: {  	s9 =	sor.u32 $0xD0000000, s2;
	s6 =	simm.s32 $0x108;
	_ =	swait.ge @!p0 [sflag:s8], $0x0  }
0x24: {  	s3 =	sadd.s32 $0x88, s3;
	s6 =	simm.s32 @!p1 $0x1082;
	[sflag:s4] =	ssyncset.s32 $0xFFFFF086  }
0x25: {  	[simem:s6], [sflag:s4] =	dma.local [hbm:s3], $0xF7A  }
0x26: {  	[smem:$0x3F99] =	sst s1;
	(tag) =	ssettag s2;
	_ =	strace s9  }
0x27: {  	s1 =	sld [smem:$0x3FA9]  }
0x28: {  	s2 =	sld [smem:$0x3FAA]  }
0x29: {  	s4 =	sld [smem:$0x3FAC]  }
0x2a: {  	p0 =	seq.s32 s5, $0x0;
	s5 =	sld [smem:$0x3FAD]  }
0x2b: {  	s6 =	sld [smem:$0x3FAE]  }
0x2c: {  	s7 =	sld [smem:$0x3FAF]  }
0x2d: {  	s3 =	simm.s32 $0x108;
	s8 =	sld [smem:$0x3FB0]  }
0x2e: {  	s3 =	simm.s32 @!p0 $0x1082;
	s9 =	sld [smem:$0x3FB1]  }
0x2f: {  	lr =	sadd.s32 s0, s3;
	s0 =	sld [smem:$0x3FA8]  }
0x30: {  	s3 =	sld [smem:$0x3FAB]  }
0x31: {  	[smem:$0x3FB4] =	sst s10  }
0x32: {  	s10 =	sld [smem:$0x3FB2];
	_ =	sdelay $0x3  }
0x33: {  	p0 =	seq.s32 s10, $0x1;
	s10 =	sld [smem:$0x3FB4];
	_ =	sdelay $0x3  }
0x34: {  	[smem:$0x3FB4] =	sst s10  }
0x35: {  	s10 =	sld [smem:$0x3FB3];
	_ =	sdelay $0x3  }
0x36: {  	p1 =	seq.s32 s10, $0x1;
	s10 =	sld [smem:$0x3FB4];
	_ =	sdelay $0x3  }
0x37: {  	[smem:$0x3FB4] =	sst s10  }
0x38: {  	s10 =	sld [smem:$0x3FB5]  }
0x39: {  	_ = 	snop;
	(pc) =	sbr.ind lr, $3  }
0x3a: {  	_ = 	snop  }
0x3b: {  	_ = 	snop  }
0x3c: {  	p2 =	seq.s32 s10, $0x1;
	s10 =	sld [smem:$0x3FB4]  }
0x3d: {  	_ =	shalt  }
0x3e: {  	_ =	shalt  }
0x3f: {  	_ =	shalt  }
0x40: {  	_ =	shalt  }
0x41: {  	_ =	shalt  }
0x42: {  	_ =	shalt  }
0x43: {  	_ =	shalt  }
0x44: {  	_ =	shalt  }
0x45: {  	_ =	shalt  }
0x46: {  	_ =	shalt  }
0x47: {  	_ =	shalt  }
0x48: {  	_ =	shalt  }
0x49: {  	_ =	shalt  }
0x4a: {  	_ =	shalt  }
0x4b: {  	_ =	shalt  }
0x4c: {  	_ =	shalt  }
0x4d: {  	_ =	shalt  }
0x4e: {  	_ =	shalt  }
0x4f: {  	_ =	shalt  }
0x50: {  	_ =	shalt  }
0x51: {  	_ =	shalt  }
0x52: {  	_ =	shalt  }
0x53: {  	_ =	shalt  }
0x54: {  	_ =	shalt  }
0x55: {  	_ =	shalt  }
0x56: {  	_ =	shalt  }
0x57: {  	_ =	shalt  }
0x58: {  	_ =	shalt  }
0x59: {  	_ =	shalt  }
0x5a: {  	_ =	shalt  }
0x5b: {  	_ =	shalt  }
0x5c: {  	_ =	shalt  }
0x5d: {  	_ =	shalt  }
0x5e: {  	_ =	shalt  }
0x5f: {  	_ =	shalt  }
0x60: {  	_ =	shalt  }
0x61: {  	_ =	shalt  }
0x62: {  	_ =	shalt  }
0x63: {  	_ =	shalt  }
0x64: {  	_ =	shalt  }
0x65: {  	_ =	shalt  }
0x66: {  	_ =	shalt  }
0x67: {  	_ =	shalt  }
0x68: {  	_ =	shalt  }
0x69: {  	_ =	shalt  }
0x6a: {  	_ =	shalt  }
0x6b: {  	_ =	shalt  }
0x6c: {  	_ =	shalt  }
0x6d: {  	_ =	shalt  }
0x6e: {  	_ =	shalt  }
0x6f: {  	_ =	shalt  }
0x70: {  	_ =	shalt  }
0x71: {  	_ =	shalt  }
0x72: {  	_ =	shalt  }
0x73: {  	_ =	shalt  }
0x74: {  	_ =	shalt  }
0x75: {  	_ =	shalt  }
0x76: {  	_ =	shalt  }
0x77: {  	_ =	shalt  }
0x78: {  	_ =	shalt  }
0x79: {  	_ =	shalt  }
0x7a: {  	_ =	shalt  }
0x7b: {  	_ =	shalt  }
0x7c: {  	_ =	shalt  }
0x7d: {  	_ =	shalt  }
0x7e: {  	_ =	shalt  }
0x7f: {  	_ =	shalt  }
0x80: {  	_ =	shalt  }
0x81: {  	_ =	shalt  }
0x82: {  	_ =	shalt  }
0x83: {  	_ =	shalt  }
0x84: {  	_ =	shalt  }
0x85: {  	_ =	shalt  }
0x86: {  	_ =	shalt  }
0x87: {  	_ =	shalt  }
.Lfunc_end0:
.L_simem_size_0:
called_computation_lowered:
.L_overlay_start_0:
0x88: {  	s2 =	sld [smem:$0x3FD9]  }
0x89: {  	s3 =	sld [smem:$0x3FFE];
	_ =	sdelay $0x1  }
0x8a: {  	s1 =	srdreg.scid  }
0x8b: {  	s0 =	sand.u32 $0x1, s1  }
0x8c: {  	s17 =	sshll.u32 s0, $0xA;
	s2 =	sadd.s32 s3, s2  }
0x8d: {  	s2 =	sadd.s32 s2, s17  }
0x8e: {  	[smem:$0x3FC0] =	sst s2  }
0x8f: {  	_ = 	snop  }
0x90: {  	s2 =	sld [smem:$0x3FD0];
	(tm) =	ssettm $0x1  }
0x91: {  	s18 =	sld [smem:$0x3FFB];
	_ =	sdelay $0x3  }
0x92: {  	_ =	strace s18  }
0x93: {  	s3 =	sld [smem:$0x3FFC];
	_ =	sdelay $0x3  }
0x94: {  	_ =	strace s3  }
0x95: {  	s3 =	sld [smem:$0x3FFD];
	_ =	sdelay $0x3  }
0x96: {  	_ =	strace s3  }
0x97: {  	_ =	strace $0x8FFFFFFF  }
0x98: {  	s19 =	sld [smem:$0x3FDB];
	_ =	sdelay $0x1  }
0x99: {  	s4 =	simm.s32 $_scs_section_size  }
0x9a: {  	s5 =	simm.s32 $_size__tile_overlayer_lowered;
	s6 =	simm.s32 $_tile_overlayer_lowered  }
0x9b: {  	s22 =	simm.s32 $0x1BFF;
	s21 =	sshll.u32 s6, $0x1;
	s3 =	sadd.s32 s4, s19  }
0x9c: {  	s7 =	simm.s32 $0x0;
	s20 =	sshll.u32 s5, $0x1;
	s5 =	sadd.s32 s21, s3  }
0x9d: {  	[timem:s7], [sflag:s22] =	dma.local [hbm:s5], s20  }
0x9e: {  	_ =	swait.ge [sflag:s22], s20  }
0x9f: {  	s4 =	ssub.s32 $0x0, s20;
	[sflag:s22] =	ssyncset.done $0x0  }
0xa0: {  	[sflag:s22] =	ssyncadd.s32 s4;
	_ =	sdelay $0x1  }
0xa1: {  	s23 =	simm.s32 $0x1B8B  }
0xa2: {  	_ =	swait.ge [sflag:s23], $0x1  }
0xa3: {  	[sflag:s23] =	ssyncset.done $0x0  }
0xa4: {  	s25 =	simm.s32 $0x1B8E;
	s24 =	sld [smem:$0x3FFE];
	[sflag:s23] =	ssyncadd.s32 $0xFFFFFFFF  }
0xa5: {  	s26 =	simm.s32 $execute0_lowered;
	[smem:$0x3FD2] =	sst s25  }
0xa6: {  	s5 =	sshll.u32 s26, $0x1;
	_ =	strace $0x80000046;
	[dreg:$0x1] =	wrdreg $0xFFFFFFFF  }
0xa7: {  	s28 =	simm.s32 $_size_execute0_lowered;
	s3 =	sadd.s32 s3, s5;
	[dreg:$0x0] =	wrdreg $0x0  }
0xa8: {  	s5 =	sshll.u32 s28, $0x1;
	[dreg:$0x2] =	wrdreg s3  }
0xa9: {  	[dreg:$0x3] =	wrdreg s5  }
0xaa: {  	[dreg:$0x4] =	wrdreg $0xC0  }
0xab: {  	_ =	task [dreg:s7], $0x5FFFF  }
0xac: {  	[dreg:$0x1] =	wrdreg $0xFFFFFFFF  }
0xad: {  	[dreg:$0x0] =	wrdreg $0x60  }
0xae: {  	[dreg:$0x2] =	wrdreg s2  }
0xaf: {  	[dreg:$0x3] =	wrdreg s24  }
0xb0: {  	[dreg:$0x4] =	wrdreg $0x43000  }
0xb1: {  	[dreg:$0x5] =	wrdreg $0x9  }
0xb2: {  	_ =	task.clear_ibuf [dreg:s7], $0x6FFFF;
	_ =	strace $0x90000046  }
0xb3: {  	s29 =	simm.s32 $0x9;
	_ =	strace $0x80000048  }
0xb4: {  	_ =	swait.ge [sflag:s29], $0x1  }
0xb5: {  	[sflag:s29] =	ssyncadd.s32 $0xFFFFFFFF  }
0xb6: {  	_ =	strace $0x90000048  }
0xb7: {  	_ =	sfence  }
0xb8: {  	s30 =	sld [smem:$0x0];
	_ =	sdelay $0x2  }
0xb9: {  	s31 =	sshll.u32 s1, $0xD;
	s1 =	sshrl.u32 s1, $0x2  }
0xba: {  	s3 =	sand.u32 $0x4000, s31;
	s1 =	sadd.s32 s1, s30  }
0xbb: {  	s0 =	sor.u32 s3, s0;
	s1 =	sshll.u32 s1, $0x11  }
0xbc: {  	s0 =	sor.u32 s1, s0  }
0xbd: {  	s0 =	sadd.s32 $0x8F2B, s0  }
0xbe: {  	[sflag:s0] =	ssyncadd.remote.s32 $0x1  }
0xbf: {  	_ =	sfence.sel $0xFFFF  }
0xc0: {  	[dreg:$0x0] =	wrdreg $0xFFFFFFFF;
	(pc) =	sbr.abs _section_cstart, $3  }
0xc1: {  	[dreg:$0x1] =	wrdreg $0xFFFFFFFF  }
0xc2: {  	_ =	task.clear_ibuf [dreg:s7], $0x2FFFF;
	_ =	strace $0x9FFFFFFF  }
0xc3: {  	(tm) =	ssettm $0x7FFFFFFF  }
tec
execute0_lowered:
.L_overlay_start_1:
0x0: {  	(tag) =	ssettag $0x1  }
0x1: {  	s4 =	rddreg [dreg:$0x0]  }
0x2: {  	s5 =	rddreg [dreg:$0x1]  }
0x3: {  	s2 =	rddreg [dreg:$0x2]  }
0x4: {  	s0 =	rddreg [dreg:$0x3]  }
0x5: {  	s6 =	srdreg.scid;
	s1 =	stileid.u32;
	s3 =	simm.s32 $0x0  }
0x6: {  	s11 =	simm.s32 $0x50;
	s14 =	simm.s32 $0x20;
	s15 =	simm.s32 $0x10  }
0x7: {  	s16 =	simm.s32 $0x0;
	s6 =	sand.u32 $0x1, s6;
	s7 =	smul.u32 $0x500, s1  }
0x8: {  	[smem:$0x7FF] =	sst s3;
	s9 =	smul.u32 $0xA00, s1;
	s10 =	sshll.u32 s1, $0xC  }
0x9: {  	s12 =	sshll.u32 s1, $0x6;
	s8 =	sshll.u32 s6, $0x7;
	_ =	strace $0x80000047  }
0xa: {  	s30 =	ssub.s32 $0x2, s6;
	s6 =	sshll.u32 s6, $0xB;
	s12 =	sor.u32 $0x1C01, s12  }
0xb: {  	s7 =	sor.u32 s8, s7;
	s31 =	sshrl.u32 s30, $0x1;
	s9 =	sshrl.u32 s9, $0x2  }
0xc: {  	s6 =	sadd.s32 s4, s6;
	s7 =	sshrl.u32 s7, $0x3;
	s8 =	ssub.s32 s30, s31  }
0xd: {  	s4 =	sadd.s32 s9, s2;
	s9 =	simm.s32 $0x1;
	s7 =	sadd.s32 s7, s5  }
0xe: {  	s5 =	sadd.s32 s10, s6;
	s10 =	simm.s32 $0x80;
	s13 =	sshrl.u32 s4, $0x3  }
0xf: {  	v0 =	vimm.f32 $1.000000000e+00;
	v1 =	vimm.f32 $0.0e+00;
	s6 =	sadd.s32 $0x17400, s7;
	s7 =	smax.u32 s8, $0x1;
	s8 =	simm.s32 $0x4080  }
.LBB2_1:
0x10: {  	[tilespmem:$0x0] =	vst v0  }
0x11: {  	[tilespmem:$0x10] =	vst v0  }
0x12: {  	[tilespmem:$0x20] =	vst v0  }
0x13: {  	[tilespmem:$0x30] =	vst v0  }
0x14: {  	[tilespmem:$0x40] =	vst v0  }
0x15: {  	[tilespmem:$0x4080] =	vst v1  }
0x16: {  	[tilespmem:$0x4090] =	vst v1  }
0x17: {  	[tilespmem:$0x40A0] =	vst v1  }
0x18: {  	[tilespmem:$0x40B0] =	vst v1  }
0x19: {  	[tilespmem:$0x40C0] =	vst v1  }
0x1a: {  	[tilespmem:$0x40D0] =	vst v1  }
0x1b: {  	[tilespmem:$0x40E0] =	vst v1  }
0x1c: {  	[tilespmem:$0x40F0] =	vst v1  }
0x1d: {  	[tilespmem:$0x4100] =	vst v1  }
0x1e: {  	[tilespmem:$0x4110] =	vst v1  }
0x1f: {  	[tilespmem:$0x4120] =	vst v1  }
0x20: {  	[tilespmem:$0x4130] =	vst v1  }
0x21: {  	[tilespmem:$0x4140] =	vst v1  }
0x22: {  	[tilespmem:$0x4150] =	vst v1  }
0x23: {  	[tilespmem:$0x4160] =	vst v1  }
0x24: {  	[tilespmem:$0x4170] =	vst v1  }
0x25: {  	[tilespmem:$0x4180] =	vst v1  }
0x26: {  	[tilespmem:$0x4190] =	vst v1  }
0x27: {  	[tilespmem:$0x41A0] =	vst v1  }
0x28: {  	[tilespmem:$0x41B0] =	vst v1  }
0x29: {  	[tilespmem:$0x41C0] =	vst v1  }
0x2a: {  	[tilespmem:$0x41D0] =	vst v1  }
0x2b: {  	[tilespmem:$0x41E0] =	vst v1  }
0x2c: {  	[tilespmem:$0x41F0] =	vst v1  }
0x2d: {  	[tilespmem:$0x4200] =	vst v1  }
0x2e: {  	[tilespmem:$0x4210] =	vst v1  }
0x2f: {  	[tilespmem:$0x4220] =	vst v1  }
0x30: {  	[tilespmem:$0x4230] =	vst v1  }
0x31: {  	[tilespmem:$0x4240] =	vst v1  }
0x32: {  	[tilespmem:$0x4250] =	vst v1  }
0x33: {  	[tilespmem:$0x4260] =	vst v1  }
0x34: {  	[tilespmem:$0x4270] =	vst v1  }
0x35: {  	[tilespmem:$0x4280] =	vst v1  }
0x36: {  	[tilespmem:$0x4290] =	vst v1  }
0x37: {  	[tilespmem:$0x42A0] =	vst v1  }
0x38: {  	[tilespmem:$0x42B0] =	vst v1  }
0x39: {  	[tilespmem:$0x42C0] =	vst v1  }
0x3a: {  	[tilespmem:$0x42D0] =	vst v1  }
0x3b: {  	[tilespmem:$0x42E0] =	vst v1  }
0x3c: {  	[tilespmem:$0x42F0] =	vst v1  }
0x3d: {  	[spmem:s4] =	stream.linear.scatter [tilespmem:s8], [sflag:$0x1], $0x280, $0x38;
	[tilespmem:$0x4580] =	vst v63  }
0x3e: {  	_ =	swait.ge [sflag:s9], $0x280  }
0x3f: {  	[sflag:s9] =	ssyncset.done $0x0  }
0x40: {  	[sflag:s9] =	ssyncadd.s32 $0xFFFFFD80  }
0x41: {  	[tilespmem:s10], [sflag:$0x1] =	stream.linear.gather [hbm4b:s5+s3], $0x3E80, $0x38;
	[tilespmem:$0x4580] =	vst v63  }
0x42: {  	_ =	swait.ge [sflag:s9], $0x3E80  }
0x43: {  	[sflag:s9] =	ssyncset.done $0x0  }
0x44: {  	[sflag:s9] =	ssyncadd.s32 $0xFFFFC180  }
0x45: {  	s17 =	simm.s32 $0x80;
	[bflag:$0x0] =	sbarrier.arrive $0xFFFF  }
0x46: {  	[spmem:s2] =	stream.indirect.scatter.add.f32 [tilespmem:s3], [sflag:$0x1], $0x1, s17, s11, $0xb8;
	[tilespmem:$0x4580] =	vst v63  }
0x47: {  	s17 =	simm.s32 $0x200;
	_ =	swait.ge [sflag:s9], $0x50  }
.LBB2_2:
0x48: {  	s18 =	sshra.s32 s17, $0x2;
	[sflag:s9] =	ssyncset.done $0x0;
	p0 =	sne.s32 s17, $0xF800  }
.Ltmp0:
0x49: {  	s18 =	sadd.s32 $0x80, s18;
	[sflag:s9] =	ssyncadd.s32 $0xFFFFFFB0;
	(pc) =	sbr.rel @p0 .LBB2_2-.Ltmp0, $3  }
0x4a: {  	[spmem:s2] =	stream.indirect.scatter.add.f32 [tilespmem:s3], [sflag:$0x1], $0x1, s18, s11, $0xb8;
	[tilespmem:$0x4580] =	vst v63  }
0x4b: {  	s17 =	sadd.s32 $0x200, s17;
	_ =	sdelay $0x1  }
0x4c: {  	_ =	swait.ge [sflag:s9], $0x50  }
0x4d: {  	[sflag:s9] =	ssyncset.done $0x0;
	s16 =	sadd.s32 $0x1, s16  }
0x4e: {  	[sflag:s9] =	ssyncadd.s32 $0xFFFFFFB0;
	p0 =	sne.s32 s16, s7  }
.Ltmp1:
0x4f: {  	[bflag:$0x0] =	sbarrier.arrive $0xFFFF;
	(pc) =	sbr.rel @p0 .LBB2_1-.Ltmp1, $4  }
0x50: {  	[hbm:s6@s14], [sflag:s12] =	dma.strided [spmem:s13@s15], $0x50, s9, $0x10   }
0x51: {  	_ =	swait.ge [sflag:s9], $0x50  }
0x52: {  	[sflag:s9] =	ssyncset.done $0x0  }
0x53: {  	[sflag:s9] =	ssyncadd.s32 $0xFFFFFFB0  }
0x54: {  	_ =	sfence.sel $0x180000  }
0x55: {  	[bflag:$0x0] =	sbarrier.arrive $0xFFFF  }
0x56: {  	p0 =	sne.s32 s1, $0x0;
	_ =	strace $0x90000047  }
0x57: {  	s0 =	sadd.s32 @!p0 $0x100000, s0;
	[bflag:$0x2] =	sbarrier.arrive $0xFFFF  }
0x58: {  	[sflag:s0] =	ssyncadd.tile.s32 @!p0 $0x1;
	_ =	shalt  }
.Lfunc_end2:
_tile_overlayer_lowered:
.L_overlay_start_2:
0x59: {  	(tag) =	ssettag $0x2  }
0x5a: {  	s0 =	rddreg [dreg:$0x0];
	s2 =	stileid.u32  }
0x5b: {  	s1 =	rddreg [dreg:$0x1];
	p0 =	sne.s32 s2, $0x0  }
0x5c: {  	s3 =	rddreg [dreg:$0x2];
	[bflag:$0x3] =	sbarrier.arrive $0xFFFF;
	s2 =	simm.s32 @!p0 $0x1C01  }
0x5d: {  	[timem:s3], [sflag:s2] =	dma.local @!p0 [hbm:s0], s1  }
0x5e: {  	s0 =	simm.s32 @!p0 $0x1  }
0x5f: {  	_ =	swait.ge @!p0 [sflag:s0], s1  }
0x60: {  	s1 =	ssub.s32 @!p0 $0x0, s1;
	[sflag:s0] =	ssyncset.done @!p0 $0x0  }
0x61: {  	[sflag:s0] =	ssyncadd.s32 @!p0 s1  }
0x62: {  	[bflag:$0x3] =	sbarrier.arrive $0xFFFF  }
0x63: {  	_ =	shalt  }

// kernel: kernel.13.cloned.1.call-start
scs
__scs_entry_jumppad:
0x0: {  	(pc) =	sbr.rel $0x88, $3  }
0x1: {  	(tag) =	ssettag $0x0;
	lr =	simm.s32 $0x1  }
0x2: {  	[smem:$0x3F99] =	sst lr;
	_ =	strace $0xD0000000  }
0x3: {  	_ = 	snop  }
0x4: {  	_ = 	snop  }
0x5: {  	_ = 	snop  }
0x6: {  	_ = 	snop  }
0x7: {  	_ = 	snop  }
__scs_overlays_trampoline_lowered:
0x8: {  	[smem:$0x3FA8] =	sst s0  }
0x9: {  	[smem:$0x3FA9] =	sst s1  }
0xa: {  	[smem:$0x3FAA] =	sst s2  }
0xb: {  	[smem:$0x3FAB] =	sst s3  }
0xc: {  	[smem:$0x3FAC] =	sst s4  }
0xd: {  	[smem:$0x3FAD] =	sst s5  }
0xe: {  	[smem:$0x3FAE] =	sst s6  }
0xf: {  	[smem:$0x3FAF] =	sst s7  }
0x10: {  	[smem:$0x3FB0] =	sst s8  }
0x11: {  	[smem:$0x3FB1] =	sst s9;
	s0 =	simm.s32 @!p0 $0x0  }
0x12: {  	s1 =	sld [smem:$0x3F97];
	s0 =	simm.s32 @p0 $0x1  }
0x13: {  	[smem:$0x3FB2] =	sst s0;
	s0 =	simm.s32 @!p1 $0x0  }
0x14: {  	s2 =	sld [smem:$0x3F96];
	s0 =	simm.s32 @p1 $0x1  }
0x15: {  	[smem:$0x3FB3] =	sst s0;
	s0 =	simm.s32 @!p2 $0x0  }
0x16: {  	s3 =	sld [smem:$0x3FDB];
	s0 =	simm.s32 @p2 $0x1  }
0x17: {  	s4 =	simm.s32 $0x1BF5;
	[smem:$0x3FB5] =	sst s0  }
0x18: {  	s0 =	sld [smem:$0x3F98];
	_ =	swait.ge [sflag:s4], $0x0  }
0x19: {  	s7 =	sld [smem:$0x3F99]  }
0x1a: {  	s8 =	sadd.s32 $0xFFFFE003, lr  }
0x1b: {  	s9 =	sadd.s32 $0xFFFFFEF7, lr;
	s5 =	simm.s32 $0xFFFFFFFF;
	p2 =	slt.u32 s8, $0xFFFFF086  }
0x1c: {  	p1 =	slt.u32 s9, $0xF7A;
	s5 =	simm.s32 @!p2 $0x0  }
0x1d: {  	s5 =	simm.s32 @p1 $0x1;
	p0 =	seq.s32 s7, s2  }
0x1e: {  	s7 =	smul.u32 @!p0 $0xF7A, s2;
	p2 =	seq.s32 @!p0 s5, $0x0  }
0x1f: {  	s9 =	smul.u32 $0xF7A, s1;
	s8 =	simm.s32 @!p0 $0x1BF5;
	p2 =	por !p2, p0  }
0x20: {  	[sflag:s8] =	ssyncset.s32 @!p0 $0xFFFFF086;
	s6 =	sadd.s32 @!p0 s3, s7;
	s7 =	simm.s32 @!p0 $0x108  }
0x21: {  	s3 =	sadd.s32 s3, s9;
	s6 =	sadd.s32 @!p0 $0x88, s6;
	s7 =	simm.s32 @p2 $0x1082  }
0x22: {  	[simem:s7], [sflag:s8] =	dma.local @!p0 [hbm:s6], $0xF7A  }
0x23: {  	s9 =	sor.u32 $0xD0000000, s2;
	s6 =	simm.s32 $0x108;
	_ =	swait.ge @!p0 [sflag:s8], $0x0  }
0x24: {  	s3 =	sadd.s32 $0x88, s3;
	s6 =	simm.s32 @!p1 $0x1082;
	[sflag:s4] =	ssyncset.s32 $0xFFFFF086  }
0x25: {  	[simem:s6], [sflag:s4] =	dma.local [hbm:s3], $0xF7A  }
0x26: {  	[smem:$0x3F99] =	sst s1;
	(tag) =	ssettag s2;
	_ =	strace s9  }
0x27: {  	s1 =	sld [smem:$0x3FA9]  }
0x28: {  	s2 =	sld [smem:$0x3FAA]  }
0x29: {  	s4 =	sld [smem:$0x3FAC]  }
0x2a: {  	p0 =	seq.s32 s5, $0x0;
	s5 =	sld [smem:$0x3FAD]  }
0x2b: {  	s6 =	sld [smem:$0x3FAE]  }
0x2c: {  	s7 =	sld [smem:$0x3FAF]  }
0x2d: {  	s3 =	simm.s32 $0x108;
	s8 =	sld [smem:$0x3FB0]  }
0x2e: {  	s3 =	simm.s32 @!p0 $0x1082;
	s9 =	sld [smem:$0x3FB1]  }
0x2f: {  	lr =	sadd.s32 s0, s3;
	s0 =	sld [smem:$0x3FA8]  }
0x30: {  	s3 =	sld [smem:$0x3FAB]  }
0x31: {  	[smem:$0x3FB4] =	sst s10  }
0x32: {  	s10 =	sld [smem:$0x3FB2];
	_ =	sdelay $0x3  }
0x33: {  	p0 =	seq.s32 s10, $0x1;
	s10 =	sld [smem:$0x3FB4];
	_ =	sdelay $0x3  }
0x34: {  	[smem:$0x3FB4] =	sst s10  }
0x35: {  	s10 =	sld [smem:$0x3FB3];
	_ =	sdelay $0x3  }
0x36: {  	p1 =	seq.s32 s10, $0x1;
	s10 =	sld [smem:$0x3FB4];
	_ =	sdelay $0x3  }
0x37: {  	[smem:$0x3FB4] =	sst s10  }
0x38: {  	s10 =	sld [smem:$0x3FB5]  }
0x39: {  	_ = 	snop;
	(pc) =	sbr.ind lr, $3  }
0x3a: {  	_ = 	snop  }
0x3b: {  	_ = 	snop  }
0x3c: {  	p2 =	seq.s32 s10, $0x1;
	s10 =	sld [smem:$0x3FB4]  }
0x3d: {  	_ =	shalt  }
0x3e: {  	_ =	shalt  }
0x3f: {  	_ =	shalt  }
0x40: {  	_ =	shalt  }
0x41: {  	_ =	shalt  }
0x42: {  	_ =	shalt  }
0x43: {  	_ =	shalt  }
0x44: {  	_ =	shalt  }
0x45: {  	_ =	shalt  }
0x46: {  	_ =	shalt  }
0x47: {  	_ =	shalt  }
0x48: {  	_ =	shalt  }
0x49: {  	_ =	shalt  }
0x4a: {  	_ =	shalt  }
0x4b: {  	_ =	shalt  }
0x4c: {  	_ =	shalt  }
0x4d: {  	_ =	shalt  }
0x4e: {  	_ =	shalt  }
0x4f: {  	_ =	shalt  }
0x50: {  	_ =	shalt  }
0x51: {  	_ =	shalt  }
0x52: {  	_ =	shalt  }
0x53: {  	_ =	shalt  }
0x54: {  	_ =	shalt  }
0x55: {  	_ =	shalt  }
0x56: {  	_ =	shalt  }
0x57: {  	_ =	shalt  }
0x58: {  	_ =	shalt  }
0x59: {  	_ =	shalt  }
0x5a: {  	_ =	shalt  }
0x5b: {  	_ =	shalt  }
0x5c: {  	_ =	shalt  }
0x5d: {  	_ =	shalt  }
0x5e: {  	_ =	shalt  }
0x5f: {  	_ =	shalt  }
0x60: {  	_ =	shalt  }
0x61: {  	_ =	shalt  }
0x62: {  	_ =	shalt  }
0x63: {  	_ =	shalt  }
0x64: {  	_ =	shalt  }
0x65: {  	_ =	shalt  }
0x66: {  	_ =	shalt  }
0x67: {  	_ =	shalt  }
0x68: {  	_ =	shalt  }
0x69: {  	_ =	shalt  }
0x6a: {  	_ =	shalt  }
0x6b: {  	_ =	shalt  }
0x6c: {  	_ =	shalt  }
0x6d: {  	_ =	shalt  }
0x6e: {  	_ =	shalt  }
0x6f: {  	_ =	shalt  }
0x70: {  	_ =	shalt  }
0x71: {  	_ =	shalt  }
0x72: {  	_ =	shalt  }
0x73: {  	_ =	shalt  }
0x74: {  	_ =	shalt  }
0x75: {  	_ =	shalt  }
0x76: {  	_ =	shalt  }
0x77: {  	_ =	shalt  }
0x78: {  	_ =	shalt  }
0x79: {  	_ =	shalt  }
0x7a: {  	_ =	shalt  }
0x7b: {  	_ =	shalt  }
0x7c: {  	_ =	shalt  }
0x7d: {  	_ =	shalt  }
0x7e: {  	_ =	shalt  }
0x7f: {  	_ =	shalt  }
0x80: {  	_ =	shalt  }
0x81: {  	_ =	shalt  }
0x82: {  	_ =	shalt  }
0x83: {  	_ =	shalt  }
0x84: {  	_ =	shalt  }
0x85: {  	_ =	shalt  }
0x86: {  	_ =	shalt  }
0x87: {  	_ =	shalt  }
.Lfunc_end0:
.L_simem_size_0:
called_computation.1_lowered:
.L_overlay_start_0:
0x88: {  	s2 =	sld [smem:$0x3FD9]  }
0x89: {  	s3 =	sld [smem:$0x3FFE];
	_ =	sdelay $0x1  }
0x8a: {  	s1 =	srdreg.scid  }
0x8b: {  	s0 =	sand.u32 $0x1, s1  }
0x8c: {  	s17 =	sshll.u32 s0, $0xA;
	s2 =	sadd.s32 s3, s2  }
0x8d: {  	s2 =	sadd.s32 s2, s17  }
0x8e: {  	[smem:$0x3FC0] =	sst s2  }
0x8f: {  	_ = 	snop  }
0x90: {  	s2 =	sld [smem:$0x3FD0];
	(tm) =	ssettm $0x1  }
0x91: {  	s18 =	sld [smem:$0x3FFB];
	_ =	sdelay $0x3  }
0x92: {  	_ =	strace s18  }
0x93: {  	s3 =	sld [smem:$0x3FFC];
	_ =	sdelay $0x3  }
0x94: {  	_ =	strace s3  }
0x95: {  	s3 =	sld [smem:$0x3FFD];
	_ =	sdelay $0x3  }
0x96: {  	_ =	strace s3  }
0x97: {  	_ =	strace $0x8FFFFFFF  }
0x98: {  	s19 =	sld [smem:$0x3FDB];
	_ =	sdelay $0x1  }
0x99: {  	s4 =	simm.s32 $_scs_section_size  }
0x9a: {  	s5 =	simm.s32 $_size__tile_overlayer_lowered;
	s6 =	simm.s32 $_tile_overlayer_lowered  }
0x9b: {  	s22 =	simm.s32 $0x1BFF;
	s21 =	sshll.u32 s6, $0x1;
	s3 =	sadd.s32 s4, s19  }
0x9c: {  	s7 =	simm.s32 $0x0;
	s20 =	sshll.u32 s5, $0x1;
	s5 =	sadd.s32 s21, s3  }
0x9d: {  	[timem:s7], [sflag:s22] =	dma.local [hbm:s5], s20  }
0x9e: {  	_ =	swait.ge [sflag:s22], s20  }
0x9f: {  	s4 =	ssub.s32 $0x0, s20;
	[sflag:s22] =	ssyncset.done $0x0  }
0xa0: {  	[sflag:s22] =	ssyncadd.s32 s4;
	_ =	sdelay $0x1  }
0xa1: {  	s23 =	simm.s32 $0x1B8B  }
0xa2: {  	_ =	swait.ge [sflag:s23], $0x1  }
0xa3: {  	[sflag:s23] =	ssyncset.done $0x0  }
0xa4: {  	s25 =	simm.s32 $0x1B8E;
	s24 =	sld [smem:$0x3FFE];
	[sflag:s23] =	ssyncadd.s32 $0xFFFFFFFF  }
0xa5: {  	s26 =	simm.s32 $execute0_lowered;
	[smem:$0x3FD2] =	sst s25  }
0xa6: {  	s5 =	sshll.u32 s26, $0x1;
	_ =	strace $0x80000049;
	[dreg:$0x1] =	wrdreg $0xFFFFFFFF  }
0xa7: {  	s28 =	simm.s32 $_size_execute0_lowered;
	s3 =	sadd.s32 s3, s5;
	[dreg:$0x0] =	wrdreg $0x0  }
0xa8: {  	s5 =	sshll.u32 s28, $0x1;
	[dreg:$0x2] =	wrdreg s3  }
0xa9: {  	[dreg:$0x3] =	wrdreg s5  }
0xaa: {  	[dreg:$0x4] =	wrdreg $0xC0  }
0xab: {  	_ =	task [dreg:s7], $0x5FFFF  }
0xac: {  	[dreg:$0x1] =	wrdreg $0xFFFFFFFF  }
0xad: {  	[dreg:$0x0] =	wrdreg $0x60  }
0xae: {  	[dreg:$0x2] =	wrdreg s2  }
0xaf: {  	[dreg:$0x3] =	wrdreg s24  }
0xb0: {  	[dreg:$0x4] =	wrdreg $0x8B000  }
0xb1: {  	[dreg:$0x5] =	wrdreg $0x9  }
0xb2: {  	_ =	task.clear_ibuf [dreg:s7], $0x6FFFF;
	_ =	strace $0x90000049  }
0xb3: {  	s29 =	simm.s32 $0x9;
	_ =	strace $0x8000004B  }
0xb4: {  	_ =	swait.ge [sflag:s29], $0x1  }
0xb5: {  	[sflag:s29] =	ssyncadd.s32 $0xFFFFFFFF  }
0xb6: {  	_ =	strace $0x9000004B  }
0xb7: {  	_ =	sfence  }
0xb8: {  	s30 =	sld [smem:$0x0];
	_ =	sdelay $0x2  }
0xb9: {  	s31 =	sshll.u32 s1, $0xD;
	s1 =	sshrl.u32 s1, $0x2  }
0xba: {  	s3 =	sand.u32 $0x4000, s31;
	s1 =	sadd.s32 s1, s30  }
0xbb: {  	s0 =	sor.u32 s3, s0;
	s1 =	sshll.u32 s1, $0x11  }
0xbc: {  	s0 =	sor.u32 s1, s0  }
0xbd: {  	s0 =	sadd.s32 $0x8F2B, s0  }
0xbe: {  	[sflag:s0] =	ssyncadd.remote.s32 $0x1  }
0xbf: {  	_ =	sfence.sel $0xFFFF  }
0xc0: {  	[dreg:$0x0] =	wrdreg $0xFFFFFFFF;
	(pc) =	sbr.abs _section_cstart, $3  }
0xc1: {  	[dreg:$0x1] =	wrdreg $0xFFFFFFFF  }
0xc2: {  	_ =	task.clear_ibuf [dreg:s7], $0x2FFFF;
	_ =	strace $0x9FFFFFFF  }
0xc3: {  	(tm) =	ssettm $0x7FFFFFFF  }
tec
execute0_lowered:
.L_overlay_start_1:
0x0: {  	(tag) =	ssettag $0x1  }
0x1: {  	s1 =	rddreg [dreg:$0x0]  }
0x2: {  	s0 =	rddreg [dreg:$0x1]  }
0x3: {  	s3 =	rddreg [dreg:$0x2]  }
0x4: {  	s2 =	srdreg.scid;
	s12 =	stileid.u32  }
0x5: {  	s4 =	simm.s32 $0x0;
	s28 =	simm.s32 $0x200;
	s29 =	simm.s32 $0x5  }
0x6: {  	s30 =	simm.s32 $0x100;
	s31 =	simm.s32 $0x80;
	s6 =	smul.u32 $0x14000, s12  }
0x7: {  	s2 =	sand.u32 $0x1, s2;
	s7 =	sshll.u32 s12, $0x1;
	s9 =	smul.u32 $0x50000, s12  }
0x8: {  	[smem:$0x7FF] =	sst s4;
	s5 =	smul.u32 $0x140000, s2;
	s7 =	sor.u32 s2, s7  }
0x9: {  	_ =	strace $0x8000004A;
	s21 =	ssub.s32 $0x2, s2;
	s7 =	smul.u32 $0x2710, s7  }
0xa: {  	s2 =	smul.u32 $0x2710, s2;
	s10 =	sshrl.u32 s21, $0x1;
	s9 =	sshrl.u32 s9, $0x2  }
0xb: {  	s6 =	sadd.s32 s6, s5;
	s5 =	sadd.s32 $0x3800, s0;
	s11 =	sshrl.u32 s7, $0x3  }
0xc: {  	s8 =	sshrl.u32 s6, $0x3;
	s6 =	sadd.s32 $0xD600, s0;
	s22 =	sadd.s32 s5, s11  }
0xd: {  	s7 =	sadd.s32 s9, s3;
	s23 =	sadd.s32 s6, s11;
	[dreg:$0x4] =	wrdreg s22  }
0xe: {  	s0 =	sadd.s32 s8, s0;
	s14 =	sadd.s32 $0x4000, s7;
	[dreg:$0x5] =	wrdreg s23  }
0xf: {  	s8 =	ssub.s32 s21, s10;
	s15 =	sadd.s32 $0x8000, s7;
	[dreg:$0xc] =	wrdreg s14  }
0x10: {  	s24 =	sadd.s32 $0x10, s11;
	s16 =	sadd.s32 $0xC000, s7;
	[dreg:$0xd] =	wrdreg s15  }
0x11: {  	s25 =	sadd.s32 $0x4E0, s11;
	s13 =	sadd.s32 s5, s24;
	[dreg:$0xe] =	wrdreg s16  }
0x12: {  	s17 =	sadd.s32 $0x4D0, s11;
	s9 =	sadd.s32 s6, s24;
	[dreg:$0x6] =	wrdreg s13  }
0x13: {  	s18 =	sadd.s32 $0x4C0, s11;
	s26 =	sadd.s32 s5, s25;
	[dreg:$0x7] =	wrdreg s9  }
0x14: {  	s11 =	simm.s32 $0x2;
	s10 =	sadd.s32 s6, s25;
	[dreg:$0x8] =	wrdreg s26  }
0x15: {  	s0 =	sadd.s32 $0x17400, s0;
	s8 =	smax.u32 s8, $0x1;
	[dreg:$0x9] =	wrdreg s10  }
0x16: {  	s19 =	sadd.s32 s5, s17;
	s20 =	sadd.s32 s6, s17;
	[dreg:$0xa] =	wrdreg s0  }
0x17: {  	s21 =	sadd.s32 s5, s18;
	s24 =	sadd.s32 s6, s18;
	[dreg:$0xb] =	wrdreg s8  }
0x18: {  	s14 =	simm.s32 $0x10;
	s15 =	simm.s32 $0x8300;
	[dreg:$0xf] =	wrdreg s21  }
0x19: {  	s16 =	simm.s32 $0x0;
	s13 =	smul.u32 $0x4E20, s12;
	[dreg:$0x10] =	wrdreg s24  }
0x1a: {  	s26 =	sadd.s32 $0x10000, s7;
	s8 =	simm.s32 $0x1;
	s9 =	simm.s32 $0x4  }
0x1b: {  	s10 =	simm.s32 $0x4200;
	s12 =	simm.s32 $0x8200;
	s0 =	sadd.s32 s2, s13  }
0x1c: {  	[dreg:$0x11] =	wrdreg s26;
	s2 =	simm.s32 $0x3;
	s22 =	sadd.s32 $0x180, s0  }
0x1d: {  	s13 =	simm.s32 $0x8280;
	s23 =	sadd.s32 $0x100, s0;
	s25 =	sshrl.u32 s22, $0x3  }
0x1e: {  	v0 =	vimm.f32 $0.0e+00;
	s0 =	simm.s32 $0x180;
	s24 =	sadd.s32 s25, s6;
	s25 =	sadd.s32 s25, s5  }
.LBB2_1:
0x1f: {  	s17 =	simm.s32 $0x0;
	s18 =	simm.s32 $0x200  }
.LBB2_2:
0x20: {  	p0 =	sne.s32 s18, $0xFE00;
	[tilespmem:s17+$0x270] =	vst v0  }
0x21: {  	[tilespmem:s17+$0x200] =	vst v0  }
0x22: {  	[tilespmem:s17+$0x210] =	vst v0  }
.Ltmp0:
0x23: {  	[tilespmem:s17+$0x220] =	vst v0;
	(pc) =	sbr.rel @p0 .LBB2_2-.Ltmp0, $4  }
0x24: {  	[tilespmem:s17+$0x230] =	vst v0  }
0x25: {  	[tilespmem:s17+$0x240] =	vst v0  }
0x26: {  	[tilespmem:s17+$0x250] =	vst v0  }
0x27: {  	[tilespmem:s17+$0x260] =	vst v0;
	s17 =	sshra.s32 s18, $0x2;
	s18 =	sadd.s32 $0x200, s18  }
0x28: {  	[tilespmem:s17+$0x270] =	vst v0  }
0x29: {  	[tilespmem:s17+$0x200] =	vst v0  }
0x2a: {  	[tilespmem:s17+$0x210] =	vst v0  }
0x2b: {  	[tilespmem:s17+$0x220] =	vst v0  }
0x2c: {  	[tilespmem:s17+$0x230] =	vst v0  }
0x2d: {  	[tilespmem:s17+$0x240] =	vst v0  }
0x2e: {  	[tilespmem:s17+$0x250] =	vst v0  }
0x2f: {  	[tilespmem:s17+$0x260] =	vst v0  }
0x30: {  	[spmem:s7] =	stream.linear.scatter [tilespmem:s28], [sflag:$0x5], $0x4000, $0x38;
	[tilespmem:$0x1CB00] =	vst v63  }
0x31: {  	_ =	swait.ge [sflag:s29], $0x4000  }
0x32: {  	[sflag:s29] =	ssyncset.done $0x0  }
0x33: {  	s21 =	rddreg [dreg:$0xc];
	[sflag:s29] =	ssyncadd.s32 $0xFFFFC000  }
0x34: {  	[spmem:s21] =	stream.linear.scatter [tilespmem:s28], [sflag:$0x5], $0x4000, $0x38;
	[tilespmem:$0x1CB00] =	vst v63  }
0x35: {  	_ =	swait.ge [sflag:s29], $0x4000  }
0x36: {  	[sflag:s29] =	ssyncset.done $0x0  }
0x37: {  	s22 =	rddreg [dreg:$0xd];
	[sflag:s29] =	ssyncadd.s32 $0xFFFFC000  }
0x38: {  	[spmem:s22] =	stream.linear.scatter [tilespmem:s28], [sflag:$0x5], $0x4000, $0x38;
	[tilespmem:$0x1CB00] =	vst v63  }
0x39: {  	_ =	swait.ge [sflag:s29], $0x4000  }
0x3a: {  	[sflag:s29] =	ssyncset.done $0x0  }
0x3b: {  	s26 =	rddreg [dreg:$0xe];
	[sflag:s29] =	ssyncadd.s32 $0xFFFFC000  }
0x3c: {  	[spmem:s26] =	stream.linear.scatter [tilespmem:s28], [sflag:$0x5], $0x4000, $0x38;
	[tilespmem:$0x1CB00] =	vst v63  }
0x3d: {  	_ =	swait.ge [sflag:s29], $0x4000  }
0x3e: {  	[sflag:s29] =	ssyncset.done $0x0  }
0x3f: {  	s18 =	rddreg [dreg:$0x11];
	[sflag:s29] =	ssyncadd.s32 $0xFFFFC000  }
0x40: {  	[spmem:s18] =	stream.linear.scatter [tilespmem:s28], [sflag:$0x5], $0x4000, $0x38;
	[tilespmem:$0x1CB00] =	vst v63  }
0x41: {  	_ =	swait.ge [sflag:s29], $0x4000  }
0x42: {  	[sflag:s29] =	ssyncset.done $0x0  }
0x43: {  	[sflag:s29] =	ssyncadd.s32 $0xFFFFC000  }
0x44: {  	[bflag:$0x0] =	sbarrier.arrive $0xFFFF  }
0x45: {  	s17 =	simm.s32 $0x0;
	s18 =	rddreg [dreg:$0x4]  }
0x46: {  	[tilespmem:s17], [sflag:$0x3] =	stream.linear.gather [hbm4b:s18+s17], $0x80, $0x38;
	[tilespmem:$0x1CB00] =	vst v63  }
0x47: {  	s21 =	rddreg [dreg:$0x5]  }
0x48: {  	[tilespmem:s30], [sflag:$0x3] =	stream.linear.gather [hbm4b:s21+s17], $0x80, $0x38;
	[tilespmem:$0x1CB00] =	vst v63  }
0x49: {  	s22 =	rddreg [dreg:$0x6]  }
0x4a: {  	[tilespmem:s31], [sflag:$0x4] =	stream.linear.gather [hbm4b:s22+s17], $0x80, $0x38;
	[tilespmem:$0x1CB00] =	vst v63  }
0x4b: {  	s26 =	rddreg [dreg:$0x7]  }
0x4c: {  	[tilespmem:s0], [sflag:$0x4] =	stream.linear.gather [hbm4b:s26+s17], $0x80, $0x38;
	[tilespmem:$0x1CB00] =	vst v63  }
0x4d: {  	_ =	swait.ge [sflag:s2], $0x80  }
0x4e: {  	[sflag:s2] =	ssyncset.done $0x0  }
0x4f: {  	[sflag:s2] =	ssyncadd.s32 $0xFFFFFF80  }
0x50: {  	_ =	swait.ge [sflag:s2], $0x80  }
0x51: {  	[sflag:s2] =	ssyncset.done $0x0  }
0x52: {  	[sflag:s2] =	ssyncadd.s32 $0xFFFFFF80  }
0x53: {  	[tilespmem:s28], [sflag:$0x1] =	stream.indirect.gather [hbm4b:s1+s31], $0x80, s17, s31, $0xb8;
	[tilespmem:$0x1CB00] =	vst v63  }
0x54: {  	_ =	swait.ge [sflag:s8], $0x4000  }
0x55: {  	[sflag:s8] =	ssyncset.done $0x0  }
0x56: {  	[sflag:s8] =	ssyncadd.s32 $0xFFFFC000  }
0x57: {  	_ =	swait.ge [sflag:s9], $0x80  }
0x58: {  	[sflag:s9] =	ssyncset.done $0x0  }
0x59: {  	[sflag:s9] =	ssyncadd.s32 $0xFFFFFF80  }
0x5a: {  	_ =	swait.ge [sflag:s9], $0x80  }
0x5b: {  	[sflag:s9] =	ssyncset.done $0x0  }
0x5c: {  	[sflag:s9] =	ssyncadd.s32 $0xFFFFFF80  }
0x5d: {  	[tilespmem:s10], [sflag:$0x2] =	stream.indirect.gather [hbm4b:s1+s31], $0x80, s31, s31, $0xb8;
	[tilespmem:$0x1CB00] =	vst v63  }
0x5e: {  	_ = 	snop  }
0x5f: {  	[spmem:s3] =	stream.indirect.scatter.add.f32 [tilespmem:s28], [sflag:$0x5], $0x80, s30, s31, $0xb8;
	[tilespmem:$0x1CB00] =	vst v63  }
0x60: {  	_ =	swait.ge [sflag:s29], $0x4000  }
0x61: {  	s21 =	sshrl.u32 s23, $0x3;
	[sflag:s29] =	ssyncset.done $0x0  }
0x62: {  	s22 =	sadd.s32 s5, s21;
	[sflag:s29] =	ssyncadd.s32 $0xFFFFC000  }
0x63: {  	[tilespmem:s4], [sflag:$0x3] =	stream.linear.gather [hbm4b:s22+s4], $0x80, $0x38;
	[tilespmem:$0x1CB00] =	vst v63  }
0x64: {  	s17 =	sadd.s32 s6, s21  }
0x65: {  	[tilespmem:s30], [sflag:$0x3] =	stream.linear.gather [hbm4b:s17+s4], $0x80, $0x38;
	[tilespmem:$0x1CB00] =	vst v63  }
0x66: {  	_ =	swait.ge [sflag:s11], $0x4000  }
0x67: {  	[sflag:s11] =	ssyncset.done $0x0  }
0x68: {  	[sflag:s11] =	ssyncadd.s32 $0xFFFFC000  }
0x69: {  	_ =	swait.ge [sflag:s2], $0x80  }
0x6a: {  	[sflag:s2] =	ssyncset.done $0x0  }
0x6b: {  	[sflag:s2] =	ssyncadd.s32 $0xFFFFFF80  }
0x6c: {  	_ =	swait.ge [sflag:s2], $0x80  }
0x6d: {  	[sflag:s2] =	ssyncset.done $0x0  }
0x6e: {  	[sflag:s2] =	ssyncadd.s32 $0xFFFFFF80  }
0x6f: {  	[tilespmem:s28], [sflag:$0x1] =	stream.indirect.gather [hbm4b:s1+s31], $0x80, s4, s31, $0xb8;
	[tilespmem:$0x1CB00] =	vst v63  }
0x70: {  	_ = 	snop  }
0x71: {  	[spmem:s3] =	stream.indirect.scatter.add.f32 [tilespmem:s10], [sflag:$0x5], $0x80, s0, s31, $0xb8;
	[tilespmem:$0x1CB00] =	vst v63  }
0x72: {  	_ =	swait.ge [sflag:s29], $0x4000  }
0x73: {  	s18 =	sadd.s32 $0x100, s23;
	s26 =	sadd.s32 $0x0, s25;
	[sflag:s29] =	ssyncset.done $0x0  }
0x74: {  	s21 =	sadd.s32 $0x0, s24;
	s17 =	simm.s32 $0x20;
	[sflag:s29] =	ssyncadd.s32 $0xFFFFC000  }
0x75: {  	[tilespmem:s31], [sflag:$0x4] =	stream.linear.gather [hbm4b:s26+s4], $0x80, $0x38;
	[tilespmem:$0x1CB00] =	vst v63  }
.LBB2_4:
0x76: {  	[tilespmem:s0], [sflag:$0x4] =	stream.linear.gather [hbm4b:s21+s4], $0x80, $0x38;
	[tilespmem:$0x1CB00] =	vst v63  }
0x77: {  	s21 =	smov.u32 s17  }
0x78: {  	p0 =	sne.s32 s17, $0x480;
	s17 =	sadd.s32 $0x20, s17;
	_ =	swait.ge [sflag:s8], $0x4000  }
0x79: {  	[sflag:s8] =	ssyncset.done $0x0  }
0x7a: {  	[sflag:s8] =	ssyncadd.s32 $0xFFFFC000  }
0x7b: {  	_ =	swait.ge [sflag:s9], $0x80  }
0x7c: {  	[sflag:s9] =	ssyncset.done $0x0  }
0x7d: {  	[sflag:s9] =	ssyncadd.s32 $0xFFFFFF80  }
0x7e: {  	_ =	swait.ge [sflag:s9], $0x80  }
0x7f: {  	[sflag:s9] =	ssyncset.done $0x0  }
0x80: {  	[sflag:s9] =	ssyncadd.s32 $0xFFFFFF80  }
0x81: {  	[tilespmem:s10], [sflag:$0x2] =	stream.indirect.gather [hbm4b:s1+s31], $0x80, s31, s31, $0xb8;
	[tilespmem:$0x1CB00] =	vst v63  }
0x82: {  	_ = 	snop  }
0x83: {  	[spmem:s3] =	stream.indirect.scatter.add.f32 [tilespmem:s28], [sflag:$0x5], $0x80, s30, s31, $0xb8;
	[tilespmem:$0x1CB00] =	vst v63  }
0x84: {  	_ =	swait.ge [sflag:s29], $0x4000  }
0x85: {  	s22 =	sshrl.u32 s18, $0x3;
	[sflag:s29] =	ssyncset.done $0x0  }
0x86: {  	s26 =	sadd.s32 s5, s22;
	[sflag:s29] =	ssyncadd.s32 $0xFFFFC000  }
0x87: {  	[tilespmem:s4], [sflag:$0x3] =	stream.linear.gather [hbm4b:s26+s4], $0x80, $0x38;
	[tilespmem:$0x1CB00] =	vst v63  }
0x88: {  	s22 =	sadd.s32 s6, s22  }
0x89: {  	[tilespmem:s30], [sflag:$0x3] =	stream.linear.gather [hbm4b:s22+s4], $0x80, $0x38;
	[tilespmem:$0x1CB00] =	vst v63  }
0x8a: {  	_ =	swait.ge [sflag:s11], $0x4000  }
0x8b: {  	[sflag:s11] =	ssyncset.done $0x0  }
0x8c: {  	[sflag:s11] =	ssyncadd.s32 $0xFFFFC000  }
0x8d: {  	_ =	swait.ge [sflag:s2], $0x80  }
0x8e: {  	[sflag:s2] =	ssyncset.done $0x0  }
0x8f: {  	[sflag:s2] =	ssyncadd.s32 $0xFFFFFF80  }
0x90: {  	_ =	swait.ge [sflag:s2], $0x80  }
0x91: {  	[sflag:s2] =	ssyncset.done $0x0  }
0x92: {  	[sflag:s2] =	ssyncadd.s32 $0xFFFFFF80  }
0x93: {  	[tilespmem:s28], [sflag:$0x1] =	stream.indirect.gather [hbm4b:s1+s31], $0x80, s4, s31, $0xb8;
	[tilespmem:$0x1CB00] =	vst v63  }
0x94: {  	_ = 	snop  }
0x95: {  	[spmem:s3] =	stream.indirect.scatter.add.f32 [tilespmem:s10], [sflag:$0x5], $0x80, s0, s31, $0xb8;
	[tilespmem:$0x1CB00] =	vst v63  }
.Ltmp1:
0x96: {  	_ =	swait.ge [sflag:s29], $0x4000;
	(pc) =	sbr.rel @p0 .LBB2_4-.Ltmp1, $4  }
0x97: {  	[sflag:s29] =	ssyncset.done $0x0  }
0x98: {  	s22 =	sadd.s32 s21, s25;
	[sflag:s29] =	ssyncadd.s32 $0xFFFFC000  }
0x99: {  	[tilespmem:s31], [sflag:$0x4] =	stream.linear.gather [hbm4b:s22+s4], $0x80, $0x38;
	[tilespmem:$0x1CB00] =	vst v63  }
0x9a: {  	s18 =	sadd.s32 $0x100, s18;
	s21 =	sadd.s32 s21, s24  }
0x9b: {  	[tilespmem:s0], [sflag:$0x4] =	stream.linear.gather [hbm4b:s21+s4], $0x80, $0x38;
	[tilespmem:$0x1CB00] =	vst v63  }
0x9c: {  	_ =	swait.ge [sflag:s8], $0x4000  }
0x9d: {  	[sflag:s8] =	ssyncset.done $0x0  }
0x9e: {  	[sflag:s8] =	ssyncadd.s32 $0xFFFFC000  }
0x9f: {  	_ =	swait.ge [sflag:s9], $0x80  }
0xa0: {  	[sflag:s9] =	ssyncset.done $0x0  }
0xa1: {  	[sflag:s9] =	ssyncadd.s32 $0xFFFFFF80  }
0xa2: {  	_ =	swait.ge [sflag:s9], $0x80  }
0xa3: {  	[sflag:s9] =	ssyncset.done $0x0  }
0xa4: {  	[sflag:s9] =	ssyncadd.s32 $0xFFFFFF80  }
0xa5: {  	[tilespmem:s10], [sflag:$0x2] =	stream.indirect.gather [hbm4b:s1+s31], $0x80, s31, s31, $0xb8;
	[tilespmem:$0x1CB00] =	vst v63  }
0xa6: {  	_ = 	snop  }
0xa7: {  	[spmem:s3] =	stream.indirect.scatter.add.f32 [tilespmem:s28], [sflag:$0x5], $0x80, s30, s31, $0xb8;
	[tilespmem:$0x1CB00] =	vst v63  }
0xa8: {  	_ =	swait.ge [sflag:s29], $0x4000  }
0xa9: {  	[sflag:s29] =	ssyncset.done $0x0  }
0xaa: {  	s17 =	rddreg [dreg:$0xf];
	[sflag:s29] =	ssyncadd.s32 $0xFFFFC000  }
0xab: {  	[tilespmem:s4], [sflag:$0x3] =	stream.linear.gather [hbm4b:s17+s4], $0x80, $0x38;
	[tilespmem:$0x1CB00] =	vst v63  }
0xac: {  	s22 =	rddreg [dreg:$0x10]  }
0xad: {  	[tilespmem:s30], [sflag:$0x3] =	stream.linear.gather [hbm4b:s22+s4], $0x80, $0x38;
	[tilespmem:$0x1CB00] =	vst v63  }
0xae: {  	_ =	swait.ge [sflag:s11], $0x4000  }
0xaf: {  	[sflag:s11] =	ssyncset.done $0x0  }
0xb0: {  	[sflag:s11] =	ssyncadd.s32 $0xFFFFC000  }
0xb1: {  	_ =	swait.ge [sflag:s2], $0x80  }
0xb2: {  	[sflag:s2] =	ssyncset.done $0x0  }
0xb3: {  	[sflag:s2] =	ssyncadd.s32 $0xFFFFFF80  }
0xb4: {  	_ =	swait.ge [sflag:s2], $0x80  }
0xb5: {  	[sflag:s2] =	ssyncset.done $0x0  }
0xb6: {  	[sflag:s2] =	ssyncadd.s32 $0xFFFFFF80  }
0xb7: {  	[tilespmem:s28], [sflag:$0x1] =	stream.indirect.gather [hbm4b:s1+s31], $0x80, s4, s31, $0xb8;
	[tilespmem:$0x1CB00] =	vst v63  }
0xb8: {  	_ = 	snop  }
0xb9: {  	[spmem:s3] =	stream.indirect.scatter.add.f32 [tilespmem:s10], [sflag:$0x5], $0x80, s0, s31, $0xb8;
	[tilespmem:$0x1CB00] =	vst v63  }
0xba: {  	_ =	swait.ge [sflag:s29], $0x4000  }
0xbb: {  	[sflag:s29] =	ssyncset.done $0x0  }
0xbc: {  	[sflag:s29] =	ssyncadd.s32 $0xFFFFC000  }
0xbd: {  	[tilespmem:s31], [sflag:$0x4] =	stream.linear.gather [hbm4b:s19+s4], $0x80, $0x38;
	[tilespmem:$0x1CB00] =	vst v63  }
0xbe: {  	_ = 	snop  }
0xbf: {  	[tilespmem:s0], [sflag:$0x4] =	stream.linear.gather [hbm4b:s20+s4], $0x80, $0x38;
	[tilespmem:$0x1CB00] =	vst v63  }
0xc0: {  	_ =	swait.ge [sflag:s8], $0x4000  }
0xc1: {  	[sflag:s8] =	ssyncset.done $0x0  }
0xc2: {  	[sflag:s8] =	ssyncadd.s32 $0xFFFFC000  }
0xc3: {  	_ =	swait.ge [sflag:s9], $0x80  }
0xc4: {  	[sflag:s9] =	ssyncset.done $0x0  }
0xc5: {  	[sflag:s9] =	ssyncadd.s32 $0xFFFFFF80  }
0xc6: {  	_ =	swait.ge [sflag:s9], $0x80  }
0xc7: {  	[sflag:s9] =	ssyncset.done $0x0  }
0xc8: {  	[sflag:s9] =	ssyncadd.s32 $0xFFFFFF80  }
0xc9: {  	[tilespmem:s10], [sflag:$0x2] =	stream.indirect.gather [hbm4b:s1+s31], $0x80, s31, s31, $0xb8;
	[tilespmem:$0x1CB00] =	vst v63  }
0xca: {  	_ = 	snop  }
0xcb: {  	[spmem:s3] =	stream.indirect.scatter.add.f32 [tilespmem:s28], [sflag:$0x5], $0x80, s30, s31, $0xb8;
	[tilespmem:$0x1CB00] =	vst v63  }
0xcc: {  	_ =	swait.ge [sflag:s29], $0x4000  }
0xcd: {  	[sflag:s29] =	ssyncset.done $0x0  }
0xce: {  	[sflag:s29] =	ssyncadd.s32 $0xFFFFC000  }
0xcf: {  	[tilespmem:s4], [sflag:$0x3] =	stream.linear.gather [hbm4b:s19+s4], $0x80, $0x38;
	[tilespmem:$0x1CB00] =	vst v63  }
0xd0: {  	_ = 	snop  }
0xd1: {  	[tilespmem:s30], [sflag:$0x3] =	stream.linear.gather [hbm4b:s20+s4], $0x80, $0x38;
	[tilespmem:$0x1CB00] =	vst v63  }
0xd2: {  	_ =	swait.ge [sflag:s11], $0x4000  }
0xd3: {  	[sflag:s11] =	ssyncset.done $0x0  }
0xd4: {  	[sflag:s11] =	ssyncadd.s32 $0xFFFFC000  }
0xd5: {  	_ =	swait.ge [sflag:s2], $0x80  }
0xd6: {  	[sflag:s2] =	ssyncset.done $0x0  }
0xd7: {  	[sflag:s2] =	ssyncadd.s32 $0xFFFFFF80  }
0xd8: {  	_ =	swait.ge [sflag:s2], $0x80  }
0xd9: {  	[sflag:s2] =	ssyncset.done $0x0  }
0xda: {  	[sflag:s2] =	ssyncadd.s32 $0xFFFFFF80  }
0xdb: {  	[tilespmem:s28], [sflag:$0x1] =	stream.indirect.gather [hbm4b:s1+s31], $0x80, s4, s31, $0xb8;
	[tilespmem:$0x1CB00] =	vst v63  }
0xdc: {  	_ = 	snop  }
0xdd: {  	[spmem:s3] =	stream.indirect.scatter.add.f32 [tilespmem:s10], [sflag:$0x5], $0x80, s0, s31, $0xb8;
	[tilespmem:$0x1CB00] =	vst v63  }
0xde: {  	_ =	swait.ge [sflag:s29], $0x4000  }
0xdf: {  	[sflag:s29] =	ssyncset.done $0x0  }
0xe0: {  	[sflag:s29] =	ssyncadd.s32 $0xFFFFC000  }
0xe1: {  	[tilespmem:s31], [sflag:$0x4] =	stream.linear.gather [hbm4b:s19+s4], $0x80, $0x38;
	[tilespmem:$0x1CB00] =	vst v63  }
0xe2: {  	_ = 	snop  }
0xe3: {  	[tilespmem:s0], [sflag:$0x4] =	stream.linear.gather [hbm4b:s20+s4], $0x80, $0x38;
	[tilespmem:$0x1CB00] =	vst v63  }
0xe4: {  	_ =	swait.ge [sflag:s8], $0x4000  }
0xe5: {  	[sflag:s8] =	ssyncset.done $0x0  }
0xe6: {  	[sflag:s8] =	ssyncadd.s32 $0xFFFFC000  }
0xe7: {  	_ =	swait.ge [sflag:s9], $0x80  }
0xe8: {  	[sflag:s9] =	ssyncset.done $0x0  }
0xe9: {  	[sflag:s9] =	ssyncadd.s32 $0xFFFFFF80  }
0xea: {  	_ =	swait.ge [sflag:s9], $0x80  }
0xeb: {  	[sflag:s9] =	ssyncset.done $0x0  }
0xec: {  	s26 =	rddreg [dreg:$0x8];
	[sflag:s9] =	ssyncadd.s32 $0xFFFFFF80  }
0xed: {  	[tilespmem:s12], [sflag:$0x5] =	stream.linear.gather [hbm4b:s26+s4], $0x10, $0x38;
	[tilespmem:$0x1CB00] =	vst v63  }
0xee: {  	_ =	swait.ge [sflag:s29], $0x10  }
0xef: {  	[sflag:s29] =	ssyncset.done $0x0  }
0xf0: {  	s18 =	rddreg [dreg:$0x9];
	[sflag:s29] =	ssyncadd.s32 $0xFFFFFFF0  }
0xf1: {  	[tilespmem:s13], [sflag:$0x5] =	stream.linear.gather [hbm4b:s18+s4], $0x10, $0x38;
	[tilespmem:$0x1CB00] =	vst v63  }
0xf2: {  	_ =	swait.ge [sflag:s29], $0x10  }
0xf3: {  	[sflag:s29] =	ssyncset.done $0x0  }
0xf4: {  	[sflag:s29] =	ssyncadd.s32 $0xFFFFFFF0  }
0xf5: {  	[tilespmem:s15], [sflag:$0x1] =	stream.indirect.gather [hbm4b:s1+s14], $0x80, s12, s14, $0xb8;
	[tilespmem:$0x1CB00] =	vst v63  }
0xf6: {  	_ =	swait.ge [sflag:s8], $0x800  }
0xf7: {  	[sflag:s8] =	ssyncset.done $0x0  }
0xf8: {  	[sflag:s8] =	ssyncadd.s32 $0xFFFFF800  }
0xf9: {  	[spmem:s3] =	stream.indirect.scatter.add.f32 [tilespmem:s15], [sflag:$0x5], $0x80, s13, s14, $0xb8;
	[tilespmem:$0x1CB00] =	vst v63  }
0xfa: {  	_ =	swait.ge [sflag:s29], $0x800  }
0xfb: {  	[sflag:s29] =	ssyncset.done $0x0  }
0xfc: {  	s21 =	stileid.u32;
	[sflag:s29] =	ssyncadd.s32 $0xFFFFF800  }
0xfd: {  	s17 =	sshll.u32 s21, $0x6;
	[bflag:$0x0] =	sbarrier.arrive $0xFFFF  }
0xfe: {  	s17 =	sor.u32 $0x1C05, s17;
	s18 =	sshrl.u32 s7, $0x3;
	s22 =	rddreg [dreg:$0xa]  }
0xff: {  	[hbm:s22], [sflag:s17] =	dma.local [spmem:s18], $0x2800  }
0x100: {  	_ =	swait.ge [sflag:s29], $0x2800  }
0x101: {  	s16 =	sadd.s32 $0x1, s16;
	s26 =	rddreg [dreg:$0xb]  }
0x102: {  	p0 =	sne.s32 s16, s26  }
.Ltmp2:
0x103: {  	_ = 	snop;
	(pc) =	sbr.rel @p0 .LBB2_1-.Ltmp2, $3  }
0x104: {  	_ =	sdelay $0x1  }
0x105: {  	[sflag:s29] =	ssyncset.done $0x0  }
0x106: {  	[sflag:s29] =	ssyncadd.s32 $0xFFFFD800  }
0x107: {  	_ =	sfence.sel $0x180000  }
0x108: {  	[bflag:$0x0] =	sbarrier.arrive $0xFFFF  }
0x109: {  	_ =	strace $0x9000004A  }
0x10a: {  	s0 =	stileid.u32;
	[bflag:$0x2] =	sbarrier.arrive $0xFFFF  }
0x10b: {  	p0 =	sne.s32 s0, $0x0;
	s0 =	rddreg [dreg:$0x3]  }
0x10c: {  	s0 =	sadd.s32 @!p0 $0x100000, s0  }
0x10d: {  	[sflag:s0] =	ssyncadd.tile.s32 @!p0 $0x1;
	_ =	shalt  }
.Lfunc_end2:
_tile_overlayer_lowered:
.L_overlay_start_2:
0x10e: {  	(tag) =	ssettag $0x2  }
0x10f: {  	s0 =	rddreg [dreg:$0x0];
	s2 =	stileid.u32  }
0x110: {  	s1 =	rddreg [dreg:$0x1];
	p0 =	sne.s32 s2, $0x0  }
0x111: {  	s3 =	rddreg [dreg:$0x2];
	[bflag:$0x3] =	sbarrier.arrive $0xFFFF;
	s2 =	simm.s32 @!p0 $0x1C05  }
0x112: {  	[timem:s3], [sflag:s2] =	dma.local @!p0 [hbm:s0], s1  }
0x113: {  	s0 =	simm.s32 @!p0 $0x5  }
0x114: {  	_ =	swait.ge @!p0 [sflag:s0], s1  }
0x115: {  	s1 =	ssub.s32 @!p0 $0x0, s1;
	[sflag:s0] =	ssyncset.done @!p0 $0x0  }
0x116: {  	[sflag:s0] =	ssyncadd.s32 @!p0 s1  }
0x117: {  	[bflag:$0x3] =	sbarrier.arrive $0xFFFF  }
0x118: {  	_ =	shalt  }

// kernel: kernel.16.cloned.1.call-start
scs
__scs_entry_jumppad:
0x0: {  	(pc) =	sbr.rel $0x88, $3  }
0x1: {  	(tag) =	ssettag $0x0;
	lr =	simm.s32 $0x1  }
0x2: {  	[smem:$0x3F99] =	sst lr;
	_ =	strace $0xD0000000  }
0x3: {  	_ = 	snop  }
0x4: {  	_ = 	snop  }
0x5: {  	_ = 	snop  }
0x6: {  	_ = 	snop  }
0x7: {  	_ = 	snop  }
__scs_overlays_trampoline_lowered:
0x8: {  	[smem:$0x3FA8] =	sst s0  }
0x9: {  	[smem:$0x3FA9] =	sst s1  }
0xa: {  	[smem:$0x3FAA] =	sst s2  }
0xb: {  	[smem:$0x3FAB] =	sst s3  }
0xc: {  	[smem:$0x3FAC] =	sst s4  }
0xd: {  	[smem:$0x3FAD] =	sst s5  }
0xe: {  	[smem:$0x3FAE] =	sst s6  }
0xf: {  	[smem:$0x3FAF] =	sst s7  }
0x10: {  	[smem:$0x3FB0] =	sst s8  }
0x11: {  	[smem:$0x3FB1] =	sst s9;
	s0 =	simm.s32 @!p0 $0x0  }
0x12: {  	s1 =	sld [smem:$0x3F97];
	s0 =	simm.s32 @p0 $0x1  }
0x13: {  	[smem:$0x3FB2] =	sst s0;
	s0 =	simm.s32 @!p1 $0x0  }
0x14: {  	s2 =	sld [smem:$0x3F96];
	s0 =	simm.s32 @p1 $0x1  }
0x15: {  	[smem:$0x3FB3] =	sst s0;
	s0 =	simm.s32 @!p2 $0x0  }
0x16: {  	s3 =	sld [smem:$0x3FDB];
	s0 =	simm.s32 @p2 $0x1  }
0x17: {  	s4 =	simm.s32 $0x1BF5;
	[smem:$0x3FB5] =	sst s0  }
0x18: {  	s0 =	sld [smem:$0x3F98];
	_ =	swait.ge [sflag:s4], $0x0  }
0x19: {  	s7 =	sld [smem:$0x3F99]  }
0x1a: {  	s8 =	sadd.s32 $0xFFFFE003, lr  }
0x1b: {  	s9 =	sadd.s32 $0xFFFFFEF7, lr;
	s5 =	simm.s32 $0xFFFFFFFF;
	p2 =	slt.u32 s8, $0xFFFFF086  }
0x1c: {  	p1 =	slt.u32 s9, $0xF7A;
	s5 =	simm.s32 @!p2 $0x0  }
0x1d: {  	s5 =	simm.s32 @p1 $0x1;
	p0 =	seq.s32 s7, s2  }
0x1e: {  	s7 =	smul.u32 @!p0 $0xF7A, s2;
	p2 =	seq.s32 @!p0 s5, $0x0  }
0x1f: {  	s9 =	smul.u32 $0xF7A, s1;
	s8 =	simm.s32 @!p0 $0x1BF5;
	p2 =	por !p2, p0  }
0x20: {  	[sflag:s8] =	ssyncset.s32 @!p0 $0xFFFFF086;
	s6 =	sadd.s32 @!p0 s3, s7;
	s7 =	simm.s32 @!p0 $0x108  }
0x21: {  	s3 =	sadd.s32 s3, s9;
	s6 =	sadd.s32 @!p0 $0x88, s6;
	s7 =	simm.s32 @p2 $0x1082  }
0x22: {  	[simem:s7], [sflag:s8] =	dma.local @!p0 [hbm:s6], $0xF7A  }
0x23: {  	s9 =	sor.u32 $0xD0000000, s2;
	s6 =	simm.s32 $0x108;
	_ =	swait.ge @!p0 [sflag:s8], $0x0  }
0x24: {  	s3 =	sadd.s32 $0x88, s3;
	s6 =	simm.s32 @!p1 $0x1082;
	[sflag:s4] =	ssyncset.s32 $0xFFFFF086  }
0x25: {  	[simem:s6], [sflag:s4] =	dma.local [hbm:s3], $0xF7A  }
0x26: {  	[smem:$0x3F99] =	sst s1;
	(tag) =	ssettag s2;
	_ =	strace s9  }
0x27: {  	s1 =	sld [smem:$0x3FA9]  }
0x28: {  	s2 =	sld [smem:$0x3FAA]  }
0x29: {  	s4 =	sld [smem:$0x3FAC]  }
0x2a: {  	p0 =	seq.s32 s5, $0x0;
	s5 =	sld [smem:$0x3FAD]  }
0x2b: {  	s6 =	sld [smem:$0x3FAE]  }
0x2c: {  	s7 =	sld [smem:$0x3FAF]  }
0x2d: {  	s3 =	simm.s32 $0x108;
	s8 =	sld [smem:$0x3FB0]  }
0x2e: {  	s3 =	simm.s32 @!p0 $0x1082;
	s9 =	sld [smem:$0x3FB1]  }
0x2f: {  	lr =	sadd.s32 s0, s3;
	s0 =	sld [smem:$0x3FA8]  }
0x30: {  	s3 =	sld [smem:$0x3FAB]  }
0x31: {  	[smem:$0x3FB4] =	sst s10  }
0x32: {  	s10 =	sld [smem:$0x3FB2];
	_ =	sdelay $0x3  }
0x33: {  	p0 =	seq.s32 s10, $0x1;
	s10 =	sld [smem:$0x3FB4];
	_ =	sdelay $0x3  }
0x34: {  	[smem:$0x3FB4] =	sst s10  }
0x35: {  	s10 =	sld [smem:$0x3FB3];
	_ =	sdelay $0x3  }
0x36: {  	p1 =	seq.s32 s10, $0x1;
	s10 =	sld [smem:$0x3FB4];
	_ =	sdelay $0x3  }
0x37: {  	[smem:$0x3FB4] =	sst s10  }
0x38: {  	s10 =	sld [smem:$0x3FB5]  }
0x39: {  	_ = 	snop;
	(pc) =	sbr.ind lr, $3  }
0x3a: {  	_ = 	snop  }
0x3b: {  	_ = 	snop  }
0x3c: {  	p2 =	seq.s32 s10, $0x1;
	s10 =	sld [smem:$0x3FB4]  }
0x3d: {  	_ =	shalt  }
0x3e: {  	_ =	shalt  }
0x3f: {  	_ =	shalt  }
0x40: {  	_ =	shalt  }
0x41: {  	_ =	shalt  }
0x42: {  	_ =	shalt  }
0x43: {  	_ =	shalt  }
0x44: {  	_ =	shalt  }
0x45: {  	_ =	shalt  }
0x46: {  	_ =	shalt  }
0x47: {  	_ =	shalt  }
0x48: {  	_ =	shalt  }
0x49: {  	_ =	shalt  }
0x4a: {  	_ =	shalt  }
0x4b: {  	_ =	shalt  }
0x4c: {  	_ =	shalt  }
0x4d: {  	_ =	shalt  }
0x4e: {  	_ =	shalt  }
0x4f: {  	_ =	shalt  }
0x50: {  	_ =	shalt  }
0x51: {  	_ =	shalt  }
0x52: {  	_ =	shalt  }
0x53: {  	_ =	shalt  }
0x54: {  	_ =	shalt  }
0x55: {  	_ =	shalt  }
0x56: {  	_ =	shalt  }
0x57: {  	_ =	shalt  }
0x58: {  	_ =	shalt  }
0x59: {  	_ =	shalt  }
0x5a: {  	_ =	shalt  }
0x5b: {  	_ =	shalt  }
0x5c: {  	_ =	shalt  }
0x5d: {  	_ =	shalt  }
0x5e: {  	_ =	shalt  }
0x5f: {  	_ =	shalt  }
0x60: {  	_ =	shalt  }
0x61: {  	_ =	shalt  }
0x62: {  	_ =	shalt  }
0x63: {  	_ =	shalt  }
0x64: {  	_ =	shalt  }
0x65: {  	_ =	shalt  }
0x66: {  	_ =	shalt  }
0x67: {  	_ =	shalt  }
0x68: {  	_ =	shalt  }
0x69: {  	_ =	shalt  }
0x6a: {  	_ =	shalt  }
0x6b: {  	_ =	shalt  }
0x6c: {  	_ =	shalt  }
0x6d: {  	_ =	shalt  }
0x6e: {  	_ =	shalt  }
0x6f: {  	_ =	shalt  }
0x70: {  	_ =	shalt  }
0x71: {  	_ =	shalt  }
0x72: {  	_ =	shalt  }
0x73: {  	_ =	shalt  }
0x74: {  	_ =	shalt  }
0x75: {  	_ =	shalt  }
0x76: {  	_ =	shalt  }
0x77: {  	_ =	shalt  }
0x78: {  	_ =	shalt  }
0x79: {  	_ =	shalt  }
0x7a: {  	_ =	shalt  }
0x7b: {  	_ =	shalt  }
0x7c: {  	_ =	shalt  }
0x7d: {  	_ =	shalt  }
0x7e: {  	_ =	shalt  }
0x7f: {  	_ =	shalt  }
0x80: {  	_ =	shalt  }
0x81: {  	_ =	shalt  }
0x82: {  	_ =	shalt  }
0x83: {  	_ =	shalt  }
0x84: {  	_ =	shalt  }
0x85: {  	_ =	shalt  }
0x86: {  	_ =	shalt  }
0x87: {  	_ =	shalt  }
.Lfunc_end0:
.L_simem_size_0:
called_computation.2_lowered:
.L_overlay_start_0:
0x88: {  	s2 =	sld [smem:$0x3FD9]  }
0x89: {  	s3 =	sld [smem:$0x3FFE];
	_ =	sdelay $0x1  }
0x8a: {  	s1 =	srdreg.scid  }
0x8b: {  	s0 =	sand.u32 $0x1, s1  }
0x8c: {  	s17 =	sshll.u32 s0, $0xA;
	s2 =	sadd.s32 s3, s2  }
0x8d: {  	s2 =	sadd.s32 s2, s17  }
0x8e: {  	[smem:$0x3FC0] =	sst s2  }
0x8f: {  	_ = 	snop  }
0x90: {  	s2 =	sld [smem:$0x3FD0];
	(tm) =	ssettm $0x1  }
0x91: {  	s18 =	sld [smem:$0x3FFB];
	_ =	sdelay $0x3  }
0x92: {  	_ =	strace s18  }
0x93: {  	s3 =	sld [smem:$0x3FFC];
	_ =	sdelay $0x3  }
0x94: {  	_ =	strace s3  }
0x95: {  	s3 =	sld [smem:$0x3FFD];
	_ =	sdelay $0x3  }
0x96: {  	_ =	strace s3  }
0x97: {  	_ =	strace $0x8FFFFFFF  }
0x98: {  	s19 =	sld [smem:$0x3FDB];
	_ =	sdelay $0x1  }
0x99: {  	s4 =	simm.s32 $_scs_section_size  }
0x9a: {  	s5 =	simm.s32 $_size__tile_overlayer_lowered;
	s6 =	simm.s32 $_tile_overlayer_lowered  }
0x9b: {  	s22 =	simm.s32 $0x1BFF;
	s21 =	sshll.u32 s6, $0x1;
	s3 =	sadd.s32 s4, s19  }
0x9c: {  	s7 =	simm.s32 $0x0;
	s20 =	sshll.u32 s5, $0x1;
	s5 =	sadd.s32 s21, s3  }
0x9d: {  	[timem:s7], [sflag:s22] =	dma.local [hbm:s5], s20  }
0x9e: {  	_ =	swait.ge [sflag:s22], s20  }
0x9f: {  	s4 =	ssub.s32 $0x0, s20;
	[sflag:s22] =	ssyncset.done $0x0  }
0xa0: {  	[sflag:s22] =	ssyncadd.s32 s4;
	_ =	sdelay $0x1  }
0xa1: {  	s23 =	simm.s32 $0x1B8B  }
0xa2: {  	_ =	swait.ge [sflag:s23], $0x1  }
0xa3: {  	[sflag:s23] =	ssyncset.done $0x0  }
0xa4: {  	s25 =	simm.s32 $0x1B8E;
	s24 =	sld [smem:$0x3FFE];
	[sflag:s23] =	ssyncadd.s32 $0xFFFFFFFF  }
0xa5: {  	s26 =	simm.s32 $execute0_lowered;
	[smem:$0x3FD2] =	sst s25  }
0xa6: {  	s5 =	sshll.u32 s26, $0x1;
	_ =	strace $0x8000004C;
	[dreg:$0x1] =	wrdreg $0xFFFFFFFF  }
0xa7: {  	s28 =	simm.s32 $_size_execute0_lowered;
	s3 =	sadd.s32 s3, s5;
	[dreg:$0x0] =	wrdreg $0x0  }
0xa8: {  	s5 =	sshll.u32 s28, $0x1;
	[dreg:$0x2] =	wrdreg s3  }
0xa9: {  	[dreg:$0x3] =	wrdreg s5  }
0xaa: {  	[dreg:$0x4] =	wrdreg $0xC0  }
0xab: {  	_ =	task [dreg:s7], $0x5FFFF  }
0xac: {  	[dreg:$0x1] =	wrdreg $0xFFFFFFFF  }
0xad: {  	[dreg:$0x0] =	wrdreg $0x60  }
0xae: {  	[dreg:$0x2] =	wrdreg s2  }
0xaf: {  	[dreg:$0x3] =	wrdreg s24  }
0xb0: {  	[dreg:$0x4] =	wrdreg $0x8B000  }
0xb1: {  	[dreg:$0x5] =	wrdreg $0x9  }
0xb2: {  	_ =	task.clear_ibuf [dreg:s7], $0x6FFFF;
	_ =	strace $0x9000004C  }
0xb3: {  	s29 =	simm.s32 $0x9;
	_ =	strace $0x8000004E  }
0xb4: {  	_ =	swait.ge [sflag:s29], $0x1  }
0xb5: {  	[sflag:s29] =	ssyncadd.s32 $0xFFFFFFFF  }
0xb6: {  	_ =	strace $0x9000004E  }
0xb7: {  	_ =	sfence  }
0xb8: {  	s30 =	sld [smem:$0x0];
	_ =	sdelay $0x2  }
0xb9: {  	s31 =	sshll.u32 s1, $0xD;
	s1 =	sshrl.u32 s1, $0x2  }
0xba: {  	s3 =	sand.u32 $0x4000, s31;
	s1 =	sadd.s32 s1, s30  }
0xbb: {  	s0 =	sor.u32 s3, s0;
	s1 =	sshll.u32 s1, $0x11  }
0xbc: {  	s0 =	sor.u32 s1, s0  }
0xbd: {  	s0 =	sadd.s32 $0x8F2B, s0  }
0xbe: {  	[sflag:s0] =	ssyncadd.remote.s32 $0x1  }
0xbf: {  	_ =	sfence.sel $0xFFFF  }
0xc0: {  	[dreg:$0x0] =	wrdreg $0xFFFFFFFF;
	(pc) =	sbr.abs _section_cstart, $3  }
0xc1: {  	[dreg:$0x1] =	wrdreg $0xFFFFFFFF  }
0xc2: {  	_ =	task.clear_ibuf [dreg:s7], $0x2FFFF;
	_ =	strace $0x9FFFFFFF  }
0xc3: {  	(tm) =	ssettm $0x7FFFFFFF  }
tec
execute0_lowered:
.L_overlay_start_1:
0x0: {  	(tag) =	ssettag $0x1  }
0x1: {  	s1 =	rddreg [dreg:$0x0]  }
0x2: {  	s0 =	rddreg [dreg:$0x1]  }
0x3: {  	s3 =	rddreg [dreg:$0x2]  }
0x4: {  	s2 =	srdreg.scid;
	s12 =	stileid.u32  }
0x5: {  	s4 =	simm.s32 $0x0;
	s28 =	simm.s32 $0x200;
	s29 =	simm.s32 $0x5  }
0x6: {  	s30 =	simm.s32 $0x100;
	s31 =	simm.s32 $0x80;
	s6 =	smul.u32 $0x14000, s12  }
0x7: {  	s2 =	sand.u32 $0x1, s2;
	s7 =	sshll.u32 s12, $0x1;
	s9 =	smul.u32 $0x50000, s12  }
0x8: {  	[smem:$0x7FF] =	sst s4;
	s5 =	smul.u32 $0x140000, s2;
	s7 =	sor.u32 s2, s7  }
0x9: {  	_ =	strace $0x8000004D;
	s21 =	ssub.s32 $0x2, s2;
	s7 =	smul.u32 $0x2710, s7  }
0xa: {  	s2 =	smul.u32 $0x2710, s2;
	s10 =	sshrl.u32 s21, $0x1;
	s9 =	sshrl.u32 s9, $0x2  }
0xb: {  	s6 =	sadd.s32 s6, s5;
	s5 =	sadd.s32 $0x3800, s0;
	s11 =	sshrl.u32 s7, $0x3  }
0xc: {  	s8 =	sshrl.u32 s6, $0x3;
	s6 =	sadd.s32 $0xD600, s0;
	s22 =	sadd.s32 s5, s11  }
0xd: {  	s7 =	sadd.s32 s9, s3;
	s23 =	sadd.s32 s6, s11;
	[dreg:$0x4] =	wrdreg s22  }
0xe: {  	s0 =	sadd.s32 s8, s0;
	s14 =	sadd.s32 $0x4000, s7;
	[dreg:$0x5] =	wrdreg s23  }
0xf: {  	s8 =	ssub.s32 s21, s10;
	s15 =	sadd.s32 $0x8000, s7;
	[dreg:$0xc] =	wrdreg s14  }
0x10: {  	s24 =	sadd.s32 $0x10, s11;
	s16 =	sadd.s32 $0xC000, s7;
	[dreg:$0xd] =	wrdreg s15  }
0x11: {  	s25 =	sadd.s32 $0x4E0, s11;
	s13 =	sadd.s32 s5, s24;
	[dreg:$0xe] =	wrdreg s16  }
0x12: {  	s17 =	sadd.s32 $0x4D0, s11;
	s9 =	sadd.s32 s6, s24;
	[dreg:$0x6] =	wrdreg s13  }
0x13: {  	s18 =	sadd.s32 $0x4C0, s11;
	s26 =	sadd.s32 s5, s25;
	[dreg:$0x7] =	wrdreg s9  }
0x14: {  	s11 =	simm.s32 $0x2;
	s10 =	sadd.s32 s6, s25;
	[dreg:$0x8] =	wrdreg s26  }
0x15: {  	s0 =	sadd.s32 $0x17400, s0;
	s8 =	smax.u32 s8, $0x1;
	[dreg:$0x9] =	wrdreg s10  }
0x16: {  	s19 =	sadd.s32 s5, s17;
	s20 =	sadd.s32 s6, s17;
	[dreg:$0xa] =	wrdreg s0  }
0x17: {  	s21 =	sadd.s32 s5, s18;
	s24 =	sadd.s32 s6, s18;
	[dreg:$0xb] =	wrdreg s8  }
0x18: {  	s14 =	simm.s32 $0x10;
	s15 =	simm.s32 $0x8300;
	[dreg:$0xf] =	wrdreg s21  }
0x19: {  	s16 =	simm.s32 $0x0;
	s13 =	smul.u32 $0x4E20, s12;
	[dreg:$0x10] =	wrdreg s24  }
0x1a: {  	s26 =	sadd.s32 $0x10000, s7;
	s8 =	simm.s32 $0x1;
	s9 =	simm.s32 $0x4  }
0x1b: {  	s10 =	simm.s32 $0x4200;
	s12 =	simm.s32 $0x8200;
	s0 =	sadd.s32 s2, s13  }
0x1c: {  	[dreg:$0x11] =	wrdreg s26;
	s2 =	simm.s32 $0x3;
	s22 =	sadd.s32 $0x180, s0  }
0x1d: {  	s13 =	simm.s32 $0x8280;
	s23 =	sadd.s32 $0x100, s0;
	s25 =	sshrl.u32 s22, $0x3  }
0x1e: {  	v0 =	vimm.f32 $0.0e+00;
	s0 =	simm.s32 $0x180;
	s24 =	sadd.s32 s25, s6;
	s25 =	sadd.s32 s25, s5  }
.LBB2_1:
0x1f: {  	s17 =	simm.s32 $0x0;
	s18 =	simm.s32 $0x200  }
.LBB2_2:
0x20: {  	p0 =	sne.s32 s18, $0xFE00;
	[tilespmem:s17+$0x270] =	vst v0  }
0x21: {  	[tilespmem:s17+$0x200] =	vst v0  }
0x22: {  	[tilespmem:s17+$0x210] =	vst v0  }
.Ltmp0:
0x23: {  	[tilespmem:s17+$0x220] =	vst v0;
	(pc) =	sbr.rel @p0 .LBB2_2-.Ltmp0, $4  }
0x24: {  	[tilespmem:s17+$0x230] =	vst v0  }
0x25: {  	[tilespmem:s17+$0x240] =	vst v0  }
0x26: {  	[tilespmem:s17+$0x250] =	vst v0  }
0x27: {  	[tilespmem:s17+$0x260] =	vst v0;
	s17 =	sshra.s32 s18, $0x2;
	s18 =	sadd.s32 $0x200, s18  }
0x28: {  	[tilespmem:s17+$0x270] =	vst v0  }
0x29: {  	[tilespmem:s17+$0x200] =	vst v0  }
0x2a: {  	[tilespmem:s17+$0x210] =	vst v0  }
0x2b: {  	[tilespmem:s17+$0x220] =	vst v0  }
0x2c: {  	[tilespmem:s17+$0x230] =	vst v0  }
0x2d: {  	[tilespmem:s17+$0x240] =	vst v0  }
0x2e: {  	[tilespmem:s17+$0x250] =	vst v0  }
0x2f: {  	[tilespmem:s17+$0x260] =	vst v0  }
0x30: {  	[spmem:s7] =	stream.linear.scatter [tilespmem:s28], [sflag:$0x5], $0x4000, $0x38;
	[tilespmem:$0x1CB00] =	vst v63  }
0x31: {  	_ =	swait.ge [sflag:s29], $0x4000  }
0x32: {  	[sflag:s29] =	ssyncset.done $0x0  }
0x33: {  	s21 =	rddreg [dreg:$0xc];
	[sflag:s29] =	ssyncadd.s32 $0xFFFFC000  }
0x34: {  	[spmem:s21] =	stream.linear.scatter [tilespmem:s28], [sflag:$0x5], $0x4000, $0x38;
	[tilespmem:$0x1CB00] =	vst v63  }
0x35: {  	_ =	swait.ge [sflag:s29], $0x4000  }
0x36: {  	[sflag:s29] =	ssyncset.done $0x0  }
0x37: {  	s22 =	rddreg [dreg:$0xd];
	[sflag:s29] =	ssyncadd.s32 $0xFFFFC000  }
0x38: {  	[spmem:s22] =	stream.linear.scatter [tilespmem:s28], [sflag:$0x5], $0x4000, $0x38;
	[tilespmem:$0x1CB00] =	vst v63  }
0x39: {  	_ =	swait.ge [sflag:s29], $0x4000  }
0x3a: {  	[sflag:s29] =	ssyncset.done $0x0  }
0x3b: {  	s26 =	rddreg [dreg:$0xe];
	[sflag:s29] =	ssyncadd.s32 $0xFFFFC000  }
0x3c: {  	[spmem:s26] =	stream.linear.scatter [tilespmem:s28], [sflag:$0x5], $0x4000, $0x38;
	[tilespmem:$0x1CB00] =	vst v63  }
0x3d: {  	_ =	swait.ge [sflag:s29], $0x4000  }
0x3e: {  	[sflag:s29] =	ssyncset.done $0x0  }
0x3f: {  	s18 =	rddreg [dreg:$0x11];
	[sflag:s29] =	ssyncadd.s32 $0xFFFFC000  }
0x40: {  	[spmem:s18] =	stream.linear.scatter [tilespmem:s28], [sflag:$0x5], $0x4000, $0x38;
	[tilespmem:$0x1CB00] =	vst v63  }
0x41: {  	_ =	swait.ge [sflag:s29], $0x4000  }
0x42: {  	[sflag:s29] =	ssyncset.done $0x0  }
0x43: {  	[sflag:s29] =	ssyncadd.s32 $0xFFFFC000  }
0x44: {  	[bflag:$0x0] =	sbarrier.arrive $0xFFFF  }
0x45: {  	s17 =	simm.s32 $0x0;
	s18 =	rddreg [dreg:$0x4]  }
0x46: {  	[tilespmem:s17], [sflag:$0x3] =	stream.linear.gather [hbm4b:s18+s17], $0x80, $0x38;
	[tilespmem:$0x1CB00] =	vst v63  }
0x47: {  	s21 =	rddreg [dreg:$0x5]  }
0x48: {  	[tilespmem:s30], [sflag:$0x3] =	stream.linear.gather [hbm4b:s21+s17], $0x80, $0x38;
	[tilespmem:$0x1CB00] =	vst v63  }
0x49: {  	s22 =	rddreg [dreg:$0x6]  }
0x4a: {  	[tilespmem:s31], [sflag:$0x4] =	stream.linear.gather [hbm4b:s22+s17], $0x80, $0x38;
	[tilespmem:$0x1CB00] =	vst v63  }
0x4b: {  	s26 =	rddreg [dreg:$0x7]  }
0x4c: {  	[tilespmem:s0], [sflag:$0x4] =	stream.linear.gather [hbm4b:s26+s17], $0x80, $0x38;
	[tilespmem:$0x1CB00] =	vst v63  }
0x4d: {  	_ =	swait.ge [sflag:s2], $0x80  }
0x4e: {  	[sflag:s2] =	ssyncset.done $0x0  }
0x4f: {  	[sflag:s2] =	ssyncadd.s32 $0xFFFFFF80  }
0x50: {  	_ =	swait.ge [sflag:s2], $0x80  }
0x51: {  	[sflag:s2] =	ssyncset.done $0x0  }
0x52: {  	[sflag:s2] =	ssyncadd.s32 $0xFFFFFF80  }
0x53: {  	[tilespmem:s28], [sflag:$0x1] =	stream.indirect.gather [hbm4b:s1+s31], $0x80, s17, s31, $0xb8;
	[tilespmem:$0x1CB00] =	vst v63  }
0x54: {  	_ =	swait.ge [sflag:s8], $0x4000  }
0x55: {  	[sflag:s8] =	ssyncset.done $0x0  }
0x56: {  	[sflag:s8] =	ssyncadd.s32 $0xFFFFC000  }
0x57: {  	_ =	swait.ge [sflag:s9], $0x80  }
0x58: {  	[sflag:s9] =	ssyncset.done $0x0  }
0x59: {  	[sflag:s9] =	ssyncadd.s32 $0xFFFFFF80  }
0x5a: {  	_ =	swait.ge [sflag:s9], $0x80  }
0x5b: {  	[sflag:s9] =	ssyncset.done $0x0  }
0x5c: {  	[sflag:s9] =	ssyncadd.s32 $0xFFFFFF80  }
0x5d: {  	[tilespmem:s10], [sflag:$0x2] =	stream.indirect.gather [hbm4b:s1+s31], $0x80, s31, s31, $0xb8;
	[tilespmem:$0x1CB00] =	vst v63  }
0x5e: {  	_ = 	snop  }
0x5f: {  	[spmem:s3] =	stream.indirect.scatter.add.f32 [tilespmem:s28], [sflag:$0x5], $0x80, s30, s31, $0xb8;
	[tilespmem:$0x1CB00] =	vst v63  }
0x60: {  	_ =	swait.ge [sflag:s29], $0x4000  }
0x61: {  	s21 =	sshrl.u32 s23, $0x3;
	[sflag:s29] =	ssyncset.done $0x0  }
0x62: {  	s22 =	sadd.s32 s5, s21;
	[sflag:s29] =	ssyncadd.s32 $0xFFFFC000  }
0x63: {  	[tilespmem:s4], [sflag:$0x3] =	stream.linear.gather [hbm4b:s22+s4], $0x80, $0x38;
	[tilespmem:$0x1CB00] =	vst v63  }
0x64: {  	s17 =	sadd.s32 s6, s21  }
0x65: {  	[tilespmem:s30], [sflag:$0x3] =	stream.linear.gather [hbm4b:s17+s4], $0x80, $0x38;
	[tilespmem:$0x1CB00] =	vst v63  }
0x66: {  	_ =	swait.ge [sflag:s11], $0x4000  }
0x67: {  	[sflag:s11] =	ssyncset.done $0x0  }
0x68: {  	[sflag:s11] =	ssyncadd.s32 $0xFFFFC000  }
0x69: {  	_ =	swait.ge [sflag:s2], $0x80  }
0x6a: {  	[sflag:s2] =	ssyncset.done $0x0  }
0x6b: {  	[sflag:s2] =	ssyncadd.s32 $0xFFFFFF80  }
0x6c: {  	_ =	swait.ge [sflag:s2], $0x80  }
0x6d: {  	[sflag:s2] =	ssyncset.done $0x0  }
0x6e: {  	[sflag:s2] =	ssyncadd.s32 $0xFFFFFF80  }
0x6f: {  	[tilespmem:s28], [sflag:$0x1] =	stream.indirect.gather [hbm4b:s1+s31], $0x80, s4, s31, $0xb8;
	[tilespmem:$0x1CB00] =	vst v63  }
0x70: {  	_ = 	snop  }
0x71: {  	[spmem:s3] =	stream.indirect.scatter.add.f32 [tilespmem:s10], [sflag:$0x5], $0x80, s0, s31, $0xb8;
	[tilespmem:$0x1CB00] =	vst v63  }
0x72: {  	_ =	swait.ge [sflag:s29], $0x4000  }
0x73: {  	s18 =	sadd.s32 $0x100, s23;
	s26 =	sadd.s32 $0x0, s25;
	[sflag:s29] =	ssyncset.done $0x0  }
0x74: {  	s21 =	sadd.s32 $0x0, s24;
	s17 =	simm.s32 $0x20;
	[sflag:s29] =	ssyncadd.s32 $0xFFFFC000  }
0x75: {  	[tilespmem:s31], [sflag:$0x4] =	stream.linear.gather [hbm4b:s26+s4], $0x80, $0x38;
	[tilespmem:$0x1CB00] =	vst v63  }
.LBB2_4:
0x76: {  	[tilespmem:s0], [sflag:$0x4] =	stream.linear.gather [hbm4b:s21+s4], $0x80, $0x38;
	[tilespmem:$0x1CB00] =	vst v63  }
0x77: {  	s21 =	smov.u32 s17  }
0x78: {  	p0 =	sne.s32 s17, $0x480;
	s17 =	sadd.s32 $0x20, s17;
	_ =	swait.ge [sflag:s8], $0x4000  }
0x79: {  	[sflag:s8] =	ssyncset.done $0x0  }
0x7a: {  	[sflag:s8] =	ssyncadd.s32 $0xFFFFC000  }
0x7b: {  	_ =	swait.ge [sflag:s9], $0x80  }
0x7c: {  	[sflag:s9] =	ssyncset.done $0x0  }
0x7d: {  	[sflag:s9] =	ssyncadd.s32 $0xFFFFFF80  }
0x7e: {  	_ =	swait.ge [sflag:s9], $0x80  }
0x7f: {  	[sflag:s9] =	ssyncset.done $0x0  }
0x80: {  	[sflag:s9] =	ssyncadd.s32 $0xFFFFFF80  }
0x81: {  	[tilespmem:s10], [sflag:$0x2] =	stream.indirect.gather [hbm4b:s1+s31], $0x80, s31, s31, $0xb8;
	[tilespmem:$0x1CB00] =	vst v63  }
0x82: {  	_ = 	snop  }
0x83: {  	[spmem:s3] =	stream.indirect.scatter.add.f32 [tilespmem:s28], [sflag:$0x5], $0x80, s30, s31, $0xb8;
	[tilespmem:$0x1CB00] =	vst v63  }
0x84: {  	_ =	swait.ge [sflag:s29], $0x4000  }
0x85: {  	s22 =	sshrl.u32 s18, $0x3;
	[sflag:s29] =	ssyncset.done $0x0  }
0x86: {  	s26 =	sadd.s32 s5, s22;
	[sflag:s29] =	ssyncadd.s32 $0xFFFFC000  }
0x87: {  	[tilespmem:s4], [sflag:$0x3] =	stream.linear.gather [hbm4b:s26+s4], $0x80, $0x38;
	[tilespmem:$0x1CB00] =	vst v63  }
0x88: {  	s22 =	sadd.s32 s6, s22  }
0x89: {  	[tilespmem:s30], [sflag:$0x3] =	stream.linear.gather [hbm4b:s22+s4], $0x80, $0x38;
	[tilespmem:$0x1CB00] =	vst v63  }
0x8a: {  	_ =	swait.ge [sflag:s11], $0x4000  }
0x8b: {  	[sflag:s11] =	ssyncset.done $0x0  }
0x8c: {  	[sflag:s11] =	ssyncadd.s32 $0xFFFFC000  }
0x8d: {  	_ =	swait.ge [sflag:s2], $0x80  }
0x8e: {  	[sflag:s2] =	ssyncset.done $0x0  }
0x8f: {  	[sflag:s2] =	ssyncadd.s32 $0xFFFFFF80  }
0x90: {  	_ =	swait.ge [sflag:s2], $0x80  }
0x91: {  	[sflag:s2] =	ssyncset.done $0x0  }
0x92: {  	[sflag:s2] =	ssyncadd.s32 $0xFFFFFF80  }
0x93: {  	[tilespmem:s28], [sflag:$0x1] =	stream.indirect.gather [hbm4b:s1+s31], $0x80, s4, s31, $0xb8;
	[tilespmem:$0x1CB00] =	vst v63  }
0x94: {  	_ = 	snop  }
0x95: {  	[spmem:s3] =	stream.indirect.scatter.add.f32 [tilespmem:s10], [sflag:$0x5], $0x80, s0, s31, $0xb8;
	[tilespmem:$0x1CB00] =	vst v63  }
.Ltmp1:
0x96: {  	_ =	swait.ge [sflag:s29], $0x4000;
	(pc) =	sbr.rel @p0 .LBB2_4-.Ltmp1, $4  }
0x97: {  	[sflag:s29] =	ssyncset.done $0x0  }
0x98: {  	s22 =	sadd.s32 s21, s25;
	[sflag:s29] =	ssyncadd.s32 $0xFFFFC000  }
0x99: {  	[tilespmem:s31], [sflag:$0x4] =	stream.linear.gather [hbm4b:s22+s4], $0x80, $0x38;
	[tilespmem:$0x1CB00] =	vst v63  }
0x9a: {  	s18 =	sadd.s32 $0x100, s18;
	s21 =	sadd.s32 s21, s24  }
0x9b: {  	[tilespmem:s0], [sflag:$0x4] =	stream.linear.gather [hbm4b:s21+s4], $0x80, $0x38;
	[tilespmem:$0x1CB00] =	vst v63  }
0x9c: {  	_ =	swait.ge [sflag:s8], $0x4000  }
0x9d: {  	[sflag:s8] =	ssyncset.done $0x0  }
0x9e: {  	[sflag:s8] =	ssyncadd.s32 $0xFFFFC000  }
0x9f: {  	_ =	swait.ge [sflag:s9], $0x80  }
0xa0: {  	[sflag:s9] =	ssyncset.done $0x0  }
0xa1: {  	[sflag:s9] =	ssyncadd.s32 $0xFFFFFF80  }
0xa2: {  	_ =	swait.ge [sflag:s9], $0x80  }
0xa3: {  	[sflag:s9] =	ssyncset.done $0x0  }
0xa4: {  	[sflag:s9] =	ssyncadd.s32 $0xFFFFFF80  }
0xa5: {  	[tilespmem:s10], [sflag:$0x2] =	stream.indirect.gather [hbm4b:s1+s31], $0x80, s31, s31, $0xb8;
	[tilespmem:$0x1CB00] =	vst v63  }
0xa6: {  	_ = 	snop  }
0xa7: {  	[spmem:s3] =	stream.indirect.scatter.add.f32 [tilespmem:s28], [sflag:$0x5], $0x80, s30, s31, $0xb8;
	[tilespmem:$0x1CB00] =	vst v63  }
0xa8: {  	_ =	swait.ge [sflag:s29], $0x4000  }
0xa9: {  	[sflag:s29] =	ssyncset.done $0x0  }
0xaa: {  	s17 =	rddreg [dreg:$0xf];
	[sflag:s29] =	ssyncadd.s32 $0xFFFFC000  }
0xab: {  	[tilespmem:s4], [sflag:$0x3] =	stream.linear.gather [hbm4b:s17+s4], $0x80, $0x38;
	[tilespmem:$0x1CB00] =	vst v63  }
0xac: {  	s22 =	rddreg [dreg:$0x10]  }
0xad: {  	[tilespmem:s30], [sflag:$0x3] =	stream.linear.gather [hbm4b:s22+s4], $0x80, $0x38;
	[tilespmem:$0x1CB00] =	vst v63  }
0xae: {  	_ =	swait.ge [sflag:s11], $0x4000  }
0xaf: {  	[sflag:s11] =	ssyncset.done $0x0  }
0xb0: {  	[sflag:s11] =	ssyncadd.s32 $0xFFFFC000  }
0xb1: {  	_ =	swait.ge [sflag:s2], $0x80  }
0xb2: {  	[sflag:s2] =	ssyncset.done $0x0  }
0xb3: {  	[sflag:s2] =	ssyncadd.s32 $0xFFFFFF80  }
0xb4: {  	_ =	swait.ge [sflag:s2], $0x80  }
0xb5: {  	[sflag:s2] =	ssyncset.done $0x0  }
0xb6: {  	[sflag:s2] =	ssyncadd.s32 $0xFFFFFF80  }
0xb7: {  	[tilespmem:s28], [sflag:$0x1] =	stream.indirect.gather [hbm4b:s1+s31], $0x80, s4, s31, $0xb8;
	[tilespmem:$0x1CB00] =	vst v63  }
0xb8: {  	_ = 	snop  }
0xb9: {  	[spmem:s3] =	stream.indirect.scatter.add.f32 [tilespmem:s10], [sflag:$0x5], $0x80, s0, s31, $0xb8;
	[tilespmem:$0x1CB00] =	vst v63  }
0xba: {  	_ =	swait.ge [sflag:s29], $0x4000  }
0xbb: {  	[sflag:s29] =	ssyncset.done $0x0  }
0xbc: {  	[sflag:s29] =	ssyncadd.s32 $0xFFFFC000  }
0xbd: {  	[tilespmem:s31], [sflag:$0x4] =	stream.linear.gather [hbm4b:s19+s4], $0x80, $0x38;
	[tilespmem:$0x1CB00] =	vst v63  }
0xbe: {  	_ = 	snop  }
0xbf: {  	[tilespmem:s0], [sflag:$0x4] =	stream.linear.gather [hbm4b:s20+s4], $0x80, $0x38;
	[tilespmem:$0x1CB00] =	vst v63  }
0xc0: {  	_ =	swait.ge [sflag:s8], $0x4000  }
0xc1: {  	[sflag:s8] =	ssyncset.done $0x0  }
0xc2: {  	[sflag:s8] =	ssyncadd.s32 $0xFFFFC000  }
0xc3: {  	_ =	swait.ge [sflag:s9], $0x80  }
0xc4: {  	[sflag:s9] =	ssyncset.done $0x0  }
0xc5: {  	[sflag:s9] =	ssyncadd.s32 $0xFFFFFF80  }
0xc6: {  	_ =	swait.ge [sflag:s9], $0x80  }
0xc7: {  	[sflag:s9] =	ssyncset.done $0x0  }
0xc8: {  	[sflag:s9] =	ssyncadd.s32 $0xFFFFFF80  }
0xc9: {  	[tilespmem:s10], [sflag:$0x2] =	stream.indirect.gather [hbm4b:s1+s31], $0x80, s31, s31, $0xb8;
	[tilespmem:$0x1CB00] =	vst v63  }
0xca: {  	_ = 	snop  }
0xcb: {  	[spmem:s3] =	stream.indirect.scatter.add.f32 [tilespmem:s28], [sflag:$0x5], $0x80, s30, s31, $0xb8;
	[tilespmem:$0x1CB00] =	vst v63  }
0xcc: {  	_ =	swait.ge [sflag:s29], $0x4000  }
0xcd: {  	[sflag:s29] =	ssyncset.done $0x0  }
0xce: {  	[sflag:s29] =	ssyncadd.s32 $0xFFFFC000  }
0xcf: {  	[tilespmem:s4], [sflag:$0x3] =	stream.linear.gather [hbm4b:s19+s4], $0x80, $0x38;
	[tilespmem:$0x1CB00] =	vst v63  }
0xd0: {  	_ = 	snop  }
0xd1: {  	[tilespmem:s30], [sflag:$0x3] =	stream.linear.gather [hbm4b:s20+s4], $0x80, $0x38;
	[tilespmem:$0x1CB00] =	vst v63  }
0xd2: {  	_ =	swait.ge [sflag:s11], $0x4000  }
0xd3: {  	[sflag:s11] =	ssyncset.done $0x0  }
0xd4: {  	[sflag:s11] =	ssyncadd.s32 $0xFFFFC000  }
0xd5: {  	_ =	swait.ge [sflag:s2], $0x80  }
0xd6: {  	[sflag:s2] =	ssyncset.done $0x0  }
0xd7: {  	[sflag:s2] =	ssyncadd.s32 $0xFFFFFF80  }
0xd8: {  	_ =	swait.ge [sflag:s2], $0x80  }
0xd9: {  	[sflag:s2] =	ssyncset.done $0x0  }
0xda: {  	[sflag:s2] =	ssyncadd.s32 $0xFFFFFF80  }
0xdb: {  	[tilespmem:s28], [sflag:$0x1] =	stream.indirect.gather [hbm4b:s1+s31], $0x80, s4, s31, $0xb8;
	[tilespmem:$0x1CB00] =	vst v63  }
0xdc: {  	_ = 	snop  }
0xdd: {  	[spmem:s3] =	stream.indirect.scatter.add.f32 [tilespmem:s10], [sflag:$0x5], $0x80, s0, s31, $0xb8;
	[tilespmem:$0x1CB00] =	vst v63  }
0xde: {  	_ =	swait.ge [sflag:s29], $0x4000  }
0xdf: {  	[sflag:s29] =	ssyncset.done $0x0  }
0xe0: {  	[sflag:s29] =	ssyncadd.s32 $0xFFFFC000  }
0xe1: {  	[tilespmem:s31], [sflag:$0x4] =	stream.linear.gather [hbm4b:s19+s4], $0x80, $0x38;
	[tilespmem:$0x1CB00] =	vst v63  }
0xe2: {  	_ = 	snop  }
0xe3: {  	[tilespmem:s0], [sflag:$0x4] =	stream.linear.gather [hbm4b:s20+s4], $0x80, $0x38;
	[tilespmem:$0x1CB00] =	vst v63  }
0xe4: {  	_ =	swait.ge [sflag:s8], $0x4000  }
0xe5: {  	[sflag:s8] =	ssyncset.done $0x0  }
0xe6: {  	[sflag:s8] =	ssyncadd.s32 $0xFFFFC000  }
0xe7: {  	_ =	swait.ge [sflag:s9], $0x80  }
0xe8: {  	[sflag:s9] =	ssyncset.done $0x0  }
0xe9: {  	[sflag:s9] =	ssyncadd.s32 $0xFFFFFF80  }
0xea: {  	_ =	swait.ge [sflag:s9], $0x80  }
0xeb: {  	[sflag:s9] =	ssyncset.done $0x0  }
0xec: {  	s26 =	rddreg [dreg:$0x8];
	[sflag:s9] =	ssyncadd.s32 $0xFFFFFF80  }
0xed: {  	[tilespmem:s12], [sflag:$0x5] =	stream.linear.gather [hbm4b:s26+s4], $0x10, $0x38;
	[tilespmem:$0x1CB00] =	vst v63  }
0xee: {  	_ =	swait.ge [sflag:s29], $0x10  }
0xef: {  	[sflag:s29] =	ssyncset.done $0x0  }
0xf0: {  	s18 =	rddreg [dreg:$0x9];
	[sflag:s29] =	ssyncadd.s32 $0xFFFFFFF0  }
0xf1: {  	[tilespmem:s13], [sflag:$0x5] =	stream.linear.gather [hbm4b:s18+s4], $0x10, $0x38;
	[tilespmem:$0x1CB00] =	vst v63  }
0xf2: {  	_ =	swait.ge [sflag:s29], $0x10  }
0xf3: {  	[sflag:s29] =	ssyncset.done $0x0  }
0xf4: {  	[sflag:s29] =	ssyncadd.s32 $0xFFFFFFF0  }
0xf5: {  	[tilespmem:s15], [sflag:$0x1] =	stream.indirect.gather [hbm4b:s1+s14], $0x80, s12, s14, $0xb8;
	[tilespmem:$0x1CB00] =	vst v63  }
0xf6: {  	_ =	swait.ge [sflag:s8], $0x800  }
0xf7: {  	[sflag:s8] =	ssyncset.done $0x0  }
0xf8: {  	[sflag:s8] =	ssyncadd.s32 $0xFFFFF800  }
0xf9: {  	[spmem:s3] =	stream.indirect.scatter.add.f32 [tilespmem:s15], [sflag:$0x5], $0x80, s13, s14, $0xb8;
	[tilespmem:$0x1CB00] =	vst v63  }
0xfa: {  	_ =	swait.ge [sflag:s29], $0x800  }
0xfb: {  	[sflag:s29] =	ssyncset.done $0x0  }
0xfc: {  	s21 =	stileid.u32;
	[sflag:s29] =	ssyncadd.s32 $0xFFFFF800  }
0xfd: {  	s17 =	sshll.u32 s21, $0x6;
	[bflag:$0x0] =	sbarrier.arrive $0xFFFF  }
0xfe: {  	s17 =	sor.u32 $0x1C05, s17;
	s18 =	sshrl.u32 s7, $0x3;
	s22 =	rddreg [dreg:$0xa]  }
0xff: {  	[hbm:s22], [sflag:s17] =	dma.local [spmem:s18], $0x2800  }
0x100: {  	_ =	swait.ge [sflag:s29], $0x2800  }
0x101: {  	s16 =	sadd.s32 $0x1, s16;
	s26 =	rddreg [dreg:$0xb]  }
0x102: {  	p0 =	sne.s32 s16, s26  }
.Ltmp2:
0x103: {  	_ = 	snop;
	(pc) =	sbr.rel @p0 .LBB2_1-.Ltmp2, $3  }
0x104: {  	_ =	sdelay $0x1  }
0x105: {  	[sflag:s29] =	ssyncset.done $0x0  }
0x106: {  	[sflag:s29] =	ssyncadd.s32 $0xFFFFD800  }
0x107: {  	_ =	sfence.sel $0x180000  }
0x108: {  	[bflag:$0x0] =	sbarrier.arrive $0xFFFF  }
0x109: {  	_ =	strace $0x9000004D  }
0x10a: {  	s0 =	stileid.u32;
	[bflag:$0x2] =	sbarrier.arrive $0xFFFF  }
0x10b: {  	p0 =	sne.s32 s0, $0x0;
	s0 =	rddreg [dreg:$0x3]  }
0x10c: {  	s0 =	sadd.s32 @!p0 $0x100000, s0  }
0x10d: {  	[sflag:s0] =	ssyncadd.tile.s32 @!p0 $0x1;
	_ =	shalt  }
.Lfunc_end2:
_tile_overlayer_lowered:
.L_overlay_start_2:
0x10e: {  	(tag) =	ssettag $0x2  }
0x10f: {  	s0 =	rddreg [dreg:$0x0];
	s2 =	stileid.u32  }
0x110: {  	s1 =	rddreg [dreg:$0x1];
	p0 =	sne.s32 s2, $0x0  }
0x111: {  	s3 =	rddreg [dreg:$0x2];
	[bflag:$0x3] =	sbarrier.arrive $0xFFFF;
	s2 =	simm.s32 @!p0 $0x1C05  }
0x112: {  	[timem:s3], [sflag:s2] =	dma.local @!p0 [hbm:s0], s1  }
0x113: {  	s0 =	simm.s32 @!p0 $0x5  }
0x114: {  	_ =	swait.ge @!p0 [sflag:s0], s1  }
0x115: {  	s1 =	ssub.s32 @!p0 $0x0, s1;
	[sflag:s0] =	ssyncset.done @!p0 $0x0  }
0x116: {  	[sflag:s0] =	ssyncadd.s32 @!p0 s1  }
0x117: {  	[bflag:$0x3] =	sbarrier.arrive $0xFFFF  }
0x118: {  	_ =	shalt  }

// kernel: kernel.19.cloned.1.call-start
scs
__scs_entry_jumppad:
0x0: {  	(pc) =	sbr.rel $0x88, $3  }
0x1: {  	(tag) =	ssettag $0x0;
	lr =	simm.s32 $0x1  }
0x2: {  	[smem:$0x3F99] =	sst lr;
	_ =	strace $0xD0000000  }
0x3: {  	_ = 	snop  }
0x4: {  	_ = 	snop  }
0x5: {  	_ = 	snop  }
0x6: {  	_ = 	snop  }
0x7: {  	_ = 	snop  }
__scs_overlays_trampoline_lowered:
0x8: {  	[smem:$0x3FA8] =	sst s0  }
0x9: {  	[smem:$0x3FA9] =	sst s1  }
0xa: {  	[smem:$0x3FAA] =	sst s2  }
0xb: {  	[smem:$0x3FAB] =	sst s3  }
0xc: {  	[smem:$0x3FAC] =	sst s4  }
0xd: {  	[smem:$0x3FAD] =	sst s5  }
0xe: {  	[smem:$0x3FAE] =	sst s6  }
0xf: {  	[smem:$0x3FAF] =	sst s7  }
0x10: {  	[smem:$0x3FB0] =	sst s8  }
0x11: {  	[smem:$0x3FB1] =	sst s9;
	s0 =	simm.s32 @!p0 $0x0  }
0x12: {  	s1 =	sld [smem:$0x3F97];
	s0 =	simm.s32 @p0 $0x1  }
0x13: {  	[smem:$0x3FB2] =	sst s0;
	s0 =	simm.s32 @!p1 $0x0  }
0x14: {  	s2 =	sld [smem:$0x3F96];
	s0 =	simm.s32 @p1 $0x1  }
0x15: {  	[smem:$0x3FB3] =	sst s0;
	s0 =	simm.s32 @!p2 $0x0  }
0x16: {  	s3 =	sld [smem:$0x3FDB];
	s0 =	simm.s32 @p2 $0x1  }
0x17: {  	s4 =	simm.s32 $0x1BF5;
	[smem:$0x3FB5] =	sst s0  }
0x18: {  	s0 =	sld [smem:$0x3F98];
	_ =	swait.ge [sflag:s4], $0x0  }
0x19: {  	s7 =	sld [smem:$0x3F99]  }
0x1a: {  	s8 =	sadd.s32 $0xFFFFE003, lr  }
0x1b: {  	s9 =	sadd.s32 $0xFFFFFEF7, lr;
	s5 =	simm.s32 $0xFFFFFFFF;
	p2 =	slt.u32 s8, $0xFFFFF086  }
0x1c: {  	p1 =	slt.u32 s9, $0xF7A;
	s5 =	simm.s32 @!p2 $0x0  }
0x1d: {  	s5 =	simm.s32 @p1 $0x1;
	p0 =	seq.s32 s7, s2  }
0x1e: {  	s7 =	smul.u32 @!p0 $0xF7A, s2;
	p2 =	seq.s32 @!p0 s5, $0x0  }
0x1f: {  	s9 =	smul.u32 $0xF7A, s1;
	s8 =	simm.s32 @!p0 $0x1BF5;
	p2 =	por !p2, p0  }
0x20: {  	[sflag:s8] =	ssyncset.s32 @!p0 $0xFFFFF086;
	s6 =	sadd.s32 @!p0 s3, s7;
	s7 =	simm.s32 @!p0 $0x108  }
0x21: {  	s3 =	sadd.s32 s3, s9;
	s6 =	sadd.s32 @!p0 $0x88, s6;
	s7 =	simm.s32 @p2 $0x1082  }
0x22: {  	[simem:s7], [sflag:s8] =	dma.local @!p0 [hbm:s6], $0xF7A  }
0x23: {  	s9 =	sor.u32 $0xD0000000, s2;
	s6 =	simm.s32 $0x108;
	_ =	swait.ge @!p0 [sflag:s8], $0x0  }
0x24: {  	s3 =	sadd.s32 $0x88, s3;
	s6 =	simm.s32 @!p1 $0x1082;
	[sflag:s4] =	ssyncset.s32 $0xFFFFF086  }
0x25: {  	[simem:s6], [sflag:s4] =	dma.local [hbm:s3], $0xF7A  }
0x26: {  	[smem:$0x3F99] =	sst s1;
	(tag) =	ssettag s2;
	_ =	strace s9  }
0x27: {  	s1 =	sld [smem:$0x3FA9]  }
0x28: {  	s2 =	sld [smem:$0x3FAA]  }
0x29: {  	s4 =	sld [smem:$0x3FAC]  }
0x2a: {  	p0 =	seq.s32 s5, $0x0;
	s5 =	sld [smem:$0x3FAD]  }
0x2b: {  	s6 =	sld [smem:$0x3FAE]  }
0x2c: {  	s7 =	sld [smem:$0x3FAF]  }
0x2d: {  	s3 =	simm.s32 $0x108;
	s8 =	sld [smem:$0x3FB0]  }
0x2e: {  	s3 =	simm.s32 @!p0 $0x1082;
	s9 =	sld [smem:$0x3FB1]  }
0x2f: {  	lr =	sadd.s32 s0, s3;
	s0 =	sld [smem:$0x3FA8]  }
0x30: {  	s3 =	sld [smem:$0x3FAB]  }
0x31: {  	[smem:$0x3FB4] =	sst s10  }
0x32: {  	s10 =	sld [smem:$0x3FB2];
	_ =	sdelay $0x3  }
0x33: {  	p0 =	seq.s32 s10, $0x1;
	s10 =	sld [smem:$0x3FB4];
	_ =	sdelay $0x3  }
0x34: {  	[smem:$0x3FB4] =	sst s10  }
0x35: {  	s10 =	sld [smem:$0x3FB3];
	_ =	sdelay $0x3  }
0x36: {  	p1 =	seq.s32 s10, $0x1;
	s10 =	sld [smem:$0x3FB4];
	_ =	sdelay $0x3  }
0x37: {  	[smem:$0x3FB4] =	sst s10  }
0x38: {  	s10 =	sld [smem:$0x3FB5]  }
0x39: {  	_ = 	snop;
	(pc) =	sbr.ind lr, $3  }
0x3a: {  	_ = 	snop  }
0x3b: {  	_ = 	snop  }
0x3c: {  	p2 =	seq.s32 s10, $0x1;
	s10 =	sld [smem:$0x3FB4]  }
0x3d: {  	_ =	shalt  }
0x3e: {  	_ =	shalt  }
0x3f: {  	_ =	shalt  }
0x40: {  	_ =	shalt  }
0x41: {  	_ =	shalt  }
0x42: {  	_ =	shalt  }
0x43: {  	_ =	shalt  }
0x44: {  	_ =	shalt  }
0x45: {  	_ =	shalt  }
0x46: {  	_ =	shalt  }
0x47: {  	_ =	shalt  }
0x48: {  	_ =	shalt  }
0x49: {  	_ =	shalt  }
0x4a: {  	_ =	shalt  }
0x4b: {  	_ =	shalt  }
0x4c: {  	_ =	shalt  }
0x4d: {  	_ =	shalt  }
0x4e: {  	_ =	shalt  }
0x4f: {  	_ =	shalt  }
0x50: {  	_ =	shalt  }
0x51: {  	_ =	shalt  }
0x52: {  	_ =	shalt  }
0x53: {  	_ =	shalt  }
0x54: {  	_ =	shalt  }
0x55: {  	_ =	shalt  }
0x56: {  	_ =	shalt  }
0x57: {  	_ =	shalt  }
0x58: {  	_ =	shalt  }
0x59: {  	_ =	shalt  }
0x5a: {  	_ =	shalt  }
0x5b: {  	_ =	shalt  }
0x5c: {  	_ =	shalt  }
0x5d: {  	_ =	shalt  }
0x5e: {  	_ =	shalt  }
0x5f: {  	_ =	shalt  }
0x60: {  	_ =	shalt  }
0x61: {  	_ =	shalt  }
0x62: {  	_ =	shalt  }
0x63: {  	_ =	shalt  }
0x64: {  	_ =	shalt  }
0x65: {  	_ =	shalt  }
0x66: {  	_ =	shalt  }
0x67: {  	_ =	shalt  }
0x68: {  	_ =	shalt  }
0x69: {  	_ =	shalt  }
0x6a: {  	_ =	shalt  }
0x6b: {  	_ =	shalt  }
0x6c: {  	_ =	shalt  }
0x6d: {  	_ =	shalt  }
0x6e: {  	_ =	shalt  }
0x6f: {  	_ =	shalt  }
0x70: {  	_ =	shalt  }
0x71: {  	_ =	shalt  }
0x72: {  	_ =	shalt  }
0x73: {  	_ =	shalt  }
0x74: {  	_ =	shalt  }
0x75: {  	_ =	shalt  }
0x76: {  	_ =	shalt  }
0x77: {  	_ =	shalt  }
0x78: {  	_ =	shalt  }
0x79: {  	_ =	shalt  }
0x7a: {  	_ =	shalt  }
0x7b: {  	_ =	shalt  }
0x7c: {  	_ =	shalt  }
0x7d: {  	_ =	shalt  }
0x7e: {  	_ =	shalt  }
0x7f: {  	_ =	shalt  }
0x80: {  	_ =	shalt  }
0x81: {  	_ =	shalt  }
0x82: {  	_ =	shalt  }
0x83: {  	_ =	shalt  }
0x84: {  	_ =	shalt  }
0x85: {  	_ =	shalt  }
0x86: {  	_ =	shalt  }
0x87: {  	_ =	shalt  }
.Lfunc_end0:
.L_simem_size_0:
called_computation.3_lowered:
.L_overlay_start_0:
0x88: {  	s2 =	sld [smem:$0x3FD9]  }
0x89: {  	s3 =	sld [smem:$0x3FFE];
	_ =	sdelay $0x1  }
0x8a: {  	s1 =	srdreg.scid  }
0x8b: {  	s0 =	sand.u32 $0x1, s1  }
0x8c: {  	s17 =	sshll.u32 s0, $0xA;
	s2 =	sadd.s32 s3, s2  }
0x8d: {  	s2 =	sadd.s32 s2, s17  }
0x8e: {  	[smem:$0x3FC0] =	sst s2  }
0x8f: {  	_ = 	snop  }
0x90: {  	s2 =	sld [smem:$0x3FD0];
	(tm) =	ssettm $0x1  }
0x91: {  	s18 =	sld [smem:$0x3FFB];
	_ =	sdelay $0x3  }
0x92: {  	_ =	strace s18  }
0x93: {  	s3 =	sld [smem:$0x3FFC];
	_ =	sdelay $0x3  }
0x94: {  	_ =	strace s3  }
0x95: {  	s3 =	sld [smem:$0x3FFD];
	_ =	sdelay $0x3  }
0x96: {  	_ =	strace s3  }
0x97: {  	_ =	strace $0x8FFFFFFF  }
0x98: {  	s19 =	sld [smem:$0x3FDB];
	_ =	sdelay $0x1  }
0x99: {  	s4 =	simm.s32 $_scs_section_size  }
0x9a: {  	s5 =	simm.s32 $_size__tile_overlayer_lowered;
	s6 =	simm.s32 $_tile_overlayer_lowered  }
0x9b: {  	s22 =	simm.s32 $0x1BFF;
	s21 =	sshll.u32 s6, $0x1;
	s3 =	sadd.s32 s4, s19  }
0x9c: {  	s7 =	simm.s32 $0x0;
	s20 =	sshll.u32 s5, $0x1;
	s5 =	sadd.s32 s21, s3  }
0x9d: {  	[timem:s7], [sflag:s22] =	dma.local [hbm:s5], s20  }
0x9e: {  	_ =	swait.ge [sflag:s22], s20  }
0x9f: {  	s4 =	ssub.s32 $0x0, s20;
	[sflag:s22] =	ssyncset.done $0x0  }
0xa0: {  	[sflag:s22] =	ssyncadd.s32 s4;
	_ =	sdelay $0x1  }
0xa1: {  	s23 =	simm.s32 $0x1B8B  }
0xa2: {  	_ =	swait.ge [sflag:s23], $0x1  }
0xa3: {  	[sflag:s23] =	ssyncset.done $0x0  }
0xa4: {  	s25 =	simm.s32 $0x1B8E;
	s24 =	sld [smem:$0x3FFE];
	[sflag:s23] =	ssyncadd.s32 $0xFFFFFFFF  }
0xa5: {  	s26 =	simm.s32 $execute0_lowered;
	[smem:$0x3FD2] =	sst s25  }
0xa6: {  	s5 =	sshll.u32 s26, $0x1;
	_ =	strace $0x8000004F;
	[dreg:$0x1] =	wrdreg $0xFFFFFFFF  }
0xa7: {  	s28 =	simm.s32 $_size_execute0_lowered;
	s3 =	sadd.s32 s3, s5;
	[dreg:$0x0] =	wrdreg $0x0  }
0xa8: {  	s5 =	sshll.u32 s28, $0x1;
	[dreg:$0x2] =	wrdreg s3  }
0xa9: {  	[dreg:$0x3] =	wrdreg s5  }
0xaa: {  	[dreg:$0x4] =	wrdreg $0xC0  }
0xab: {  	_ =	task [dreg:s7], $0x5FFFF  }
0xac: {  	[dreg:$0x1] =	wrdreg $0xFFFFFFFF  }
0xad: {  	[dreg:$0x0] =	wrdreg $0x60  }
0xae: {  	[dreg:$0x2] =	wrdreg s2  }
0xaf: {  	[dreg:$0x3] =	wrdreg s24  }
0xb0: {  	[dreg:$0x4] =	wrdreg $0x8B000  }
0xb1: {  	[dreg:$0x5] =	wrdreg $0x9  }
0xb2: {  	_ =	task.clear_ibuf [dreg:s7], $0x6FFFF;
	_ =	strace $0x9000004F  }
0xb3: {  	s29 =	simm.s32 $0x9;
	_ =	strace $0x80000051  }
0xb4: {  	_ =	swait.ge [sflag:s29], $0x1  }
0xb5: {  	[sflag:s29] =	ssyncadd.s32 $0xFFFFFFFF  }
0xb6: {  	_ =	strace $0x90000051  }
0xb7: {  	_ =	sfence  }
0xb8: {  	s30 =	sld [smem:$0x0];
	_ =	sdelay $0x2  }
0xb9: {  	s31 =	sshll.u32 s1, $0xD;
	s1 =	sshrl.u32 s1, $0x2  }
0xba: {  	s3 =	sand.u32 $0x4000, s31;
	s1 =	sadd.s32 s1, s30  }
0xbb: {  	s0 =	sor.u32 s3, s0;
	s1 =	sshll.u32 s1, $0x11  }
0xbc: {  	s0 =	sor.u32 s1, s0  }
0xbd: {  	s0 =	sadd.s32 $0x8F2B, s0  }
0xbe: {  	[sflag:s0] =	ssyncadd.remote.s32 $0x1  }
0xbf: {  	_ =	sfence.sel $0xFFFF  }
0xc0: {  	[dreg:$0x0] =	wrdreg $0xFFFFFFFF;
	(pc) =	sbr.abs _section_cstart, $3  }
0xc1: {  	[dreg:$0x1] =	wrdreg $0xFFFFFFFF  }
0xc2: {  	_ =	task.clear_ibuf [dreg:s7], $0x2FFFF;
	_ =	strace $0x9FFFFFFF  }
0xc3: {  	(tm) =	ssettm $0x7FFFFFFF  }
tec
execute0_lowered:
.L_overlay_start_1:
0x0: {  	(tag) =	ssettag $0x1  }
0x1: {  	s1 =	rddreg [dreg:$0x0]  }
0x2: {  	s0 =	rddreg [dreg:$0x1]  }
0x3: {  	s3 =	rddreg [dreg:$0x2]  }
0x4: {  	s2 =	srdreg.scid;
	s12 =	stileid.u32  }
0x5: {  	s4 =	simm.s32 $0x0;
	s28 =	simm.s32 $0x200;
	s29 =	simm.s32 $0x5  }
0x6: {  	s30 =	simm.s32 $0x100;
	s31 =	simm.s32 $0x80;
	s6 =	smul.u32 $0x14000, s12  }
0x7: {  	s2 =	sand.u32 $0x1, s2;
	s7 =	sshll.u32 s12, $0x1;
	s9 =	smul.u32 $0x50000, s12  }
0x8: {  	[smem:$0x7FF] =	sst s4;
	s5 =	smul.u32 $0x140000, s2;
	s7 =	sor.u32 s2, s7  }
0x9: {  	_ =	strace $0x80000050;
	s21 =	ssub.s32 $0x2, s2;
	s7 =	smul.u32 $0x2710, s7  }
0xa: {  	s2 =	smul.u32 $0x2710, s2;
	s10 =	sshrl.u32 s21, $0x1;
	s9 =	sshrl.u32 s9, $0x2  }
0xb: {  	s6 =	sadd.s32 s6, s5;
	s5 =	sadd.s32 $0x3800, s0;
	s11 =	sshrl.u32 s7, $0x3  }
0xc: {  	s8 =	sshrl.u32 s6, $0x3;
	s6 =	sadd.s32 $0xD600, s0;
	s22 =	sadd.s32 s5, s11  }
0xd: {  	s7 =	sadd.s32 s9, s3;
	s23 =	sadd.s32 s6, s11;
	[dreg:$0x4] =	wrdreg s22  }
0xe: {  	s0 =	sadd.s32 s8, s0;
	s14 =	sadd.s32 $0x4000, s7;
	[dreg:$0x5] =	wrdreg s23  }
0xf: {  	s8 =	ssub.s32 s21, s10;
	s15 =	sadd.s32 $0x8000, s7;
	[dreg:$0xc] =	wrdreg s14  }
0x10: {  	s24 =	sadd.s32 $0x10, s11;
	s16 =	sadd.s32 $0xC000, s7;
	[dreg:$0xd] =	wrdreg s15  }
0x11: {  	s25 =	sadd.s32 $0x4E0, s11;
	s13 =	sadd.s32 s5, s24;
	[dreg:$0xe] =	wrdreg s16  }
0x12: {  	s17 =	sadd.s32 $0x4D0, s11;
	s9 =	sadd.s32 s6, s24;
	[dreg:$0x6] =	wrdreg s13  }
0x13: {  	s18 =	sadd.s32 $0x4C0, s11;
	s26 =	sadd.s32 s5, s25;
	[dreg:$0x7] =	wrdreg s9  }
0x14: {  	s11 =	simm.s32 $0x2;
	s10 =	sadd.s32 s6, s25;
	[dreg:$0x8] =	wrdreg s26  }
0x15: {  	s0 =	sadd.s32 $0x17400, s0;
	s8 =	smax.u32 s8, $0x1;
	[dreg:$0x9] =	wrdreg s10  }
0x16: {  	s19 =	sadd.s32 s5, s17;
	s20 =	sadd.s32 s6, s17;
	[dreg:$0xa] =	wrdreg s0  }
0x17: {  	s21 =	sadd.s32 s5, s18;
	s24 =	sadd.s32 s6, s18;
	[dreg:$0xb] =	wrdreg s8  }
0x18: {  	s14 =	simm.s32 $0x10;
	s15 =	simm.s32 $0x8300;
	[dreg:$0xf] =	wrdreg s21  }
0x19: {  	s16 =	simm.s32 $0x0;
	s13 =	smul.u32 $0x4E20, s12;
	[dreg:$0x10] =	wrdreg s24  }
0x1a: {  	s26 =	sadd.s32 $0x10000, s7;
	s8 =	simm.s32 $0x1;
	s9 =	simm.s32 $0x4  }
0x1b: {  	s10 =	simm.s32 $0x4200;
	s12 =	simm.s32 $0x8200;
	s0 =	sadd.s32 s2, s13  }
0x1c: {  	[dreg:$0x11] =	wrdreg s26;
	s2 =	simm.s32 $0x3;
	s22 =	sadd.s32 $0x180, s0  }
0x1d: {  	s13 =	simm.s32 $0x8280;
	s23 =	sadd.s32 $0x100, s0;
	s25 =	sshrl.u32 s22, $0x3  }
0x1e: {  	v0 =	vimm.f32 $0.0e+00;
	s0 =	simm.s32 $0x180;
	s24 =	sadd.s32 s25, s6;
	s25 =	sadd.s32 s25, s5  }
.LBB2_1:
0x1f: {  	s17 =	simm.s32 $0x0;
	s18 =	simm.s32 $0x200  }
.LBB2_2:
0x20: {  	p0 =	sne.s32 s18, $0xFE00;
	[tilespmem:s17+$0x270] =	vst v0  }
0x21: {  	[tilespmem:s17+$0x200] =	vst v0  }
0x22: {  	[tilespmem:s17+$0x210] =	vst v0  }
.Ltmp0:
0x23: {  	[tilespmem:s17+$0x220] =	vst v0;
	(pc) =	sbr.rel @p0 .LBB2_2-.Ltmp0, $4  }
0x24: {  	[tilespmem:s17+$0x230] =	vst v0  }
0x25: {  	[tilespmem:s17+$0x240] =	vst v0  }
0x26: {  	[tilespmem:s17+$0x250] =	vst v0  }
0x27: {  	[tilespmem:s17+$0x260] =	vst v0;
	s17 =	sshra.s32 s18, $0x2;
	s18 =	sadd.s32 $0x200, s18  }
0x28: {  	[tilespmem:s17+$0x270] =	vst v0  }
0x29: {  	[tilespmem:s17+$0x200] =	vst v0  }
0x2a: {  	[tilespmem:s17+$0x210] =	vst v0  }
0x2b: {  	[tilespmem:s17+$0x220] =	vst v0  }
0x2c: {  	[tilespmem:s17+$0x230] =	vst v0  }
0x2d: {  	[tilespmem:s17+$0x240] =	vst v0  }
0x2e: {  	[tilespmem:s17+$0x250] =	vst v0  }
0x2f: {  	[tilespmem:s17+$0x260] =	vst v0  }
0x30: {  	[spmem:s7] =	stream.linear.scatter [tilespmem:s28], [sflag:$0x5], $0x4000, $0x38;
	[tilespmem:$0x1CB00] =	vst v63  }
0x31: {  	_ =	swait.ge [sflag:s29], $0x4000  }
0x32: {  	[sflag:s29] =	ssyncset.done $0x0  }
0x33: {  	s21 =	rddreg [dreg:$0xc];
	[sflag:s29] =	ssyncadd.s32 $0xFFFFC000  }
0x34: {  	[spmem:s21] =	stream.linear.scatter [tilespmem:s28], [sflag:$0x5], $0x4000, $0x38;
	[tilespmem:$0x1CB00] =	vst v63  }
0x35: {  	_ =	swait.ge [sflag:s29], $0x4000  }
0x36: {  	[sflag:s29] =	ssyncset.done $0x0  }
0x37: {  	s22 =	rddreg [dreg:$0xd];
	[sflag:s29] =	ssyncadd.s32 $0xFFFFC000  }
0x38: {  	[spmem:s22] =	stream.linear.scatter [tilespmem:s28], [sflag:$0x5], $0x4000, $0x38;
	[tilespmem:$0x1CB00] =	vst v63  }
0x39: {  	_ =	swait.ge [sflag:s29], $0x4000  }
0x3a: {  	[sflag:s29] =	ssyncset.done $0x0  }
0x3b: {  	s26 =	rddreg [dreg:$0xe];
	[sflag:s29] =	ssyncadd.s32 $0xFFFFC000  }
0x3c: {  	[spmem:s26] =	stream.linear.scatter [tilespmem:s28], [sflag:$0x5], $0x4000, $0x38;
	[tilespmem:$0x1CB00] =	vst v63  }
0x3d: {  	_ =	swait.ge [sflag:s29], $0x4000  }
0x3e: {  	[sflag:s29] =	ssyncset.done $0x0  }
0x3f: {  	s18 =	rddreg [dreg:$0x11];
	[sflag:s29] =	ssyncadd.s32 $0xFFFFC000  }
0x40: {  	[spmem:s18] =	stream.linear.scatter [tilespmem:s28], [sflag:$0x5], $0x4000, $0x38;
	[tilespmem:$0x1CB00] =	vst v63  }
0x41: {  	_ =	swait.ge [sflag:s29], $0x4000  }
0x42: {  	[sflag:s29] =	ssyncset.done $0x0  }
0x43: {  	[sflag:s29] =	ssyncadd.s32 $0xFFFFC000  }
0x44: {  	[bflag:$0x0] =	sbarrier.arrive $0xFFFF  }
0x45: {  	s17 =	simm.s32 $0x0;
	s18 =	rddreg [dreg:$0x4]  }
0x46: {  	[tilespmem:s17], [sflag:$0x3] =	stream.linear.gather [hbm4b:s18+s17], $0x80, $0x38;
	[tilespmem:$0x1CB00] =	vst v63  }
0x47: {  	s21 =	rddreg [dreg:$0x5]  }
0x48: {  	[tilespmem:s30], [sflag:$0x3] =	stream.linear.gather [hbm4b:s21+s17], $0x80, $0x38;
	[tilespmem:$0x1CB00] =	vst v63  }
0x49: {  	s22 =	rddreg [dreg:$0x6]  }
0x4a: {  	[tilespmem:s31], [sflag:$0x4] =	stream.linear.gather [hbm4b:s22+s17], $0x80, $0x38;
	[tilespmem:$0x1CB00] =	vst v63  }
0x4b: {  	s26 =	rddreg [dreg:$0x7]  }
0x4c: {  	[tilespmem:s0], [sflag:$0x4] =	stream.linear.gather [hbm4b:s26+s17], $0x80, $0x38;
	[tilespmem:$0x1CB00] =	vst v63  }
0x4d: {  	_ =	swait.ge [sflag:s2], $0x80  }
0x4e: {  	[sflag:s2] =	ssyncset.done $0x0  }
0x4f: {  	[sflag:s2] =	ssyncadd.s32 $0xFFFFFF80  }
0x50: {  	_ =	swait.ge [sflag:s2], $0x80  }
0x51: {  	[sflag:s2] =	ssyncset.done $0x0  }
0x52: {  	[sflag:s2] =	ssyncadd.s32 $0xFFFFFF80  }
0x53: {  	[tilespmem:s28], [sflag:$0x1] =	stream.indirect.gather [hbm4b:s1+s31], $0x80, s17, s31, $0xb8;
	[tilespmem:$0x1CB00] =	vst v63  }
0x54: {  	_ =	swait.ge [sflag:s8], $0x4000  }
0x55: {  	[sflag:s8] =	ssyncset.done $0x0  }
0x56: {  	[sflag:s8] =	ssyncadd.s32 $0xFFFFC000  }
0x57: {  	_ =	swait.ge [sflag:s9], $0x80  }
0x58: {  	[sflag:s9] =	ssyncset.done $0x0  }
0x59: {  	[sflag:s9] =	ssyncadd.s32 $0xFFFFFF80  }
0x5a: {  	_ =	swait.ge [sflag:s9], $0x80  }
0x5b: {  	[sflag:s9] =	ssyncset.done $0x0  }
0x5c: {  	[sflag:s9] =	ssyncadd.s32 $0xFFFFFF80  }
0x5d: {  	[tilespmem:s10], [sflag:$0x2] =	stream.indirect.gather [hbm4b:s1+s31], $0x80, s31, s31, $0xb8;
	[tilespmem:$0x1CB00] =	vst v63  }
0x5e: {  	_ = 	snop  }
0x5f: {  	[spmem:s3] =	stream.indirect.scatter.add.f32 [tilespmem:s28], [sflag:$0x5], $0x80, s30, s31, $0xb8;
	[tilespmem:$0x1CB00] =	vst v63  }
0x60: {  	_ =	swait.ge [sflag:s29], $0x4000  }
0x61: {  	s21 =	sshrl.u32 s23, $0x3;
	[sflag:s29] =	ssyncset.done $0x0  }
0x62: {  	s22 =	sadd.s32 s5, s21;
	[sflag:s29] =	ssyncadd.s32 $0xFFFFC000  }
0x63: {  	[tilespmem:s4], [sflag:$0x3] =	stream.linear.gather [hbm4b:s22+s4], $0x80, $0x38;
	[tilespmem:$0x1CB00] =	vst v63  }
0x64: {  	s17 =	sadd.s32 s6, s21  }
0x65: {  	[tilespmem:s30], [sflag:$0x3] =	stream.linear.gather [hbm4b:s17+s4], $0x80, $0x38;
	[tilespmem:$0x1CB00] =	vst v63  }
0x66: {  	_ =	swait.ge [sflag:s11], $0x4000  }
0x67: {  	[sflag:s11] =	ssyncset.done $0x0  }
0x68: {  	[sflag:s11] =	ssyncadd.s32 $0xFFFFC000  }
0x69: {  	_ =	swait.ge [sflag:s2], $0x80  }
0x6a: {  	[sflag:s2] =	ssyncset.done $0x0  }
0x6b: {  	[sflag:s2] =	ssyncadd.s32 $0xFFFFFF80  }
0x6c: {  	_ =	swait.ge [sflag:s2], $0x80  }
0x6d: {  	[sflag:s2] =	ssyncset.done $0x0  }
0x6e: {  	[sflag:s2] =	ssyncadd.s32 $0xFFFFFF80  }
0x6f: {  	[tilespmem:s28], [sflag:$0x1] =	stream.indirect.gather [hbm4b:s1+s31], $0x80, s4, s31, $0xb8;
	[tilespmem:$0x1CB00] =	vst v63  }
0x70: {  	_ = 	snop  }
0x71: {  	[spmem:s3] =	stream.indirect.scatter.add.f32 [tilespmem:s10], [sflag:$0x5], $0x80, s0, s31, $0xb8;
	[tilespmem:$0x1CB00] =	vst v63  }
0x72: {  	_ =	swait.ge [sflag:s29], $0x4000  }
0x73: {  	s18 =	sadd.s32 $0x100, s23;
	s26 =	sadd.s32 $0x0, s25;
	[sflag:s29] =	ssyncset.done $0x0  }
0x74: {  	s21 =	sadd.s32 $0x0, s24;
	s17 =	simm.s32 $0x20;
	[sflag:s29] =	ssyncadd.s32 $0xFFFFC000  }
0x75: {  	[tilespmem:s31], [sflag:$0x4] =	stream.linear.gather [hbm4b:s26+s4], $0x80, $0x38;
	[tilespmem:$0x1CB00] =	vst v63  }
.LBB2_4:
0x76: {  	[tilespmem:s0], [sflag:$0x4] =	stream.linear.gather [hbm4b:s21+s4], $0x80, $0x38;
	[tilespmem:$0x1CB00] =	vst v63  }
0x77: {  	s21 =	smov.u32 s17  }
0x78: {  	p0 =	sne.s32 s17, $0x480;
	s17 =	sadd.s32 $0x20, s17;
	_ =	swait.ge [sflag:s8], $0x4000  }
0x79: {  	[sflag:s8] =	ssyncset.done $0x0  }
0x7a: {  	[sflag:s8] =	ssyncadd.s32 $0xFFFFC000  }
0x7b: {  	_ =	swait.ge [sflag:s9], $0x80  }
0x7c: {  	[sflag:s9] =	ssyncset.done $0x0  }
0x7d: {  	[sflag:s9] =	ssyncadd.s32 $0xFFFFFF80  }
0x7e: {  	_ =	swait.ge [sflag:s9], $0x80  }
0x7f: {  	[sflag:s9] =	ssyncset.done $0x0  }
0x80: {  	[sflag:s9] =	ssyncadd.s32 $0xFFFFFF80  }
0x81: {  	[tilespmem:s10], [sflag:$0x2] =	stream.indirect.gather [hbm4b:s1+s31], $0x80, s31, s31, $0xb8;
	[tilespmem:$0x1CB00] =	vst v63  }
0x82: {  	_ = 	snop  }
0x83: {  	[spmem:s3] =	stream.indirect.scatter.add.f32 [tilespmem:s28], [sflag:$0x5], $0x80, s30, s31, $0xb8;
	[tilespmem:$0x1CB00] =	vst v63  }
0x84: {  	_ =	swait.ge [sflag:s29], $0x4000  }
0x85: {  	s22 =	sshrl.u32 s18, $0x3;
	[sflag:s29] =	ssyncset.done $0x0  }
0x86: {  	s26 =	sadd.s32 s5, s22;
	[sflag:s29] =	ssyncadd.s32 $0xFFFFC000  }
0x87: {  	[tilespmem:s4], [sflag:$0x3] =	stream.linear.gather [hbm4b:s26+s4], $0x80, $0x38;
	[tilespmem:$0x1CB00] =	vst v63  }
0x88: {  	s22 =	sadd.s32 s6, s22  }
0x89: {  	[tilespmem:s30], [sflag:$0x3] =	stream.linear.gather [hbm4b:s22+s4], $0x80, $0x38;
	[tilespmem:$0x1CB00] =	vst v63  }
0x8a: {  	_ =	swait.ge [sflag:s11], $0x4000  }
0x8b: {  	[sflag:s11] =	ssyncset.done $0x0  }
0x8c: {  	[sflag:s11] =	ssyncadd.s32 $0xFFFFC000  }
0x8d: {  	_ =	swait.ge [sflag:s2], $0x80  }
0x8e: {  	[sflag:s2] =	ssyncset.done $0x0  }
0x8f: {  	[sflag:s2] =	ssyncadd.s32 $0xFFFFFF80  }
0x90: {  	_ =	swait.ge [sflag:s2], $0x80  }
0x91: {  	[sflag:s2] =	ssyncset.done $0x0  }
0x92: {  	[sflag:s2] =	ssyncadd.s32 $0xFFFFFF80  }
0x93: {  	[tilespmem:s28], [sflag:$0x1] =	stream.indirect.gather [hbm4b:s1+s31], $0x80, s4, s31, $0xb8;
	[tilespmem:$0x1CB00] =	vst v63  }
0x94: {  	_ = 	snop  }
0x95: {  	[spmem:s3] =	stream.indirect.scatter.add.f32 [tilespmem:s10], [sflag:$0x5], $0x80, s0, s31, $0xb8;
	[tilespmem:$0x1CB00] =	vst v63  }
.Ltmp1:
0x96: {  	_ =	swait.ge [sflag:s29], $0x4000;
	(pc) =	sbr.rel @p0 .LBB2_4-.Ltmp1, $4  }
0x97: {  	[sflag:s29] =	ssyncset.done $0x0  }
0x98: {  	s22 =	sadd.s32 s21, s25;
	[sflag:s29] =	ssyncadd.s32 $0xFFFFC000  }
0x99: {  	[tilespmem:s31], [sflag:$0x4] =	stream.linear.gather [hbm4b:s22+s4], $0x80, $0x38;
	[tilespmem:$0x1CB00] =	vst v63  }
0x9a: {  	s18 =	sadd.s32 $0x100, s18;
	s21 =	sadd.s32 s21, s24  }
0x9b: {  	[tilespmem:s0], [sflag:$0x4] =	stream.linear.gather [hbm4b:s21+s4], $0x80, $0x38;
	[tilespmem:$0x1CB00] =	vst v63  }
0x9c: {  	_ =	swait.ge [sflag:s8], $0x4000  }
0x9d: {  	[sflag:s8] =	ssyncset.done $0x0  }
0x9e: {  	[sflag:s8] =	ssyncadd.s32 $0xFFFFC000  }
0x9f: {  	_ =	swait.ge [sflag:s9], $0x80  }
0xa0: {  	[sflag:s9] =	ssyncset.done $0x0  }
0xa1: {  	[sflag:s9] =	ssyncadd.s32 $0xFFFFFF80  }
0xa2: {  	_ =	swait.ge [sflag:s9], $0x80  }
0xa3: {  	[sflag:s9] =	ssyncset.done $0x0  }
0xa4: {  	[sflag:s9] =	ssyncadd.s32 $0xFFFFFF80  }
0xa5: {  	[tilespmem:s10], [sflag:$0x2] =	stream.indirect.gather [hbm4b:s1+s31], $0x80, s31, s31, $0xb8;
	[tilespmem:$0x1CB00] =	vst v63  }
0xa6: {  	_ = 	snop  }
0xa7: {  	[spmem:s3] =	stream.indirect.scatter.add.f32 [tilespmem:s28], [sflag:$0x5], $0x80, s30, s31, $0xb8;
	[tilespmem:$0x1CB00] =	vst v63  }
0xa8: {  	_ =	swait.ge [sflag:s29], $0x4000  }
0xa9: {  	[sflag:s29] =	ssyncset.done $0x0  }
0xaa: {  	s17 =	rddreg [dreg:$0xf];
	[sflag:s29] =	ssyncadd.s32 $0xFFFFC000  }
0xab: {  	[tilespmem:s4], [sflag:$0x3] =	stream.linear.gather [hbm4b:s17+s4], $0x80, $0x38;
	[tilespmem:$0x1CB00] =	vst v63  }
0xac: {  	s22 =	rddreg [dreg:$0x10]  }
0xad: {  	[tilespmem:s30], [sflag:$0x3] =	stream.linear.gather [hbm4b:s22+s4], $0x80, $0x38;
	[tilespmem:$0x1CB00] =	vst v63  }
0xae: {  	_ =	swait.ge [sflag:s11], $0x4000  }
0xaf: {  	[sflag:s11] =	ssyncset.done $0x0  }
0xb0: {  	[sflag:s11] =	ssyncadd.s32 $0xFFFFC000  }
0xb1: {  	_ =	swait.ge [sflag:s2], $0x80  }
0xb2: {  	[sflag:s2] =	ssyncset.done $0x0  }
0xb3: {  	[sflag:s2] =	ssyncadd.s32 $0xFFFFFF80  }
0xb4: {  	_ =	swait.ge [sflag:s2], $0x80  }
0xb5: {  	[sflag:s2] =	ssyncset.done $0x0  }
0xb6: {  	[sflag:s2] =	ssyncadd.s32 $0xFFFFFF80  }
0xb7: {  	[tilespmem:s28], [sflag:$0x1] =	stream.indirect.gather [hbm4b:s1+s31], $0x80, s4, s31, $0xb8;
	[tilespmem:$0x1CB00] =	vst v63  }
0xb8: {  	_ = 	snop  }
0xb9: {  	[spmem:s3] =	stream.indirect.scatter.add.f32 [tilespmem:s10], [sflag:$0x5], $0x80, s0, s31, $0xb8;
	[tilespmem:$0x1CB00] =	vst v63  }
0xba: {  	_ =	swait.ge [sflag:s29], $0x4000  }
0xbb: {  	[sflag:s29] =	ssyncset.done $0x0  }
0xbc: {  	[sflag:s29] =	ssyncadd.s32 $0xFFFFC000  }
0xbd: {  	[tilespmem:s31], [sflag:$0x4] =	stream.linear.gather [hbm4b:s19+s4], $0x80, $0x38;
	[tilespmem:$0x1CB00] =	vst v63  }
0xbe: {  	_ = 	snop  }
0xbf: {  	[tilespmem:s0], [sflag:$0x4] =	stream.linear.gather [hbm4b:s20+s4], $0x80, $0x38;
	[tilespmem:$0x1CB00] =	vst v63  }
0xc0: {  	_ =	swait.ge [sflag:s8], $0x4000  }
0xc1: {  	[sflag:s8] =	ssyncset.done $0x0  }
0xc2: {  	[sflag:s8] =	ssyncadd.s32 $0xFFFFC000  }
0xc3: {  	_ =	swait.ge [sflag:s9], $0x80  }
0xc4: {  	[sflag:s9] =	ssyncset.done $0x0  }
0xc5: {  	[sflag:s9] =	ssyncadd.s32 $0xFFFFFF80  }
0xc6: {  	_ =	swait.ge [sflag:s9], $0x80  }
0xc7: {  	[sflag:s9] =	ssyncset.done $0x0  }
0xc8: {  	[sflag:s9] =	ssyncadd.s32 $0xFFFFFF80  }
0xc9: {  	[tilespmem:s10], [sflag:$0x2] =	stream.indirect.gather [hbm4b:s1+s31], $0x80, s31, s31, $0xb8;
	[tilespmem:$0x1CB00] =	vst v63  }
0xca: {  	_ = 	snop  }
0xcb: {  	[spmem:s3] =	stream.indirect.scatter.add.f32 [tilespmem:s28], [sflag:$0x5], $0x80, s30, s31, $0xb8;
	[tilespmem:$0x1CB00] =	vst v63  }
0xcc: {  	_ =	swait.ge [sflag:s29], $0x4000  }
0xcd: {  	[sflag:s29] =	ssyncset.done $0x0  }
0xce: {  	[sflag:s29] =	ssyncadd.s32 $0xFFFFC000  }
0xcf: {  	[tilespmem:s4], [sflag:$0x3] =	stream.linear.gather [hbm4b:s19+s4], $0x80, $0x38;
	[tilespmem:$0x1CB00] =	vst v63  }
0xd0: {  	_ = 	snop  }
0xd1: {  	[tilespmem:s30], [sflag:$0x3] =	stream.linear.gather [hbm4b:s20+s4], $0x80, $0x38;
	[tilespmem:$0x1CB00] =	vst v63  }
0xd2: {  	_ =	swait.ge [sflag:s11], $0x4000  }
0xd3: {  	[sflag:s11] =	ssyncset.done $0x0  }
0xd4: {  	[sflag:s11] =	ssyncadd.s32 $0xFFFFC000  }
0xd5: {  	_ =	swait.ge [sflag:s2], $0x80  }
0xd6: {  	[sflag:s2] =	ssyncset.done $0x0  }
0xd7: {  	[sflag:s2] =	ssyncadd.s32 $0xFFFFFF80  }
0xd8: {  	_ =	swait.ge [sflag:s2], $0x80  }
0xd9: {  	[sflag:s2] =	ssyncset.done $0x0  }
0xda: {  	[sflag:s2] =	ssyncadd.s32 $0xFFFFFF80  }
0xdb: {  	[tilespmem:s28], [sflag:$0x1] =	stream.indirect.gather [hbm4b:s1+s31], $0x80, s4, s31, $0xb8;
	[tilespmem:$0x1CB00] =	vst v63  }
0xdc: {  	_ = 	snop  }
0xdd: {  	[spmem:s3] =	stream.indirect.scatter.add.f32 [tilespmem:s10], [sflag:$0x5], $0x80, s0, s31, $0xb8;
	[tilespmem:$0x1CB00] =	vst v63  }
0xde: {  	_ =	swait.ge [sflag:s29], $0x4000  }
0xdf: {  	[sflag:s29] =	ssyncset.done $0x0  }
0xe0: {  	[sflag:s29] =	ssyncadd.s32 $0xFFFFC000  }
0xe1: {  	[tilespmem:s31], [sflag:$0x4] =	stream.linear.gather [hbm4b:s19+s4], $0x80, $0x38;
	[tilespmem:$0x1CB00] =	vst v63  }
0xe2: {  	_ = 	snop  }
0xe3: {  	[tilespmem:s0], [sflag:$0x4] =	stream.linear.gather [hbm4b:s20+s4], $0x80, $0x38;
	[tilespmem:$0x1CB00] =	vst v63  }
0xe4: {  	_ =	swait.ge [sflag:s8], $0x4000  }
0xe5: {  	[sflag:s8] =	ssyncset.done $0x0  }
0xe6: {  	[sflag:s8] =	ssyncadd.s32 $0xFFFFC000  }
0xe7: {  	_ =	swait.ge [sflag:s9], $0x80  }
0xe8: {  	[sflag:s9] =	ssyncset.done $0x0  }
0xe9: {  	[sflag:s9] =	ssyncadd.s32 $0xFFFFFF80  }
0xea: {  	_ =	swait.ge [sflag:s9], $0x80  }
0xeb: {  	[sflag:s9] =	ssyncset.done $0x0  }
0xec: {  	s26 =	rddreg [dreg:$0x8];
	[sflag:s9] =	ssyncadd.s32 $0xFFFFFF80  }
0xed: {  	[tilespmem:s12], [sflag:$0x5] =	stream.linear.gather [hbm4b:s26+s4], $0x10, $0x38;
	[tilespmem:$0x1CB00] =	vst v63  }
0xee: {  	_ =	swait.ge [sflag:s29], $0x10  }
0xef: {  	[sflag:s29] =	ssyncset.done $0x0  }
0xf0: {  	s18 =	rddreg [dreg:$0x9];
	[sflag:s29] =	ssyncadd.s32 $0xFFFFFFF0  }
0xf1: {  	[tilespmem:s13], [sflag:$0x5] =	stream.linear.gather [hbm4b:s18+s4], $0x10, $0x38;
	[tilespmem:$0x1CB00] =	vst v63  }
0xf2: {  	_ =	swait.ge [sflag:s29], $0x10  }
0xf3: {  	[sflag:s29] =	ssyncset.done $0x0  }
0xf4: {  	[sflag:s29] =	ssyncadd.s32 $0xFFFFFFF0  }
0xf5: {  	[tilespmem:s15], [sflag:$0x1] =	stream.indirect.gather [hbm4b:s1+s14], $0x80, s12, s14, $0xb8;
	[tilespmem:$0x1CB00] =	vst v63  }
0xf6: {  	_ =	swait.ge [sflag:s8], $0x800  }
0xf7: {  	[sflag:s8] =	ssyncset.done $0x0  }
0xf8: {  	[sflag:s8] =	ssyncadd.s32 $0xFFFFF800  }
0xf9: {  	[spmem:s3] =	stream.indirect.scatter.add.f32 [tilespmem:s15], [sflag:$0x5], $0x80, s13, s14, $0xb8;
	[tilespmem:$0x1CB00] =	vst v63  }
0xfa: {  	_ =	swait.ge [sflag:s29], $0x800  }
0xfb: {  	[sflag:s29] =	ssyncset.done $0x0  }
0xfc: {  	s21 =	stileid.u32;
	[sflag:s29] =	ssyncadd.s32 $0xFFFFF800  }
0xfd: {  	s17 =	sshll.u32 s21, $0x6;
	[bflag:$0x0] =	sbarrier.arrive $0xFFFF  }
0xfe: {  	s17 =	sor.u32 $0x1C05, s17;
	s18 =	sshrl.u32 s7, $0x3;
	s22 =	rddreg [dreg:$0xa]  }
0xff: {  	[hbm:s22], [sflag:s17] =	dma.local [spmem:s18], $0x2800  }
0x100: {  	_ =	swait.ge [sflag:s29], $0x2800  }
0x101: {  	s16 =	sadd.s32 $0x1, s16;
	s26 =	rddreg [dreg:$0xb]  }
0x102: {  	p0 =	sne.s32 s16, s26  }
.Ltmp2:
0x103: {  	_ = 	snop;
	(pc) =	sbr.rel @p0 .LBB2_1-.Ltmp2, $3  }
0x104: {  	_ =	sdelay $0x1  }
0x105: {  	[sflag:s29] =	ssyncset.done $0x0  }
0x106: {  	[sflag:s29] =	ssyncadd.s32 $0xFFFFD800  }
0x107: {  	_ =	sfence.sel $0x180000  }
0x108: {  	[bflag:$0x0] =	sbarrier.arrive $0xFFFF  }
0x109: {  	_ =	strace $0x90000050  }
0x10a: {  	s0 =	stileid.u32;
	[bflag:$0x2] =	sbarrier.arrive $0xFFFF  }
0x10b: {  	p0 =	sne.s32 s0, $0x0;
	s0 =	rddreg [dreg:$0x3]  }
0x10c: {  	s0 =	sadd.s32 @!p0 $0x100000, s0  }
0x10d: {  	[sflag:s0] =	ssyncadd.tile.s32 @!p0 $0x1;
	_ =	shalt  }
.Lfunc_end2:
_tile_overlayer_lowered:
.L_overlay_start_2:
0x10e: {  	(tag) =	ssettag $0x2  }
0x10f: {  	s0 =	rddreg [dreg:$0x0];
	s2 =	stileid.u32  }
0x110: {  	s1 =	rddreg [dreg:$0x1];
	p0 =	sne.s32 s2, $0x0  }
0x111: {  	s3 =	rddreg [dreg:$0x2];
	[bflag:$0x3] =	sbarrier.arrive $0xFFFF;
	s2 =	simm.s32 @!p0 $0x1C05  }
0x112: {  	[timem:s3], [sflag:s2] =	dma.local @!p0 [hbm:s0], s1  }
0x113: {  	s0 =	simm.s32 @!p0 $0x5  }
0x114: {  	_ =	swait.ge @!p0 [sflag:s0], s1  }
0x115: {  	s1 =	ssub.s32 @!p0 $0x0, s1;
	[sflag:s0] =	ssyncset.done @!p0 $0x0  }
0x116: {  	[sflag:s0] =	ssyncadd.s32 @!p0 s1  }
0x117: {  	[bflag:$0x3] =	sbarrier.arrive $0xFFFF  }
0x118: {  	_ =	shalt  }

</sc_bundles>
